<compile_context>
chip_gen: v7x
topology: tpu7x:2x2x1
jax: 0.10.2.dev20260603
libtpu: 0.0.44.dev20260713+nightly
codegen_flags: <defaults>
</compile_context>

<pallas_src>
import dataclasses
import functools

import jax
import jax.numpy as jnp
from jax import lax
from jax.experimental import pallas as pl
from jax.experimental.pallas import tpu as pltpu
from jax.experimental.pallas import tpu_sc as plsc

N = 10000
E = 320000
H = 128
NP = 10240
NW = 32
EP = 327680
EPW = EP // NW
NCH = EPW // 128
RPT = NP // 16

_MESH = dict(core_axis_name="c", subcore_axis_name="s")

_SC_PARAMS = pltpu.CompilerParams()
if "needs_layout_passes" in pltpu.CompilerParams.__dataclass_fields__:
    _SC_PARAMS = dataclasses.replace(_SC_PARAMS, needs_layout_passes=False)



def _sc_degree(dst2d):
    mesh = plsc.VectorSubcoreMesh(**_MESH)

    @functools.partial(
        pl.kernel,
        out_type=jax.ShapeDtypeStruct((NW, NP), jnp.float32),
        mesh=mesh,
        compiler_params=_SC_PARAMS,
        scratch_types=[
            pltpu.VMEM((NCH, 128), jnp.int32),
            pltpu.VMEM((NP,), jnp.float32),
        ],
    )
    def k(dst_hbm, out_hbm, idx_v, deg_v):
        c = lax.axis_index("c")
        s = lax.axis_index("s")
        wid = c * 16 + s
        pltpu.sync_copy(dst_hbm.at[pl.ds(wid * NCH, NCH)], idx_v)
        zeros = jnp.zeros((16,), jnp.float32)

        @pl.loop(0, NP, step=16)
        def _(i):
            deg_v[pl.ds(i, 16)] = zeros

        ones = jnp.ones((16,), jnp.float32)

        @pl.loop(0, NCH)
        def _(kk):
            @pl.loop(0, 128, step=16)
            def _(j):
                idx = idx_v[kk, pl.ds(j, 16)]
                plsc.addupdate_scatter(deg_v, [idx], ones)

        pltpu.sync_copy(deg_v, out_hbm.at[wid])

    return k(dst2d)


NCHT = (EP // 128) // 32
HIDX = NCHT // 2


def _sc_scatter(g, src2d, dst2d):
    mesh = plsc.VectorSubcoreMesh(**_MESH)

    @functools.partial(
        pl.kernel,
        out_type=jax.ShapeDtypeStruct((2, NP, H), jnp.float32),
        mesh=mesh,
        compiler_params=_SC_PARAMS,
        scratch_types=[
            pltpu.VMEM((HIDX, 128), jnp.int32),
            pltpu.VMEM((HIDX, 128), jnp.int32),
            pltpu.VMEM((128, H), jnp.float32),
            pltpu.VMEM((128, H), jnp.float32),
            pltpu.VMEM_SHARED((NP, H), jnp.float32),
            pltpu.SemaphoreType.DMA,
            pltpu.SemaphoreType.DMA,
            pltpu.SemaphoreType.DMA,
            pltpu.SemaphoreType.DMA,
            pltpu.SemaphoreType.DMA,
        ],
    )
    def k(g_hbm, src_hbm, dst_hbm, out_hbm, sidx, didx, rowsA, rowsB, acc,
          gsA, gsB, ssA, ssB, ws):
        c = lax.axis_index("c")
        s = lax.axis_index("s")
        wid = c * 16 + s
        zeros = jnp.zeros((16,), jnp.float32)

        @pl.loop(0, 128)
        def _(r):
            @pl.loop(0, H, step=16)
            def _(j):
                rowsA[r, pl.ds(j, 16)] = zeros

        for j in range(RPT // 128):
            pltpu.async_copy(rowsA, acc.at[pl.ds(s * RPT + j * 128, 128)], ws)
        for j in range(RPT // 128):
            pltpu.make_async_copy(rowsA, acc.at[pl.ds(s * RPT, 128)],
                                  ws).wait()

        plsc.subcore_barrier()

        def gather(kk, buf, sem):
            pltpu.async_copy(g_hbm.at[sidx.at[kk]], buf, sem)

        def wait_gather(buf, sem):
            pltpu.make_async_copy(g_hbm.at[sidx.at[0]], buf, sem).wait()

        def scat(kk, buf, sem):
            pltpu.async_copy(buf, acc.at[didx.at[kk]], sem, add=True)

        def wait_scat(buf, sem):
            pltpu.make_async_copy(buf, acc.at[didx.at[0]], sem).wait()

        pairs = HIDX // 2

        for h in range(2):
            base = pl.multiple_of(wid * NCHT + h * HIDX, 8)
            pltpu.sync_copy(src_hbm.at[pl.ds(base, HIDX)], sidx)
            pltpu.sync_copy(dst_hbm.at[pl.ds(base, HIDX)], didx)
            gather(0, rowsA, gsA)

            @pl.loop(0, pairs)
            def _(t):
                k0 = 2 * t
                wait_gather(rowsA, gsA)
                scat(k0, rowsA, ssA)

                @pl.when(t > 0)
                def _():
                    wait_scat(rowsB, ssB)

                gather(k0 + 1, rowsB, gsB)
                wait_gather(rowsB, gsB)
                scat(k0 + 1, rowsB, ssB)
                wait_scat(rowsA, ssA)

                @pl.when(t < pairs - 1)
                def _():
                    gather(k0 + 2, rowsA, gsA)

            wait_scat(rowsB, ssB)

        plsc.subcore_barrier()

        for j in range(RPT // 128):
            buf, sem = (rowsA, gsA) if j % 2 == 0 else (rowsB, gsB)
            if j >= 2:
                pltpu.make_async_copy(
                    buf, out_hbm.at[c, pl.ds(s * RPT, 128)], sem).wait()
            pltpu.sync_copy(acc.at[pl.ds(s * RPT + j * 128, 128)], buf)
            pltpu.async_copy(buf, out_hbm.at[c, pl.ds(s * RPT + j * 128, 128)],
                             sem)
        pltpu.make_async_copy(rowsA, out_hbm.at[c, pl.ds(s * RPT, 128)],
                              gsA).wait()
        pltpu.make_async_copy(rowsB, out_hbm.at[c, pl.ds(s * RPT, 128)],
                              gsB).wait()

    return k(g, src2d, dst2d)



_R = 512


def _dot(a, b):
    return jnp.dot(a.astype(jnp.bfloat16), b.astype(jnp.bfloat16),
                   preferred_element_type=jnp.float32)


def _tc_prep(xp, embp, degp, W0):

    def body(x_ref, emb_ref, deg_ref, w_ref, hw_ref, g_ref, dinv_ref):
        xa = x_ref[...]
        onehot = (xa == lax.broadcasted_iota(jnp.int32, (_R, 128), 1)
                  ).astype(jnp.float32)
        deg = jnp.sum(deg_ref[...], axis=0) + 1.0
        dinv = lax.rsqrt(deg).reshape(_R, 1)
        h0 = _dot(onehot, emb_ref[...])
        hw = _dot(h0, w_ref[...])
        hw_ref[...] = hw
        g_ref[...] = hw * dinv
        dinv_ref[...] = dinv

    return pl.pallas_call(
        body,
        grid=(NP // _R,),
        in_specs=[
            pl.BlockSpec((_R, 1), lambda i: (i, 0)),
            pl.BlockSpec((128, 128), lambda i: (0, 0)),
            pl.BlockSpec((NW, _R), lambda i: (0, i)),
            pl.BlockSpec((128, 128), lambda i: (0, 0)),
        ],
        out_specs=[
            pl.BlockSpec((_R, H), lambda i: (i, 0)),
            pl.BlockSpec((_R, H), lambda i: (i, 0)),
            pl.BlockSpec((_R, 1), lambda i: (i, 0)),
        ],
        out_shape=[
            jax.ShapeDtypeStruct((NP, H), jnp.float32),
            jax.ShapeDtypeStruct((NP, H), jnp.float32),
            jax.ShapeDtypeStruct((NP, 1), jnp.float32),
        ],
    )(xp, embp, degp, W0)


def _tc_mid(s_part, hwp, dinv, b, W):

    def body(s0_ref, s1_ref, hwp_ref, dinv_ref, b_ref, w_ref, hw_ref, g_ref):
        dinv = dinv_ref[...]
        agg = (s0_ref[...] + s1_ref[...]) * dinv
        agg = agg + hwp_ref[...] * (dinv * dinv) + b_ref[...]
        h = jnp.maximum(agg, 0.0)
        hw = _dot(h, w_ref[...])
        hw_ref[...] = hw
        g_ref[...] = hw * dinv

    return pl.pallas_call(
        body,
        grid=(NP // _R,),
        in_specs=[
            pl.BlockSpec((_R, H), lambda i: (i, 0)),
            pl.BlockSpec((_R, H), lambda i: (i, 0)),
            pl.BlockSpec((_R, H), lambda i: (i, 0)),
            pl.BlockSpec((_R, 1), lambda i: (i, 0)),
            pl.BlockSpec((1, H), lambda i: (0, 0)),
            pl.BlockSpec((H, H), lambda i: (0, 0)),
        ],
        out_specs=[
            pl.BlockSpec((_R, H), lambda i: (i, 0)),
            pl.BlockSpec((_R, H), lambda i: (i, 0)),
        ],
        out_shape=[
            jax.ShapeDtypeStruct((NP, H), jnp.float32),
            jax.ShapeDtypeStruct((NP, H), jnp.float32),
        ],
    )(s_part[0], s_part[1], hwp, dinv, b, W)


def _tc_readout(s_part, hwp, dinv, b, RW0, Rb0, RW1, Rb1, RW2, Rb2):

    def body(s0_ref, s1_ref, hwp_ref, dinv_ref, b_ref,
             w0_ref, b0_ref, w1_ref, b1_ref, w2_ref, b2_ref, out_ref):
        dinv = dinv_ref[...]
        agg = (s0_ref[...] + s1_ref[...]) * dinv
        h = agg + hwp_ref[...] * (dinv * dinv) + b_ref[...]
        y = jnp.maximum(
            _dot(h, w0_ref[...])
            + b0_ref[...], 0.0)
        y = jnp.maximum(
            _dot(y, w1_ref[...])
            + b1_ref[...], 0.0)
        out_ref[...] = (
            _dot(y, w2_ref[...])
            + b2_ref[...])

    return pl.pallas_call(
        body,
        grid=(NP // _R,),
        in_specs=[
            pl.BlockSpec((_R, H), lambda i: (i, 0)),
            pl.BlockSpec((_R, H), lambda i: (i, 0)),
            pl.BlockSpec((_R, H), lambda i: (i, 0)),
            pl.BlockSpec((_R, 1), lambda i: (i, 0)),
            pl.BlockSpec((1, H), lambda i: (0, 0)),
            pl.BlockSpec((H, 64), lambda i: (0, 0)),
            pl.BlockSpec((1, 64), lambda i: (0, 0)),
            pl.BlockSpec((64, 32), lambda i: (0, 0)),
            pl.BlockSpec((1, 32), lambda i: (0, 0)),
            pl.BlockSpec((32, H), lambda i: (0, 0)),
            pl.BlockSpec((1, H), lambda i: (0, 0)),
        ],
        out_specs=pl.BlockSpec((_R, H), lambda i: (i, 0)),
        out_shape=jax.ShapeDtypeStruct((NP, H), jnp.float32),
    )(s_part[0], s_part[1], hwp, dinv, b,
      RW0, Rb0, RW1, Rb1, RW2, Rb2)



def kernel(x, edge_index, emb, W0, b0, W1, b1, W2, b2,
           RW0, Rb0, RW1, Rb1, RW2, Rb2):
    x = x.astype(jnp.int32)
    ei = edge_index.astype(jnp.int32)
    ep_load = EP
    pad = ep_load - E
    pad_iota = jnp.arange(pad, dtype=jnp.int32)
    src = jnp.concatenate([ei[0], pad_iota % N])
    dst = jnp.concatenate([ei[1], 10016 + pad_iota % (NP - 10016)])
    src2d = src.reshape(ep_load // 128, 128)
    dst2d = dst.reshape(ep_load // 128, 128)
    xp = jnp.concatenate([x, jnp.zeros((NP - N,), jnp.int32)]).reshape(NP, 1)
    embp = jnp.pad(emb, ((0, 128 - emb.shape[0]), (0, 0)))

    degp = _sc_degree(dst2d)
    hw, g, dinv = _tc_prep(xp, embp, degp, W0)
    for b_prev, W in ((b0, W1), (b1, W2)):
        s_part = _sc_scatter(g, src2d, dst2d)
        hw, g = _tc_mid(s_part, hw, dinv, b_prev.reshape(1, H), W)
    s_part = _sc_scatter(g, src2d, dst2d)
    out = _tc_readout(s_part, hw, dinv, b2.reshape(1, H),
                      RW0, Rb0.reshape(1, 64), RW1, Rb1.reshape(1, 32),
                      RW2, Rb2.reshape(1, H))
    return out[:N]

# --- scband reference (transcript-rebuilt; emitter-appended) ---
"""Pipeline reference for scband-gcn-65764539236733 (READ-ONLY COPY).

The authoritative reference and input builder live on the scoring server;
editing this copy changes nothing except your own understanding.
"""

import jax, jax.numpy as jnp
import numpy as np

N = 10000
E = 320000
VOCAB = 100
HIDDEN = 128
OUT = 128
NUM_LAYERS = 3


def setup_inputs(seed: int = 0) -> dict:
    key = jax.random.key(seed)
    ks = jax.random.split(key, 16)
    inp = {}
    inp["x"] = jax.random.randint(ks[0], (N,), 0, VOCAB, dtype=jnp.int64 if jax.config.jax_enable_x64 else jnp.int32)
    inp["edge_index"] = jax.random.randint(ks[1], (2, E), 0, N, dtype=jnp.int64 if jax.config.jax_enable_x64 else jnp.int32)
    # AtomEncoder embedding table
    inp["emb"] = jax.random.normal(ks[2], (VOCAB, HIDDEN), dtype=jnp.float32) * 0.1
    # GCNConv layer weights
    for l in range(NUM_LAYERS):
        inp[f"W{l}"] = jax.random.normal(ks[3 + l], (HIDDEN, HIDDEN), dtype=jnp.float32) * (1.0 / np.sqrt(HIDDEN))
        inp[f"b{l}"] = jnp.zeros((HIDDEN,), dtype=jnp.float32)
    # MLPReadout: halving dims, L=2 -> 128 -> 64 -> 32 -> OUT
    dims = [HIDDEN, HIDDEN // 2, HIDDEN // 4, OUT]
    for l in range(3):
        inp[f"RW{l}"] = jax.random.normal(ks[8 + l], (dims[l], dims[l + 1]), dtype=jnp.float32) * (1.0 / np.sqrt(dims[l]))
        inp[f"Rb{l}"] = jnp.zeros((dims[l + 1],), dtype=jnp.float32)
    return inp


def reference(x, edge_index, emb, W0, b0, W1, b1, W2, b2, RW0, Rb0, RW1, Rb1, RW2, Rb2):
    # AtomEncoder: embedding lookup
    h = jnp.take(emb, x, axis=0)
    # GCN normalization with self-loops (computed once; graph is static)
    loop = jnp.arange(N, dtype=edge_index.dtype)
    src = jnp.concatenate([edge_index[0], loop])
    dst = jnp.concatenate([edge_index[1], loop])
    deg = jnp.zeros((N,), dtype=jnp.float32).at[dst].add(1.0)
    dinv = jnp.where(deg > 0, deg ** -0.5, 0.0)
    norm = (dinv[src] * dinv[dst])[:, None]
    layer_params = [(W0, b0), (W1, b1), (W2, b2)]
    for li, (W, b) in enumerate(layer_params):
        hw = h @ W
        msg = jnp.take(hw, src, axis=0) * norm
        h = jnp.zeros((N, hw.shape[1]), dtype=jnp.float32).at[dst].add(msg) + b
        if li != NUM_LAYERS - 1:
            # dropout p=0 is identity
            h = jax.nn.relu(h)
    # MLPReadout
    h = jax.nn.relu(h @ RW0 + Rb0)
    h = jax.nn.relu(h @ RW1 + Rb1)
    h = h @ RW2 + Rb2
    return h

if __name__ == "__main__":
    import jax
    _d = setup_inputs()
    print(jax.jit(kernel)(*tuple(_d.values())))

</pallas_src>

<mosaic_0001>
#map = affine_map<(d0, d1) -> (0, 0)>
#map1 = affine_map<(d0, d1) -> (0, 0, 0)>
module attributes {stable_mosaic.version = 14 : i64} {
  func.func @k(%arg0: i32, %arg1: i32, %arg2: memref<10240x128xf32, #tpu.memory_space<hbm>>, %arg3: memref<2560x128xi32, #tpu.memory_space<hbm>>, %arg4: memref<2560x128xi32, #tpu.memory_space<hbm>>, %arg5: memref<2x10240x128xf32, #tpu.memory_space<hbm>>, %arg6: memref<40x128xi32, #tpu.memory_space<vmem>>, %arg7: memref<40x128xi32, #tpu.memory_space<vmem>>, %arg8: memref<128x128xf32, #tpu.memory_space<vmem>>, %arg9: memref<128x128xf32, #tpu.memory_space<vmem>>, %arg10: memref<10240x128xf32, #tpu.memory_space<vmem_shared>>, %arg11: memref<!tpu.dma_semaphore, #tpu.memory_space<semaphore_mem>>, %arg12: memref<!tpu.dma_semaphore, #tpu.memory_space<semaphore_mem>>, %arg13: memref<!tpu.dma_semaphore, #tpu.memory_space<semaphore_mem>>, %arg14: memref<!tpu.dma_semaphore, #tpu.memory_space<semaphore_mem>>, %arg15: memref<!tpu.dma_semaphore, #tpu.memory_space<semaphore_mem>>) attributes {dimension_semantics = [#tpu.dimension_semantics<core_parallel>, #tpu.dimension_semantics<subcore_parallel>], iteration_bounds = array<i64: 2, 16>, scalar_prefetch = 0 : i64, scratch_operands = 10 : i64, tpu.core_type = #tpu.core_type<sc_vector_subcore>, window_params = [{transform_indices = #map}, {transform_indices = #map}, {transform_indices = #map}, {transform_indices = #map1}]} {
    %mul3A = arith.constant 16 : i32
    %mul3A_0 = arith.muli %arg0, %mul3A : i32
    %add3A = arith.addi %mul3A_0, %arg1 : i32
    %broadcast_in_dim3A = arith.constant 0.000000e+00 : f32
    %broadcast_in_dim3A_1 = vector.broadcast %broadcast_in_dim3A : f32 to vector<16xf32>
    %scan3A = arith.constant 0 : i32
    %scan3A_2 = arith.constant 128 : i32
    %scan3A_3 = arith.addi %scan3A, %scan3A_2 : i32
    %scan3A_4 = arith.constant 1 : i32
    scf.for %scan3A_232 = %scan3A to %scan3A_3 step %scan3A_4  : i32 {
      %mul3A_233 = arith.constant 1 : i32
      %mul3A_234 = arith.muli %scan3A_232, %mul3A_233 : i32
      %add3A_235 = arith.constant 0 : i32
      %add3A_236 = arith.addi %add3A_235, %mul3A_234 : i32
      %scan3A_237 = arith.constant 0 : i32
      %scan3A_238 = arith.constant 8 : i32
      %scan3A_239 = arith.addi %scan3A_237, %scan3A_238 : i32
      %scan3A_240 = arith.constant 1 : i32
      scf.for %scan3A_242 = %scan3A_237 to %scan3A_239 step %scan3A_240  : i32 {
        %mul3A_243 = arith.constant 16 : i32
        %mul3A_244 = arith.muli %scan3A_242, %mul3A_243 : i32
        %add3A_245 = arith.constant 0 : i32
        %add3A_246 = arith.addi %add3A_245, %mul3A_244 : i32
        %swap3A = arith.index_cast %add3A_236 : i32 to index
        %swap3A_247 = arith.index_cast %add3A_246 : i32 to index
        %swap3A_248 = tpu.vector_load %arg8[%swap3A, %swap3A_247] {strides = array<i32>} : memref<128x128xf32, #tpu.memory_space<vmem>>, vector<16xf32>,
        tpu.vector_store %arg8[%swap3A, %swap3A_247], %broadcast_in_dim3A_1 {strides = array<i32>} : memref<128x128xf32, #tpu.memory_space<vmem>>, vector<16xf32>,
      }
      %scan3A_241 = arith.constant 8 : i32
    }
    %scan3A_5 = arith.constant 128 : i32
    %mul3A_6 = arith.constant 640 : i32
    %mul3A_7 = arith.muli %arg1, %mul3A_6 : i32
    %add3A_8 = arith.constant 0 : i32
    %add3A_9 = arith.addi %mul3A_7, %add3A_8 : i32
    %dma_start3A = arith.constant 0 : i32
    %dma_start3A_10 = tpu.memref_slice %arg10[%add3A_9, %dma_start3A] : memref<10240x128xf32, #tpu.memory_space<vmem_shared>> -> memref<128x128xf32, #tpu.memory_space<vmem_shared>>
    %dma_start3A_11 = arith.constant 0 : i32
    %dma_start3A_12 = tpu.memref_slice %arg10[%add3A_9, %dma_start3A_11] : memref<10240x128xf32, #tpu.memory_space<vmem_shared>> -> memref<128x128xf32, #tpu.memory_space<vmem_shared>>
    tpu.enqueue_dma source(%arg8 : memref<128x128xf32, #tpu.memory_space<vmem>>) target(%dma_start3A_12 : memref<128x128xf32, #tpu.memory_space<vmem_shared>>) target_semaphore(%arg15 : memref<!tpu.dma_semaphore, #tpu.memory_space<semaphore_mem>>)
    %mul3A_13 = arith.constant 640 : i32
    %mul3A_14 = arith.muli %arg1, %mul3A_13 : i32
    %add3A_15 = arith.constant 128 : i32
    %add3A_16 = arith.addi %mul3A_14, %add3A_15 : i32
    %dma_start3A_17 = arith.constant 0 : i32
    %dma_start3A_18 = tpu.memref_slice %arg10[%add3A_16, %dma_start3A_17] : memref<10240x128xf32, #tpu.memory_space<vmem_shared>> -> memref<128x128xf32, #tpu.memory_space<vmem_shared>>
    %dma_start3A_19 = arith.constant 0 : i32
    %dma_start3A_20 = tpu.memref_slice %arg10[%add3A_16, %dma_start3A_19] : memref<10240x128xf32, #tpu.memory_space<vmem_shared>> -> memref<128x128xf32, #tpu.memory_space<vmem_shared>>
    tpu.enqueue_dma source(%arg8 : memref<128x128xf32, #tpu.memory_space<vmem>>) target(%dma_start3A_20 : memref<128x128xf32, #tpu.memory_space<vmem_shared>>) target_semaphore(%arg15 : memref<!tpu.dma_semaphore, #tpu.memory_space<semaphore_mem>>)
    %mul3A_21 = arith.constant 640 : i32
    %mul3A_22 = arith.muli %arg1, %mul3A_21 : i32
    %add3A_23 = arith.constant 256 : i32
    %add3A_24 = arith.addi %mul3A_22, %add3A_23 : i32
    %dma_start3A_25 = arith.constant 0 : i32
    %dma_start3A_26 = tpu.memref_slice %arg10[%add3A_24, %dma_start3A_25] : memref<10240x128xf32, #tpu.memory_space<vmem_shared>> -> memref<128x128xf32, #tpu.memory_space<vmem_shared>>
    %dma_start3A_27 = arith.constant 0 : i32
    %dma_start3A_28 = tpu.memref_slice %arg10[%add3A_24, %dma_start3A_27] : memref<10240x128xf32, #tpu.memory_space<vmem_shared>> -> memref<128x128xf32, #tpu.memory_space<vmem_shared>>
    tpu.enqueue_dma source(%arg8 : memref<128x128xf32, #tpu.memory_space<vmem>>) target(%dma_start3A_28 : memref<128x128xf32, #tpu.memory_space<vmem_shared>>) target_semaphore(%arg15 : memref<!tpu.dma_semaphore, #tpu.memory_space<semaphore_mem>>)
    %mul3A_29 = arith.constant 640 : i32
    %mul3A_30 = arith.muli %arg1, %mul3A_29 : i32
    %add3A_31 = arith.constant 384 : i32
    %add3A_32 = arith.addi %mul3A_30, %add3A_31 : i32
    %dma_start3A_33 = arith.constant 0 : i32
    %dma_start3A_34 = tpu.memref_slice %arg10[%add3A_32, %dma_start3A_33] : memref<10240x128xf32, #tpu.memory_space<vmem_shared>> -> memref<128x128xf32, #tpu.memory_space<vmem_shared>>
    %dma_start3A_35 = arith.constant 0 : i32
    %dma_start3A_36 = tpu.memref_slice %arg10[%add3A_32, %dma_start3A_35] : memref<10240x128xf32, #tpu.memory_space<vmem_shared>> -> memref<128x128xf32, #tpu.memory_space<vmem_shared>>
    tpu.enqueue_dma source(%arg8 : memref<128x128xf32, #tpu.memory_space<vmem>>) target(%dma_start3A_36 : memref<128x128xf32, #tpu.memory_space<vmem_shared>>) target_semaphore(%arg15 : memref<!tpu.dma_semaphore, #tpu.memory_space<semaphore_mem>>)
    %mul3A_37 = arith.constant 640 : i32
    %mul3A_38 = arith.muli %arg1, %mul3A_37 : i32
    %add3A_39 = arith.constant 512 : i32
    %add3A_40 = arith.addi %mul3A_38, %add3A_39 : i32
    %dma_start3A_41 = arith.constant 0 : i32
    %dma_start3A_42 = tpu.memref_slice %arg10[%add3A_40, %dma_start3A_41] : memref<10240x128xf32, #tpu.memory_space<vmem_shared>> -> memref<128x128xf32, #tpu.memory_space<vmem_shared>>
    %dma_start3A_43 = arith.constant 0 : i32
    %dma_start3A_44 = tpu.memref_slice %arg10[%add3A_40, %dma_start3A_43] : memref<10240x128xf32, #tpu.memory_space<vmem_shared>> -> memref<128x128xf32, #tpu.memory_space<vmem_shared>>
    tpu.enqueue_dma source(%arg8 : memref<128x128xf32, #tpu.memory_space<vmem>>) target(%dma_start3A_44 : memref<128x128xf32, #tpu.memory_space<vmem_shared>>) target_semaphore(%arg15 : memref<!tpu.dma_semaphore, #tpu.memory_space<semaphore_mem>>)
    %mul3A_45 = arith.constant 640 : i32
    %mul3A_46 = arith.muli %arg1, %mul3A_45 : i32
    %dma_wait3A = arith.constant 0 : i32
    %dma_wait3A_47 = tpu.memref_slice %arg10[%mul3A_46, %dma_wait3A] : memref<10240x128xf32, #tpu.memory_space<vmem_shared>> -> memref<128x128xf32, #tpu.memory_space<vmem_shared>>
    %dma_wait3A_48 = arith.constant 0 : i32
    %dma_wait3A_49 = tpu.memref_slice %arg10[%mul3A_46, %dma_wait3A_48] : memref<10240x128xf32, #tpu.memory_space<vmem_shared>> -> memref<128x128xf32, #tpu.memory_space<vmem_shared>>
    tpu.wait_dma2 semaphore(%arg15 : memref<!tpu.dma_semaphore, #tpu.memory_space<semaphore_mem>>) src(%arg8 : memref<128x128xf32, #tpu.memory_space<vmem>>) dst(%dma_wait3A_49 : memref<128x128xf32, #tpu.memory_space<vmem_shared>>)
    %mul3A_50 = arith.constant 640 : i32
    %mul3A_51 = arith.muli %arg1, %mul3A_50 : i32
    %dma_wait3A_52 = arith.constant 0 : i32
    %dma_wait3A_53 = tpu.memref_slice %arg10[%mul3A_51, %dma_wait3A_52] : memref<10240x128xf32, #tpu.memory_space<vmem_shared>> -> memref<128x128xf32, #tpu.memory_space<vmem_shared>>
    %dma_wait3A_54 = arith.constant 0 : i32
    %dma_wait3A_55 = tpu.memref_slice %arg10[%mul3A_51, %dma_wait3A_54] : memref<10240x128xf32, #tpu.memory_space<vmem_shared>> -> memref<128x128xf32, #tpu.memory_space<vmem_shared>>
    tpu.wait_dma2 semaphore(%arg15 : memref<!tpu.dma_semaphore, #tpu.memory_space<semaphore_mem>>) src(%arg8 : memref<128x128xf32, #tpu.memory_space<vmem>>) dst(%dma_wait3A_55 : memref<128x128xf32, #tpu.memory_space<vmem_shared>>)
    %mul3A_56 = arith.constant 640 : i32
    %mul3A_57 = arith.muli %arg1, %mul3A_56 : i32
    %dma_wait3A_58 = arith.constant 0 : i32
    %dma_wait3A_59 = tpu.memref_slice %arg10[%mul3A_57, %dma_wait3A_58] : memref<10240x128xf32, #tpu.memory_space<vmem_shared>> -> memref<128x128xf32, #tpu.memory_space<vmem_shared>>
    %dma_wait3A_60 = arith.constant 0 : i32
    %dma_wait3A_61 = tpu.memref_slice %arg10[%mul3A_57, %dma_wait3A_60] : memref<10240x128xf32, #tpu.memory_space<vmem_shared>> -> memref<128x128xf32, #tpu.memory_space<vmem_shared>>
    tpu.wait_dma2 semaphore(%arg15 : memref<!tpu.dma_semaphore, #tpu.memory_space<semaphore_mem>>) src(%arg8 : memref<128x128xf32, #tpu.memory_space<vmem>>) dst(%dma_wait3A_61 : memref<128x128xf32, #tpu.memory_space<vmem_shared>>)
    %mul3A_62 = arith.constant 640 : i32
    %mul3A_63 = arith.muli %arg1, %mul3A_62 : i32
    %dma_wait3A_64 = arith.constant 0 : i32
    %dma_wait3A_65 = tpu.memref_slice %arg10[%mul3A_63, %dma_wait3A_64] : memref<10240x128xf32, #tpu.memory_space<vmem_shared>> -> memref<128x128xf32, #tpu.memory_space<vmem_shared>>
    %dma_wait3A_66 = arith.constant 0 : i32
    %dma_wait3A_67 = tpu.memref_slice %arg10[%mul3A_63, %dma_wait3A_66] : memref<10240x128xf32, #tpu.memory_space<vmem_shared>> -> memref<128x128xf32, #tpu.memory_space<vmem_shared>>
    tpu.wait_dma2 semaphore(%arg15 : memref<!tpu.dma_semaphore, #tpu.memory_space<semaphore_mem>>) src(%arg8 : memref<128x128xf32, #tpu.memory_space<vmem>>) dst(%dma_wait3A_67 : memref<128x128xf32, #tpu.memory_space<vmem_shared>>)
    %mul3A_68 = arith.constant 640 : i32
    %mul3A_69 = arith.muli %arg1, %mul3A_68 : i32
    %dma_wait3A_70 = arith.constant 0 : i32
    %dma_wait3A_71 = tpu.memref_slice %arg10[%mul3A_69, %dma_wait3A_70] : memref<10240x128xf32, #tpu.memory_space<vmem_shared>> -> memref<128x128xf32, #tpu.memory_space<vmem_shared>>
    %dma_wait3A_72 = arith.constant 0 : i32
    %dma_wait3A_73 = tpu.memref_slice %arg10[%mul3A_69, %dma_wait3A_72] : memref<10240x128xf32, #tpu.memory_space<vmem_shared>> -> memref<128x128xf32, #tpu.memory_space<vmem_shared>>
    tpu.wait_dma2 semaphore(%arg15 : memref<!tpu.dma_semaphore, #tpu.memory_space<semaphore_mem>>) src(%arg8 : memref<128x128xf32, #tpu.memory_space<vmem>>) dst(%dma_wait3A_73 : memref<128x128xf32, #tpu.memory_space<vmem_shared>>)
    %barrier3A = arith.constant 0 : index
    tpu.barrier barrier_id(%barrier3A)
    %mul3A_74 = arith.constant 80 : i32
    %mul3A_75 = arith.muli %add3A, %mul3A_74 : i32
    %add3A_76 = arith.constant 0 : i32
    %add3A_77 = arith.addi %mul3A_75, %add3A_76 : i32
    %multiple_of3A = tpu.assume_multiple %add3A_77, 8 : i32
    "tpu.region"() ({
      %run_scoped3A = tpu.sem_alloc : memref<!tpu.dma_semaphore, #tpu.memory_space<semaphore_mem>>
      %dma_start3A_232 = arith.constant 0 : i32
      %dma_start3A_233 = tpu.memref_slice %arg3[%multiple_of3A, %dma_start3A_232] : memref<2560x128xi32, #tpu.memory_space<hbm>> -> memref<40x128xi32, #tpu.memory_space<hbm>>
      %dma_start3A_234 = arith.constant 0 : i32
      %dma_start3A_235 = tpu.memref_slice %arg3[%multiple_of3A, %dma_start3A_234] : memref<2560x128xi32, #tpu.memory_space<hbm>> -> memref<40x128xi32, #tpu.memory_space<hbm>>
      tpu.enqueue_dma source(%dma_start3A_235 : memref<40x128xi32, #tpu.memory_space<hbm>>) target(%arg6 : memref<40x128xi32, #tpu.memory_space<vmem>>) target_semaphore(%run_scoped3A : memref<!tpu.dma_semaphore, #tpu.memory_space<semaphore_mem>>)
      %dma_wait3A_236 = arith.constant 0 : i32
      %dma_wait3A_237 = tpu.memref_slice %arg3[%multiple_of3A, %dma_wait3A_236] : memref<2560x128xi32, #tpu.memory_space<hbm>> -> memref<40x128xi32, #tpu.memory_space<hbm>>
      %dma_wait3A_238 = arith.constant 0 : i32
      %dma_wait3A_239 = tpu.memref_slice %arg3[%multiple_of3A, %dma_wait3A_238] : memref<2560x128xi32, #tpu.memory_space<hbm>> -> memref<40x128xi32, #tpu.memory_space<hbm>>
      tpu.wait_dma2 semaphore(%run_scoped3A : memref<!tpu.dma_semaphore, #tpu.memory_space<semaphore_mem>>) src(%dma_wait3A_239 : memref<40x128xi32, #tpu.memory_space<hbm>>) dst(%arg6 : memref<40x128xi32, #tpu.memory_space<vmem>>)
      tpu.yield
    }) : () -> ()
    "tpu.region"() ({
      %run_scoped3A = tpu.sem_alloc : memref<!tpu.dma_semaphore, #tpu.memory_space<semaphore_mem>>
      %dma_start3A_232 = arith.constant 0 : i32
      %dma_start3A_233 = tpu.memref_slice %arg4[%multiple_of3A, %dma_start3A_232] : memref<2560x128xi32, #tpu.memory_space<hbm>> -> memref<40x128xi32, #tpu.memory_space<hbm>>
      %dma_start3A_234 = arith.constant 0 : i32
      %dma_start3A_235 = tpu.memref_slice %arg4[%multiple_of3A, %dma_start3A_234] : memref<2560x128xi32, #tpu.memory_space<hbm>> -> memref<40x128xi32, #tpu.memory_space<hbm>>
      tpu.enqueue_dma source(%dma_start3A_235 : memref<40x128xi32, #tpu.memory_space<hbm>>) target(%arg7 : memref<40x128xi32, #tpu.memory_space<vmem>>) target_semaphore(%run_scoped3A : memref<!tpu.dma_semaphore, #tpu.memory_space<semaphore_mem>>)
      %dma_wait3A_236 = arith.constant 0 : i32
      %dma_wait3A_237 = tpu.memref_slice %arg4[%multiple_of3A, %dma_wait3A_236] : memref<2560x128xi32, #tpu.memory_space<hbm>> -> memref<40x128xi32, #tpu.memory_space<hbm>>
      %dma_wait3A_238 = arith.constant 0 : i32
      %dma_wait3A_239 = tpu.memref_slice %arg4[%multiple_of3A, %dma_wait3A_238] : memref<2560x128xi32, #tpu.memory_space<hbm>> -> memref<40x128xi32, #tpu.memory_space<hbm>>
      tpu.wait_dma2 semaphore(%run_scoped3A : memref<!tpu.dma_semaphore, #tpu.memory_space<semaphore_mem>>) src(%dma_wait3A_239 : memref<40x128xi32, #tpu.memory_space<hbm>>) dst(%arg7 : memref<40x128xi32, #tpu.memory_space<vmem>>)
      tpu.yield
    }) : () -> ()
    %dma_start3A_78 = arith.constant 0 : i32
    %dma_start3A_79 = arith.constant 0 : i32
    %dma_start3A_80 = tpu.memref_slice %arg6[%dma_start3A_78, %dma_start3A_79] : memref<40x128xi32, #tpu.memory_space<vmem>> -> memref<1x128xi32, #tpu.memory_space<vmem>>
    %dma_start3A_81 = tpu.memref_squeeze %dma_start3A_80 : memref<1x128xi32, #tpu.memory_space<vmem>> -> memref<128xi32, #tpu.memory_space<vmem>>
    %dma_start3A_82 = arith.constant 0 : i32
    %dma_start3A_83 = arith.constant 0 : i32
    %dma_start3A_84 = tpu.memref_slice %arg2[%dma_start3A_82, %dma_start3A_83] : memref<10240x128xf32, #tpu.memory_space<hbm>> -> memref<10240x128xf32, #tpu.memory_space<hbm>>
    tpu.enqueue_indirect_dma source(%dma_start3A_84 : memref<10240x128xf32, #tpu.memory_space<hbm>>) target(%arg8 : memref<128x128xf32, #tpu.memory_space<vmem>>) offsets(%dma_start3A_81 : memref<128xi32, #tpu.memory_space<vmem>>) semaphore(%arg11 : memref<!tpu.dma_semaphore, #tpu.memory_space<semaphore_mem>>)
    %scan3A_85 = arith.constant 0 : i32
    %scan3A_86 = arith.constant 20 : i32
    %scan3A_87 = arith.addi %scan3A_85, %scan3A_86 : i32
    %scan3A_88 = arith.constant 1 : i32
    scf.for %scan3A_232 = %scan3A_85 to %scan3A_87 step %scan3A_88  : i32 {
      %mul3A_233 = arith.constant 1 : i32
      %mul3A_234 = arith.muli %scan3A_232, %mul3A_233 : i32
      %add3A_235 = arith.constant 0 : i32
      %add3A_236 = arith.addi %add3A_235, %mul3A_234 : i32
      %mul3A_237 = arith.constant 2 : i32
      %mul3A_238 = arith.muli %mul3A_237, %add3A_236 : i32
      %dma_wait3A_239 = arith.constant 0 : i32
      %dma_wait3A_240 = arith.constant 0 : i32
      %dma_wait3A_241 = tpu.memref_slice %arg6[%dma_wait3A_239, %dma_wait3A_240] : memref<40x128xi32, #tpu.memory_space<vmem>> -> memref<1x128xi32, #tpu.memory_space<vmem>>
      %dma_wait3A_242 = tpu.memref_squeeze %dma_wait3A_241 : memref<1x128xi32, #tpu.memory_space<vmem>> -> memref<128xi32, #tpu.memory_space<vmem>>
      %dma_wait3A_243 = arith.constant 0 : i32
      %dma_wait3A_244 = arith.constant 0 : i32
      %dma_wait3A_245 = tpu.memref_slice %arg2[%dma_wait3A_243, %dma_wait3A_244] : memref<10240x128xf32, #tpu.memory_space<hbm>> -> memref<10240x128xf32, #tpu.memory_space<hbm>>
      tpu.wait_indirect_dma semaphore(%arg11 : memref<!tpu.dma_semaphore, #tpu.memory_space<semaphore_mem>>) src(%dma_wait3A_245 : memref<10240x128xf32, #tpu.memory_space<hbm>>) dst(%arg8 : memref<128x128xf32, #tpu.memory_space<vmem>>)
      %dma_start3A_246 = arith.constant 0 : i32
      %dma_start3A_247 = tpu.memref_slice %arg7[%mul3A_238, %dma_start3A_246] : memref<40x128xi32, #tpu.memory_space<vmem>> -> memref<1x128xi32, #tpu.memory_space<vmem>>
      %dma_start3A_248 = tpu.memref_squeeze %dma_start3A_247 : memref<1x128xi32, #tpu.memory_space<vmem>> -> memref<128xi32, #tpu.memory_space<vmem>>
      %dma_start3A_249 = arith.constant 0 : i32
      %dma_start3A_250 = arith.constant 0 : i32
      %dma_start3A_251 = tpu.memref_slice %arg10[%dma_start3A_249, %dma_start3A_250] : memref<10240x128xf32, #tpu.memory_space<vmem_shared>> -> memref<10240x128xf32, #tpu.memory_space<vmem_shared>>
      tpu.enqueue_indirect_dma source(%arg8 : memref<128x128xf32, #tpu.memory_space<vmem>>) target(%dma_start3A_251 : memref<10240x128xf32, #tpu.memory_space<vmem_shared>>) offsets(%dma_start3A_248 : memref<128xi32, #tpu.memory_space<vmem>>) semaphore(%arg13 : memref<!tpu.dma_semaphore, #tpu.memory_space<semaphore_mem>>) {add = true}
      %gt3A = arith.constant 0 : i32
      %gt3A_252 = arith.cmpi sgt, %add3A_236, %gt3A : i32
      %convert_element_type3A = arith.extui %gt3A_252 : i1 to i32
      %cond3A = arith.constant 0 : i32
      %cond3A_253 = arith.cmpi ne, %convert_element_type3A, %cond3A : i32
      scf.if %cond3A_253 {
        %dma_wait3A_288 = arith.constant 0 : i32
        %dma_wait3A_289 = arith.constant 0 : i32
        %dma_wait3A_290 = tpu.memref_slice %arg7[%dma_wait3A_288, %dma_wait3A_289] : memref<40x128xi32, #tpu.memory_space<vmem>> -> memref<1x128xi32, #tpu.memory_space<vmem>>
        %dma_wait3A_291 = tpu.memref_squeeze %dma_wait3A_290 : memref<1x128xi32, #tpu.memory_space<vmem>> -> memref<128xi32, #tpu.memory_space<vmem>>
        %dma_wait3A_292 = arith.constant 0 : i32
        %dma_wait3A_293 = arith.constant 0 : i32
        %dma_wait3A_294 = tpu.memref_slice %arg10[%dma_wait3A_292, %dma_wait3A_293] : memref<10240x128xf32, #tpu.memory_space<vmem_shared>> -> memref<10240x128xf32, #tpu.memory_space<vmem_shared>>
        tpu.wait_indirect_dma semaphore(%arg14 : memref<!tpu.dma_semaphore, #tpu.memory_space<semaphore_mem>>) src(%arg9 : memref<128x128xf32, #tpu.memory_space<vmem>>) dst(%dma_wait3A_294 : memref<10240x128xf32, #tpu.memory_space<vmem_shared>>)
      } else {
      }
      %add3A_254 = arith.constant 1 : i32
      %add3A_255 = arith.addi %mul3A_238, %add3A_254 : i32
      %dma_start3A_256 = arith.constant 0 : i32
      %dma_start3A_257 = tpu.memref_slice %arg6[%add3A_255, %dma_start3A_256] : memref<40x128xi32, #tpu.memory_space<vmem>> -> memref<1x128xi32, #tpu.memory_space<vmem>>
      %dma_start3A_258 = tpu.memref_squeeze %dma_start3A_257 : memref<1x128xi32, #tpu.memory_space<vmem>> -> memref<128xi32, #tpu.memory_space<vmem>>
      %dma_start3A_259 = arith.constant 0 : i32
      %dma_start3A_260 = arith.constant 0 : i32
      %dma_start3A_261 = tpu.memref_slice %arg2[%dma_start3A_259, %dma_start3A_260] : memref<10240x128xf32, #tpu.memory_space<hbm>> -> memref<10240x128xf32, #tpu.memory_space<hbm>>
      tpu.enqueue_indirect_dma source(%dma_start3A_261 : memref<10240x128xf32, #tpu.memory_space<hbm>>) target(%arg9 : memref<128x128xf32, #tpu.memory_space<vmem>>) offsets(%dma_start3A_258 : memref<128xi32, #tpu.memory_space<vmem>>) semaphore(%arg12 : memref<!tpu.dma_semaphore, #tpu.memory_space<semaphore_mem>>)
      %dma_wait3A_262 = arith.constant 0 : i32
      %dma_wait3A_263 = arith.constant 0 : i32
      %dma_wait3A_264 = tpu.memref_slice %arg6[%dma_wait3A_262, %dma_wait3A_263] : memref<40x128xi32, #tpu.memory_space<vmem>> -> memref<1x128xi32, #tpu.memory_space<vmem>>
      %dma_wait3A_265 = tpu.memref_squeeze %dma_wait3A_264 : memref<1x128xi32, #tpu.memory_space<vmem>> -> memref<128xi32, #tpu.memory_space<vmem>>
      %dma_wait3A_266 = arith.constant 0 : i32
      %dma_wait3A_267 = arith.constant 0 : i32
      %dma_wait3A_268 = tpu.memref_slice %arg2[%dma_wait3A_266, %dma_wait3A_267] : memref<10240x128xf32, #tpu.memory_space<hbm>> -> memref<10240x128xf32, #tpu.memory_space<hbm>>
      tpu.wait_indirect_dma semaphore(%arg12 : memref<!tpu.dma_semaphore, #tpu.memory_space<semaphore_mem>>) src(%dma_wait3A_268 : memref<10240x128xf32, #tpu.memory_space<hbm>>) dst(%arg9 : memref<128x128xf32, #tpu.memory_space<vmem>>)
      %add3A_269 = arith.constant 1 : i32
      %add3A_270 = arith.addi %mul3A_238, %add3A_269 : i32
      %dma_start3A_271 = arith.constant 0 : i32
      %dma_start3A_272 = tpu.memref_slice %arg7[%add3A_270, %dma_start3A_271] : memref<40x128xi32, #tpu.memory_space<vmem>> -> memref<1x128xi32, #tpu.memory_space<vmem>>
      %dma_start3A_273 = tpu.memref_squeeze %dma_start3A_272 : memref<1x128xi32, #tpu.memory_space<vmem>> -> memref<128xi32, #tpu.memory_space<vmem>>
      %dma_start3A_274 = arith.constant 0 : i32
      %dma_start3A_275 = arith.constant 0 : i32
      %dma_start3A_276 = tpu.memref_slice %arg10[%dma_start3A_274, %dma_start3A_275] : memref<10240x128xf32, #tpu.memory_space<vmem_shared>> -> memref<10240x128xf32, #tpu.memory_space<vmem_shared>>
      tpu.enqueue_indirect_dma source(%arg9 : memref<128x128xf32, #tpu.memory_space<vmem>>) target(%dma_start3A_276 : memref<10240x128xf32, #tpu.memory_space<vmem_shared>>) offsets(%dma_start3A_273 : memref<128xi32, #tpu.memory_space<vmem>>) semaphore(%arg14 : memref<!tpu.dma_semaphore, #tpu.memory_space<semaphore_mem>>) {add = true}
      %dma_wait3A_277 = arith.constant 0 : i32
      %dma_wait3A_278 = arith.constant 0 : i32
      %dma_wait3A_279 = tpu.memref_slice %arg7[%dma_wait3A_277, %dma_wait3A_278] : memref<40x128xi32, #tpu.memory_space<vmem>> -> memref<1x128xi32, #tpu.memory_space<vmem>>
      %dma_wait3A_280 = tpu.memref_squeeze %dma_wait3A_279 : memref<1x128xi32, #tpu.memory_space<vmem>> -> memref<128xi32, #tpu.memory_space<vmem>>
      %dma_wait3A_281 = arith.constant 0 : i32
      %dma_wait3A_282 = arith.constant 0 : i32
      %dma_wait3A_283 = tpu.memref_slice %arg10[%dma_wait3A_281, %dma_wait3A_282] : memref<10240x128xf32, #tpu.memory_space<vmem_shared>> -> memref<10240x128xf32, #tpu.memory_space<vmem_shared>>
      tpu.wait_indirect_dma semaphore(%arg13 : memref<!tpu.dma_semaphore, #tpu.memory_space<semaphore_mem>>) src(%arg8 : memref<128x128xf32, #tpu.memory_space<vmem>>) dst(%dma_wait3A_283 : memref<10240x128xf32, #tpu.memory_space<vmem_shared>>)
      %lt3A = arith.constant 19 : i32
      %lt3A_284 = arith.cmpi slt, %add3A_236, %lt3A : i32
      %convert_element_type3A_285 = arith.extui %lt3A_284 : i1 to i32
      %cond3A_286 = arith.constant 0 : i32
      %cond3A_287 = arith.cmpi ne, %convert_element_type3A_285, %cond3A_286 : i32
      scf.if %cond3A_287 {
        %add3A_288 = arith.constant 2 : i32
        %add3A_289 = arith.addi %mul3A_238, %add3A_288 : i32
        %dma_start3A_290 = arith.constant 0 : i32
        %dma_start3A_291 = tpu.memref_slice %arg6[%add3A_289, %dma_start3A_290] : memref<40x128xi32, #tpu.memory_space<vmem>> -> memref<1x128xi32, #tpu.memory_space<vmem>>
        %dma_start3A_292 = tpu.memref_squeeze %dma_start3A_291 : memref<1x128xi32, #tpu.memory_space<vmem>> -> memref<128xi32, #tpu.memory_space<vmem>>
        %dma_start3A_293 = arith.constant 0 : i32
        %dma_start3A_294 = arith.constant 0 : i32
        %dma_start3A_295 = tpu.memref_slice %arg2[%dma_start3A_293, %dma_start3A_294] : memref<10240x128xf32, #tpu.memory_space<hbm>> -> memref<10240x128xf32, #tpu.memory_space<hbm>>
        tpu.enqueue_indirect_dma source(%dma_start3A_295 : memref<10240x128xf32, #tpu.memory_space<hbm>>) target(%arg8 : memref<128x128xf32, #tpu.memory_space<vmem>>) offsets(%dma_start3A_292 : memref<128xi32, #tpu.memory_space<vmem>>) semaphore(%arg11 : memref<!tpu.dma_semaphore, #tpu.memory_space<semaphore_mem>>)
      } else {
      }
    }
    %scan3A_89 = arith.constant 20 : i32
    %dma_wait3A_90 = arith.constant 0 : i32
    %dma_wait3A_91 = arith.constant 0 : i32
    %dma_wait3A_92 = tpu.memref_slice %arg7[%dma_wait3A_90, %dma_wait3A_91] : memref<40x128xi32, #tpu.memory_space<vmem>> -> memref<1x128xi32, #tpu.memory_space<vmem>>
    %dma_wait3A_93 = tpu.memref_squeeze %dma_wait3A_92 : memref<1x128xi32, #tpu.memory_space<vmem>> -> memref<128xi32, #tpu.memory_space<vmem>>
    %dma_wait3A_94 = arith.constant 0 : i32
    %dma_wait3A_95 = arith.constant 0 : i32
    %dma_wait3A_96 = tpu.memref_slice %arg10[%dma_wait3A_94, %dma_wait3A_95] : memref<10240x128xf32, #tpu.memory_space<vmem_shared>> -> memref<10240x128xf32, #tpu.memory_space<vmem_shared>>
    tpu.wait_indirect_dma semaphore(%arg14 : memref<!tpu.dma_semaphore, #tpu.memory_space<semaphore_mem>>) src(%arg9 : memref<128x128xf32, #tpu.memory_space<vmem>>) dst(%dma_wait3A_96 : memref<10240x128xf32, #tpu.memory_space<vmem_shared>>)
    %mul3A_97 = arith.constant 80 : i32
    %mul3A_98 = arith.muli %add3A, %mul3A_97 : i32
    %add3A_99 = arith.constant 40 : i32
    %add3A_100 = arith.addi %mul3A_98, %add3A_99 : i32
    %multiple_of3A_101 = tpu.assume_multiple %add3A_100, 8 : i32
    "tpu.region"() ({
      %run_scoped3A = tpu.sem_alloc : memref<!tpu.dma_semaphore, #tpu.memory_space<semaphore_mem>>
      %dma_start3A_232 = arith.constant 0 : i32
      %dma_start3A_233 = tpu.memref_slice %arg3[%multiple_of3A_101, %dma_start3A_232] : memref<2560x128xi32, #tpu.memory_space<hbm>> -> memref<40x128xi32, #tpu.memory_space<hbm>>
      %dma_start3A_234 = arith.constant 0 : i32
      %dma_start3A_235 = tpu.memref_slice %arg3[%multiple_of3A_101, %dma_start3A_234] : memref<2560x128xi32, #tpu.memory_space<hbm>> -> memref<40x128xi32, #tpu.memory_space<hbm>>
      tpu.enqueue_dma source(%dma_start3A_235 : memref<40x128xi32, #tpu.memory_space<hbm>>) target(%arg6 : memref<40x128xi32, #tpu.memory_space<vmem>>) target_semaphore(%run_scoped3A : memref<!tpu.dma_semaphore, #tpu.memory_space<semaphore_mem>>)
      %dma_wait3A_236 = arith.constant 0 : i32
      %dma_wait3A_237 = tpu.memref_slice %arg3[%multiple_of3A_101, %dma_wait3A_236] : memref<2560x128xi32, #tpu.memory_space<hbm>> -> memref<40x128xi32, #tpu.memory_space<hbm>>
      %dma_wait3A_238 = arith.constant 0 : i32
      %dma_wait3A_239 = tpu.memref_slice %arg3[%multiple_of3A_101, %dma_wait3A_238] : memref<2560x128xi32, #tpu.memory_space<hbm>> -> memref<40x128xi32, #tpu.memory_space<hbm>>
      tpu.wait_dma2 semaphore(%run_scoped3A : memref<!tpu.dma_semaphore, #tpu.memory_space<semaphore_mem>>) src(%dma_wait3A_239 : memref<40x128xi32, #tpu.memory_space<hbm>>) dst(%arg6 : memref<40x128xi32, #tpu.memory_space<vmem>>)
      tpu.yield
    }) : () -> ()
    "tpu.region"() ({
      %run_scoped3A = tpu.sem_alloc : memref<!tpu.dma_semaphore, #tpu.memory_space<semaphore_mem>>
      %dma_start3A_232 = arith.constant 0 : i32
      %dma_start3A_233 = tpu.memref_slice %arg4[%multiple_of3A_101, %dma_start3A_232] : memref<2560x128xi32, #tpu.memory_space<hbm>> -> memref<40x128xi32, #tpu.memory_space<hbm>>
      %dma_start3A_234 = arith.constant 0 : i32
      %dma_start3A_235 = tpu.memref_slice %arg4[%multiple_of3A_101, %dma_start3A_234] : memref<2560x128xi32, #tpu.memory_space<hbm>> -> memref<40x128xi32, #tpu.memory_space<hbm>>
      tpu.enqueue_dma source(%dma_start3A_235 : memref<40x128xi32, #tpu.memory_space<hbm>>) target(%arg7 : memref<40x128xi32, #tpu.memory_space<vmem>>) target_semaphore(%run_scoped3A : memref<!tpu.dma_semaphore, #tpu.memory_space<semaphore_mem>>)
      %dma_wait3A_236 = arith.constant 0 : i32
      %dma_wait3A_237 = tpu.memref_slice %arg4[%multiple_of3A_101, %dma_wait3A_236] : memref<2560x128xi32, #tpu.memory_space<hbm>> -> memref<40x128xi32, #tpu.memory_space<hbm>>
      %dma_wait3A_238 = arith.constant 0 : i32
      %dma_wait3A_239 = tpu.memref_slice %arg4[%multiple_of3A_101, %dma_wait3A_238] : memref<2560x128xi32, #tpu.memory_space<hbm>> -> memref<40x128xi32, #tpu.memory_space<hbm>>
      tpu.wait_dma2 semaphore(%run_scoped3A : memref<!tpu.dma_semaphore, #tpu.memory_space<semaphore_mem>>) src(%dma_wait3A_239 : memref<40x128xi32, #tpu.memory_space<hbm>>) dst(%arg7 : memref<40x128xi32, #tpu.memory_space<vmem>>)
      tpu.yield
    }) : () -> ()
    %dma_start3A_102 = arith.constant 0 : i32
    %dma_start3A_103 = arith.constant 0 : i32
    %dma_start3A_104 = tpu.memref_slice %arg6[%dma_start3A_102, %dma_start3A_103] : memref<40x128xi32, #tpu.memory_space<vmem>> -> memref<1x128xi32, #tpu.memory_space<vmem>>
    %dma_start3A_105 = tpu.memref_squeeze %dma_start3A_104 : memref<1x128xi32, #tpu.memory_space<vmem>> -> memref<128xi32, #tpu.memory_space<vmem>>
    %dma_start3A_106 = arith.constant 0 : i32
    %dma_start3A_107 = arith.constant 0 : i32
    %dma_start3A_108 = tpu.memref_slice %arg2[%dma_start3A_106, %dma_start3A_107] : memref<10240x128xf32, #tpu.memory_space<hbm>> -> memref<10240x128xf32, #tpu.memory_space<hbm>>
    tpu.enqueue_indirect_dma source(%dma_start3A_108 : memref<10240x128xf32, #tpu.memory_space<hbm>>) target(%arg8 : memref<128x128xf32, #tpu.memory_space<vmem>>) offsets(%dma_start3A_105 : memref<128xi32, #tpu.memory_space<vmem>>) semaphore(%arg11 : memref<!tpu.dma_semaphore, #tpu.memory_space<semaphore_mem>>)
    %scan3A_109 = arith.constant 0 : i32
    %scan3A_110 = arith.constant 20 : i32
    %scan3A_111 = arith.addi %scan3A_109, %scan3A_110 : i32
    %scan3A_112 = arith.constant 1 : i32
    scf.for %scan3A_232 = %scan3A_109 to %scan3A_111 step %scan3A_112  : i32 {
      %mul3A_233 = arith.constant 1 : i32
      %mul3A_234 = arith.muli %scan3A_232, %mul3A_233 : i32
      %add3A_235 = arith.constant 0 : i32
      %add3A_236 = arith.addi %add3A_235, %mul3A_234 : i32
      %mul3A_237 = arith.constant 2 : i32
      %mul3A_238 = arith.muli %mul3A_237, %add3A_236 : i32
      %dma_wait3A_239 = arith.constant 0 : i32
      %dma_wait3A_240 = arith.constant 0 : i32
      %dma_wait3A_241 = tpu.memref_slice %arg6[%dma_wait3A_239, %dma_wait3A_240] : memref<40x128xi32, #tpu.memory_space<vmem>> -> memref<1x128xi32, #tpu.memory_space<vmem>>
      %dma_wait3A_242 = tpu.memref_squeeze %dma_wait3A_241 : memref<1x128xi32, #tpu.memory_space<vmem>> -> memref<128xi32, #tpu.memory_space<vmem>>
      %dma_wait3A_243 = arith.constant 0 : i32
      %dma_wait3A_244 = arith.constant 0 : i32
      %dma_wait3A_245 = tpu.memref_slice %arg2[%dma_wait3A_243, %dma_wait3A_244] : memref<10240x128xf32, #tpu.memory_space<hbm>> -> memref<10240x128xf32, #tpu.memory_space<hbm>>
      tpu.wait_indirect_dma semaphore(%arg11 : memref<!tpu.dma_semaphore, #tpu.memory_space<semaphore_mem>>) src(%dma_wait3A_245 : memref<10240x128xf32, #tpu.memory_space<hbm>>) dst(%arg8 : memref<128x128xf32, #tpu.memory_space<vmem>>)
      %dma_start3A_246 = arith.constant 0 : i32
      %dma_start3A_247 = tpu.memref_slice %arg7[%mul3A_238, %dma_start3A_246] : memref<40x128xi32, #tpu.memory_space<vmem>> -> memref<1x128xi32, #tpu.memory_space<vmem>>
      %dma_start3A_248 = tpu.memref_squeeze %dma_start3A_247 : memref<1x128xi32, #tpu.memory_space<vmem>> -> memref<128xi32, #tpu.memory_space<vmem>>
      %dma_start3A_249 = arith.constant 0 : i32
      %dma_start3A_250 = arith.constant 0 : i32
      %dma_start3A_251 = tpu.memref_slice %arg10[%dma_start3A_249, %dma_start3A_250] : memref<10240x128xf32, #tpu.memory_space<vmem_shared>> -> memref<10240x128xf32, #tpu.memory_space<vmem_shared>>
      tpu.enqueue_indirect_dma source(%arg8 : memref<128x128xf32, #tpu.memory_space<vmem>>) target(%dma_start3A_251 : memref<10240x128xf32, #tpu.memory_space<vmem_shared>>) offsets(%dma_start3A_248 : memref<128xi32, #tpu.memory_space<vmem>>) semaphore(%arg13 : memref<!tpu.dma_semaphore, #tpu.memory_space<semaphore_mem>>) {add = true}
      %gt3A = arith.constant 0 : i32
      %gt3A_252 = arith.cmpi sgt, %add3A_236, %gt3A : i32
      %convert_element_type3A = arith.extui %gt3A_252 : i1 to i32
      %cond3A = arith.constant 0 : i32
      %cond3A_253 = arith.cmpi ne, %convert_element_type3A, %cond3A : i32
      scf.if %cond3A_253 {
        %dma_wait3A_288 = arith.constant 0 : i32
        %dma_wait3A_289 = arith.constant 0 : i32
        %dma_wait3A_290 = tpu.memref_slice %arg7[%dma_wait3A_288, %dma_wait3A_289] : memref<40x128xi32, #tpu.memory_space<vmem>> -> memref<1x128xi32, #tpu.memory_space<vmem>>
        %dma_wait3A_291 = tpu.memref_squeeze %dma_wait3A_290 : memref<1x128xi32, #tpu.memory_space<vmem>> -> memref<128xi32, #tpu.memory_space<vmem>>
        %dma_wait3A_292 = arith.constant 0 : i32
        %dma_wait3A_293 = arith.constant 0 : i32
        %dma_wait3A_294 = tpu.memref_slice %arg10[%dma_wait3A_292, %dma_wait3A_293] : memref<10240x128xf32, #tpu.memory_space<vmem_shared>> -> memref<10240x128xf32, #tpu.memory_space<vmem_shared>>
        tpu.wait_indirect_dma semaphore(%arg14 : memref<!tpu.dma_semaphore, #tpu.memory_space<semaphore_mem>>) src(%arg9 : memref<128x128xf32, #tpu.memory_space<vmem>>) dst(%dma_wait3A_294 : memref<10240x128xf32, #tpu.memory_space<vmem_shared>>)
      } else {
      }
      %add3A_254 = arith.constant 1 : i32
      %add3A_255 = arith.addi %mul3A_238, %add3A_254 : i32
      %dma_start3A_256 = arith.constant 0 : i32
      %dma_start3A_257 = tpu.memref_slice %arg6[%add3A_255, %dma_start3A_256] : memref<40x128xi32, #tpu.memory_space<vmem>> -> memref<1x128xi32, #tpu.memory_space<vmem>>
      %dma_start3A_258 = tpu.memref_squeeze %dma_start3A_257 : memref<1x128xi32, #tpu.memory_space<vmem>> -> memref<128xi32, #tpu.memory_space<vmem>>
      %dma_start3A_259 = arith.constant 0 : i32
      %dma_start3A_260 = arith.constant 0 : i32
      %dma_start3A_261 = tpu.memref_slice %arg2[%dma_start3A_259, %dma_start3A_260] : memref<10240x128xf32, #tpu.memory_space<hbm>> -> memref<10240x128xf32, #tpu.memory_space<hbm>>
      tpu.enqueue_indirect_dma source(%dma_start3A_261 : memref<10240x128xf32, #tpu.memory_space<hbm>>) target(%arg9 : memref<128x128xf32, #tpu.memory_space<vmem>>) offsets(%dma_start3A_258 : memref<128xi32, #tpu.memory_space<vmem>>) semaphore(%arg12 : memref<!tpu.dma_semaphore, #tpu.memory_space<semaphore_mem>>)
      %dma_wait3A_262 = arith.constant 0 : i32
      %dma_wait3A_263 = arith.constant 0 : i32
      %dma_wait3A_264 = tpu.memref_slice %arg6[%dma_wait3A_262, %dma_wait3A_263] : memref<40x128xi32, #tpu.memory_space<vmem>> -> memref<1x128xi32, #tpu.memory_space<vmem>>
      %dma_wait3A_265 = tpu.memref_squeeze %dma_wait3A_264 : memref<1x128xi32, #tpu.memory_space<vmem>> -> memref<128xi32, #tpu.memory_space<vmem>>
      %dma_wait3A_266 = arith.constant 0 : i32
      %dma_wait3A_267 = arith.constant 0 : i32
      %dma_wait3A_268 = tpu.memref_slice %arg2[%dma_wait3A_266, %dma_wait3A_267] : memref<10240x128xf32, #tpu.memory_space<hbm>> -> memref<10240x128xf32, #tpu.memory_space<hbm>>
      tpu.wait_indirect_dma semaphore(%arg12 : memref<!tpu.dma_semaphore, #tpu.memory_space<semaphore_mem>>) src(%dma_wait3A_268 : memref<10240x128xf32, #tpu.memory_space<hbm>>) dst(%arg9 : memref<128x128xf32, #tpu.memory_space<vmem>>)
      %add3A_269 = arith.constant 1 : i32
      %add3A_270 = arith.addi %mul3A_238, %add3A_269 : i32
      %dma_start3A_271 = arith.constant 0 : i32
      %dma_start3A_272 = tpu.memref_slice %arg7[%add3A_270, %dma_start3A_271] : memref<40x128xi32, #tpu.memory_space<vmem>> -> memref<1x128xi32, #tpu.memory_space<vmem>>
      %dma_start3A_273 = tpu.memref_squeeze %dma_start3A_272 : memref<1x128xi32, #tpu.memory_space<vmem>> -> memref<128xi32, #tpu.memory_space<vmem>>
      %dma_start3A_274 = arith.constant 0 : i32
      %dma_start3A_275 = arith.constant 0 : i32
      %dma_start3A_276 = tpu.memref_slice %arg10[%dma_start3A_274, %dma_start3A_275] : memref<10240x128xf32, #tpu.memory_space<vmem_shared>> -> memref<10240x128xf32, #tpu.memory_space<vmem_shared>>
      tpu.enqueue_indirect_dma source(%arg9 : memref<128x128xf32, #tpu.memory_space<vmem>>) target(%dma_start3A_276 : memref<10240x128xf32, #tpu.memory_space<vmem_shared>>) offsets(%dma_start3A_273 : memref<128xi32, #tpu.memory_space<vmem>>) semaphore(%arg14 : memref<!tpu.dma_semaphore, #tpu.memory_space<semaphore_mem>>) {add = true}
      %dma_wait3A_277 = arith.constant 0 : i32
      %dma_wait3A_278 = arith.constant 0 : i32
      %dma_wait3A_279 = tpu.memref_slice %arg7[%dma_wait3A_277, %dma_wait3A_278] : memref<40x128xi32, #tpu.memory_space<vmem>> -> memref<1x128xi32, #tpu.memory_space<vmem>>
      %dma_wait3A_280 = tpu.memref_squeeze %dma_wait3A_279 : memref<1x128xi32, #tpu.memory_space<vmem>> -> memref<128xi32, #tpu.memory_space<vmem>>
      %dma_wait3A_281 = arith.constant 0 : i32
      %dma_wait3A_282 = arith.constant 0 : i32
      %dma_wait3A_283 = tpu.memref_slice %arg10[%dma_wait3A_281, %dma_wait3A_282] : memref<10240x128xf32, #tpu.memory_space<vmem_shared>> -> memref<10240x128xf32, #tpu.memory_space<vmem_shared>>
      tpu.wait_indirect_dma semaphore(%arg13 : memref<!tpu.dma_semaphore, #tpu.memory_space<semaphore_mem>>) src(%arg8 : memref<128x128xf32, #tpu.memory_space<vmem>>) dst(%dma_wait3A_283 : memref<10240x128xf32, #tpu.memory_space<vmem_shared>>)
      %lt3A = arith.constant 19 : i32
      %lt3A_284 = arith.cmpi slt, %add3A_236, %lt3A : i32
      %convert_element_type3A_285 = arith.extui %lt3A_284 : i1 to i32
      %cond3A_286 = arith.constant 0 : i32
      %cond3A_287 = arith.cmpi ne, %convert_element_type3A_285, %cond3A_286 : i32
      scf.if %cond3A_287 {
        %add3A_288 = arith.constant 2 : i32
        %add3A_289 = arith.addi %mul3A_238, %add3A_288 : i32
        %dma_start3A_290 = arith.constant 0 : i32
        %dma_start3A_291 = tpu.memref_slice %arg6[%add3A_289, %dma_start3A_290] : memref<40x128xi32, #tpu.memory_space<vmem>> -> memref<1x128xi32, #tpu.memory_space<vmem>>
        %dma_start3A_292 = tpu.memref_squeeze %dma_start3A_291 : memref<1x128xi32, #tpu.memory_space<vmem>> -> memref<128xi32, #tpu.memory_space<vmem>>
        %dma_start3A_293 = arith.constant 0 : i32
        %dma_start3A_294 = arith.constant 0 : i32
        %dma_start3A_295 = tpu.memref_slice %arg2[%dma_start3A_293, %dma_start3A_294] : memref<10240x128xf32, #tpu.memory_space<hbm>> -> memref<10240x128xf32, #tpu.memory_space<hbm>>
        tpu.enqueue_indirect_dma source(%dma_start3A_295 : memref<10240x128xf32, #tpu.memory_space<hbm>>) target(%arg8 : memref<128x128xf32, #tpu.memory_space<vmem>>) offsets(%dma_start3A_292 : memref<128xi32, #tpu.memory_space<vmem>>) semaphore(%arg11 : memref<!tpu.dma_semaphore, #tpu.memory_space<semaphore_mem>>)
      } else {
      }
    }
    %scan3A_113 = arith.constant 20 : i32
    %dma_wait3A_114 = arith.constant 0 : i32
    %dma_wait3A_115 = arith.constant 0 : i32
    %dma_wait3A_116 = tpu.memref_slice %arg7[%dma_wait3A_114, %dma_wait3A_115] : memref<40x128xi32, #tpu.memory_space<vmem>> -> memref<1x128xi32, #tpu.memory_space<vmem>>
    %dma_wait3A_117 = tpu.memref_squeeze %dma_wait3A_116 : memref<1x128xi32, #tpu.memory_space<vmem>> -> memref<128xi32, #tpu.memory_space<vmem>>
    %dma_wait3A_118 = arith.constant 0 : i32
    %dma_wait3A_119 = arith.constant 0 : i32
    %dma_wait3A_120 = tpu.memref_slice %arg10[%dma_wait3A_118, %dma_wait3A_119] : memref<10240x128xf32, #tpu.memory_space<vmem_shared>> -> memref<10240x128xf32, #tpu.memory_space<vmem_shared>>
    tpu.wait_indirect_dma semaphore(%arg14 : memref<!tpu.dma_semaphore, #tpu.memory_space<semaphore_mem>>) src(%arg9 : memref<128x128xf32, #tpu.memory_space<vmem>>) dst(%dma_wait3A_120 : memref<10240x128xf32, #tpu.memory_space<vmem_shared>>)
    %barrier3A_121 = arith.constant 0 : index
    tpu.barrier barrier_id(%barrier3A_121)
    %mul3A_122 = arith.constant 640 : i32
    %mul3A_123 = arith.muli %arg1, %mul3A_122 : i32
    %add3A_124 = arith.constant 0 : i32
    %add3A_125 = arith.addi %mul3A_123, %add3A_124 : i32
    "tpu.region"() ({
      %run_scoped3A = tpu.sem_alloc : memref<!tpu.dma_semaphore, #tpu.memory_space<semaphore_mem>>
      %dma_start3A_232 = arith.constant 0 : i32
      %dma_start3A_233 = tpu.memref_slice %arg10[%add3A_125, %dma_start3A_232] : memref<10240x128xf32, #tpu.memory_space<vmem_shared>> -> memref<128x128xf32, #tpu.memory_space<vmem_shared>>
      %dma_start3A_234 = arith.constant 0 : i32
      %dma_start3A_235 = tpu.memref_slice %arg10[%add3A_125, %dma_start3A_234] : memref<10240x128xf32, #tpu.memory_space<vmem_shared>> -> memref<128x128xf32, #tpu.memory_space<vmem_shared>>
      tpu.enqueue_dma source(%dma_start3A_235 : memref<128x128xf32, #tpu.memory_space<vmem_shared>>) target(%arg8 : memref<128x128xf32, #tpu.memory_space<vmem>>) target_semaphore(%run_scoped3A : memref<!tpu.dma_semaphore, #tpu.memory_space<semaphore_mem>>)
      %dma_wait3A_236 = arith.constant 0 : i32
      %dma_wait3A_237 = tpu.memref_slice %arg10[%add3A_125, %dma_wait3A_236] : memref<10240x128xf32, #tpu.memory_space<vmem_shared>> -> memref<128x128xf32, #tpu.memory_space<vmem_shared>>
      %dma_wait3A_238 = arith.constant 0 : i32
      %dma_wait3A_239 = tpu.memref_slice %arg10[%add3A_125, %dma_wait3A_238] : memref<10240x128xf32, #tpu.memory_space<vmem_shared>> -> memref<128x128xf32, #tpu.memory_space<vmem_shared>>
      tpu.wait_dma2 semaphore(%run_scoped3A : memref<!tpu.dma_semaphore, #tpu.memory_space<semaphore_mem>>) src(%dma_wait3A_239 : memref<128x128xf32, #tpu.memory_space<vmem_shared>>) dst(%arg8 : memref<128x128xf32, #tpu.memory_space<vmem>>)
      tpu.yield
    }) : () -> ()
    %mul3A_126 = arith.constant 640 : i32
    %mul3A_127 = arith.muli %arg1, %mul3A_126 : i32
    %add3A_128 = arith.constant 0 : i32
    %add3A_129 = arith.addi %mul3A_127, %add3A_128 : i32
    %dma_start3A_130 = arith.constant 0 : i32
    %dma_start3A_131 = tpu.memref_slice %arg5[%arg0, %add3A_129, %dma_start3A_130] : memref<2x10240x128xf32, #tpu.memory_space<hbm>> -> memref<1x128x128xf32, #tpu.memory_space<hbm>>
    %dma_start3A_132 = tpu.memref_squeeze %dma_start3A_131 : memref<1x128x128xf32, #tpu.memory_space<hbm>> -> memref<128x128xf32, #tpu.memory_space<hbm>>
    %dma_start3A_133 = arith.constant 0 : i32
    %dma_start3A_134 = tpu.memref_slice %arg5[%arg0, %add3A_129, %dma_start3A_133] : memref<2x10240x128xf32, #tpu.memory_space<hbm>> -> memref<1x128x128xf32, #tpu.memory_space<hbm>>
    %dma_start3A_135 = tpu.memref_squeeze %dma_start3A_134 : memref<1x128x128xf32, #tpu.memory_space<hbm>> -> memref<128x128xf32, #tpu.memory_space<hbm>>
    tpu.enqueue_dma source(%arg8 : memref<128x128xf32, #tpu.memory_space<vmem>>) target(%dma_start3A_135 : memref<128x128xf32, #tpu.memory_space<hbm>>) target_semaphore(%arg11 : memref<!tpu.dma_semaphore, #tpu.memory_space<semaphore_mem>>)
    %mul3A_136 = arith.constant 640 : i32
    %mul3A_137 = arith.muli %arg1, %mul3A_136 : i32
    %add3A_138 = arith.constant 128 : i32
    %add3A_139 = arith.addi %mul3A_137, %add3A_138 : i32
    "tpu.region"() ({
      %run_scoped3A = tpu.sem_alloc : memref<!tpu.dma_semaphore, #tpu.memory_space<semaphore_mem>>
      %dma_start3A_232 = arith.constant 0 : i32
      %dma_start3A_233 = tpu.memref_slice %arg10[%add3A_139, %dma_start3A_232] : memref<10240x128xf32, #tpu.memory_space<vmem_shared>> -> memref<128x128xf32, #tpu.memory_space<vmem_shared>>
      %dma_start3A_234 = arith.constant 0 : i32
      %dma_start3A_235 = tpu.memref_slice %arg10[%add3A_139, %dma_start3A_234] : memref<10240x128xf32, #tpu.memory_space<vmem_shared>> -> memref<128x128xf32, #tpu.memory_space<vmem_shared>>
      tpu.enqueue_dma source(%dma_start3A_235 : memref<128x128xf32, #tpu.memory_space<vmem_shared>>) target(%arg9 : memref<128x128xf32, #tpu.memory_space<vmem>>) target_semaphore(%run_scoped3A : memref<!tpu.dma_semaphore, #tpu.memory_space<semaphore_mem>>)
      %dma_wait3A_236 = arith.constant 0 : i32
      %dma_wait3A_237 = tpu.memref_slice %arg10[%add3A_139, %dma_wait3A_236] : memref<10240x128xf32, #tpu.memory_space<vmem_shared>> -> memref<128x128xf32, #tpu.memory_space<vmem_shared>>
      %dma_wait3A_238 = arith.constant 0 : i32
      %dma_wait3A_239 = tpu.memref_slice %arg10[%add3A_139, %dma_wait3A_238] : memref<10240x128xf32, #tpu.memory_space<vmem_shared>> -> memref<128x128xf32, #tpu.memory_space<vmem_shared>>
      tpu.wait_dma2 semaphore(%run_scoped3A : memref<!tpu.dma_semaphore, #tpu.memory_space<semaphore_mem>>) src(%dma_wait3A_239 : memref<128x128xf32, #tpu.memory_space<vmem_shared>>) dst(%arg9 : memref<128x128xf32, #tpu.memory_space<vmem>>)
      tpu.yield
    }) : () -> ()
    %mul3A_140 = arith.constant 640 : i32
    %mul3A_141 = arith.muli %arg1, %mul3A_140 : i32
    %add3A_142 = arith.constant 128 : i32
    %add3A_143 = arith.addi %mul3A_141, %add3A_142 : i32
    %dma_start3A_144 = arith.constant 0 : i32
    %dma_start3A_145 = tpu.memref_slice %arg5[%arg0, %add3A_143, %dma_start3A_144] : memref<2x10240x128xf32, #tpu.memory_space<hbm>> -> memref<1x128x128xf32, #tpu.memory_space<hbm>>
    %dma_start3A_146 = tpu.memref_squeeze %dma_start3A_145 : memref<1x128x128xf32, #tpu.memory_space<hbm>> -> memref<128x128xf32, #tpu.memory_space<hbm>>
    %dma_start3A_147 = arith.constant 0 : i32
    %dma_start3A_148 = tpu.memref_slice %arg5[%arg0, %add3A_143, %dma_start3A_147] : memref<2x10240x128xf32, #tpu.memory_space<hbm>> -> memref<1x128x128xf32, #tpu.memory_space<hbm>>
    %dma_start3A_149 = tpu.memref_squeeze %dma_start3A_148 : memref<1x128x128xf32, #tpu.memory_space<hbm>> -> memref<128x128xf32, #tpu.memory_space<hbm>>
    tpu.enqueue_dma source(%arg9 : memref<128x128xf32, #tpu.memory_space<vmem>>) target(%dma_start3A_149 : memref<128x128xf32, #tpu.memory_space<hbm>>) target_semaphore(%arg12 : memref<!tpu.dma_semaphore, #tpu.memory_space<semaphore_mem>>)
    %mul3A_150 = arith.constant 640 : i32
    %mul3A_151 = arith.muli %arg1, %mul3A_150 : i32
    %dma_wait3A_152 = arith.constant 0 : i32
    %dma_wait3A_153 = tpu.memref_slice %arg5[%arg0, %mul3A_151, %dma_wait3A_152] : memref<2x10240x128xf32, #tpu.memory_space<hbm>> -> memref<1x128x128xf32, #tpu.memory_space<hbm>>
    %dma_wait3A_154 = tpu.memref_squeeze %dma_wait3A_153 : memref<1x128x128xf32, #tpu.memory_space<hbm>> -> memref<128x128xf32, #tpu.memory_space<hbm>>
    %dma_wait3A_155 = arith.constant 0 : i32
    %dma_wait3A_156 = tpu.memref_slice %arg5[%arg0, %mul3A_151, %dma_wait3A_155] : memref<2x10240x128xf32, #tpu.memory_space<hbm>> -> memref<1x128x128xf32, #tpu.memory_space<hbm>>
    %dma_wait3A_157 = tpu.memref_squeeze %dma_wait3A_156 : memref<1x128x128xf32, #tpu.memory_space<hbm>> -> memref<128x128xf32, #tpu.memory_space<hbm>>
    tpu.wait_dma2 semaphore(%arg11 : memref<!tpu.dma_semaphore, #tpu.memory_space<semaphore_mem>>) src(%arg8 : memref<128x128xf32, #tpu.memory_space<vmem>>) dst(%dma_wait3A_157 : memref<128x128xf32, #tpu.memory_space<hbm>>)
    %mul3A_158 = arith.constant 640 : i32
    %mul3A_159 = arith.muli %arg1, %mul3A_158 : i32
    %add3A_160 = arith.constant 256 : i32
    %add3A_161 = arith.addi %mul3A_159, %add3A_160 : i32
    "tpu.region"() ({
      %run_scoped3A = tpu.sem_alloc : memref<!tpu.dma_semaphore, #tpu.memory_space<semaphore_mem>>
      %dma_start3A_232 = arith.constant 0 : i32
      %dma_start3A_233 = tpu.memref_slice %arg10[%add3A_161, %dma_start3A_232] : memref<10240x128xf32, #tpu.memory_space<vmem_shared>> -> memref<128x128xf32, #tpu.memory_space<vmem_shared>>
      %dma_start3A_234 = arith.constant 0 : i32
      %dma_start3A_235 = tpu.memref_slice %arg10[%add3A_161, %dma_start3A_234] : memref<10240x128xf32, #tpu.memory_space<vmem_shared>> -> memref<128x128xf32, #tpu.memory_space<vmem_shared>>
      tpu.enqueue_dma source(%dma_start3A_235 : memref<128x128xf32, #tpu.memory_space<vmem_shared>>) target(%arg8 : memref<128x128xf32, #tpu.memory_space<vmem>>) target_semaphore(%run_scoped3A : memref<!tpu.dma_semaphore, #tpu.memory_space<semaphore_mem>>)
      %dma_wait3A_236 = arith.constant 0 : i32
      %dma_wait3A_237 = tpu.memref_slice %arg10[%add3A_161, %dma_wait3A_236] : memref<10240x128xf32, #tpu.memory_space<vmem_shared>> -> memref<128x128xf32, #tpu.memory_space<vmem_shared>>
      %dma_wait3A_238 = arith.constant 0 : i32
      %dma_wait3A_239 = tpu.memref_slice %arg10[%add3A_161, %dma_wait3A_238] : memref<10240x128xf32, #tpu.memory_space<vmem_shared>> -> memref<128x128xf32, #tpu.memory_space<vmem_shared>>
      tpu.wait_dma2 semaphore(%run_scoped3A : memref<!tpu.dma_semaphore, #tpu.memory_space<semaphore_mem>>) src(%dma_wait3A_239 : memref<128x128xf32, #tpu.memory_space<vmem_shared>>) dst(%arg8 : memref<128x128xf32, #tpu.memory_space<vmem>>)
      tpu.yield
    }) : () -> ()
    %mul3A_162 = arith.constant 640 : i32
    %mul3A_163 = arith.muli %arg1, %mul3A_162 : i32
    %add3A_164 = arith.constant 256 : i32
    %add3A_165 = arith.addi %mul3A_163, %add3A_164 : i32
    %dma_start3A_166 = arith.constant 0 : i32
    %dma_start3A_167 = tpu.memref_slice %arg5[%arg0, %add3A_165, %dma_start3A_166] : memref<2x10240x128xf32, #tpu.memory_space<hbm>> -> memref<1x128x128xf32, #tpu.memory_space<hbm>>
    %dma_start3A_168 = tpu.memref_squeeze %dma_start3A_167 : memref<1x128x128xf32, #tpu.memory_space<hbm>> -> memref<128x128xf32, #tpu.memory_space<hbm>>
    %dma_start3A_169 = arith.constant 0 : i32
    %dma_start3A_170 = tpu.memref_slice %arg5[%arg0, %add3A_165, %dma_start3A_169] : memref<2x10240x128xf32, #tpu.memory_space<hbm>> -> memref<1x128x128xf32, #tpu.memory_space<hbm>>
    %dma_start3A_171 = tpu.memref_squeeze %dma_start3A_170 : memref<1x128x128xf32, #tpu.memory_space<hbm>> -> memref<128x128xf32, #tpu.memory_space<hbm>>
    tpu.enqueue_dma source(%arg8 : memref<128x128xf32, #tpu.memory_space<vmem>>) target(%dma_start3A_171 : memref<128x128xf32, #tpu.memory_space<hbm>>) target_semaphore(%arg11 : memref<!tpu.dma_semaphore, #tpu.memory_space<semaphore_mem>>)
    %mul3A_172 = arith.constant 640 : i32
    %mul3A_173 = arith.muli %arg1, %mul3A_172 : i32
    %dma_wait3A_174 = arith.constant 0 : i32
    %dma_wait3A_175 = tpu.memref_slice %arg5[%arg0, %mul3A_173, %dma_wait3A_174] : memref<2x10240x128xf32, #tpu.memory_space<hbm>> -> memref<1x128x128xf32, #tpu.memory_space<hbm>>
    %dma_wait3A_176 = tpu.memref_squeeze %dma_wait3A_175 : memref<1x128x128xf32, #tpu.memory_space<hbm>> -> memref<128x128xf32, #tpu.memory_space<hbm>>
    %dma_wait3A_177 = arith.constant 0 : i32
    %dma_wait3A_178 = tpu.memref_slice %arg5[%arg0, %mul3A_173, %dma_wait3A_177] : memref<2x10240x128xf32, #tpu.memory_space<hbm>> -> memref<1x128x128xf32, #tpu.memory_space<hbm>>
    %dma_wait3A_179 = tpu.memref_squeeze %dma_wait3A_178 : memref<1x128x128xf32, #tpu.memory_space<hbm>> -> memref<128x128xf32, #tpu.memory_space<hbm>>
    tpu.wait_dma2 semaphore(%arg12 : memref<!tpu.dma_semaphore, #tpu.memory_space<semaphore_mem>>) src(%arg9 : memref<128x128xf32, #tpu.memory_space<vmem>>) dst(%dma_wait3A_179 : memref<128x128xf32, #tpu.memory_space<hbm>>)
    %mul3A_180 = arith.constant 640 : i32
    %mul3A_181 = arith.muli %arg1, %mul3A_180 : i32
    %add3A_182 = arith.constant 384 : i32
    %add3A_183 = arith.addi %mul3A_181, %add3A_182 : i32
    "tpu.region"() ({
      %run_scoped3A = tpu.sem_alloc : memref<!tpu.dma_semaphore, #tpu.memory_space<semaphore_mem>>
      %dma_start3A_232 = arith.constant 0 : i32
      %dma_start3A_233 = tpu.memref_slice %arg10[%add3A_183, %dma_start3A_232] : memref<10240x128xf32, #tpu.memory_space<vmem_shared>> -> memref<128x128xf32, #tpu.memory_space<vmem_shared>>
      %dma_start3A_234 = arith.constant 0 : i32
      %dma_start3A_235 = tpu.memref_slice %arg10[%add3A_183, %dma_start3A_234] : memref<10240x128xf32, #tpu.memory_space<vmem_shared>> -> memref<128x128xf32, #tpu.memory_space<vmem_shared>>
      tpu.enqueue_dma source(%dma_start3A_235 : memref<128x128xf32, #tpu.memory_space<vmem_shared>>) target(%arg9 : memref<128x128xf32, #tpu.memory_space<vmem>>) target_semaphore(%run_scoped3A : memref<!tpu.dma_semaphore, #tpu.memory_space<semaphore_mem>>)
      %dma_wait3A_236 = arith.constant 0 : i32
      %dma_wait3A_237 = tpu.memref_slice %arg10[%add3A_183, %dma_wait3A_236] : memref<10240x128xf32, #tpu.memory_space<vmem_shared>> -> memref<128x128xf32, #tpu.memory_space<vmem_shared>>
      %dma_wait3A_238 = arith.constant 0 : i32
      %dma_wait3A_239 = tpu.memref_slice %arg10[%add3A_183, %dma_wait3A_238] : memref<10240x128xf32, #tpu.memory_space<vmem_shared>> -> memref<128x128xf32, #tpu.memory_space<vmem_shared>>
      tpu.wait_dma2 semaphore(%run_scoped3A : memref<!tpu.dma_semaphore, #tpu.memory_space<semaphore_mem>>) src(%dma_wait3A_239 : memref<128x128xf32, #tpu.memory_space<vmem_shared>>) dst(%arg9 : memref<128x128xf32, #tpu.memory_space<vmem>>)
      tpu.yield
    }) : () -> ()
    %mul3A_184 = arith.constant 640 : i32
    %mul3A_185 = arith.muli %arg1, %mul3A_184 : i32
    %add3A_186 = arith.constant 384 : i32
    %add3A_187 = arith.addi %mul3A_185, %add3A_186 : i32
    %dma_start3A_188 = arith.constant 0 : i32
    %dma_start3A_189 = tpu.memref_slice %arg5[%arg0, %add3A_187, %dma_start3A_188] : memref<2x10240x128xf32, #tpu.memory_space<hbm>> -> memref<1x128x128xf32, #tpu.memory_space<hbm>>
    %dma_start3A_190 = tpu.memref_squeeze %dma_start3A_189 : memref<1x128x128xf32, #tpu.memory_space<hbm>> -> memref<128x128xf32, #tpu.memory_space<hbm>>
    %dma_start3A_191 = arith.constant 0 : i32
    %dma_start3A_192 = tpu.memref_slice %arg5[%arg0, %add3A_187, %dma_start3A_191] : memref<2x10240x128xf32, #tpu.memory_space<hbm>> -> memref<1x128x128xf32, #tpu.memory_space<hbm>>
    %dma_start3A_193 = tpu.memref_squeeze %dma_start3A_192 : memref<1x128x128xf32, #tpu.memory_space<hbm>> -> memref<128x128xf32, #tpu.memory_space<hbm>>
    tpu.enqueue_dma source(%arg9 : memref<128x128xf32, #tpu.memory_space<vmem>>) target(%dma_start3A_193 : memref<128x128xf32, #tpu.memory_space<hbm>>) target_semaphore(%arg12 : memref<!tpu.dma_semaphore, #tpu.memory_space<semaphore_mem>>)
    %mul3A_194 = arith.constant 640 : i32
    %mul3A_195 = arith.muli %arg1, %mul3A_194 : i32
    %dma_wait3A_196 = arith.constant 0 : i32
    %dma_wait3A_197 = tpu.memref_slice %arg5[%arg0, %mul3A_195, %dma_wait3A_196] : memref<2x10240x128xf32, #tpu.memory_space<hbm>> -> memref<1x128x128xf32, #tpu.memory_space<hbm>>
    %dma_wait3A_198 = tpu.memref_squeeze %dma_wait3A_197 : memref<1x128x128xf32, #tpu.memory_space<hbm>> -> memref<128x128xf32, #tpu.memory_space<hbm>>
    %dma_wait3A_199 = arith.constant 0 : i32
    %dma_wait3A_200 = tpu.memref_slice %arg5[%arg0, %mul3A_195, %dma_wait3A_199] : memref<2x10240x128xf32, #tpu.memory_space<hbm>> -> memref<1x128x128xf32, #tpu.memory_space<hbm>>
    %dma_wait3A_201 = tpu.memref_squeeze %dma_wait3A_200 : memref<1x128x128xf32, #tpu.memory_space<hbm>> -> memref<128x128xf32, #tpu.memory_space<hbm>>
    tpu.wait_dma2 semaphore(%arg11 : memref<!tpu.dma_semaphore, #tpu.memory_space<semaphore_mem>>) src(%arg8 : memref<128x128xf32, #tpu.memory_space<vmem>>) dst(%dma_wait3A_201 : memref<128x128xf32, #tpu.memory_space<hbm>>)
    %mul3A_202 = arith.constant 640 : i32
    %mul3A_203 = arith.muli %arg1, %mul3A_202 : i32
    %add3A_204 = arith.constant 512 : i32
    %add3A_205 = arith.addi %mul3A_203, %add3A_204 : i32
    "tpu.region"() ({
      %run_scoped3A = tpu.sem_alloc : memref<!tpu.dma_semaphore, #tpu.memory_space<semaphore_mem>>
      %dma_start3A_232 = arith.constant 0 : i32
      %dma_start3A_233 = tpu.memref_slice %arg10[%add3A_205, %dma_start3A_232] : memref<10240x128xf32, #tpu.memory_space<vmem_shared>> -> memref<128x128xf32, #tpu.memory_space<vmem_shared>>
      %dma_start3A_234 = arith.constant 0 : i32
      %dma_start3A_235 = tpu.memref_slice %arg10[%add3A_205, %dma_start3A_234] : memref<10240x128xf32, #tpu.memory_space<vmem_shared>> -> memref<128x128xf32, #tpu.memory_space<vmem_shared>>
      tpu.enqueue_dma source(%dma_start3A_235 : memref<128x128xf32, #tpu.memory_space<vmem_shared>>) target(%arg8 : memref<128x128xf32, #tpu.memory_space<vmem>>) target_semaphore(%run_scoped3A : memref<!tpu.dma_semaphore, #tpu.memory_space<semaphore_mem>>)
      %dma_wait3A_236 = arith.constant 0 : i32
      %dma_wait3A_237 = tpu.memref_slice %arg10[%add3A_205, %dma_wait3A_236] : memref<10240x128xf32, #tpu.memory_space<vmem_shared>> -> memref<128x128xf32, #tpu.memory_space<vmem_shared>>
      %dma_wait3A_238 = arith.constant 0 : i32
      %dma_wait3A_239 = tpu.memref_slice %arg10[%add3A_205, %dma_wait3A_238] : memref<10240x128xf32, #tpu.memory_space<vmem_shared>> -> memref<128x128xf32, #tpu.memory_space<vmem_shared>>
      tpu.wait_dma2 semaphore(%run_scoped3A : memref<!tpu.dma_semaphore, #tpu.memory_space<semaphore_mem>>) src(%dma_wait3A_239 : memref<128x128xf32, #tpu.memory_space<vmem_shared>>) dst(%arg8 : memref<128x128xf32, #tpu.memory_space<vmem>>)
      tpu.yield
    }) : () -> ()
    %mul3A_206 = arith.constant 640 : i32
    %mul3A_207 = arith.muli %arg1, %mul3A_206 : i32
    %add3A_208 = arith.constant 512 : i32
    %add3A_209 = arith.addi %mul3A_207, %add3A_208 : i32
    %dma_start3A_210 = arith.constant 0 : i32
    %dma_start3A_211 = tpu.memref_slice %arg5[%arg0, %add3A_209, %dma_start3A_210] : memref<2x10240x128xf32, #tpu.memory_space<hbm>> -> memref<1x128x128xf32, #tpu.memory_space<hbm>>
    %dma_start3A_212 = tpu.memref_squeeze %dma_start3A_211 : memref<1x128x128xf32, #tpu.memory_space<hbm>> -> memref<128x128xf32, #tpu.memory_space<hbm>>
    %dma_start3A_213 = arith.constant 0 : i32
    %dma_start3A_214 = tpu.memref_slice %arg5[%arg0, %add3A_209, %dma_start3A_213] : memref<2x10240x128xf32, #tpu.memory_space<hbm>> -> memref<1x128x128xf32, #tpu.memory_space<hbm>>
    %dma_start3A_215 = tpu.memref_squeeze %dma_start3A_214 : memref<1x128x128xf32, #tpu.memory_space<hbm>> -> memref<128x128xf32, #tpu.memory_space<hbm>>
    tpu.enqueue_dma source(%arg8 : memref<128x128xf32, #tpu.memory_space<vmem>>) target(%dma_start3A_215 : memref<128x128xf32, #tpu.memory_space<hbm>>) target_semaphore(%arg11 : memref<!tpu.dma_semaphore, #tpu.memory_space<semaphore_mem>>)
    %mul3A_216 = arith.constant 640 : i32
    %mul3A_217 = arith.muli %arg1, %mul3A_216 : i32
    %dma_wait3A_218 = arith.constant 0 : i32
    %dma_wait3A_219 = tpu.memref_slice %arg5[%arg0, %mul3A_217, %dma_wait3A_218] : memref<2x10240x128xf32, #tpu.memory_space<hbm>> -> memref<1x128x128xf32, #tpu.memory_space<hbm>>
    %dma_wait3A_220 = tpu.memref_squeeze %dma_wait3A_219 : memref<1x128x128xf32, #tpu.memory_space<hbm>> -> memref<128x128xf32, #tpu.memory_space<hbm>>
    %dma_wait3A_221 = arith.constant 0 : i32
    %dma_wait3A_222 = tpu.memref_slice %arg5[%arg0, %mul3A_217, %dma_wait3A_221] : memref<2x10240x128xf32, #tpu.memory_space<hbm>> -> memref<1x128x128xf32, #tpu.memory_space<hbm>>
    %dma_wait3A_223 = tpu.memref_squeeze %dma_wait3A_222 : memref<1x128x128xf32, #tpu.memory_space<hbm>> -> memref<128x128xf32, #tpu.memory_space<hbm>>
    tpu.wait_dma2 semaphore(%arg11 : memref<!tpu.dma_semaphore, #tpu.memory_space<semaphore_mem>>) src(%arg8 : memref<128x128xf32, #tpu.memory_space<vmem>>) dst(%dma_wait3A_223 : memref<128x128xf32, #tpu.memory_space<hbm>>)
    %mul3A_224 = arith.constant 640 : i32
    %mul3A_225 = arith.muli %arg1, %mul3A_224 : i32
    %dma_wait3A_226 = arith.constant 0 : i32
    %dma_wait3A_227 = tpu.memref_slice %arg5[%arg0, %mul3A_225, %dma_wait3A_226] : memref<2x10240x128xf32, #tpu.memory_space<hbm>> -> memref<1x128x128xf32, #tpu.memory_space<hbm>>
    %dma_wait3A_228 = tpu.memref_squeeze %dma_wait3A_227 : memref<1x128x128xf32, #tpu.memory_space<hbm>> -> memref<128x128xf32, #tpu.memory_space<hbm>>
    %dma_wait3A_229 = arith.constant 0 : i32
    %dma_wait3A_230 = tpu.memref_slice %arg5[%arg0, %mul3A_225, %dma_wait3A_229] : memref<2x10240x128xf32, #tpu.memory_space<hbm>> -> memref<1x128x128xf32, #tpu.memory_space<hbm>>
    %dma_wait3A_231 = tpu.memref_squeeze %dma_wait3A_230 : memref<1x128x128xf32, #tpu.memory_space<hbm>> -> memref<128x128xf32, #tpu.memory_space<hbm>>
    tpu.wait_dma2 semaphore(%arg12 : memref<!tpu.dma_semaphore, #tpu.memory_space<semaphore_mem>>) src(%arg9 : memref<128x128xf32, #tpu.memory_space<vmem>>) dst(%dma_wait3A_231 : memref<128x128xf32, #tpu.memory_space<hbm>>)
    return
  }
}

#map = affine_map<(d0, d1) -> (0, 0)>
#map1 = affine_map<(d0, d1) -> (0, 0, 0)>
module attributes {stable_mosaic.version = 14 : i64} {
  func.func @k(%arg0: i32, %arg1: i32, %arg2: memref<10240x128xf32, #tpu.memory_space<hbm>>, %arg3: memref<2560x128xi32, #tpu.memory_space<hbm>>, %arg4: memref<2560x128xi32, #tpu.memory_space<hbm>>, %arg5: memref<2x10240x128xf32, #tpu.memory_space<hbm>>, %arg6: memref<40x128xi32, #tpu.memory_space<vmem>>, %arg7: memref<40x128xi32, #tpu.memory_space<vmem>>, %arg8: memref<128x128xf32, #tpu.memory_space<vmem>>, %arg9: memref<128x128xf32, #tpu.memory_space<vmem>>, %arg10: memref<10240x128xf32, #tpu.memory_space<vmem_shared>>, %arg11: memref<!tpu.dma_semaphore, #tpu.memory_space<semaphore_mem>>, %arg12: memref<!tpu.dma_semaphore, #tpu.memory_space<semaphore_mem>>, %arg13: memref<!tpu.dma_semaphore, #tpu.memory_space<semaphore_mem>>, %arg14: memref<!tpu.dma_semaphore, #tpu.memory_space<semaphore_mem>>, %arg15: memref<!tpu.dma_semaphore, #tpu.memory_space<semaphore_mem>>) attributes {dimension_semantics = [#tpu.dimension_semantics<core_parallel>, #tpu.dimension_semantics<subcore_parallel>], iteration_bounds = array<i64: 2, 16>, scalar_prefetch = 0 : i64, scratch_operands = 10 : i64, tpu.core_type = #tpu.core_type<sc_vector_subcore>, window_params = [{transform_indices = #map}, {transform_indices = #map}, {transform_indices = #map}, {transform_indices = #map1}]} {
    %mul3A = arith.constant 16 : i32
    %mul3A_0 = arith.muli %arg0, %mul3A : i32
    %add3A = arith.addi %mul3A_0, %arg1 : i32
    %broadcast_in_dim3A = arith.constant 0.000000e+00 : f32
    %broadcast_in_dim3A_1 = vector.broadcast %broadcast_in_dim3A : f32 to vector<16xf32>
    %scan3A = arith.constant 0 : i32
    %scan3A_2 = arith.constant 128 : i32
    %scan3A_3 = arith.addi %scan3A, %scan3A_2 : i32
    %scan3A_4 = arith.constant 1 : i32
    scf.for %scan3A_232 = %scan3A to %scan3A_3 step %scan3A_4  : i32 {
      %mul3A_233 = arith.constant 1 : i32
      %mul3A_234 = arith.muli %scan3A_232, %mul3A_233 : i32
      %add3A_235 = arith.constant 0 : i32
      %add3A_236 = arith.addi %add3A_235, %mul3A_234 : i32
      %scan3A_237 = arith.constant 0 : i32
      %scan3A_238 = arith.constant 8 : i32
      %scan3A_239 = arith.addi %scan3A_237, %scan3A_238 : i32
      %scan3A_240 = arith.constant 1 : i32
      scf.for %scan3A_242 = %scan3A_237 to %scan3A_239 step %scan3A_240  : i32 {
        %mul3A_243 = arith.constant 16 : i32
        %mul3A_244 = arith.muli %scan3A_242, %mul3A_243 : i32
        %add3A_245 = arith.constant 0 : i32
        %add3A_246 = arith.addi %add3A_245, %mul3A_244 : i32
        %swap3A = arith.index_cast %add3A_236 : i32 to index
        %swap3A_247 = arith.index_cast %add3A_246 : i32 to index
        %swap3A_248 = tpu.vector_load %arg8[%swap3A, %swap3A_247] {strides = array<i32>} : memref<128x128xf32, #tpu.memory_space<vmem>>, vector<16xf32>,
        tpu.vector_store %arg8[%swap3A, %swap3A_247], %broadcast_in_dim3A_1 {strides = array<i32>} : memref<128x128xf32, #tpu.memory_space<vmem>>, vector<16xf32>,
      }
      %scan3A_241 = arith.constant 8 : i32
    }
    %scan3A_5 = arith.constant 128 : i32
    %mul3A_6 = arith.constant 640 : i32
    %mul3A_7 = arith.muli %arg1, %mul3A_6 : i32
    %add3A_8 = arith.constant 0 : i32
    %add3A_9 = arith.addi %mul3A_7, %add3A_8 : i32
    %dma_start3A = arith.constant 0 : i32
    %dma_start3A_10 = tpu.memref_slice %arg10[%add3A_9, %dma_start3A] : memref<10240x128xf32, #tpu.memory_space<vmem_shared>> -> memref<128x128xf32, #tpu.memory_space<vmem_shared>>
    %dma_start3A_11 = arith.constant 0 : i32
    %dma_start3A_12 = tpu.memref_slice %arg10[%add3A_9, %dma_start3A_11] : memref<10240x128xf32, #tpu.memory_space<vmem_shared>> -> memref<128x128xf32, #tpu.memory_space<vmem_shared>>
    tpu.enqueue_dma source(%arg8 : memref<128x128xf32, #tpu.memory_space<vmem>>) target(%dma_start3A_12 : memref<128x128xf32, #tpu.memory_space<vmem_shared>>) target_semaphore(%arg15 : memref<!tpu.dma_semaphore, #tpu.memory_space<semaphore_mem>>)
    %mul3A_13 = arith.constant 640 : i32
    %mul3A_14 = arith.muli %arg1, %mul3A_13 : i32
    %add3A_15 = arith.constant 128 : i32
    %add3A_16 = arith.addi %mul3A_14, %add3A_15 : i32
    %dma_start3A_17 = arith.constant 0 : i32
    %dma_start3A_18 = tpu.memref_slice %arg10[%add3A_16, %dma_start3A_17] : memref<10240x128xf32, #tpu.memory_space<vmem_shared>> -> memref<128x128xf32, #tpu.memory_space<vmem_shared>>
    %dma_start3A_19 = arith.constant 0 : i32
    %dma_start3A_20 = tpu.memref_slice %arg10[%add3A_16, %dma_start3A_19] : memref<10240x128xf32, #tpu.memory_space<vmem_shared>> -> memref<128x128xf32, #tpu.memory_space<vmem_shared>>
    tpu.enqueue_dma source(%arg8 : memref<128x128xf32, #tpu.memory_space<vmem>>) target(%dma_start3A_20 : memref<128x128xf32, #tpu.memory_space<vmem_shared>>) target_semaphore(%arg15 : memref<!tpu.dma_semaphore, #tpu.memory_space<semaphore_mem>>)
    %mul3A_21 = arith.constant 640 : i32
    %mul3A_22 = arith.muli %arg1, %mul3A_21 : i32
    %add3A_23 = arith.constant 256 : i32
    %add3A_24 = arith.addi %mul3A_22, %add3A_23 : i32
    %dma_start3A_25 = arith.constant 0 : i32
    %dma_start3A_26 = tpu.memref_slice %arg10[%add3A_24, %dma_start3A_25] : memref<10240x128xf32, #tpu.memory_space<vmem_shared>> -> memref<128x128xf32, #tpu.memory_space<vmem_shared>>
    %dma_start3A_27 = arith.constant 0 : i32
    %dma_start3A_28 = tpu.memref_slice %arg10[%add3A_24, %dma_start3A_27] : memref<10240x128xf32, #tpu.memory_space<vmem_shared>> -> memref<128x128xf32, #tpu.memory_space<vmem_shared>>
    tpu.enqueue_dma source(%arg8 : memref<128x128xf32, #tpu.memory_space<vmem>>) target(%dma_start3A_28 : memref<128x128xf32, #tpu.memory_space<vmem_shared>>) target_semaphore(%arg15 : memref<!tpu.dma_semaphore, #tpu.memory_space<semaphore_mem>>)
    %mul3A_29 = arith.constant 640 : i32
    %mul3A_30 = arith.muli %arg1, %mul3A_29 : i32
    %add3A_31 = arith.constant 384 : i32
    %add3A_32 = arith.addi %mul3A_30, %add3A_31 : i32
    %dma_start3A_33 = arith.constant 0 : i32
    %dma_start3A_34 = tpu.memref_slice %arg10[%add3A_32, %dma_start3A_33] : memref<10240x128xf32, #tpu.memory_space<vmem_shared>> -> memref<128x128xf32, #tpu.memory_space<vmem_shared>>
    %dma_start3A_35 = arith.constant 0 : i32
    %dma_start3A_36 = tpu.memref_slice %arg10[%add3A_32, %dma_start3A_35] : memref<10240x128xf32, #tpu.memory_space<vmem_shared>> -> memref<128x128xf32, #tpu.memory_space<vmem_shared>>
    tpu.enqueue_dma source(%arg8 : memref<128x128xf32, #tpu.memory_space<vmem>>) target(%dma_start3A_36 : memref<128x128xf32, #tpu.memory_space<vmem_shared>>) target_semaphore(%arg15 : memref<!tpu.dma_semaphore, #tpu.memory_space<semaphore_mem>>)
    %mul3A_37 = arith.constant 640 : i32
    %mul3A_38 = arith.muli %arg1, %mul3A_37 : i32
    %add3A_39 = arith.constant 512 : i32
    %add3A_40 = arith.addi %mul3A_38, %add3A_39 : i32
    %dma_start3A_41 = arith.constant 0 : i32
    %dma_start3A_42 = tpu.memref_slice %arg10[%add3A_40, %dma_start3A_41] : memref<10240x128xf32, #tpu.memory_space<vmem_shared>> -> memref<128x128xf32, #tpu.memory_space<vmem_shared>>
    %dma_start3A_43 = arith.constant 0 : i32
    %dma_start3A_44 = tpu.memref_slice %arg10[%add3A_40, %dma_start3A_43] : memref<10240x128xf32, #tpu.memory_space<vmem_shared>> -> memref<128x128xf32, #tpu.memory_space<vmem_shared>>
    tpu.enqueue_dma source(%arg8 : memref<128x128xf32, #tpu.memory_space<vmem>>) target(%dma_start3A_44 : memref<128x128xf32, #tpu.memory_space<vmem_shared>>) target_semaphore(%arg15 : memref<!tpu.dma_semaphore, #tpu.memory_space<semaphore_mem>>)
    %mul3A_45 = arith.constant 640 : i32
    %mul3A_46 = arith.muli %arg1, %mul3A_45 : i32
    %dma_wait3A = arith.constant 0 : i32
    %dma_wait3A_47 = tpu.memref_slice %arg10[%mul3A_46, %dma_wait3A] : memref<10240x128xf32, #tpu.memory_space<vmem_shared>> -> memref<128x128xf32, #tpu.memory_space<vmem_shared>>
    %dma_wait3A_48 = arith.constant 0 : i32
    %dma_wait3A_49 = tpu.memref_slice %arg10[%mul3A_46, %dma_wait3A_48] : memref<10240x128xf32, #tpu.memory_space<vmem_shared>> -> memref<128x128xf32, #tpu.memory_space<vmem_shared>>
    tpu.wait_dma2 semaphore(%arg15 : memref<!tpu.dma_semaphore, #tpu.memory_space<semaphore_mem>>) src(%arg8 : memref<128x128xf32, #tpu.memory_space<vmem>>) dst(%dma_wait3A_49 : memref<128x128xf32, #tpu.memory_space<vmem_shared>>)
    %mul3A_50 = arith.constant 640 : i32
    %mul3A_51 = arith.muli %arg1, %mul3A_50 : i32
    %dma_wait3A_52 = arith.constant 0 : i32
    %dma_wait3A_53 = tpu.memref_slice %arg10[%mul3A_51, %dma_wait3A_52] : memref<10240x128xf32, #tpu.memory_space<vmem_shared>> -> memref<128x128xf32, #tpu.memory_space<vmem_shared>>
    %dma_wait3A_54 = arith.constant 0 : i32
    %dma_wait3A_55 = tpu.memref_slice %arg10[%mul3A_51, %dma_wait3A_54] : memref<10240x128xf32, #tpu.memory_space<vmem_shared>> -> memref<128x128xf32, #tpu.memory_space<vmem_shared>>
    tpu.wait_dma2 semaphore(%arg15 : memref<!tpu.dma_semaphore, #tpu.memory_space<semaphore_mem>>) src(%arg8 : memref<128x128xf32, #tpu.memory_space<vmem>>) dst(%dma_wait3A_55 : memref<128x128xf32, #tpu.memory_space<vmem_shared>>)
    %mul3A_56 = arith.constant 640 : i32
    %mul3A_57 = arith.muli %arg1, %mul3A_56 : i32
    %dma_wait3A_58 = arith.constant 0 : i32
    %dma_wait3A_59 = tpu.memref_slice %arg10[%mul3A_57, %dma_wait3A_58] : memref<10240x128xf32, #tpu.memory_space<vmem_shared>> -> memref<128x128xf32, #tpu.memory_space<vmem_shared>>
    %dma_wait3A_60 = arith.constant 0 : i32
    %dma_wait3A_61 = tpu.memref_slice %arg10[%mul3A_57, %dma_wait3A_60] : memref<10240x128xf32, #tpu.memory_space<vmem_shared>> -> memref<128x128xf32, #tpu.memory_space<vmem_shared>>
    tpu.wait_dma2 semaphore(%arg15 : memref<!tpu.dma_semaphore, #tpu.memory_space<semaphore_mem>>) src(%arg8 : memref<128x128xf32, #tpu.memory_space<vmem>>) dst(%dma_wait3A_61 : memref<128x128xf32, #tpu.memory_space<vmem_shared>>)
    %mul3A_62 = arith.constant 640 : i32
    %mul3A_63 = arith.muli %arg1, %mul3A_62 : i32
    %dma_wait3A_64 = arith.constant 0 : i32
    %dma_wait3A_65 = tpu.memref_slice %arg10[%mul3A_63, %dma_wait3A_64] : memref<10240x128xf32, #tpu.memory_space<vmem_shared>> -> memref<128x128xf32, #tpu.memory_space<vmem_shared>>
    %dma_wait3A_66 = arith.constant 0 : i32
    %dma_wait3A_67 = tpu.memref_slice %arg10[%mul3A_63, %dma_wait3A_66] : memref<10240x128xf32, #tpu.memory_space<vmem_shared>> -> memref<128x128xf32, #tpu.memory_space<vmem_shared>>
    tpu.wait_dma2 semaphore(%arg15 : memref<!tpu.dma_semaphore, #tpu.memory_space<semaphore_mem>>) src(%arg8 : memref<128x128xf32, #tpu.memory_space<vmem>>) dst(%dma_wait3A_67 : memref<128x128xf32, #tpu.memory_space<vmem_shared>>)
    %mul3A_68 = arith.constant 640 : i32
    %mul3A_69 = arith.muli %arg1, %mul3A_68 : i32
    %dma_wait3A_70 = arith.constant 0 : i32
    %dma_wait3A_71 = tpu.memref_slice %arg10[%mul3A_69, %dma_wait3A_70] : memref<10240x128xf32, #tpu.memory_space<vmem_shared>> -> memref<128x128xf32, #tpu.memory_space<vmem_shared>>
    %dma_wait3A_72 = arith.constant 0 : i32
    %dma_wait3A_73 = tpu.memref_slice %arg10[%mul3A_69, %dma_wait3A_72] : memref<10240x128xf32, #tpu.memory_space<vmem_shared>> -> memref<128x128xf32, #tpu.memory_space<vmem_shared>>
    tpu.wait_dma2 semaphore(%arg15 : memref<!tpu.dma_semaphore, #tpu.memory_space<semaphore_mem>>) src(%arg8 : memref<128x128xf32, #tpu.memory_space<vmem>>) dst(%dma_wait3A_73 : memref<128x128xf32, #tpu.memory_space<vmem_shared>>)
    %barrier3A = arith.constant 0 : index
    tpu.barrier barrier_id(%barrier3A)
    %mul3A_74 = arith.constant 80 : i32
    %mul3A_75 = arith.muli %add3A, %mul3A_74 : i32
    %add3A_76 = arith.constant 0 : i32
    %add3A_77 = arith.addi %mul3A_75, %add3A_76 : i32
    %multiple_of3A = tpu.assume_multiple %add3A_77, 8 : i32
    "tpu.region"() ({
      %run_scoped3A = tpu.sem_alloc : memref<!tpu.dma_semaphore, #tpu.memory_space<semaphore_mem>>
      %dma_start3A_232 = arith.constant 0 : i32
      %dma_start3A_233 = tpu.memref_slice %arg3[%multiple_of3A, %dma_start3A_232] : memref<2560x128xi32, #tpu.memory_space<hbm>> -> memref<40x128xi32, #tpu.memory_space<hbm>>
      %dma_start3A_234 = arith.constant 0 : i32
      %dma_start3A_235 = tpu.memref_slice %arg3[%multiple_of3A, %dma_start3A_234] : memref<2560x128xi32, #tpu.memory_space<hbm>> -> memref<40x128xi32, #tpu.memory_space<hbm>>
      tpu.enqueue_dma source(%dma_start3A_235 : memref<40x128xi32, #tpu.memory_space<hbm>>) target(%arg6 : memref<40x128xi32, #tpu.memory_space<vmem>>) target_semaphore(%run_scoped3A : memref<!tpu.dma_semaphore, #tpu.memory_space<semaphore_mem>>)
      %dma_wait3A_236 = arith.constant 0 : i32
      %dma_wait3A_237 = tpu.memref_slice %arg3[%multiple_of3A, %dma_wait3A_236] : memref<2560x128xi32, #tpu.memory_space<hbm>> -> memref<40x128xi32, #tpu.memory_space<hbm>>
      %dma_wait3A_238 = arith.constant 0 : i32
      %dma_wait3A_239 = tpu.memref_slice %arg3[%multiple_of3A, %dma_wait3A_238] : memref<2560x128xi32, #tpu.memory_space<hbm>> -> memref<40x128xi32, #tpu.memory_space<hbm>>
      tpu.wait_dma2 semaphore(%run_scoped3A : memref<!tpu.dma_semaphore, #tpu.memory_space<semaphore_mem>>) src(%dma_wait3A_239 : memref<40x128xi32, #tpu.memory_space<hbm>>) dst(%arg6 : memref<40x128xi32, #tpu.memory_space<vmem>>)
      tpu.yield
    }) : () -> ()
    "tpu.region"() ({
      %run_scoped3A = tpu.sem_alloc : memref<!tpu.dma_semaphore, #tpu.memory_space<semaphore_mem>>
      %dma_start3A_232 = arith.constant 0 : i32
      %dma_start3A_233 = tpu.memref_slice %arg4[%multiple_of3A, %dma_start3A_232] : memref<2560x128xi32, #tpu.memory_space<hbm>> -> memref<40x128xi32, #tpu.memory_space<hbm>>
      %dma_start3A_234 = arith.constant 0 : i32
      %dma_start3A_235 = tpu.memref_slice %arg4[%multiple_of3A, %dma_start3A_234] : memref<2560x128xi32, #tpu.memory_space<hbm>> -> memref<40x128xi32, #tpu.memory_space<hbm>>
      tpu.enqueue_dma source(%dma_start3A_235 : memref<40x128xi32, #tpu.memory_space<hbm>>) target(%arg7 : memref<40x128xi32, #tpu.memory_space<vmem>>) target_semaphore(%run_scoped3A : memref<!tpu.dma_semaphore, #tpu.memory_space<semaphore_mem>>)
      %dma_wait3A_236 = arith.constant 0 : i32
      %dma_wait3A_237 = tpu.memref_slice %arg4[%multiple_of3A, %dma_wait3A_236] : memref<2560x128xi32, #tpu.memory_space<hbm>> -> memref<40x128xi32, #tpu.memory_space<hbm>>
      %dma_wait3A_238 = arith.constant 0 : i32
      %dma_wait3A_239 = tpu.memref_slice %arg4[%multiple_of3A, %dma_wait3A_238] : memref<2560x128xi32, #tpu.memory_space<hbm>> -> memref<40x128xi32, #tpu.memory_space<hbm>>
      tpu.wait_dma2 semaphore(%run_scoped3A : memref<!tpu.dma_semaphore, #tpu.memory_space<semaphore_mem>>) src(%dma_wait3A_239 : memref<40x128xi32, #tpu.memory_space<hbm>>) dst(%arg7 : memref<40x128xi32, #tpu.memory_space<vmem>>)
      tpu.yield
    }) : () -> ()
    %dma_start3A_78 = arith.constant 0 : i32
    %dma_start3A_79 = arith.constant 0 : i32
    %dma_start3A_80 = tpu.memref_slice %arg6[%dma_start3A_78, %dma_start3A_79] : memref<40x128xi32, #tpu.memory_space<vmem>> -> memref<1x128xi32, #tpu.memory_space<vmem>>
    %dma_start3A_81 = tpu.memref_squeeze %dma_start3A_80 : memref<1x128xi32, #tpu.memory_space<vmem>> -> memref<128xi32, #tpu.memory_space<vmem>>
    %dma_start3A_82 = arith.constant 0 : i32
    %dma_start3A_83 = arith.constant 0 : i32
    %dma_start3A_84 = tpu.memref_slice %arg2[%dma_start3A_82, %dma_start3A_83] : memref<10240x128xf32, #tpu.memory_space<hbm>> -> memref<10240x128xf32, #tpu.memory_space<hbm>>
    tpu.enqueue_indirect_dma source(%dma_start3A_84 : memref<10240x128xf32, #tpu.memory_space<hbm>>) target(%arg8 : memref<128x128xf32, #tpu.memory_space<vmem>>) offsets(%dma_start3A_81 : memref<128xi32, #tpu.memory_space<vmem>>) semaphore(%arg11 : memref<!tpu.dma_semaphore, #tpu.memory_space<semaphore_mem>>)
    %scan3A_85 = arith.constant 0 : i32
    %scan3A_86 = arith.constant 20 : i32
    %scan3A_87 = arith.addi %scan3A_85, %scan3A_86 : i32
    %scan3A_88 = arith.constant 1 : i32
    scf.for %scan3A_232 = %scan3A_85 to %scan3A_87 step %scan3A_88  : i32 {
      %mul3A_233 = arith.constant 1 : i32
      %mul3A_234 = arith.muli %scan3A_232, %mul3A_233 : i32
      %add3A_235 = arith.constant 0 : i32
      %add3A_236 = arith.addi %add3A_235, %mul3A_234 : i32
      %mul3A_237 = arith.constant 2 : i32
      %mul3A_238 = arith.muli %mul3A_237, %add3A_236 : i32
      %dma_wait3A_239 = arith.constant 0 : i32
      %dma_wait3A_240 = arith.constant 0 : i32
      %dma_wait3A_241 = tpu.memref_slice %arg6[%dma_wait3A_239, %dma_wait3A_240] : memref<40x128xi32, #tpu.memory_space<vmem>> -> memref<1x128xi32, #tpu.memory_space<vmem>>
      %dma_wait3A_242 = tpu.memref_squeeze %dma_wait3A_241 : memref<1x128xi32, #tpu.memory_space<vmem>> -> memref<128xi32, #tpu.memory_space<vmem>>
      %dma_wait3A_243 = arith.constant 0 : i32
      %dma_wait3A_244 = arith.constant 0 : i32
      %dma_wait3A_245 = tpu.memref_slice %arg2[%dma_wait3A_243, %dma_wait3A_244] : memref<10240x128xf32, #tpu.memory_space<hbm>> -> memref<10240x128xf32, #tpu.memory_space<hbm>>
      tpu.wait_indirect_dma semaphore(%arg11 : memref<!tpu.dma_semaphore, #tpu.memory_space<semaphore_mem>>) src(%dma_wait3A_245 : memref<10240x128xf32, #tpu.memory_space<hbm>>) dst(%arg8 : memref<128x128xf32, #tpu.memory_space<vmem>>)
      %dma_start3A_246 = arith.constant 0 : i32
      %dma_start3A_247 = tpu.memref_slice %arg7[%mul3A_238, %dma_start3A_246] : memref<40x128xi32, #tpu.memory_space<vmem>> -> memref<1x128xi32, #tpu.memory_space<vmem>>
      %dma_start3A_248 = tpu.memref_squeeze %dma_start3A_247 : memref<1x128xi32, #tpu.memory_space<vmem>> -> memref<128xi32, #tpu.memory_space<vmem>>
      %dma_start3A_249 = arith.constant 0 : i32
      %dma_start3A_250 = arith.constant 0 : i32
      %dma_start3A_251 = tpu.memref_slice %arg10[%dma_start3A_249, %dma_start3A_250] : memref<10240x128xf32, #tpu.memory_space<vmem_shared>> -> memref<10240x128xf32, #tpu.memory_space<vmem_shared>>
      tpu.enqueue_indirect_dma source(%arg8 : memref<128x128xf32, #tpu.memory_space<vmem>>) target(%dma_start3A_251 : memref<10240x128xf32, #tpu.memory_space<vmem_shared>>) offsets(%dma_start3A_248 : memref<128xi32, #tpu.memory_space<vmem>>) semaphore(%arg13 : memref<!tpu.dma_semaphore, #tpu.memory_space<semaphore_mem>>) {add = true}
      %gt3A = arith.constant 0 : i32
      %gt3A_252 = arith.cmpi sgt, %add3A_236, %gt3A : i32
      %convert_element_type3A = arith.extui %gt3A_252 : i1 to i32
      %cond3A = arith.constant 0 : i32
      %cond3A_253 = arith.cmpi ne, %convert_element_type3A, %cond3A : i32
      scf.if %cond3A_253 {
        %dma_wait3A_288 = arith.constant 0 : i32
        %dma_wait3A_289 = arith.constant 0 : i32
        %dma_wait3A_290 = tpu.memref_slice %arg7[%dma_wait3A_288, %dma_wait3A_289] : memref<40x128xi32, #tpu.memory_space<vmem>> -> memref<1x128xi32, #tpu.memory_space<vmem>>
        %dma_wait3A_291 = tpu.memref_squeeze %dma_wait3A_290 : memref<1x128xi32, #tpu.memory_space<vmem>> -> memref<128xi32, #tpu.memory_space<vmem>>
        %dma_wait3A_292 = arith.constant 0 : i32
        %dma_wait3A_293 = arith.constant 0 : i32
        %dma_wait3A_294 = tpu.memref_slice %arg10[%dma_wait3A_292, %dma_wait3A_293] : memref<10240x128xf32, #tpu.memory_space<vmem_shared>> -> memref<10240x128xf32, #tpu.memory_space<vmem_shared>>
        tpu.wait_indirect_dma semaphore(%arg14 : memref<!tpu.dma_semaphore, #tpu.memory_space<semaphore_mem>>) src(%arg9 : memref<128x128xf32, #tpu.memory_space<vmem>>) dst(%dma_wait3A_294 : memref<10240x128xf32, #tpu.memory_space<vmem_shared>>)
      } else {
      }
      %add3A_254 = arith.constant 1 : i32
      %add3A_255 = arith.addi %mul3A_238, %add3A_254 : i32
      %dma_start3A_256 = arith.constant 0 : i32
      %dma_start3A_257 = tpu.memref_slice %arg6[%add3A_255, %dma_start3A_256] : memref<40x128xi32, #tpu.memory_space<vmem>> -> memref<1x128xi32, #tpu.memory_space<vmem>>
      %dma_start3A_258 = tpu.memref_squeeze %dma_start3A_257 : memref<1x128xi32, #tpu.memory_space<vmem>> -> memref<128xi32, #tpu.memory_space<vmem>>
      %dma_start3A_259 = arith.constant 0 : i32
      %dma_start3A_260 = arith.constant 0 : i32
      %dma_start3A_261 = tpu.memref_slice %arg2[%dma_start3A_259, %dma_start3A_260] : memref<10240x128xf32, #tpu.memory_space<hbm>> -> memref<10240x128xf32, #tpu.memory_space<hbm>>
      tpu.enqueue_indirect_dma source(%dma_start3A_261 : memref<10240x128xf32, #tpu.memory_space<hbm>>) target(%arg9 : memref<128x128xf32, #tpu.memory_space<vmem>>) offsets(%dma_start3A_258 : memref<128xi32, #tpu.memory_space<vmem>>) semaphore(%arg12 : memref<!tpu.dma_semaphore, #tpu.memory_space<semaphore_mem>>)
      %dma_wait3A_262 = arith.constant 0 : i32
      %dma_wait3A_263 = arith.constant 0 : i32
      %dma_wait3A_264 = tpu.memref_slice %arg6[%dma_wait3A_262, %dma_wait3A_263] : memref<40x128xi32, #tpu.memory_space<vmem>> -> memref<1x128xi32, #tpu.memory_space<vmem>>
      %dma_wait3A_265 = tpu.memref_squeeze %dma_wait3A_264 : memref<1x128xi32, #tpu.memory_space<vmem>> -> memref<128xi32, #tpu.memory_space<vmem>>
      %dma_wait3A_266 = arith.constant 0 : i32
      %dma_wait3A_267 = arith.constant 0 : i32
      %dma_wait3A_268 = tpu.memref_slice %arg2[%dma_wait3A_266, %dma_wait3A_267] : memref<10240x128xf32, #tpu.memory_space<hbm>> -> memref<10240x128xf32, #tpu.memory_space<hbm>>
      tpu.wait_indirect_dma semaphore(%arg12 : memref<!tpu.dma_semaphore, #tpu.memory_space<semaphore_mem>>) src(%dma_wait3A_268 : memref<10240x128xf32, #tpu.memory_space<hbm>>) dst(%arg9 : memref<128x128xf32, #tpu.memory_space<vmem>>)
      %add3A_269 = arith.constant 1 : i32
      %add3A_270 = arith.addi %mul3A_238, %add3A_269 : i32
      %dma_start3A_271 = arith.constant 0 : i32
      %dma_start3A_272 = tpu.memref_slice %arg7[%add3A_270, %dma_start3A_271] : memref<40x128xi32, #tpu.memory_space<vmem>> -> memref<1x128xi32, #tpu.memory_space<vmem>>
      %dma_start3A_273 = tpu.memref_squeeze %dma_start3A_272 : memref<1x128xi32, #tpu.memory_space<vmem>> -> memref<128xi32, #tpu.memory_space<vmem>>
      %dma_start3A_274 = arith.constant 0 : i32
      %dma_start3A_275 = arith.constant 0 : i32
      %dma_start3A_276 = tpu.memref_slice %arg10[%dma_start3A_274, %dma_start3A_275] : memref<10240x128xf32, #tpu.memory_space<vmem_shared>> -> memref<10240x128xf32, #tpu.memory_space<vmem_shared>>
      tpu.enqueue_indirect_dma source(%arg9 : memref<128x128xf32, #tpu.memory_space<vmem>>) target(%dma_start3A_276 : memref<10240x128xf32, #tpu.memory_space<vmem_shared>>) offsets(%dma_start3A_273 : memref<128xi32, #tpu.memory_space<vmem>>) semaphore(%arg14 : memref<!tpu.dma_semaphore, #tpu.memory_space<semaphore_mem>>) {add = true}
      %dma_wait3A_277 = arith.constant 0 : i32
      %dma_wait3A_278 = arith.constant 0 : i32
      %dma_wait3A_279 = tpu.memref_slice %arg7[%dma_wait3A_277, %dma_wait3A_278] : memref<40x128xi32, #tpu.memory_space<vmem>> -> memref<1x128xi32, #tpu.memory_space<vmem>>
      %dma_wait3A_280 = tpu.memref_squeeze %dma_wait3A_279 : memref<1x128xi32, #tpu.memory_space<vmem>> -> memref<128xi32, #tpu.memory_space<vmem>>
      %dma_wait3A_281 = arith.constant 0 : i32
      %dma_wait3A_282 = arith.constant 0 : i32
      %dma_wait3A_283 = tpu.memref_slice %arg10[%dma_wait3A_281, %dma_wait3A_282] : memref<10240x128xf32, #tpu.memory_space<vmem_shared>> -> memref<10240x128xf32, #tpu.memory_space<vmem_shared>>
      tpu.wait_indirect_dma semaphore(%arg13 : memref<!tpu.dma_semaphore, #tpu.memory_space<semaphore_mem>>) src(%arg8 : memref<128x128xf32, #tpu.memory_space<vmem>>) dst(%dma_wait3A_283 : memref<10240x128xf32, #tpu.memory_space<vmem_shared>>)
      %lt3A = arith.constant 19 : i32
      %lt3A_284 = arith.cmpi slt, %add3A_236, %lt3A : i32
      %convert_element_type3A_285 = arith.extui %lt3A_284 : i1 to i32
      %cond3A_286 = arith.constant 0 : i32
      %cond3A_287 = arith.cmpi ne, %convert_element_type3A_285, %cond3A_286 : i32
      scf.if %cond3A_287 {
        %add3A_288 = arith.constant 2 : i32
        %add3A_289 = arith.addi %mul3A_238, %add3A_288 : i32
        %dma_start3A_290 = arith.constant 0 : i32
        %dma_start3A_291 = tpu.memref_slice %arg6[%add3A_289, %dma_start3A_290] : memref<40x128xi32, #tpu.memory_space<vmem>> -> memref<1x128xi32, #tpu.memory_space<vmem>>
        %dma_start3A_292 = tpu.memref_squeeze %dma_start3A_291 : memref<1x128xi32, #tpu.memory_space<vmem>> -> memref<128xi32, #tpu.memory_space<vmem>>
        %dma_start3A_293 = arith.constant 0 : i32
        %dma_start3A_294 = arith.constant 0 : i32
        %dma_start3A_295 = tpu.memref_slice %arg2[%dma_start3A_293, %dma_start3A_294] : memref<10240x128xf32, #tpu.memory_space<hbm>> -> memref<10240x128xf32, #tpu.memory_space<hbm>>
        tpu.enqueue_indirect_dma source(%dma_start3A_295 : memref<10240x128xf32, #tpu.memory_space<hbm>>) target(%arg8 : memref<128x128xf32, #tpu.memory_space<vmem>>) offsets(%dma_start3A_292 : memref<128xi32, #tpu.memory_space<vmem>>) semaphore(%arg11 : memref<!tpu.dma_semaphore, #tpu.memory_space<semaphore_mem>>)
      } else {
      }
    }
    %scan3A_89 = arith.constant 20 : i32
    %dma_wait3A_90 = arith.constant 0 : i32
    %dma_wait3A_91 = arith.constant 0 : i32
    %dma_wait3A_92 = tpu.memref_slice %arg7[%dma_wait3A_90, %dma_wait3A_91] : memref<40x128xi32, #tpu.memory_space<vmem>> -> memref<1x128xi32, #tpu.memory_space<vmem>>
    %dma_wait3A_93 = tpu.memref_squeeze %dma_wait3A_92 : memref<1x128xi32, #tpu.memory_space<vmem>> -> memref<128xi32, #tpu.memory_space<vmem>>
    %dma_wait3A_94 = arith.constant 0 : i32
    %dma_wait3A_95 = arith.constant 0 : i32
    %dma_wait3A_96 = tpu.memref_slice %arg10[%dma_wait3A_94, %dma_wait3A_95] : memref<10240x128xf32, #tpu.memory_space<vmem_shared>> -> memref<10240x128xf32, #tpu.memory_space<vmem_shared>>
    tpu.wait_indirect_dma semaphore(%arg14 : memref<!tpu.dma_semaphore, #tpu.memory_space<semaphore_mem>>) src(%arg9 : memref<128x128xf32, #tpu.memory_space<vmem>>) dst(%dma_wait3A_96 : memref<10240x128xf32, #tpu.memory_space<vmem_shared>>)
    %mul3A_97 = arith.constant 80 : i32
    %mul3A_98 = arith.muli %add3A, %mul3A_97 : i32
    %add3A_99 = arith.constant 40 : i32
    %add3A_100 = arith.addi %mul3A_98, %add3A_99 : i32
    %multiple_of3A_101 = tpu.assume_multiple %add3A_100, 8 : i32
    "tpu.region"() ({
      %run_scoped3A = tpu.sem_alloc : memref<!tpu.dma_semaphore, #tpu.memory_space<semaphore_mem>>
      %dma_start3A_232 = arith.constant 0 : i32
      %dma_start3A_233 = tpu.memref_slice %arg3[%multiple_of3A_101, %dma_start3A_232] : memref<2560x128xi32, #tpu.memory_space<hbm>> -> memref<40x128xi32, #tpu.memory_space<hbm>>
      %dma_start3A_234 = arith.constant 0 : i32
      %dma_start3A_235 = tpu.memref_slice %arg3[%multiple_of3A_101, %dma_start3A_234] : memref<2560x128xi32, #tpu.memory_space<hbm>> -> memref<40x128xi32, #tpu.memory_space<hbm>>
      tpu.enqueue_dma source(%dma_start3A_235 : memref<40x128xi32, #tpu.memory_space<hbm>>) target(%arg6 : memref<40x128xi32, #tpu.memory_space<vmem>>) target_semaphore(%run_scoped3A : memref<!tpu.dma_semaphore, #tpu.memory_space<semaphore_mem>>)
      %dma_wait3A_236 = arith.constant 0 : i32
      %dma_wait3A_237 = tpu.memref_slice %arg3[%multiple_of3A_101, %dma_wait3A_236] : memref<2560x128xi32, #tpu.memory_space<hbm>> -> memref<40x128xi32, #tpu.memory_space<hbm>>
      %dma_wait3A_238 = arith.constant 0 : i32
      %dma_wait3A_239 = tpu.memref_slice %arg3[%multiple_of3A_101, %dma_wait3A_238] : memref<2560x128xi32, #tpu.memory_space<hbm>> -> memref<40x128xi32, #tpu.memory_space<hbm>>
      tpu.wait_dma2 semaphore(%run_scoped3A : memref<!tpu.dma_semaphore, #tpu.memory_space<semaphore_mem>>) src(%dma_wait3A_239 : memref<40x128xi32, #tpu.memory_space<hbm>>) dst(%arg6 : memref<40x128xi32, #tpu.memory_space<vmem>>)
      tpu.yield
    }) : () -> ()
    "tpu.region"() ({
      %run_scoped3A = tpu.sem_alloc : memref<!tpu.dma_semaphore, #tpu.memory_space<semaphore_mem>>
      %dma_start3A_232 = arith.constant 0 : i32
      %dma_start3A_233 = tpu.memref_slice %arg4[%multiple_of3A_101, %dma_start3A_232] : memref<2560x128xi32, #tpu.memory_space<hbm>> -> memref<40x128xi32, #tpu.memory_space<hbm>>
      %dma_start3A_234 = arith.constant 0 : i32
      %dma_start3A_235 = tpu.memref_slice %arg4[%multiple_of3A_101, %dma_start3A_234] : memref<2560x128xi32, #tpu.memory_space<hbm>> -> memref<40x128xi32, #tpu.memory_space<hbm>>
      tpu.enqueue_dma source(%dma_start3A_235 : memref<40x128xi32, #tpu.memory_space<hbm>>) target(%arg7 : memref<40x128xi32, #tpu.memory_space<vmem>>) target_semaphore(%run_scoped3A : memref<!tpu.dma_semaphore, #tpu.memory_space<semaphore_mem>>)
      %dma_wait3A_236 = arith.constant 0 : i32
      %dma_wait3A_237 = tpu.memref_slice %arg4[%multiple_of3A_101, %dma_wait3A_236] : memref<2560x128xi32, #tpu.memory_space<hbm>> -> memref<40x128xi32, #tpu.memory_space<hbm>>
      %dma_wait3A_238 = arith.constant 0 : i32
      %dma_wait3A_239 = tpu.memref_slice %arg4[%multiple_of3A_101, %dma_wait3A_238] : memref<2560x128xi32, #tpu.memory_space<hbm>> -> memref<40x128xi32, #tpu.memory_space<hbm>>
      tpu.wait_dma2 semaphore(%run_scoped3A : memref<!tpu.dma_semaphore, #tpu.memory_space<semaphore_mem>>) src(%dma_wait3A_239 : memref<40x128xi32, #tpu.memory_space<hbm>>) dst(%arg7 : memref<40x128xi32, #tpu.memory_space<vmem>>)
      tpu.yield
    }) : () -> ()
    %dma_start3A_102 = arith.constant 0 : i32
    %dma_start3A_103 = arith.constant 0 : i32
    %dma_start3A_104 = tpu.memref_slice %arg6[%dma_start3A_102, %dma_start3A_103] : memref<40x128xi32, #tpu.memory_space<vmem>> -> memref<1x128xi32, #tpu.memory_space<vmem>>
    %dma_start3A_105 = tpu.memref_squeeze %dma_start3A_104 : memref<1x128xi32, #tpu.memory_space<vmem>> -> memref<128xi32, #tpu.memory_space<vmem>>
    %dma_start3A_106 = arith.constant 0 : i32
    %dma_start3A_107 = arith.constant 0 : i32
    %dma_start3A_108 = tpu.memref_slice %arg2[%dma_start3A_106, %dma_start3A_107] : memref<10240x128xf32, #tpu.memory_space<hbm>> -> memref<10240x128xf32, #tpu.memory_space<hbm>>
    tpu.enqueue_indirect_dma source(%dma_start3A_108 : memref<10240x128xf32, #tpu.memory_space<hbm>>) target(%arg8 : memref<128x128xf32, #tpu.memory_space<vmem>>) offsets(%dma_start3A_105 : memref<128xi32, #tpu.memory_space<vmem>>) semaphore(%arg11 : memref<!tpu.dma_semaphore, #tpu.memory_space<semaphore_mem>>)
    %scan3A_109 = arith.constant 0 : i32
    %scan3A_110 = arith.constant 20 : i32
    %scan3A_111 = arith.addi %scan3A_109, %scan3A_110 : i32
    %scan3A_112 = arith.constant 1 : i32
    scf.for %scan3A_232 = %scan3A_109 to %scan3A_111 step %scan3A_112  : i32 {
      %mul3A_233 = arith.constant 1 : i32
      %mul3A_234 = arith.muli %scan3A_232, %mul3A_233 : i32
      %add3A_235 = arith.constant 0 : i32
      %add3A_236 = arith.addi %add3A_235, %mul3A_234 : i32
      %mul3A_237 = arith.constant 2 : i32
      %mul3A_238 = arith.muli %mul3A_237, %add3A_236 : i32
      %dma_wait3A_239 = arith.constant 0 : i32
      %dma_wait3A_240 = arith.constant 0 : i32
      %dma_wait3A_241 = tpu.memref_slice %arg6[%dma_wait3A_239, %dma_wait3A_240] : memref<40x128xi32, #tpu.memory_space<vmem>> -> memref<1x128xi32, #tpu.memory_space<vmem>>
      %dma_wait3A_242 = tpu.memref_squeeze %dma_wait3A_241 : memref<1x128xi32, #tpu.memory_space<vmem>> -> memref<128xi32, #tpu.memory_space<vmem>>
      %dma_wait3A_243 = arith.constant 0 : i32
      %dma_wait3A_244 = arith.constant 0 : i32
      %dma_wait3A_245 = tpu.memref_slice %arg2[%dma_wait3A_243, %dma_wait3A_244] : memref<10240x128xf32, #tpu.memory_space<hbm>> -> memref<10240x128xf32, #tpu.memory_space<hbm>>
      tpu.wait_indirect_dma semaphore(%arg11 : memref<!tpu.dma_semaphore, #tpu.memory_space<semaphore_mem>>) src(%dma_wait3A_245 : memref<10240x128xf32, #tpu.memory_space<hbm>>) dst(%arg8 : memref<128x128xf32, #tpu.memory_space<vmem>>)
      %dma_start3A_246 = arith.constant 0 : i32
      %dma_start3A_247 = tpu.memref_slice %arg7[%mul3A_238, %dma_start3A_246] : memref<40x128xi32, #tpu.memory_space<vmem>> -> memref<1x128xi32, #tpu.memory_space<vmem>>
      %dma_start3A_248 = tpu.memref_squeeze %dma_start3A_247 : memref<1x128xi32, #tpu.memory_space<vmem>> -> memref<128xi32, #tpu.memory_space<vmem>>
      %dma_start3A_249 = arith.constant 0 : i32
      %dma_start3A_250 = arith.constant 0 : i32
      %dma_start3A_251 = tpu.memref_slice %arg10[%dma_start3A_249, %dma_start3A_250] : memref<10240x128xf32, #tpu.memory_space<vmem_shared>> -> memref<10240x128xf32, #tpu.memory_space<vmem_shared>>
      tpu.enqueue_indirect_dma source(%arg8 : memref<128x128xf32, #tpu.memory_space<vmem>>) target(%dma_start3A_251 : memref<10240x128xf32, #tpu.memory_space<vmem_shared>>) offsets(%dma_start3A_248 : memref<128xi32, #tpu.memory_space<vmem>>) semaphore(%arg13 : memref<!tpu.dma_semaphore, #tpu.memory_space<semaphore_mem>>) {add = true}
      %gt3A = arith.constant 0 : i32
      %gt3A_252 = arith.cmpi sgt, %add3A_236, %gt3A : i32
      %convert_element_type3A = arith.extui %gt3A_252 : i1 to i32
      %cond3A = arith.constant 0 : i32
      %cond3A_253 = arith.cmpi ne, %convert_element_type3A, %cond3A : i32
      scf.if %cond3A_253 {
        %dma_wait3A_288 = arith.constant 0 : i32
        %dma_wait3A_289 = arith.constant 0 : i32
        %dma_wait3A_290 = tpu.memref_slice %arg7[%dma_wait3A_288, %dma_wait3A_289] : memref<40x128xi32, #tpu.memory_space<vmem>> -> memref<1x128xi32, #tpu.memory_space<vmem>>
        %dma_wait3A_291 = tpu.memref_squeeze %dma_wait3A_290 : memref<1x128xi32, #tpu.memory_space<vmem>> -> memref<128xi32, #tpu.memory_space<vmem>>
        %dma_wait3A_292 = arith.constant 0 : i32
        %dma_wait3A_293 = arith.constant 0 : i32
        %dma_wait3A_294 = tpu.memref_slice %arg10[%dma_wait3A_292, %dma_wait3A_293] : memref<10240x128xf32, #tpu.memory_space<vmem_shared>> -> memref<10240x128xf32, #tpu.memory_space<vmem_shared>>
        tpu.wait_indirect_dma semaphore(%arg14 : memref<!tpu.dma_semaphore, #tpu.memory_space<semaphore_mem>>) src(%arg9 : memref<128x128xf32, #tpu.memory_space<vmem>>) dst(%dma_wait3A_294 : memref<10240x128xf32, #tpu.memory_space<vmem_shared>>)
      } else {
      }
      %add3A_254 = arith.constant 1 : i32
      %add3A_255 = arith.addi %mul3A_238, %add3A_254 : i32
      %dma_start3A_256 = arith.constant 0 : i32
      %dma_start3A_257 = tpu.memref_slice %arg6[%add3A_255, %dma_start3A_256] : memref<40x128xi32, #tpu.memory_space<vmem>> -> memref<1x128xi32, #tpu.memory_space<vmem>>
      %dma_start3A_258 = tpu.memref_squeeze %dma_start3A_257 : memref<1x128xi32, #tpu.memory_space<vmem>> -> memref<128xi32, #tpu.memory_space<vmem>>
      %dma_start3A_259 = arith.constant 0 : i32
      %dma_start3A_260 = arith.constant 0 : i32
      %dma_start3A_261 = tpu.memref_slice %arg2[%dma_start3A_259, %dma_start3A_260] : memref<10240x128xf32, #tpu.memory_space<hbm>> -> memref<10240x128xf32, #tpu.memory_space<hbm>>
      tpu.enqueue_indirect_dma source(%dma_start3A_261 : memref<10240x128xf32, #tpu.memory_space<hbm>>) target(%arg9 : memref<128x128xf32, #tpu.memory_space<vmem>>) offsets(%dma_start3A_258 : memref<128xi32, #tpu.memory_space<vmem>>) semaphore(%arg12 : memref<!tpu.dma_semaphore, #tpu.memory_space<semaphore_mem>>)
      %dma_wait3A_262 = arith.constant 0 : i32
      %dma_wait3A_263 = arith.constant 0 : i32
      %dma_wait3A_264 = tpu.memref_slice %arg6[%dma_wait3A_262, %dma_wait3A_263] : memref<40x128xi32, #tpu.memory_space<vmem>> -> memref<1x128xi32, #tpu.memory_space<vmem>>
      %dma_wait3A_265 = tpu.memref_squeeze %dma_wait3A_264 : memref<1x128xi32, #tpu.memory_space<vmem>> -> memref<128xi32, #tpu.memory_space<vmem>>
      %dma_wait3A_266 = arith.constant 0 : i32
      %dma_wait3A_267 = arith.constant 0 : i32
      %dma_wait3A_268 = tpu.memref_slice %arg2[%dma_wait3A_266, %dma_wait3A_267] : memref<10240x128xf32, #tpu.memory_space<hbm>> -> memref<10240x128xf32, #tpu.memory_space<hbm>>
      tpu.wait_indirect_dma semaphore(%arg12 : memref<!tpu.dma_semaphore, #tpu.memory_space<semaphore_mem>>) src(%dma_wait3A_268 : memref<10240x128xf32, #tpu.memory_space<hbm>>) dst(%arg9 : memref<128x128xf32, #tpu.memory_space<vmem>>)
      %add3A_269 = arith.constant 1 : i32
      %add3A_270 = arith.addi %mul3A_238, %add3A_269 : i32
      %dma_start3A_271 = arith.constant 0 : i32
      %dma_start3A_272 = tpu.memref_slice %arg7[%add3A_270, %dma_start3A_271] : memref<40x128xi32, #tpu.memory_space<vmem>> -> memref<1x128xi32, #tpu.memory_space<vmem>>
      %dma_start3A_273 = tpu.memref_squeeze %dma_start3A_272 : memref<1x128xi32, #tpu.memory_space<vmem>> -> memref<128xi32, #tpu.memory_space<vmem>>
      %dma_start3A_274 = arith.constant 0 : i32
      %dma_start3A_275 = arith.constant 0 : i32
      %dma_start3A_276 = tpu.memref_slice %arg10[%dma_start3A_274, %dma_start3A_275] : memref<10240x128xf32, #tpu.memory_space<vmem_shared>> -> memref<10240x128xf32, #tpu.memory_space<vmem_shared>>
      tpu.enqueue_indirect_dma source(%arg9 : memref<128x128xf32, #tpu.memory_space<vmem>>) target(%dma_start3A_276 : memref<10240x128xf32, #tpu.memory_space<vmem_shared>>) offsets(%dma_start3A_273 : memref<128xi32, #tpu.memory_space<vmem>>) semaphore(%arg14 : memref<!tpu.dma_semaphore, #tpu.memory_space<semaphore_mem>>) {add = true}
      %dma_wait3A_277 = arith.constant 0 : i32
      %dma_wait3A_278 = arith.constant 0 : i32
      %dma_wait3A_279 = tpu.memref_slice %arg7[%dma_wait3A_277, %dma_wait3A_278] : memref<40x128xi32, #tpu.memory_space<vmem>> -> memref<1x128xi32, #tpu.memory_space<vmem>>
      %dma_wait3A_280 = tpu.memref_squeeze %dma_wait3A_279 : memref<1x128xi32, #tpu.memory_space<vmem>> -> memref<128xi32, #tpu.memory_space<vmem>>
      %dma_wait3A_281 = arith.constant 0 : i32
      %dma_wait3A_282 = arith.constant 0 : i32
      %dma_wait3A_283 = tpu.memref_slice %arg10[%dma_wait3A_281, %dma_wait3A_282] : memref<10240x128xf32, #tpu.memory_space<vmem_shared>> -> memref<10240x128xf32, #tpu.memory_space<vmem_shared>>
      tpu.wait_indirect_dma semaphore(%arg13 : memref<!tpu.dma_semaphore, #tpu.memory_space<semaphore_mem>>) src(%arg8 : memref<128x128xf32, #tpu.memory_space<vmem>>) dst(%dma_wait3A_283 : memref<10240x128xf32, #tpu.memory_space<vmem_shared>>)
      %lt3A = arith.constant 19 : i32
      %lt3A_284 = arith.cmpi slt, %add3A_236, %lt3A : i32
      %convert_element_type3A_285 = arith.extui %lt3A_284 : i1 to i32
      %cond3A_286 = arith.constant 0 : i32
      %cond3A_287 = arith.cmpi ne, %convert_element_type3A_285, %cond3A_286 : i32
      scf.if %cond3A_287 {
        %add3A_288 = arith.constant 2 : i32
        %add3A_289 = arith.addi %mul3A_238, %add3A_288 : i32
        %dma_start3A_290 = arith.constant 0 : i32
        %dma_start3A_291 = tpu.memref_slice %arg6[%add3A_289, %dma_start3A_290] : memref<40x128xi32, #tpu.memory_space<vmem>> -> memref<1x128xi32, #tpu.memory_space<vmem>>
        %dma_start3A_292 = tpu.memref_squeeze %dma_start3A_291 : memref<1x128xi32, #tpu.memory_space<vmem>> -> memref<128xi32, #tpu.memory_space<vmem>>
        %dma_start3A_293 = arith.constant 0 : i32
        %dma_start3A_294 = arith.constant 0 : i32
        %dma_start3A_295 = tpu.memref_slice %arg2[%dma_start3A_293, %dma_start3A_294] : memref<10240x128xf32, #tpu.memory_space<hbm>> -> memref<10240x128xf32, #tpu.memory_space<hbm>>
        tpu.enqueue_indirect_dma source(%dma_start3A_295 : memref<10240x128xf32, #tpu.memory_space<hbm>>) target(%arg8 : memref<128x128xf32, #tpu.memory_space<vmem>>) offsets(%dma_start3A_292 : memref<128xi32, #tpu.memory_space<vmem>>) semaphore(%arg11 : memref<!tpu.dma_semaphore, #tpu.memory_space<semaphore_mem>>)
      } else {
      }
    }
    %scan3A_113 = arith.constant 20 : i32
    %dma_wait3A_114 = arith.constant 0 : i32
    %dma_wait3A_115 = arith.constant 0 : i32
    %dma_wait3A_116 = tpu.memref_slice %arg7[%dma_wait3A_114, %dma_wait3A_115] : memref<40x128xi32, #tpu.memory_space<vmem>> -> memref<1x128xi32, #tpu.memory_space<vmem>>
    %dma_wait3A_117 = tpu.memref_squeeze %dma_wait3A_116 : memref<1x128xi32, #tpu.memory_space<vmem>> -> memref<128xi32, #tpu.memory_space<vmem>>
    %dma_wait3A_118 = arith.constant 0 : i32
    %dma_wait3A_119 = arith.constant 0 : i32
    %dma_wait3A_120 = tpu.memref_slice %arg10[%dma_wait3A_118, %dma_wait3A_119] : memref<10240x128xf32, #tpu.memory_space<vmem_shared>> -> memref<10240x128xf32, #tpu.memory_space<vmem_shared>>
    tpu.wait_indirect_dma semaphore(%arg14 : memref<!tpu.dma_semaphore, #tpu.memory_space<semaphore_mem>>) src(%arg9 : memref<128x128xf32, #tpu.memory_space<vmem>>) dst(%dma_wait3A_120 : memref<10240x128xf32, #tpu.memory_space<vmem_shared>>)
    %barrier3A_121 = arith.constant 0 : index
    tpu.barrier barrier_id(%barrier3A_121)
    %mul3A_122 = arith.constant 640 : i32
    %mul3A_123 = arith.muli %arg1, %mul3A_122 : i32
    %add3A_124 = arith.constant 0 : i32
    %add3A_125 = arith.addi %mul3A_123, %add3A_124 : i32
    "tpu.region"() ({
      %run_scoped3A = tpu.sem_alloc : memref<!tpu.dma_semaphore, #tpu.memory_space<semaphore_mem>>
      %dma_start3A_232 = arith.constant 0 : i32
      %dma_start3A_233 = tpu.memref_slice %arg10[%add3A_125, %dma_start3A_232] : memref<10240x128xf32, #tpu.memory_space<vmem_shared>> -> memref<128x128xf32, #tpu.memory_space<vmem_shared>>
      %dma_start3A_234 = arith.constant 0 : i32
      %dma_start3A_235 = tpu.memref_slice %arg10[%add3A_125, %dma_start3A_234] : memref<10240x128xf32, #tpu.memory_space<vmem_shared>> -> memref<128x128xf32, #tpu.memory_space<vmem_shared>>
      tpu.enqueue_dma source(%dma_start3A_235 : memref<128x128xf32, #tpu.memory_space<vmem_shared>>) target(%arg8 : memref<128x128xf32, #tpu.memory_space<vmem>>) target_semaphore(%run_scoped3A : memref<!tpu.dma_semaphore, #tpu.memory_space<semaphore_mem>>)
      %dma_wait3A_236 = arith.constant 0 : i32
      %dma_wait3A_237 = tpu.memref_slice %arg10[%add3A_125, %dma_wait3A_236] : memref<10240x128xf32, #tpu.memory_space<vmem_shared>> -> memref<128x128xf32, #tpu.memory_space<vmem_shared>>
      %dma_wait3A_238 = arith.constant 0 : i32
      %dma_wait3A_239 = tpu.memref_slice %arg10[%add3A_125, %dma_wait3A_238] : memref<10240x128xf32, #tpu.memory_space<vmem_shared>> -> memref<128x128xf32, #tpu.memory_space<vmem_shared>>
      tpu.wait_dma2 semaphore(%run_scoped3A : memref<!tpu.dma_semaphore, #tpu.memory_space<semaphore_mem>>) src(%dma_wait3A_239 : memref<128x128xf32, #tpu.memory_space<vmem_shared>>) dst(%arg8 : memref<128x128xf32, #tpu.memory_space<vmem>>)
      tpu.yield
    }) : () -> ()
    %mul3A_126 = arith.constant 640 : i32
    %mul3A_127 = arith.muli %arg1, %mul3A_126 : i32
    %add3A_128 = arith.constant 0 : i32
    %add3A_129 = arith.addi %mul3A_127, %add3A_128 : i32
    %dma_start3A_130 = arith.constant 0 : i32
    %dma_start3A_131 = tpu.memref_slice %arg5[%arg0, %add3A_129, %dma_start3A_130] : memref<2x10240x128xf32, #tpu.memory_space<hbm>> -> memref<1x128x128xf32, #tpu.memory_space<hbm>>
    %dma_start3A_132 = tpu.memref_squeeze %dma_start3A_131 : memref<1x128x128xf32, #tpu.memory_space<hbm>> -> memref<128x128xf32, #tpu.memory_space<hbm>>
    %dma_start3A_133 = arith.constant 0 : i32
    %dma_start3A_134 = tpu.memref_slice %arg5[%arg0, %add3A_129, %dma_start3A_133] : memref<2x10240x128xf32, #tpu.memory_space<hbm>> -> memref<1x128x128xf32, #tpu.memory_space<hbm>>
    %dma_start3A_135 = tpu.memref_squeeze %dma_start3A_134 : memref<1x128x128xf32, #tpu.memory_space<hbm>> -> memref<128x128xf32, #tpu.memory_space<hbm>>
    tpu.enqueue_dma source(%arg8 : memref<128x128xf32, #tpu.memory_space<vmem>>) target(%dma_start3A_135 : memref<128x128xf32, #tpu.memory_space<hbm>>) target_semaphore(%arg11 : memref<!tpu.dma_semaphore, #tpu.memory_space<semaphore_mem>>)
    %mul3A_136 = arith.constant 640 : i32
    %mul3A_137 = arith.muli %arg1, %mul3A_136 : i32
    %add3A_138 = arith.constant 128 : i32
    %add3A_139 = arith.addi %mul3A_137, %add3A_138 : i32
    "tpu.region"() ({
      %run_scoped3A = tpu.sem_alloc : memref<!tpu.dma_semaphore, #tpu.memory_space<semaphore_mem>>
      %dma_start3A_232 = arith.constant 0 : i32
      %dma_start3A_233 = tpu.memref_slice %arg10[%add3A_139, %dma_start3A_232] : memref<10240x128xf32, #tpu.memory_space<vmem_shared>> -> memref<128x128xf32, #tpu.memory_space<vmem_shared>>
      %dma_start3A_234 = arith.constant 0 : i32
      %dma_start3A_235 = tpu.memref_slice %arg10[%add3A_139, %dma_start3A_234] : memref<10240x128xf32, #tpu.memory_space<vmem_shared>> -> memref<128x128xf32, #tpu.memory_space<vmem_shared>>
      tpu.enqueue_dma source(%dma_start3A_235 : memref<128x128xf32, #tpu.memory_space<vmem_shared>>) target(%arg9 : memref<128x128xf32, #tpu.memory_space<vmem>>) target_semaphore(%run_scoped3A : memref<!tpu.dma_semaphore, #tpu.memory_space<semaphore_mem>>)
      %dma_wait3A_236 = arith.constant 0 : i32
      %dma_wait3A_237 = tpu.memref_slice %arg10[%add3A_139, %dma_wait3A_236] : memref<10240x128xf32, #tpu.memory_space<vmem_shared>> -> memref<128x128xf32, #tpu.memory_space<vmem_shared>>
      %dma_wait3A_238 = arith.constant 0 : i32
      %dma_wait3A_239 = tpu.memref_slice %arg10[%add3A_139, %dma_wait3A_238] : memref<10240x128xf32, #tpu.memory_space<vmem_shared>> -> memref<128x128xf32, #tpu.memory_space<vmem_shared>>
      tpu.wait_dma2 semaphore(%run_scoped3A : memref<!tpu.dma_semaphore, #tpu.memory_space<semaphore_mem>>) src(%dma_wait3A_239 : memref<128x128xf32, #tpu.memory_space<vmem_shared>>) dst(%arg9 : memref<128x128xf32, #tpu.memory_space<vmem>>)
      tpu.yield
    }) : () -> ()
    %mul3A_140 = arith.constant 640 : i32
    %mul3A_141 = arith.muli %arg1, %mul3A_140 : i32
    %add3A_142 = arith.constant 128 : i32
    %add3A_143 = arith.addi %mul3A_141, %add3A_142 : i32
    %dma_start3A_144 = arith.constant 0 : i32
    %dma_start3A_145 = tpu.memref_slice %arg5[%arg0, %add3A_143, %dma_start3A_144] : memref<2x10240x128xf32, #tpu.memory_space<hbm>> -> memref<1x128x128xf32, #tpu.memory_space<hbm>>
    %dma_start3A_146 = tpu.memref_squeeze %dma_start3A_145 : memref<1x128x128xf32, #tpu.memory_space<hbm>> -> memref<128x128xf32, #tpu.memory_space<hbm>>
    %dma_start3A_147 = arith.constant 0 : i32
    %dma_start3A_148 = tpu.memref_slice %arg5[%arg0, %add3A_143, %dma_start3A_147] : memref<2x10240x128xf32, #tpu.memory_space<hbm>> -> memref<1x128x128xf32, #tpu.memory_space<hbm>>
    %dma_start3A_149 = tpu.memref_squeeze %dma_start3A_148 : memref<1x128x128xf32, #tpu.memory_space<hbm>> -> memref<128x128xf32, #tpu.memory_space<hbm>>
    tpu.enqueue_dma source(%arg9 : memref<128x128xf32, #tpu.memory_space<vmem>>) target(%dma_start3A_149 : memref<128x128xf32, #tpu.memory_space<hbm>>) target_semaphore(%arg12 : memref<!tpu.dma_semaphore, #tpu.memory_space<semaphore_mem>>)
    %mul3A_150 = arith.constant 640 : i32
    %mul3A_151 = arith.muli %arg1, %mul3A_150 : i32
    %dma_wait3A_152 = arith.constant 0 : i32
    %dma_wait3A_153 = tpu.memref_slice %arg5[%arg0, %mul3A_151, %dma_wait3A_152] : memref<2x10240x128xf32, #tpu.memory_space<hbm>> -> memref<1x128x128xf32, #tpu.memory_space<hbm>>
    %dma_wait3A_154 = tpu.memref_squeeze %dma_wait3A_153 : memref<1x128x128xf32, #tpu.memory_space<hbm>> -> memref<128x128xf32, #tpu.memory_space<hbm>>
    %dma_wait3A_155 = arith.constant 0 : i32
    %dma_wait3A_156 = tpu.memref_slice %arg5[%arg0, %mul3A_151, %dma_wait3A_155] : memref<2x10240x128xf32, #tpu.memory_space<hbm>> -> memref<1x128x128xf32, #tpu.memory_space<hbm>>
    %dma_wait3A_157 = tpu.memref_squeeze %dma_wait3A_156 : memref<1x128x128xf32, #tpu.memory_space<hbm>> -> memref<128x128xf32, #tpu.memory_space<hbm>>
    tpu.wait_dma2 semaphore(%arg11 : memref<!tpu.dma_semaphore, #tpu.memory_space<semaphore_mem>>) src(%arg8 : memref<128x128xf32, #tpu.memory_space<vmem>>) dst(%dma_wait3A_157 : memref<128x128xf32, #tpu.memory_space<hbm>>)
    %mul3A_158 = arith.constant 640 : i32
    %mul3A_159 = arith.muli %arg1, %mul3A_158 : i32
    %add3A_160 = arith.constant 256 : i32
    %add3A_161 = arith.addi %mul3A_159, %add3A_160 : i32
    "tpu.region"() ({
      %run_scoped3A = tpu.sem_alloc : memref<!tpu.dma_semaphore, #tpu.memory_space<semaphore_mem>>
      %dma_start3A_232 = arith.constant 0 : i32
      %dma_start3A_233 = tpu.memref_slice %arg10[%add3A_161, %dma_start3A_232] : memref<10240x128xf32, #tpu.memory_space<vmem_shared>> -> memref<128x128xf32, #tpu.memory_space<vmem_shared>>
      %dma_start3A_234 = arith.constant 0 : i32
      %dma_start3A_235 = tpu.memref_slice %arg10[%add3A_161, %dma_start3A_234] : memref<10240x128xf32, #tpu.memory_space<vmem_shared>> -> memref<128x128xf32, #tpu.memory_space<vmem_shared>>
      tpu.enqueue_dma source(%dma_start3A_235 : memref<128x128xf32, #tpu.memory_space<vmem_shared>>) target(%arg8 : memref<128x128xf32, #tpu.memory_space<vmem>>) target_semaphore(%run_scoped3A : memref<!tpu.dma_semaphore, #tpu.memory_space<semaphore_mem>>)
      %dma_wait3A_236 = arith.constant 0 : i32
      %dma_wait3A_237 = tpu.memref_slice %arg10[%add3A_161, %dma_wait3A_236] : memref<10240x128xf32, #tpu.memory_space<vmem_shared>> -> memref<128x128xf32, #tpu.memory_space<vmem_shared>>
      %dma_wait3A_238 = arith.constant 0 : i32
      %dma_wait3A_239 = tpu.memref_slice %arg10[%add3A_161, %dma_wait3A_238] : memref<10240x128xf32, #tpu.memory_space<vmem_shared>> -> memref<128x128xf32, #tpu.memory_space<vmem_shared>>
      tpu.wait_dma2 semaphore(%run_scoped3A : memref<!tpu.dma_semaphore, #tpu.memory_space<semaphore_mem>>) src(%dma_wait3A_239 : memref<128x128xf32, #tpu.memory_space<vmem_shared>>) dst(%arg8 : memref<128x128xf32, #tpu.memory_space<vmem>>)
      tpu.yield
    }) : () -> ()
    %mul3A_162 = arith.constant 640 : i32
    %mul3A_163 = arith.muli %arg1, %mul3A_162 : i32
    %add3A_164 = arith.constant 256 : i32
    %add3A_165 = arith.addi %mul3A_163, %add3A_164 : i32
    %dma_start3A_166 = arith.constant 0 : i32
    %dma_start3A_167 = tpu.memref_slice %arg5[%arg0, %add3A_165, %dma_start3A_166] : memref<2x10240x128xf32, #tpu.memory_space<hbm>> -> memref<1x128x128xf32, #tpu.memory_space<hbm>>
    %dma_start3A_168 = tpu.memref_squeeze %dma_start3A_167 : memref<1x128x128xf32, #tpu.memory_space<hbm>> -> memref<128x128xf32, #tpu.memory_space<hbm>>
    %dma_start3A_169 = arith.constant 0 : i32
    %dma_start3A_170 = tpu.memref_slice %arg5[%arg0, %add3A_165, %dma_start3A_169] : memref<2x10240x128xf32, #tpu.memory_space<hbm>> -> memref<1x128x128xf32, #tpu.memory_space<hbm>>
    %dma_start3A_171 = tpu.memref_squeeze %dma_start3A_170 : memref<1x128x128xf32, #tpu.memory_space<hbm>> -> memref<128x128xf32, #tpu.memory_space<hbm>>
    tpu.enqueue_dma source(%arg8 : memref<128x128xf32, #tpu.memory_space<vmem>>) target(%dma_start3A_171 : memref<128x128xf32, #tpu.memory_space<hbm>>) target_semaphore(%arg11 : memref<!tpu.dma_semaphore, #tpu.memory_space<semaphore_mem>>)
    %mul3A_172 = arith.constant 640 : i32
    %mul3A_173 = arith.muli %arg1, %mul3A_172 : i32
    %dma_wait3A_174 = arith.constant 0 : i32
    %dma_wait3A_175 = tpu.memref_slice %arg5[%arg0, %mul3A_173, %dma_wait3A_174] : memref<2x10240x128xf32, #tpu.memory_space<hbm>> -> memref<1x128x128xf32, #tpu.memory_space<hbm>>
    %dma_wait3A_176 = tpu.memref_squeeze %dma_wait3A_175 : memref<1x128x128xf32, #tpu.memory_space<hbm>> -> memref<128x128xf32, #tpu.memory_space<hbm>>
    %dma_wait3A_177 = arith.constant 0 : i32
    %dma_wait3A_178 = tpu.memref_slice %arg5[%arg0, %mul3A_173, %dma_wait3A_177] : memref<2x10240x128xf32, #tpu.memory_space<hbm>> -> memref<1x128x128xf32, #tpu.memory_space<hbm>>
    %dma_wait3A_179 = tpu.memref_squeeze %dma_wait3A_178 : memref<1x128x128xf32, #tpu.memory_space<hbm>> -> memref<128x128xf32, #tpu.memory_space<hbm>>
    tpu.wait_dma2 semaphore(%arg12 : memref<!tpu.dma_semaphore, #tpu.memory_space<semaphore_mem>>) src(%arg9 : memref<128x128xf32, #tpu.memory_space<vmem>>) dst(%dma_wait3A_179 : memref<128x128xf32, #tpu.memory_space<hbm>>)
    %mul3A_180 = arith.constant 640 : i32
    %mul3A_181 = arith.muli %arg1, %mul3A_180 : i32
    %add3A_182 = arith.constant 384 : i32
    %add3A_183 = arith.addi %mul3A_181, %add3A_182 : i32
    "tpu.region"() ({
      %run_scoped3A = tpu.sem_alloc : memref<!tpu.dma_semaphore, #tpu.memory_space<semaphore_mem>>
      %dma_start3A_232 = arith.constant 0 : i32
      %dma_start3A_233 = tpu.memref_slice %arg10[%add3A_183, %dma_start3A_232] : memref<10240x128xf32, #tpu.memory_space<vmem_shared>> -> memref<128x128xf32, #tpu.memory_space<vmem_shared>>
      %dma_start3A_234 = arith.constant 0 : i32
      %dma_start3A_235 = tpu.memref_slice %arg10[%add3A_183, %dma_start3A_234] : memref<10240x128xf32, #tpu.memory_space<vmem_shared>> -> memref<128x128xf32, #tpu.memory_space<vmem_shared>>
      tpu.enqueue_dma source(%dma_start3A_235 : memref<128x128xf32, #tpu.memory_space<vmem_shared>>) target(%arg9 : memref<128x128xf32, #tpu.memory_space<vmem>>) target_semaphore(%run_scoped3A : memref<!tpu.dma_semaphore, #tpu.memory_space<semaphore_mem>>)
      %dma_wait3A_236 = arith.constant 0 : i32
      %dma_wait3A_237 = tpu.memref_slice %arg10[%add3A_183, %dma_wait3A_236] : memref<10240x128xf32, #tpu.memory_space<vmem_shared>> -> memref<128x128xf32, #tpu.memory_space<vmem_shared>>
      %dma_wait3A_238 = arith.constant 0 : i32
      %dma_wait3A_239 = tpu.memref_slice %arg10[%add3A_183, %dma_wait3A_238] : memref<10240x128xf32, #tpu.memory_space<vmem_shared>> -> memref<128x128xf32, #tpu.memory_space<vmem_shared>>
      tpu.wait_dma2 semaphore(%run_scoped3A : memref<!tpu.dma_semaphore, #tpu.memory_space<semaphore_mem>>) src(%dma_wait3A_239 : memref<128x128xf32, #tpu.memory_space<vmem_shared>>) dst(%arg9 : memref<128x128xf32, #tpu.memory_space<vmem>>)
      tpu.yield
    }) : () -> ()
    %mul3A_184 = arith.constant 640 : i32
    %mul3A_185 = arith.muli %arg1, %mul3A_184 : i32
    %add3A_186 = arith.constant 384 : i32
    %add3A_187 = arith.addi %mul3A_185, %add3A_186 : i32
    %dma_start3A_188 = arith.constant 0 : i32
    %dma_start3A_189 = tpu.memref_slice %arg5[%arg0, %add3A_187, %dma_start3A_188] : memref<2x10240x128xf32, #tpu.memory_space<hbm>> -> memref<1x128x128xf32, #tpu.memory_space<hbm>>
    %dma_start3A_190 = tpu.memref_squeeze %dma_start3A_189 : memref<1x128x128xf32, #tpu.memory_space<hbm>> -> memref<128x128xf32, #tpu.memory_space<hbm>>
    %dma_start3A_191 = arith.constant 0 : i32
    %dma_start3A_192 = tpu.memref_slice %arg5[%arg0, %add3A_187, %dma_start3A_191] : memref<2x10240x128xf32, #tpu.memory_space<hbm>> -> memref<1x128x128xf32, #tpu.memory_space<hbm>>
    %dma_start3A_193 = tpu.memref_squeeze %dma_start3A_192 : memref<1x128x128xf32, #tpu.memory_space<hbm>> -> memref<128x128xf32, #tpu.memory_space<hbm>>
    tpu.enqueue_dma source(%arg9 : memref<128x128xf32, #tpu.memory_space<vmem>>) target(%dma_start3A_193 : memref<128x128xf32, #tpu.memory_space<hbm>>) target_semaphore(%arg12 : memref<!tpu.dma_semaphore, #tpu.memory_space<semaphore_mem>>)
    %mul3A_194 = arith.constant 640 : i32
    %mul3A_195 = arith.muli %arg1, %mul3A_194 : i32
    %dma_wait3A_196 = arith.constant 0 : i32
    %dma_wait3A_197 = tpu.memref_slice %arg5[%arg0, %mul3A_195, %dma_wait3A_196] : memref<2x10240x128xf32, #tpu.memory_space<hbm>> -> memref<1x128x128xf32, #tpu.memory_space<hbm>>
    %dma_wait3A_198 = tpu.memref_squeeze %dma_wait3A_197 : memref<1x128x128xf32, #tpu.memory_space<hbm>> -> memref<128x128xf32, #tpu.memory_space<hbm>>
    %dma_wait3A_199 = arith.constant 0 : i32
    %dma_wait3A_200 = tpu.memref_slice %arg5[%arg0, %mul3A_195, %dma_wait3A_199] : memref<2x10240x128xf32, #tpu.memory_space<hbm>> -> memref<1x128x128xf32, #tpu.memory_space<hbm>>
    %dma_wait3A_201 = tpu.memref_squeeze %dma_wait3A_200 : memref<1x128x128xf32, #tpu.memory_space<hbm>> -> memref<128x128xf32, #tpu.memory_space<hbm>>
    tpu.wait_dma2 semaphore(%arg11 : memref<!tpu.dma_semaphore, #tpu.memory_space<semaphore_mem>>) src(%arg8 : memref<128x128xf32, #tpu.memory_space<vmem>>) dst(%dma_wait3A_201 : memref<128x128xf32, #tpu.memory_space<hbm>>)
    %mul3A_202 = arith.constant 640 : i32
    %mul3A_203 = arith.muli %arg1, %mul3A_202 : i32
    %add3A_204 = arith.constant 512 : i32
    %add3A_205 = arith.addi %mul3A_203, %add3A_204 : i32
    "tpu.region"() ({
      %run_scoped3A = tpu.sem_alloc : memref<!tpu.dma_semaphore, #tpu.memory_space<semaphore_mem>>
      %dma_start3A_232 = arith.constant 0 : i32
      %dma_start3A_233 = tpu.memref_slice %arg10[%add3A_205, %dma_start3A_232] : memref<10240x128xf32, #tpu.memory_space<vmem_shared>> -> memref<128x128xf32, #tpu.memory_space<vmem_shared>>
      %dma_start3A_234 = arith.constant 0 : i32
      %dma_start3A_235 = tpu.memref_slice %arg10[%add3A_205, %dma_start3A_234] : memref<10240x128xf32, #tpu.memory_space<vmem_shared>> -> memref<128x128xf32, #tpu.memory_space<vmem_shared>>
      tpu.enqueue_dma source(%dma_start3A_235 : memref<128x128xf32, #tpu.memory_space<vmem_shared>>) target(%arg8 : memref<128x128xf32, #tpu.memory_space<vmem>>) target_semaphore(%run_scoped3A : memref<!tpu.dma_semaphore, #tpu.memory_space<semaphore_mem>>)
      %dma_wait3A_236 = arith.constant 0 : i32
      %dma_wait3A_237 = tpu.memref_slice %arg10[%add3A_205, %dma_wait3A_236] : memref<10240x128xf32, #tpu.memory_space<vmem_shared>> -> memref<128x128xf32, #tpu.memory_space<vmem_shared>>
      %dma_wait3A_238 = arith.constant 0 : i32
      %dma_wait3A_239 = tpu.memref_slice %arg10[%add3A_205, %dma_wait3A_238] : memref<10240x128xf32, #tpu.memory_space<vmem_shared>> -> memref<128x128xf32, #tpu.memory_space<vmem_shared>>
      tpu.wait_dma2 semaphore(%run_scoped3A : memref<!tpu.dma_semaphore, #tpu.memory_space<semaphore_mem>>) src(%dma_wait3A_239 : memref<128x128xf32, #tpu.memory_space<vmem_shared>>) dst(%arg8 : memref<128x128xf32, #tpu.memory_space<vmem>>)
      tpu.yield
    }) : () -> ()
    %mul3A_206 = arith.constant 640 : i32
    %mul3A_207 = arith.muli %arg1, %mul3A_206 : i32
    %add3A_208 = arith.constant 512 : i32
    %add3A_209 = arith.addi %mul3A_207, %add3A_208 : i32
    %dma_start3A_210 = arith.constant 0 : i32
    %dma_start3A_211 = tpu.memref_slice %arg5[%arg0, %add3A_209, %dma_start3A_210] : memref<2x10240x128xf32, #tpu.memory_space<hbm>> -> memref<1x128x128xf32, #tpu.memory_space<hbm>>
    %dma_start3A_212 = tpu.memref_squeeze %dma_start3A_211 : memref<1x128x128xf32, #tpu.memory_space<hbm>> -> memref<128x128xf32, #tpu.memory_space<hbm>>
    %dma_start3A_213 = arith.constant 0 : i32
    %dma_start3A_214 = tpu.memref_slice %arg5[%arg0, %add3A_209, %dma_start3A_213] : memref<2x10240x128xf32, #tpu.memory_space<hbm>> -> memref<1x128x128xf32, #tpu.memory_space<hbm>>
    %dma_start3A_215 = tpu.memref_squeeze %dma_start3A_214 : memref<1x128x128xf32, #tpu.memory_space<hbm>> -> memref<128x128xf32, #tpu.memory_space<hbm>>
    tpu.enqueue_dma source(%arg8 : memref<128x128xf32, #tpu.memory_space<vmem>>) target(%dma_start3A_215 : memref<128x128xf32, #tpu.memory_space<hbm>>) target_semaphore(%arg11 : memref<!tpu.dma_semaphore, #tpu.memory_space<semaphore_mem>>)
    %mul3A_216 = arith.constant 640 : i32
    %mul3A_217 = arith.muli %arg1, %mul3A_216 : i32
    %dma_wait3A_218 = arith.constant 0 : i32
    %dma_wait3A_219 = tpu.memref_slice %arg5[%arg0, %mul3A_217, %dma_wait3A_218] : memref<2x10240x128xf32, #tpu.memory_space<hbm>> -> memref<1x128x128xf32, #tpu.memory_space<hbm>>
    %dma_wait3A_220 = tpu.memref_squeeze %dma_wait3A_219 : memref<1x128x128xf32, #tpu.memory_space<hbm>> -> memref<128x128xf32, #tpu.memory_space<hbm>>
    %dma_wait3A_221 = arith.constant 0 : i32
    %dma_wait3A_222 = tpu.memref_slice %arg5[%arg0, %mul3A_217, %dma_wait3A_221] : memref<2x10240x128xf32, #tpu.memory_space<hbm>> -> memref<1x128x128xf32, #tpu.memory_space<hbm>>
    %dma_wait3A_223 = tpu.memref_squeeze %dma_wait3A_222 : memref<1x128x128xf32, #tpu.memory_space<hbm>> -> memref<128x128xf32, #tpu.memory_space<hbm>>
    tpu.wait_dma2 semaphore(%arg11 : memref<!tpu.dma_semaphore, #tpu.memory_space<semaphore_mem>>) src(%arg8 : memref<128x128xf32, #tpu.memory_space<vmem>>) dst(%dma_wait3A_223 : memref<128x128xf32, #tpu.memory_space<hbm>>)
    %mul3A_224 = arith.constant 640 : i32
    %mul3A_225 = arith.muli %arg1, %mul3A_224 : i32
    %dma_wait3A_226 = arith.constant 0 : i32
    %dma_wait3A_227 = tpu.memref_slice %arg5[%arg0, %mul3A_225, %dma_wait3A_226] : memref<2x10240x128xf32, #tpu.memory_space<hbm>> -> memref<1x128x128xf32, #tpu.memory_space<hbm>>
    %dma_wait3A_228 = tpu.memref_squeeze %dma_wait3A_227 : memref<1x128x128xf32, #tpu.memory_space<hbm>> -> memref<128x128xf32, #tpu.memory_space<hbm>>
    %dma_wait3A_229 = arith.constant 0 : i32
    %dma_wait3A_230 = tpu.memref_slice %arg5[%arg0, %mul3A_225, %dma_wait3A_229] : memref<2x10240x128xf32, #tpu.memory_space<hbm>> -> memref<1x128x128xf32, #tpu.memory_space<hbm>>
    %dma_wait3A_231 = tpu.memref_squeeze %dma_wait3A_230 : memref<1x128x128xf32, #tpu.memory_space<hbm>> -> memref<128x128xf32, #tpu.memory_space<hbm>>
    tpu.wait_dma2 semaphore(%arg12 : memref<!tpu.dma_semaphore, #tpu.memory_space<semaphore_mem>>) src(%arg9 : memref<128x128xf32, #tpu.memory_space<vmem>>) dst(%dma_wait3A_231 : memref<128x128xf32, #tpu.memory_space<hbm>>)
    return
  }
}

#map = affine_map<(d0, d1) -> (0, 0)>
module attributes {stable_mosaic.version = 14 : i64} {
  func.func @k(%arg0: i32, %arg1: i32, %arg2: memref<2560x128xi32, #tpu.memory_space<hbm>>, %arg3: memref<32x10240xf32, #tpu.memory_space<hbm>>, %arg4: memref<80x128xi32, #tpu.memory_space<vmem>>, %arg5: memref<10240xf32, #tpu.memory_space<vmem>>) attributes {dimension_semantics = [#tpu.dimension_semantics<core_parallel>, #tpu.dimension_semantics<subcore_parallel>], iteration_bounds = array<i64: 2, 16>, scalar_prefetch = 0 : i64, scratch_operands = 2 : i64, tpu.core_type = #tpu.core_type<sc_vector_subcore>, window_params = [{transform_indices = #map}, {transform_indices = #map}]} {
    %mul3A = arith.constant 16 : i32
    %mul3A_0 = arith.muli %arg0, %mul3A : i32
    %add3A = arith.addi %mul3A_0, %arg1 : i32
    %mul3A_1 = arith.constant 80 : i32
    %mul3A_2 = arith.muli %add3A, %mul3A_1 : i32
    "tpu.region"() ({
      %run_scoped3A = tpu.sem_alloc : memref<!tpu.dma_semaphore, #tpu.memory_space<semaphore_mem>>
      %dma_start3A = arith.constant 0 : i32
      %dma_start3A_15 = tpu.memref_slice %arg2[%mul3A_2, %dma_start3A] : memref<2560x128xi32, #tpu.memory_space<hbm>> -> memref<80x128xi32, #tpu.memory_space<hbm>>
      %dma_start3A_16 = arith.constant 0 : i32
      %dma_start3A_17 = tpu.memref_slice %arg2[%mul3A_2, %dma_start3A_16] : memref<2560x128xi32, #tpu.memory_space<hbm>> -> memref<80x128xi32, #tpu.memory_space<hbm>>
      tpu.enqueue_dma source(%dma_start3A_17 : memref<80x128xi32, #tpu.memory_space<hbm>>) target(%arg4 : memref<80x128xi32, #tpu.memory_space<vmem>>) target_semaphore(%run_scoped3A : memref<!tpu.dma_semaphore, #tpu.memory_space<semaphore_mem>>)
      %dma_wait3A = arith.constant 0 : i32
      %dma_wait3A_18 = tpu.memref_slice %arg2[%mul3A_2, %dma_wait3A] : memref<2560x128xi32, #tpu.memory_space<hbm>> -> memref<80x128xi32, #tpu.memory_space<hbm>>
      %dma_wait3A_19 = arith.constant 0 : i32
      %dma_wait3A_20 = tpu.memref_slice %arg2[%mul3A_2, %dma_wait3A_19] : memref<2560x128xi32, #tpu.memory_space<hbm>> -> memref<80x128xi32, #tpu.memory_space<hbm>>
      tpu.wait_dma2 semaphore(%run_scoped3A : memref<!tpu.dma_semaphore, #tpu.memory_space<semaphore_mem>>) src(%dma_wait3A_20 : memref<80x128xi32, #tpu.memory_space<hbm>>) dst(%arg4 : memref<80x128xi32, #tpu.memory_space<vmem>>)
      tpu.yield
    }) : () -> ()
    %broadcast_in_dim3A = arith.constant 0.000000e+00 : f32
    %broadcast_in_dim3A_3 = vector.broadcast %broadcast_in_dim3A : f32 to vector<16xf32>
    %scan3A = arith.constant 0 : i32
    %scan3A_4 = arith.constant 640 : i32
    %scan3A_5 = arith.addi %scan3A, %scan3A_4 : i32
    %scan3A_6 = arith.constant 1 : i32
    scf.for %scan3A_15 = %scan3A to %scan3A_5 step %scan3A_6  : i32 {
      %mul3A_16 = arith.constant 16 : i32
      %mul3A_17 = arith.muli %scan3A_15, %mul3A_16 : i32
      %add3A_18 = arith.constant 0 : i32
      %add3A_19 = arith.addi %add3A_18, %mul3A_17 : i32
      %swap3A = arith.index_cast %add3A_19 : i32 to index
      %swap3A_20 = tpu.vector_load %arg5[%swap3A] {strides = array<i32>} : memref<10240xf32, #tpu.memory_space<vmem>>, vector<16xf32>,
      tpu.vector_store %arg5[%swap3A], %broadcast_in_dim3A_3 {strides = array<i32>} : memref<10240xf32, #tpu.memory_space<vmem>>, vector<16xf32>,
    }
    %scan3A_7 = arith.constant 640 : i32
    %broadcast_in_dim3A_8 = arith.constant 1.000000e+00 : f32
    %broadcast_in_dim3A_9 = vector.broadcast %broadcast_in_dim3A_8 : f32 to vector<16xf32>
    %scan3A_10 = arith.constant 0 : i32
    %scan3A_11 = arith.constant 80 : i32
    %scan3A_12 = arith.addi %scan3A_10, %scan3A_11 : i32
    %scan3A_13 = arith.constant 1 : i32
    scf.for %scan3A_15 = %scan3A_10 to %scan3A_12 step %scan3A_13  : i32 {
      %mul3A_16 = arith.constant 1 : i32
      %mul3A_17 = arith.muli %scan3A_15, %mul3A_16 : i32
      %add3A_18 = arith.constant 0 : i32
      %add3A_19 = arith.addi %add3A_18, %mul3A_17 : i32
      %scan3A_20 = arith.constant 0 : i32
      %scan3A_21 = arith.constant 8 : i32
      %scan3A_22 = arith.addi %scan3A_20, %scan3A_21 : i32
      %scan3A_23 = arith.constant 1 : i32
      scf.for %scan3A_25 = %scan3A_20 to %scan3A_22 step %scan3A_23  : i32 {
        %mul3A_26 = arith.constant 16 : i32
        %mul3A_27 = arith.muli %scan3A_25, %mul3A_26 : i32
        %add3A_28 = arith.constant 0 : i32
        %add3A_29 = arith.addi %add3A_28, %mul3A_27 : i32
        %get3A = arith.index_cast %add3A_19 : i32 to index
        %get3A_30 = arith.index_cast %add3A_29 : i32 to index
        %get3A_31 = tpu.vector_load %arg4[%get3A, %get3A_30] {strides = array<i32>} : memref<80x128xi32, #tpu.memory_space<vmem>>, vector<16xi32>,
        tpu.vector_store_idx %arg5[%get3A_31], %broadcast_in_dim3A_9 {add = true} : memref<10240xf32, #tpu.memory_space<vmem>>[vector<16xi32>], vector<16xf32>,
      }
      %scan3A_24 = arith.constant 8 : i32
    }
    %scan3A_14 = arith.constant 80 : i32
    "tpu.region"() ({
      %run_scoped3A = tpu.sem_alloc : memref<!tpu.dma_semaphore, #tpu.memory_space<semaphore_mem>>
      %dma_start3A = arith.constant 0 : i32
      %dma_start3A_15 = tpu.memref_slice %arg3[%add3A, %dma_start3A] : memref<32x10240xf32, #tpu.memory_space<hbm>> -> memref<1x10240xf32, #tpu.memory_space<hbm>>
      %dma_start3A_16 = tpu.memref_squeeze %dma_start3A_15 : memref<1x10240xf32, #tpu.memory_space<hbm>> -> memref<10240xf32, #tpu.memory_space<hbm>>
      %dma_start3A_17 = arith.constant 0 : i32
      %dma_start3A_18 = tpu.memref_slice %arg3[%add3A, %dma_start3A_17] : memref<32x10240xf32, #tpu.memory_space<hbm>> -> memref<1x10240xf32, #tpu.memory_space<hbm>>
      %dma_start3A_19 = tpu.memref_squeeze %dma_start3A_18 : memref<1x10240xf32, #tpu.memory_space<hbm>> -> memref<10240xf32, #tpu.memory_space<hbm>>
      tpu.enqueue_dma source(%arg5 : memref<10240xf32, #tpu.memory_space<vmem>>) target(%dma_start3A_19 : memref<10240xf32, #tpu.memory_space<hbm>>) target_semaphore(%run_scoped3A : memref<!tpu.dma_semaphore, #tpu.memory_space<semaphore_mem>>)
      %dma_wait3A = arith.constant 0 : i32
      %dma_wait3A_20 = tpu.memref_slice %arg3[%add3A, %dma_wait3A] : memref<32x10240xf32, #tpu.memory_space<hbm>> -> memref<1x10240xf32, #tpu.memory_space<hbm>>
      %dma_wait3A_21 = tpu.memref_squeeze %dma_wait3A_20 : memref<1x10240xf32, #tpu.memory_space<hbm>> -> memref<10240xf32, #tpu.memory_space<hbm>>
      %dma_wait3A_22 = arith.constant 0 : i32
      %dma_wait3A_23 = tpu.memref_slice %arg3[%add3A, %dma_wait3A_22] : memref<32x10240xf32, #tpu.memory_space<hbm>> -> memref<1x10240xf32, #tpu.memory_space<hbm>>
      %dma_wait3A_24 = tpu.memref_squeeze %dma_wait3A_23 : memref<1x10240xf32, #tpu.memory_space<hbm>> -> memref<10240xf32, #tpu.memory_space<hbm>>
      tpu.wait_dma2 semaphore(%run_scoped3A : memref<!tpu.dma_semaphore, #tpu.memory_space<semaphore_mem>>) src(%arg5 : memref<10240xf32, #tpu.memory_space<vmem>>) dst(%dma_wait3A_24 : memref<10240xf32, #tpu.memory_space<hbm>>)
      tpu.yield
    }) : () -> ()
    return
  }
}

#map = affine_map<(d0, d1) -> (0, 0)>
#map1 = affine_map<(d0, d1) -> (0, 0, 0)>
module attributes {stable_mosaic.version = 14 : i64} {
  func.func @k(%arg0: i32, %arg1: i32, %arg2: memref<10240x128xf32, #tpu.memory_space<hbm>>, %arg3: memref<2560x128xi32, #tpu.memory_space<hbm>>, %arg4: memref<2560x128xi32, #tpu.memory_space<hbm>>, %arg5: memref<2x10240x128xf32, #tpu.memory_space<hbm>>, %arg6: memref<40x128xi32, #tpu.memory_space<vmem>>, %arg7: memref<40x128xi32, #tpu.memory_space<vmem>>, %arg8: memref<128x128xf32, #tpu.memory_space<vmem>>, %arg9: memref<128x128xf32, #tpu.memory_space<vmem>>, %arg10: memref<10240x128xf32, #tpu.memory_space<vmem_shared>>, %arg11: memref<!tpu.dma_semaphore, #tpu.memory_space<semaphore_mem>>, %arg12: memref<!tpu.dma_semaphore, #tpu.memory_space<semaphore_mem>>, %arg13: memref<!tpu.dma_semaphore, #tpu.memory_space<semaphore_mem>>, %arg14: memref<!tpu.dma_semaphore, #tpu.memory_space<semaphore_mem>>, %arg15: memref<!tpu.dma_semaphore, #tpu.memory_space<semaphore_mem>>) attributes {dimension_semantics = [#tpu.dimension_semantics<core_parallel>, #tpu.dimension_semantics<subcore_parallel>], iteration_bounds = array<i64: 2, 16>, scalar_prefetch = 0 : i64, scratch_operands = 10 : i64, tpu.core_type = #tpu.core_type<sc_vector_subcore>, window_params = [{transform_indices = #map}, {transform_indices = #map}, {transform_indices = #map}, {transform_indices = #map1}]} {
    %mul3A = arith.constant 16 : i32
    %mul3A_0 = arith.muli %arg0, %mul3A : i32
    %add3A = arith.addi %mul3A_0, %arg1 : i32
    %broadcast_in_dim3A = arith.constant 0.000000e+00 : f32
    %broadcast_in_dim3A_1 = vector.broadcast %broadcast_in_dim3A : f32 to vector<16xf32>
    %scan3A = arith.constant 0 : i32
    %scan3A_2 = arith.constant 128 : i32
    %scan3A_3 = arith.addi %scan3A, %scan3A_2 : i32
    %scan3A_4 = arith.constant 1 : i32
    scf.for %scan3A_232 = %scan3A to %scan3A_3 step %scan3A_4  : i32 {
      %mul3A_233 = arith.constant 1 : i32
      %mul3A_234 = arith.muli %scan3A_232, %mul3A_233 : i32
      %add3A_235 = arith.constant 0 : i32
      %add3A_236 = arith.addi %add3A_235, %mul3A_234 : i32
      %scan3A_237 = arith.constant 0 : i32
      %scan3A_238 = arith.constant 8 : i32
      %scan3A_239 = arith.addi %scan3A_237, %scan3A_238 : i32
      %scan3A_240 = arith.constant 1 : i32
      scf.for %scan3A_242 = %scan3A_237 to %scan3A_239 step %scan3A_240  : i32 {
        %mul3A_243 = arith.constant 16 : i32
        %mul3A_244 = arith.muli %scan3A_242, %mul3A_243 : i32
        %add3A_245 = arith.constant 0 : i32
        %add3A_246 = arith.addi %add3A_245, %mul3A_244 : i32
        %swap3A = arith.index_cast %add3A_236 : i32 to index
        %swap3A_247 = arith.index_cast %add3A_246 : i32 to index
        %swap3A_248 = tpu.vector_load %arg8[%swap3A, %swap3A_247] {strides = array<i32>} : memref<128x128xf32, #tpu.memory_space<vmem>>, vector<16xf32>,
        tpu.vector_store %arg8[%swap3A, %swap3A_247], %broadcast_in_dim3A_1 {strides = array<i32>} : memref<128x128xf32, #tpu.memory_space<vmem>>, vector<16xf32>,
      }
      %scan3A_241 = arith.constant 8 : i32
    }
    %scan3A_5 = arith.constant 128 : i32
    %mul3A_6 = arith.constant 640 : i32
    %mul3A_7 = arith.muli %arg1, %mul3A_6 : i32
    %add3A_8 = arith.constant 0 : i32
    %add3A_9 = arith.addi %mul3A_7, %add3A_8 : i32
    %dma_start3A = arith.constant 0 : i32
    %dma_start3A_10 = tpu.memref_slice %arg10[%add3A_9, %dma_start3A] : memref<10240x128xf32, #tpu.memory_space<vmem_shared>> -> memref<128x128xf32, #tpu.memory_space<vmem_shared>>
    %dma_start3A_11 = arith.constant 0 : i32
    %dma_start3A_12 = tpu.memref_slice %arg10[%add3A_9, %dma_start3A_11] : memref<10240x128xf32, #tpu.memory_space<vmem_shared>> -> memref<128x128xf32, #tpu.memory_space<vmem_shared>>
    tpu.enqueue_dma source(%arg8 : memref<128x128xf32, #tpu.memory_space<vmem>>) target(%dma_start3A_12 : memref<128x128xf32, #tpu.memory_space<vmem_shared>>) target_semaphore(%arg15 : memref<!tpu.dma_semaphore, #tpu.memory_space<semaphore_mem>>)
    %mul3A_13 = arith.constant 640 : i32
    %mul3A_14 = arith.muli %arg1, %mul3A_13 : i32
    %add3A_15 = arith.constant 128 : i32
    %add3A_16 = arith.addi %mul3A_14, %add3A_15 : i32
    %dma_start3A_17 = arith.constant 0 : i32
    %dma_start3A_18 = tpu.memref_slice %arg10[%add3A_16, %dma_start3A_17] : memref<10240x128xf32, #tpu.memory_space<vmem_shared>> -> memref<128x128xf32, #tpu.memory_space<vmem_shared>>
    %dma_start3A_19 = arith.constant 0 : i32
    %dma_start3A_20 = tpu.memref_slice %arg10[%add3A_16, %dma_start3A_19] : memref<10240x128xf32, #tpu.memory_space<vmem_shared>> -> memref<128x128xf32, #tpu.memory_space<vmem_shared>>
    tpu.enqueue_dma source(%arg8 : memref<128x128xf32, #tpu.memory_space<vmem>>) target(%dma_start3A_20 : memref<128x128xf32, #tpu.memory_space<vmem_shared>>) target_semaphore(%arg15 : memref<!tpu.dma_semaphore, #tpu.memory_space<semaphore_mem>>)
    %mul3A_21 = arith.constant 640 : i32
    %mul3A_22 = arith.muli %arg1, %mul3A_21 : i32
    %add3A_23 = arith.constant 256 : i32
    %add3A_24 = arith.addi %mul3A_22, %add3A_23 : i32
    %dma_start3A_25 = arith.constant 0 : i32
    %dma_start3A_26 = tpu.memref_slice %arg10[%add3A_24, %dma_start3A_25] : memref<10240x128xf32, #tpu.memory_space<vmem_shared>> -> memref<128x128xf32, #tpu.memory_space<vmem_shared>>
    %dma_start3A_27 = arith.constant 0 : i32
    %dma_start3A_28 = tpu.memref_slice %arg10[%add3A_24, %dma_start3A_27] : memref<10240x128xf32, #tpu.memory_space<vmem_shared>> -> memref<128x128xf32, #tpu.memory_space<vmem_shared>>
    tpu.enqueue_dma source(%arg8 : memref<128x128xf32, #tpu.memory_space<vmem>>) target(%dma_start3A_28 : memref<128x128xf32, #tpu.memory_space<vmem_shared>>) target_semaphore(%arg15 : memref<!tpu.dma_semaphore, #tpu.memory_space<semaphore_mem>>)
    %mul3A_29 = arith.constant 640 : i32
    %mul3A_30 = arith.muli %arg1, %mul3A_29 : i32
    %add3A_31 = arith.constant 384 : i32
    %add3A_32 = arith.addi %mul3A_30, %add3A_31 : i32
    %dma_start3A_33 = arith.constant 0 : i32
    %dma_start3A_34 = tpu.memref_slice %arg10[%add3A_32, %dma_start3A_33] : memref<10240x128xf32, #tpu.memory_space<vmem_shared>> -> memref<128x128xf32, #tpu.memory_space<vmem_shared>>
    %dma_start3A_35 = arith.constant 0 : i32
    %dma_start3A_36 = tpu.memref_slice %arg10[%add3A_32, %dma_start3A_35] : memref<10240x128xf32, #tpu.memory_space<vmem_shared>> -> memref<128x128xf32, #tpu.memory_space<vmem_shared>>
    tpu.enqueue_dma source(%arg8 : memref<128x128xf32, #tpu.memory_space<vmem>>) target(%dma_start3A_36 : memref<128x128xf32, #tpu.memory_space<vmem_shared>>) target_semaphore(%arg15 : memref<!tpu.dma_semaphore, #tpu.memory_space<semaphore_mem>>)
    %mul3A_37 = arith.constant 640 : i32
    %mul3A_38 = arith.muli %arg1, %mul3A_37 : i32
    %add3A_39 = arith.constant 512 : i32
    %add3A_40 = arith.addi %mul3A_38, %add3A_39 : i32
    %dma_start3A_41 = arith.constant 0 : i32
    %dma_start3A_42 = tpu.memref_slice %arg10[%add3A_40, %dma_start3A_41] : memref<10240x128xf32, #tpu.memory_space<vmem_shared>> -> memref<128x128xf32, #tpu.memory_space<vmem_shared>>
    %dma_start3A_43 = arith.constant 0 : i32
    %dma_start3A_44 = tpu.memref_slice %arg10[%add3A_40, %dma_start3A_43] : memref<10240x128xf32, #tpu.memory_space<vmem_shared>> -> memref<128x128xf32, #tpu.memory_space<vmem_shared>>
    tpu.enqueue_dma source(%arg8 : memref<128x128xf32, #tpu.memory_space<vmem>>) target(%dma_start3A_44 : memref<128x128xf32, #tpu.memory_space<vmem_shared>>) target_semaphore(%arg15 : memref<!tpu.dma_semaphore, #tpu.memory_space<semaphore_mem>>)
    %mul3A_45 = arith.constant 640 : i32
    %mul3A_46 = arith.muli %arg1, %mul3A_45 : i32
    %dma_wait3A = arith.constant 0 : i32
    %dma_wait3A_47 = tpu.memref_slice %arg10[%mul3A_46, %dma_wait3A] : memref<10240x128xf32, #tpu.memory_space<vmem_shared>> -> memref<128x128xf32, #tpu.memory_space<vmem_shared>>
    %dma_wait3A_48 = arith.constant 0 : i32
    %dma_wait3A_49 = tpu.memref_slice %arg10[%mul3A_46, %dma_wait3A_48] : memref<10240x128xf32, #tpu.memory_space<vmem_shared>> -> memref<128x128xf32, #tpu.memory_space<vmem_shared>>
    tpu.wait_dma2 semaphore(%arg15 : memref<!tpu.dma_semaphore, #tpu.memory_space<semaphore_mem>>) src(%arg8 : memref<128x128xf32, #tpu.memory_space<vmem>>) dst(%dma_wait3A_49 : memref<128x128xf32, #tpu.memory_space<vmem_shared>>)
    %mul3A_50 = arith.constant 640 : i32
    %mul3A_51 = arith.muli %arg1, %mul3A_50 : i32
    %dma_wait3A_52 = arith.constant 0 : i32
    %dma_wait3A_53 = tpu.memref_slice %arg10[%mul3A_51, %dma_wait3A_52] : memref<10240x128xf32, #tpu.memory_space<vmem_shared>> -> memref<128x128xf32, #tpu.memory_space<vmem_shared>>
    %dma_wait3A_54 = arith.constant 0 : i32
    %dma_wait3A_55 = tpu.memref_slice %arg10[%mul3A_51, %dma_wait3A_54] : memref<10240x128xf32, #tpu.memory_space<vmem_shared>> -> memref<128x128xf32, #tpu.memory_space<vmem_shared>>
    tpu.wait_dma2 semaphore(%arg15 : memref<!tpu.dma_semaphore, #tpu.memory_space<semaphore_mem>>) src(%arg8 : memref<128x128xf32, #tpu.memory_space<vmem>>) dst(%dma_wait3A_55 : memref<128x128xf32, #tpu.memory_space<vmem_shared>>)
    %mul3A_56 = arith.constant 640 : i32
    %mul3A_57 = arith.muli %arg1, %mul3A_56 : i32
    %dma_wait3A_58 = arith.constant 0 : i32
    %dma_wait3A_59 = tpu.memref_slice %arg10[%mul3A_57, %dma_wait3A_58] : memref<10240x128xf32, #tpu.memory_space<vmem_shared>> -> memref<128x128xf32, #tpu.memory_space<vmem_shared>>
    %dma_wait3A_60 = arith.constant 0 : i32
    %dma_wait3A_61 = tpu.memref_slice %arg10[%mul3A_57, %dma_wait3A_60] : memref<10240x128xf32, #tpu.memory_space<vmem_shared>> -> memref<128x128xf32, #tpu.memory_space<vmem_shared>>
    tpu.wait_dma2 semaphore(%arg15 : memref<!tpu.dma_semaphore, #tpu.memory_space<semaphore_mem>>) src(%arg8 : memref<128x128xf32, #tpu.memory_space<vmem>>) dst(%dma_wait3A_61 : memref<128x128xf32, #tpu.memory_space<vmem_shared>>)
    %mul3A_62 = arith.constant 640 : i32
    %mul3A_63 = arith.muli %arg1, %mul3A_62 : i32
    %dma_wait3A_64 = arith.constant 0 : i32
    %dma_wait3A_65 = tpu.memref_slice %arg10[%mul3A_63, %dma_wait3A_64] : memref<10240x128xf32, #tpu.memory_space<vmem_shared>> -> memref<128x128xf32, #tpu.memory_space<vmem_shared>>
    %dma_wait3A_66 = arith.constant 0 : i32
    %dma_wait3A_67 = tpu.memref_slice %arg10[%mul3A_63, %dma_wait3A_66] : memref<10240x128xf32, #tpu.memory_space<vmem_shared>> -> memref<128x128xf32, #tpu.memory_space<vmem_shared>>
    tpu.wait_dma2 semaphore(%arg15 : memref<!tpu.dma_semaphore, #tpu.memory_space<semaphore_mem>>) src(%arg8 : memref<128x128xf32, #tpu.memory_space<vmem>>) dst(%dma_wait3A_67 : memref<128x128xf32, #tpu.memory_space<vmem_shared>>)
    %mul3A_68 = arith.constant 640 : i32
    %mul3A_69 = arith.muli %arg1, %mul3A_68 : i32
    %dma_wait3A_70 = arith.constant 0 : i32
    %dma_wait3A_71 = tpu.memref_slice %arg10[%mul3A_69, %dma_wait3A_70] : memref<10240x128xf32, #tpu.memory_space<vmem_shared>> -> memref<128x128xf32, #tpu.memory_space<vmem_shared>>
    %dma_wait3A_72 = arith.constant 0 : i32
    %dma_wait3A_73 = tpu.memref_slice %arg10[%mul3A_69, %dma_wait3A_72] : memref<10240x128xf32, #tpu.memory_space<vmem_shared>> -> memref<128x128xf32, #tpu.memory_space<vmem_shared>>
    tpu.wait_dma2 semaphore(%arg15 : memref<!tpu.dma_semaphore, #tpu.memory_space<semaphore_mem>>) src(%arg8 : memref<128x128xf32, #tpu.memory_space<vmem>>) dst(%dma_wait3A_73 : memref<128x128xf32, #tpu.memory_space<vmem_shared>>)
    %barrier3A = arith.constant 0 : index
    tpu.barrier barrier_id(%barrier3A)
    %mul3A_74 = arith.constant 80 : i32
    %mul3A_75 = arith.muli %add3A, %mul3A_74 : i32
    %add3A_76 = arith.constant 0 : i32
    %add3A_77 = arith.addi %mul3A_75, %add3A_76 : i32
    %multiple_of3A = tpu.assume_multiple %add3A_77, 8 : i32
    "tpu.region"() ({
      %run_scoped3A = tpu.sem_alloc : memref<!tpu.dma_semaphore, #tpu.memory_space<semaphore_mem>>
      %dma_start3A_232 = arith.constant 0 : i32
      %dma_start3A_233 = tpu.memref_slice %arg3[%multiple_of3A, %dma_start3A_232] : memref<2560x128xi32, #tpu.memory_space<hbm>> -> memref<40x128xi32, #tpu.memory_space<hbm>>
      %dma_start3A_234 = arith.constant 0 : i32
      %dma_start3A_235 = tpu.memref_slice %arg3[%multiple_of3A, %dma_start3A_234] : memref<2560x128xi32, #tpu.memory_space<hbm>> -> memref<40x128xi32, #tpu.memory_space<hbm>>
      tpu.enqueue_dma source(%dma_start3A_235 : memref<40x128xi32, #tpu.memory_space<hbm>>) target(%arg6 : memref<40x128xi32, #tpu.memory_space<vmem>>) target_semaphore(%run_scoped3A : memref<!tpu.dma_semaphore, #tpu.memory_space<semaphore_mem>>)
      %dma_wait3A_236 = arith.constant 0 : i32
      %dma_wait3A_237 = tpu.memref_slice %arg3[%multiple_of3A, %dma_wait3A_236] : memref<2560x128xi32, #tpu.memory_space<hbm>> -> memref<40x128xi32, #tpu.memory_space<hbm>>
      %dma_wait3A_238 = arith.constant 0 : i32
      %dma_wait3A_239 = tpu.memref_slice %arg3[%multiple_of3A, %dma_wait3A_238] : memref<2560x128xi32, #tpu.memory_space<hbm>> -> memref<40x128xi32, #tpu.memory_space<hbm>>
      tpu.wait_dma2 semaphore(%run_scoped3A : memref<!tpu.dma_semaphore, #tpu.memory_space<semaphore_mem>>) src(%dma_wait3A_239 : memref<40x128xi32, #tpu.memory_space<hbm>>) dst(%arg6 : memref<40x128xi32, #tpu.memory_space<vmem>>)
      tpu.yield
    }) : () -> ()
    "tpu.region"() ({
      %run_scoped3A = tpu.sem_alloc : memref<!tpu.dma_semaphore, #tpu.memory_space<semaphore_mem>>
      %dma_start3A_232 = arith.constant 0 : i32
      %dma_start3A_233 = tpu.memref_slice %arg4[%multiple_of3A, %dma_start3A_232] : memref<2560x128xi32, #tpu.memory_space<hbm>> -> memref<40x128xi32, #tpu.memory_space<hbm>>
      %dma_start3A_234 = arith.constant 0 : i32
      %dma_start3A_235 = tpu.memref_slice %arg4[%multiple_of3A, %dma_start3A_234] : memref<2560x128xi32, #tpu.memory_space<hbm>> -> memref<40x128xi32, #tpu.memory_space<hbm>>
      tpu.enqueue_dma source(%dma_start3A_235 : memref<40x128xi32, #tpu.memory_space<hbm>>) target(%arg7 : memref<40x128xi32, #tpu.memory_space<vmem>>) target_semaphore(%run_scoped3A : memref<!tpu.dma_semaphore, #tpu.memory_space<semaphore_mem>>)
      %dma_wait3A_236 = arith.constant 0 : i32
      %dma_wait3A_237 = tpu.memref_slice %arg4[%multiple_of3A, %dma_wait3A_236] : memref<2560x128xi32, #tpu.memory_space<hbm>> -> memref<40x128xi32, #tpu.memory_space<hbm>>
      %dma_wait3A_238 = arith.constant 0 : i32
      %dma_wait3A_239 = tpu.memref_slice %arg4[%multiple_of3A, %dma_wait3A_238] : memref<2560x128xi32, #tpu.memory_space<hbm>> -> memref<40x128xi32, #tpu.memory_space<hbm>>
      tpu.wait_dma2 semaphore(%run_scoped3A : memref<!tpu.dma_semaphore, #tpu.memory_space<semaphore_mem>>) src(%dma_wait3A_239 : memref<40x128xi32, #tpu.memory_space<hbm>>) dst(%arg7 : memref<40x128xi32, #tpu.memory_space<vmem>>)
      tpu.yield
    }) : () -> ()
    %dma_start3A_78 = arith.constant 0 : i32
    %dma_start3A_79 = arith.constant 0 : i32
    %dma_start3A_80 = tpu.memref_slice %arg6[%dma_start3A_78, %dma_start3A_79] : memref<40x128xi32, #tpu.memory_space<vmem>> -> memref<1x128xi32, #tpu.memory_space<vmem>>
    %dma_start3A_81 = tpu.memref_squeeze %dma_start3A_80 : memref<1x128xi32, #tpu.memory_space<vmem>> -> memref<128xi32, #tpu.memory_space<vmem>>
    %dma_start3A_82 = arith.constant 0 : i32
    %dma_start3A_83 = arith.constant 0 : i32
    %dma_start3A_84 = tpu.memref_slice %arg2[%dma_start3A_82, %dma_start3A_83] : memref<10240x128xf32, #tpu.memory_space<hbm>> -> memref<10240x128xf32, #tpu.memory_space<hbm>>
    tpu.enqueue_indirect_dma source(%dma_start3A_84 : memref<10240x128xf32, #tpu.memory_space<hbm>>) target(%arg8 : memref<128x128xf32, #tpu.memory_space<vmem>>) offsets(%dma_start3A_81 : memref<128xi32, #tpu.memory_space<vmem>>) semaphore(%arg11 : memref<!tpu.dma_semaphore, #tpu.memory_space<semaphore_mem>>)
    %scan3A_85 = arith.constant 0 : i32
    %scan3A_86 = arith.constant 20 : i32
    %scan3A_87 = arith.addi %scan3A_85, %scan3A_86 : i32
    %scan3A_88 = arith.constant 1 : i32
    scf.for %scan3A_232 = %scan3A_85 to %scan3A_87 step %scan3A_88  : i32 {
      %mul3A_233 = arith.constant 1 : i32
      %mul3A_234 = arith.muli %scan3A_232, %mul3A_233 : i32
      %add3A_235 = arith.constant 0 : i32
      %add3A_236 = arith.addi %add3A_235, %mul3A_234 : i32
      %mul3A_237 = arith.constant 2 : i32
      %mul3A_238 = arith.muli %mul3A_237, %add3A_236 : i32
      %dma_wait3A_239 = arith.constant 0 : i32
      %dma_wait3A_240 = arith.constant 0 : i32
      %dma_wait3A_241 = tpu.memref_slice %arg6[%dma_wait3A_239, %dma_wait3A_240] : memref<40x128xi32, #tpu.memory_space<vmem>> -> memref<1x128xi32, #tpu.memory_space<vmem>>
      %dma_wait3A_242 = tpu.memref_squeeze %dma_wait3A_241 : memref<1x128xi32, #tpu.memory_space<vmem>> -> memref<128xi32, #tpu.memory_space<vmem>>
      %dma_wait3A_243 = arith.constant 0 : i32
      %dma_wait3A_244 = arith.constant 0 : i32
      %dma_wait3A_245 = tpu.memref_slice %arg2[%dma_wait3A_243, %dma_wait3A_244] : memref<10240x128xf32, #tpu.memory_space<hbm>> -> memref<10240x128xf32, #tpu.memory_space<hbm>>
      tpu.wait_indirect_dma semaphore(%arg11 : memref<!tpu.dma_semaphore, #tpu.memory_space<semaphore_mem>>) src(%dma_wait3A_245 : memref<10240x128xf32, #tpu.memory_space<hbm>>) dst(%arg8 : memref<128x128xf32, #tpu.memory_space<vmem>>)
      %dma_start3A_246 = arith.constant 0 : i32
      %dma_start3A_247 = tpu.memref_slice %arg7[%mul3A_238, %dma_start3A_246] : memref<40x128xi32, #tpu.memory_space<vmem>> -> memref<1x128xi32, #tpu.memory_space<vmem>>
      %dma_start3A_248 = tpu.memref_squeeze %dma_start3A_247 : memref<1x128xi32, #tpu.memory_space<vmem>> -> memref<128xi32, #tpu.memory_space<vmem>>
      %dma_start3A_249 = arith.constant 0 : i32
      %dma_start3A_250 = arith.constant 0 : i32
      %dma_start3A_251 = tpu.memref_slice %arg10[%dma_start3A_249, %dma_start3A_250] : memref<10240x128xf32, #tpu.memory_space<vmem_shared>> -> memref<10240x128xf32, #tpu.memory_space<vmem_shared>>
      tpu.enqueue_indirect_dma source(%arg8 : memref<128x128xf32, #tpu.memory_space<vmem>>) target(%dma_start3A_251 : memref<10240x128xf32, #tpu.memory_space<vmem_shared>>) offsets(%dma_start3A_248 : memref<128xi32, #tpu.memory_space<vmem>>) semaphore(%arg13 : memref<!tpu.dma_semaphore, #tpu.memory_space<semaphore_mem>>) {add = true}
      %gt3A = arith.constant 0 : i32
      %gt3A_252 = arith.cmpi sgt, %add3A_236, %gt3A : i32
      %convert_element_type3A = arith.extui %gt3A_252 : i1 to i32
      %cond3A = arith.constant 0 : i32
      %cond3A_253 = arith.cmpi ne, %convert_element_type3A, %cond3A : i32
      scf.if %cond3A_253 {
        %dma_wait3A_288 = arith.constant 0 : i32
        %dma_wait3A_289 = arith.constant 0 : i32
        %dma_wait3A_290 = tpu.memref_slice %arg7[%dma_wait3A_288, %dma_wait3A_289] : memref<40x128xi32, #tpu.memory_space<vmem>> -> memref<1x128xi32, #tpu.memory_space<vmem>>
        %dma_wait3A_291 = tpu.memref_squeeze %dma_wait3A_290 : memref<1x128xi32, #tpu.memory_space<vmem>> -> memref<128xi32, #tpu.memory_space<vmem>>
        %dma_wait3A_292 = arith.constant 0 : i32
        %dma_wait3A_293 = arith.constant 0 : i32
        %dma_wait3A_294 = tpu.memref_slice %arg10[%dma_wait3A_292, %dma_wait3A_293] : memref<10240x128xf32, #tpu.memory_space<vmem_shared>> -> memref<10240x128xf32, #tpu.memory_space<vmem_shared>>
        tpu.wait_indirect_dma semaphore(%arg14 : memref<!tpu.dma_semaphore, #tpu.memory_space<semaphore_mem>>) src(%arg9 : memref<128x128xf32, #tpu.memory_space<vmem>>) dst(%dma_wait3A_294 : memref<10240x128xf32, #tpu.memory_space<vmem_shared>>)
      } else {
      }
      %add3A_254 = arith.constant 1 : i32
      %add3A_255 = arith.addi %mul3A_238, %add3A_254 : i32
      %dma_start3A_256 = arith.constant 0 : i32
      %dma_start3A_257 = tpu.memref_slice %arg6[%add3A_255, %dma_start3A_256] : memref<40x128xi32, #tpu.memory_space<vmem>> -> memref<1x128xi32, #tpu.memory_space<vmem>>
      %dma_start3A_258 = tpu.memref_squeeze %dma_start3A_257 : memref<1x128xi32, #tpu.memory_space<vmem>> -> memref<128xi32, #tpu.memory_space<vmem>>
      %dma_start3A_259 = arith.constant 0 : i32
      %dma_start3A_260 = arith.constant 0 : i32
      %dma_start3A_261 = tpu.memref_slice %arg2[%dma_start3A_259, %dma_start3A_260] : memref<10240x128xf32, #tpu.memory_space<hbm>> -> memref<10240x128xf32, #tpu.memory_space<hbm>>
      tpu.enqueue_indirect_dma source(%dma_start3A_261 : memref<10240x128xf32, #tpu.memory_space<hbm>>) target(%arg9 : memref<128x128xf32, #tpu.memory_space<vmem>>) offsets(%dma_start3A_258 : memref<128xi32, #tpu.memory_space<vmem>>) semaphore(%arg12 : memref<!tpu.dma_semaphore, #tpu.memory_space<semaphore_mem>>)
      %dma_wait3A_262 = arith.constant 0 : i32
      %dma_wait3A_263 = arith.constant 0 : i32
      %dma_wait3A_264 = tpu.memref_slice %arg6[%dma_wait3A_262, %dma_wait3A_263] : memref<40x128xi32, #tpu.memory_space<vmem>> -> memref<1x128xi32, #tpu.memory_space<vmem>>
      %dma_wait3A_265 = tpu.memref_squeeze %dma_wait3A_264 : memref<1x128xi32, #tpu.memory_space<vmem>> -> memref<128xi32, #tpu.memory_space<vmem>>
      %dma_wait3A_266 = arith.constant 0 : i32
      %dma_wait3A_267 = arith.constant 0 : i32
      %dma_wait3A_268 = tpu.memref_slice %arg2[%dma_wait3A_266, %dma_wait3A_267] : memref<10240x128xf32, #tpu.memory_space<hbm>> -> memref<10240x128xf32, #tpu.memory_space<hbm>>
      tpu.wait_indirect_dma semaphore(%arg12 : memref<!tpu.dma_semaphore, #tpu.memory_space<semaphore_mem>>) src(%dma_wait3A_268 : memref<10240x128xf32, #tpu.memory_space<hbm>>) dst(%arg9 : memref<128x128xf32, #tpu.memory_space<vmem>>)
      %add3A_269 = arith.constant 1 : i32
      %add3A_270 = arith.addi %mul3A_238, %add3A_269 : i32
      %dma_start3A_271 = arith.constant 0 : i32
      %dma_start3A_272 = tpu.memref_slice %arg7[%add3A_270, %dma_start3A_271] : memref<40x128xi32, #tpu.memory_space<vmem>> -> memref<1x128xi32, #tpu.memory_space<vmem>>
      %dma_start3A_273 = tpu.memref_squeeze %dma_start3A_272 : memref<1x128xi32, #tpu.memory_space<vmem>> -> memref<128xi32, #tpu.memory_space<vmem>>
      %dma_start3A_274 = arith.constant 0 : i32
      %dma_start3A_275 = arith.constant 0 : i32
      %dma_start3A_276 = tpu.memref_slice %arg10[%dma_start3A_274, %dma_start3A_275] : memref<10240x128xf32, #tpu.memory_space<vmem_shared>> -> memref<10240x128xf32, #tpu.memory_space<vmem_shared>>
      tpu.enqueue_indirect_dma source(%arg9 : memref<128x128xf32, #tpu.memory_space<vmem>>) target(%dma_start3A_276 : memref<10240x128xf32, #tpu.memory_space<vmem_shared>>) offsets(%dma_start3A_273 : memref<128xi32, #tpu.memory_space<vmem>>) semaphore(%arg14 : memref<!tpu.dma_semaphore, #tpu.memory_space<semaphore_mem>>) {add = true}
      %dma_wait3A_277 = arith.constant 0 : i32
      %dma_wait3A_278 = arith.constant 0 : i32
      %dma_wait3A_279 = tpu.memref_slice %arg7[%dma_wait3A_277, %dma_wait3A_278] : memref<40x128xi32, #tpu.memory_space<vmem>> -> memref<1x128xi32, #tpu.memory_space<vmem>>
      %dma_wait3A_280 = tpu.memref_squeeze %dma_wait3A_279 : memref<1x128xi32, #tpu.memory_space<vmem>> -> memref<128xi32, #tpu.memory_space<vmem>>
      %dma_wait3A_281 = arith.constant 0 : i32
      %dma_wait3A_282 = arith.constant 0 : i32
      %dma_wait3A_283 = tpu.memref_slice %arg10[%dma_wait3A_281, %dma_wait3A_282] : memref<10240x128xf32, #tpu.memory_space<vmem_shared>> -> memref<10240x128xf32, #tpu.memory_space<vmem_shared>>
      tpu.wait_indirect_dma semaphore(%arg13 : memref<!tpu.dma_semaphore, #tpu.memory_space<semaphore_mem>>) src(%arg8 : memref<128x128xf32, #tpu.memory_space<vmem>>) dst(%dma_wait3A_283 : memref<10240x128xf32, #tpu.memory_space<vmem_shared>>)
      %lt3A = arith.constant 19 : i32
      %lt3A_284 = arith.cmpi slt, %add3A_236, %lt3A : i32
      %convert_element_type3A_285 = arith.extui %lt3A_284 : i1 to i32
      %cond3A_286 = arith.constant 0 : i32
      %cond3A_287 = arith.cmpi ne, %convert_element_type3A_285, %cond3A_286 : i32
      scf.if %cond3A_287 {
        %add3A_288 = arith.constant 2 : i32
        %add3A_289 = arith.addi %mul3A_238, %add3A_288 : i32
        %dma_start3A_290 = arith.constant 0 : i32
        %dma_start3A_291 = tpu.memref_slice %arg6[%add3A_289, %dma_start3A_290] : memref<40x128xi32, #tpu.memory_space<vmem>> -> memref<1x128xi32, #tpu.memory_space<vmem>>
        %dma_start3A_292 = tpu.memref_squeeze %dma_start3A_291 : memref<1x128xi32, #tpu.memory_space<vmem>> -> memref<128xi32, #tpu.memory_space<vmem>>
        %dma_start3A_293 = arith.constant 0 : i32
        %dma_start3A_294 = arith.constant 0 : i32
        %dma_start3A_295 = tpu.memref_slice %arg2[%dma_start3A_293, %dma_start3A_294] : memref<10240x128xf32, #tpu.memory_space<hbm>> -> memref<10240x128xf32, #tpu.memory_space<hbm>>
        tpu.enqueue_indirect_dma source(%dma_start3A_295 : memref<10240x128xf32, #tpu.memory_space<hbm>>) target(%arg8 : memref<128x128xf32, #tpu.memory_space<vmem>>) offsets(%dma_start3A_292 : memref<128xi32, #tpu.memory_space<vmem>>) semaphore(%arg11 : memref<!tpu.dma_semaphore, #tpu.memory_space<semaphore_mem>>)
      } else {
      }
    }
    %scan3A_89 = arith.constant 20 : i32
    %dma_wait3A_90 = arith.constant 0 : i32
    %dma_wait3A_91 = arith.constant 0 : i32
    %dma_wait3A_92 = tpu.memref_slice %arg7[%dma_wait3A_90, %dma_wait3A_91] : memref<40x128xi32, #tpu.memory_space<vmem>> -> memref<1x128xi32, #tpu.memory_space<vmem>>
    %dma_wait3A_93 = tpu.memref_squeeze %dma_wait3A_92 : memref<1x128xi32, #tpu.memory_space<vmem>> -> memref<128xi32, #tpu.memory_space<vmem>>
    %dma_wait3A_94 = arith.constant 0 : i32
    %dma_wait3A_95 = arith.constant 0 : i32
    %dma_wait3A_96 = tpu.memref_slice %arg10[%dma_wait3A_94, %dma_wait3A_95] : memref<10240x128xf32, #tpu.memory_space<vmem_shared>> -> memref<10240x128xf32, #tpu.memory_space<vmem_shared>>
    tpu.wait_indirect_dma semaphore(%arg14 : memref<!tpu.dma_semaphore, #tpu.memory_space<semaphore_mem>>) src(%arg9 : memref<128x128xf32, #tpu.memory_space<vmem>>) dst(%dma_wait3A_96 : memref<10240x128xf32, #tpu.memory_space<vmem_shared>>)
    %mul3A_97 = arith.constant 80 : i32
    %mul3A_98 = arith.muli %add3A, %mul3A_97 : i32
    %add3A_99 = arith.constant 40 : i32
    %add3A_100 = arith.addi %mul3A_98, %add3A_99 : i32
    %multiple_of3A_101 = tpu.assume_multiple %add3A_100, 8 : i32
    "tpu.region"() ({
      %run_scoped3A = tpu.sem_alloc : memref<!tpu.dma_semaphore, #tpu.memory_space<semaphore_mem>>
      %dma_start3A_232 = arith.constant 0 : i32
      %dma_start3A_233 = tpu.memref_slice %arg3[%multiple_of3A_101, %dma_start3A_232] : memref<2560x128xi32, #tpu.memory_space<hbm>> -> memref<40x128xi32, #tpu.memory_space<hbm>>
      %dma_start3A_234 = arith.constant 0 : i32
      %dma_start3A_235 = tpu.memref_slice %arg3[%multiple_of3A_101, %dma_start3A_234] : memref<2560x128xi32, #tpu.memory_space<hbm>> -> memref<40x128xi32, #tpu.memory_space<hbm>>
      tpu.enqueue_dma source(%dma_start3A_235 : memref<40x128xi32, #tpu.memory_space<hbm>>) target(%arg6 : memref<40x128xi32, #tpu.memory_space<vmem>>) target_semaphore(%run_scoped3A : memref<!tpu.dma_semaphore, #tpu.memory_space<semaphore_mem>>)
      %dma_wait3A_236 = arith.constant 0 : i32
      %dma_wait3A_237 = tpu.memref_slice %arg3[%multiple_of3A_101, %dma_wait3A_236] : memref<2560x128xi32, #tpu.memory_space<hbm>> -> memref<40x128xi32, #tpu.memory_space<hbm>>
      %dma_wait3A_238 = arith.constant 0 : i32
      %dma_wait3A_239 = tpu.memref_slice %arg3[%multiple_of3A_101, %dma_wait3A_238] : memref<2560x128xi32, #tpu.memory_space<hbm>> -> memref<40x128xi32, #tpu.memory_space<hbm>>
      tpu.wait_dma2 semaphore(%run_scoped3A : memref<!tpu.dma_semaphore, #tpu.memory_space<semaphore_mem>>) src(%dma_wait3A_239 : memref<40x128xi32, #tpu.memory_space<hbm>>) dst(%arg6 : memref<40x128xi32, #tpu.memory_space<vmem>>)
      tpu.yield
    }) : () -> ()
    "tpu.region"() ({
      %run_scoped3A = tpu.sem_alloc : memref<!tpu.dma_semaphore, #tpu.memory_space<semaphore_mem>>
      %dma_start3A_232 = arith.constant 0 : i32
      %dma_start3A_233 = tpu.memref_slice %arg4[%multiple_of3A_101, %dma_start3A_232] : memref<2560x128xi32, #tpu.memory_space<hbm>> -> memref<40x128xi32, #tpu.memory_space<hbm>>
      %dma_start3A_234 = arith.constant 0 : i32
      %dma_start3A_235 = tpu.memref_slice %arg4[%multiple_of3A_101, %dma_start3A_234] : memref<2560x128xi32, #tpu.memory_space<hbm>> -> memref<40x128xi32, #tpu.memory_space<hbm>>
      tpu.enqueue_dma source(%dma_start3A_235 : memref<40x128xi32, #tpu.memory_space<hbm>>) target(%arg7 : memref<40x128xi32, #tpu.memory_space<vmem>>) target_semaphore(%run_scoped3A : memref<!tpu.dma_semaphore, #tpu.memory_space<semaphore_mem>>)
      %dma_wait3A_236 = arith.constant 0 : i32
      %dma_wait3A_237 = tpu.memref_slice %arg4[%multiple_of3A_101, %dma_wait3A_236] : memref<2560x128xi32, #tpu.memory_space<hbm>> -> memref<40x128xi32, #tpu.memory_space<hbm>>
      %dma_wait3A_238 = arith.constant 0 : i32
      %dma_wait3A_239 = tpu.memref_slice %arg4[%multiple_of3A_101, %dma_wait3A_238] : memref<2560x128xi32, #tpu.memory_space<hbm>> -> memref<40x128xi32, #tpu.memory_space<hbm>>
      tpu.wait_dma2 semaphore(%run_scoped3A : memref<!tpu.dma_semaphore, #tpu.memory_space<semaphore_mem>>) src(%dma_wait3A_239 : memref<40x128xi32, #tpu.memory_space<hbm>>) dst(%arg7 : memref<40x128xi32, #tpu.memory_space<vmem>>)
      tpu.yield
    }) : () -> ()
    %dma_start3A_102 = arith.constant 0 : i32
    %dma_start3A_103 = arith.constant 0 : i32
    %dma_start3A_104 = tpu.memref_slice %arg6[%dma_start3A_102, %dma_start3A_103] : memref<40x128xi32, #tpu.memory_space<vmem>> -> memref<1x128xi32, #tpu.memory_space<vmem>>
    %dma_start3A_105 = tpu.memref_squeeze %dma_start3A_104 : memref<1x128xi32, #tpu.memory_space<vmem>> -> memref<128xi32, #tpu.memory_space<vmem>>
    %dma_start3A_106 = arith.constant 0 : i32
    %dma_start3A_107 = arith.constant 0 : i32
    %dma_start3A_108 = tpu.memref_slice %arg2[%dma_start3A_106, %dma_start3A_107] : memref<10240x128xf32, #tpu.memory_space<hbm>> -> memref<10240x128xf32, #tpu.memory_space<hbm>>
    tpu.enqueue_indirect_dma source(%dma_start3A_108 : memref<10240x128xf32, #tpu.memory_space<hbm>>) target(%arg8 : memref<128x128xf32, #tpu.memory_space<vmem>>) offsets(%dma_start3A_105 : memref<128xi32, #tpu.memory_space<vmem>>) semaphore(%arg11 : memref<!tpu.dma_semaphore, #tpu.memory_space<semaphore_mem>>)
    %scan3A_109 = arith.constant 0 : i32
    %scan3A_110 = arith.constant 20 : i32
    %scan3A_111 = arith.addi %scan3A_109, %scan3A_110 : i32
    %scan3A_112 = arith.constant 1 : i32
    scf.for %scan3A_232 = %scan3A_109 to %scan3A_111 step %scan3A_112  : i32 {
      %mul3A_233 = arith.constant 1 : i32
      %mul3A_234 = arith.muli %scan3A_232, %mul3A_233 : i32
      %add3A_235 = arith.constant 0 : i32
      %add3A_236 = arith.addi %add3A_235, %mul3A_234 : i32
      %mul3A_237 = arith.constant 2 : i32
      %mul3A_238 = arith.muli %mul3A_237, %add3A_236 : i32
      %dma_wait3A_239 = arith.constant 0 : i32
      %dma_wait3A_240 = arith.constant 0 : i32
      %dma_wait3A_241 = tpu.memref_slice %arg6[%dma_wait3A_239, %dma_wait3A_240] : memref<40x128xi32, #tpu.memory_space<vmem>> -> memref<1x128xi32, #tpu.memory_space<vmem>>
      %dma_wait3A_242 = tpu.memref_squeeze %dma_wait3A_241 : memref<1x128xi32, #tpu.memory_space<vmem>> -> memref<128xi32, #tpu.memory_space<vmem>>
      %dma_wait3A_243 = arith.constant 0 : i32
      %dma_wait3A_244 = arith.constant 0 : i32
      %dma_wait3A_245 = tpu.memref_slice %arg2[%dma_wait3A_243, %dma_wait3A_244] : memref<10240x128xf32, #tpu.memory_space<hbm>> -> memref<10240x128xf32, #tpu.memory_space<hbm>>
      tpu.wait_indirect_dma semaphore(%arg11 : memref<!tpu.dma_semaphore, #tpu.memory_space<semaphore_mem>>) src(%dma_wait3A_245 : memref<10240x128xf32, #tpu.memory_space<hbm>>) dst(%arg8 : memref<128x128xf32, #tpu.memory_space<vmem>>)
      %dma_start3A_246 = arith.constant 0 : i32
      %dma_start3A_247 = tpu.memref_slice %arg7[%mul3A_238, %dma_start3A_246] : memref<40x128xi32, #tpu.memory_space<vmem>> -> memref<1x128xi32, #tpu.memory_space<vmem>>
      %dma_start3A_248 = tpu.memref_squeeze %dma_start3A_247 : memref<1x128xi32, #tpu.memory_space<vmem>> -> memref<128xi32, #tpu.memory_space<vmem>>
      %dma_start3A_249 = arith.constant 0 : i32
      %dma_start3A_250 = arith.constant 0 : i32
      %dma_start3A_251 = tpu.memref_slice %arg10[%dma_start3A_249, %dma_start3A_250] : memref<10240x128xf32, #tpu.memory_space<vmem_shared>> -> memref<10240x128xf32, #tpu.memory_space<vmem_shared>>
      tpu.enqueue_indirect_dma source(%arg8 : memref<128x128xf32, #tpu.memory_space<vmem>>) target(%dma_start3A_251 : memref<10240x128xf32, #tpu.memory_space<vmem_shared>>) offsets(%dma_start3A_248 : memref<128xi32, #tpu.memory_space<vmem>>) semaphore(%arg13 : memref<!tpu.dma_semaphore, #tpu.memory_space<semaphore_mem>>) {add = true}
      %gt3A = arith.constant 0 : i32
      %gt3A_252 = arith.cmpi sgt, %add3A_236, %gt3A : i32
      %convert_element_type3A = arith.extui %gt3A_252 : i1 to i32
      %cond3A = arith.constant 0 : i32
      %cond3A_253 = arith.cmpi ne, %convert_element_type3A, %cond3A : i32
      scf.if %cond3A_253 {
        %dma_wait3A_288 = arith.constant 0 : i32
        %dma_wait3A_289 = arith.constant 0 : i32
        %dma_wait3A_290 = tpu.memref_slice %arg7[%dma_wait3A_288, %dma_wait3A_289] : memref<40x128xi32, #tpu.memory_space<vmem>> -> memref<1x128xi32, #tpu.memory_space<vmem>>
        %dma_wait3A_291 = tpu.memref_squeeze %dma_wait3A_290 : memref<1x128xi32, #tpu.memory_space<vmem>> -> memref<128xi32, #tpu.memory_space<vmem>>
        %dma_wait3A_292 = arith.constant 0 : i32
        %dma_wait3A_293 = arith.constant 0 : i32
        %dma_wait3A_294 = tpu.memref_slice %arg10[%dma_wait3A_292, %dma_wait3A_293] : memref<10240x128xf32, #tpu.memory_space<vmem_shared>> -> memref<10240x128xf32, #tpu.memory_space<vmem_shared>>
        tpu.wait_indirect_dma semaphore(%arg14 : memref<!tpu.dma_semaphore, #tpu.memory_space<semaphore_mem>>) src(%arg9 : memref<128x128xf32, #tpu.memory_space<vmem>>) dst(%dma_wait3A_294 : memref<10240x128xf32, #tpu.memory_space<vmem_shared>>)
      } else {
      }
      %add3A_254 = arith.constant 1 : i32
      %add3A_255 = arith.addi %mul3A_238, %add3A_254 : i32
      %dma_start3A_256 = arith.constant 0 : i32
      %dma_start3A_257 = tpu.memref_slice %arg6[%add3A_255, %dma_start3A_256] : memref<40x128xi32, #tpu.memory_space<vmem>> -> memref<1x128xi32, #tpu.memory_space<vmem>>
      %dma_start3A_258 = tpu.memref_squeeze %dma_start3A_257 : memref<1x128xi32, #tpu.memory_space<vmem>> -> memref<128xi32, #tpu.memory_space<vmem>>
      %dma_start3A_259 = arith.constant 0 : i32
      %dma_start3A_260 = arith.constant 0 : i32
      %dma_start3A_261 = tpu.memref_slice %arg2[%dma_start3A_259, %dma_start3A_260] : memref<10240x128xf32, #tpu.memory_space<hbm>> -> memref<10240x128xf32, #tpu.memory_space<hbm>>
      tpu.enqueue_indirect_dma source(%dma_start3A_261 : memref<10240x128xf32, #tpu.memory_space<hbm>>) target(%arg9 : memref<128x128xf32, #tpu.memory_space<vmem>>) offsets(%dma_start3A_258 : memref<128xi32, #tpu.memory_space<vmem>>) semaphore(%arg12 : memref<!tpu.dma_semaphore, #tpu.memory_space<semaphore_mem>>)
      %dma_wait3A_262 = arith.constant 0 : i32
      %dma_wait3A_263 = arith.constant 0 : i32
      %dma_wait3A_264 = tpu.memref_slice %arg6[%dma_wait3A_262, %dma_wait3A_263] : memref<40x128xi32, #tpu.memory_space<vmem>> -> memref<1x128xi32, #tpu.memory_space<vmem>>
      %dma_wait3A_265 = tpu.memref_squeeze %dma_wait3A_264 : memref<1x128xi32, #tpu.memory_space<vmem>> -> memref<128xi32, #tpu.memory_space<vmem>>
      %dma_wait3A_266 = arith.constant 0 : i32
      %dma_wait3A_267 = arith.constant 0 : i32
      %dma_wait3A_268 = tpu.memref_slice %arg2[%dma_wait3A_266, %dma_wait3A_267] : memref<10240x128xf32, #tpu.memory_space<hbm>> -> memref<10240x128xf32, #tpu.memory_space<hbm>>
      tpu.wait_indirect_dma semaphore(%arg12 : memref<!tpu.dma_semaphore, #tpu.memory_space<semaphore_mem>>) src(%dma_wait3A_268 : memref<10240x128xf32, #tpu.memory_space<hbm>>) dst(%arg9 : memref<128x128xf32, #tpu.memory_space<vmem>>)
      %add3A_269 = arith.constant 1 : i32
      %add3A_270 = arith.addi %mul3A_238, %add3A_269 : i32
      %dma_start3A_271 = arith.constant 0 : i32
      %dma_start3A_272 = tpu.memref_slice %arg7[%add3A_270, %dma_start3A_271] : memref<40x128xi32, #tpu.memory_space<vmem>> -> memref<1x128xi32, #tpu.memory_space<vmem>>
      %dma_start3A_273 = tpu.memref_squeeze %dma_start3A_272 : memref<1x128xi32, #tpu.memory_space<vmem>> -> memref<128xi32, #tpu.memory_space<vmem>>
      %dma_start3A_274 = arith.constant 0 : i32
      %dma_start3A_275 = arith.constant 0 : i32
      %dma_start3A_276 = tpu.memref_slice %arg10[%dma_start3A_274, %dma_start3A_275] : memref<10240x128xf32, #tpu.memory_space<vmem_shared>> -> memref<10240x128xf32, #tpu.memory_space<vmem_shared>>
      tpu.enqueue_indirect_dma source(%arg9 : memref<128x128xf32, #tpu.memory_space<vmem>>) target(%dma_start3A_276 : memref<10240x128xf32, #tpu.memory_space<vmem_shared>>) offsets(%dma_start3A_273 : memref<128xi32, #tpu.memory_space<vmem>>) semaphore(%arg14 : memref<!tpu.dma_semaphore, #tpu.memory_space<semaphore_mem>>) {add = true}
      %dma_wait3A_277 = arith.constant 0 : i32
      %dma_wait3A_278 = arith.constant 0 : i32
      %dma_wait3A_279 = tpu.memref_slice %arg7[%dma_wait3A_277, %dma_wait3A_278] : memref<40x128xi32, #tpu.memory_space<vmem>> -> memref<1x128xi32, #tpu.memory_space<vmem>>
      %dma_wait3A_280 = tpu.memref_squeeze %dma_wait3A_279 : memref<1x128xi32, #tpu.memory_space<vmem>> -> memref<128xi32, #tpu.memory_space<vmem>>
      %dma_wait3A_281 = arith.constant 0 : i32
      %dma_wait3A_282 = arith.constant 0 : i32
      %dma_wait3A_283 = tpu.memref_slice %arg10[%dma_wait3A_281, %dma_wait3A_282] : memref<10240x128xf32, #tpu.memory_space<vmem_shared>> -> memref<10240x128xf32, #tpu.memory_space<vmem_shared>>
      tpu.wait_indirect_dma semaphore(%arg13 : memref<!tpu.dma_semaphore, #tpu.memory_space<semaphore_mem>>) src(%arg8 : memref<128x128xf32, #tpu.memory_space<vmem>>) dst(%dma_wait3A_283 : memref<10240x128xf32, #tpu.memory_space<vmem_shared>>)
      %lt3A = arith.constant 19 : i32
      %lt3A_284 = arith.cmpi slt, %add3A_236, %lt3A : i32
      %convert_element_type3A_285 = arith.extui %lt3A_284 : i1 to i32
      %cond3A_286 = arith.constant 0 : i32
      %cond3A_287 = arith.cmpi ne, %convert_element_type3A_285, %cond3A_286 : i32
      scf.if %cond3A_287 {
        %add3A_288 = arith.constant 2 : i32
        %add3A_289 = arith.addi %mul3A_238, %add3A_288 : i32
        %dma_start3A_290 = arith.constant 0 : i32
        %dma_start3A_291 = tpu.memref_slice %arg6[%add3A_289, %dma_start3A_290] : memref<40x128xi32, #tpu.memory_space<vmem>> -> memref<1x128xi32, #tpu.memory_space<vmem>>
        %dma_start3A_292 = tpu.memref_squeeze %dma_start3A_291 : memref<1x128xi32, #tpu.memory_space<vmem>> -> memref<128xi32, #tpu.memory_space<vmem>>
        %dma_start3A_293 = arith.constant 0 : i32
        %dma_start3A_294 = arith.constant 0 : i32
        %dma_start3A_295 = tpu.memref_slice %arg2[%dma_start3A_293, %dma_start3A_294] : memref<10240x128xf32, #tpu.memory_space<hbm>> -> memref<10240x128xf32, #tpu.memory_space<hbm>>
        tpu.enqueue_indirect_dma source(%dma_start3A_295 : memref<10240x128xf32, #tpu.memory_space<hbm>>) target(%arg8 : memref<128x128xf32, #tpu.memory_space<vmem>>) offsets(%dma_start3A_292 : memref<128xi32, #tpu.memory_space<vmem>>) semaphore(%arg11 : memref<!tpu.dma_semaphore, #tpu.memory_space<semaphore_mem>>)
      } else {
      }
    }
    %scan3A_113 = arith.constant 20 : i32
    %dma_wait3A_114 = arith.constant 0 : i32
    %dma_wait3A_115 = arith.constant 0 : i32
    %dma_wait3A_116 = tpu.memref_slice %arg7[%dma_wait3A_114, %dma_wait3A_115] : memref<40x128xi32, #tpu.memory_space<vmem>> -> memref<1x128xi32, #tpu.memory_space<vmem>>
    %dma_wait3A_117 = tpu.memref_squeeze %dma_wait3A_116 : memref<1x128xi32, #tpu.memory_space<vmem>> -> memref<128xi32, #tpu.memory_space<vmem>>
    %dma_wait3A_118 = arith.constant 0 : i32
    %dma_wait3A_119 = arith.constant 0 : i32
    %dma_wait3A_120 = tpu.memref_slice %arg10[%dma_wait3A_118, %dma_wait3A_119] : memref<10240x128xf32, #tpu.memory_space<vmem_shared>> -> memref<10240x128xf32, #tpu.memory_space<vmem_shared>>
    tpu.wait_indirect_dma semaphore(%arg14 : memref<!tpu.dma_semaphore, #tpu.memory_space<semaphore_mem>>) src(%arg9 : memref<128x128xf32, #tpu.memory_space<vmem>>) dst(%dma_wait3A_120 : memref<10240x128xf32, #tpu.memory_space<vmem_shared>>)
    %barrier3A_121 = arith.constant 0 : index
    tpu.barrier barrier_id(%barrier3A_121)
    %mul3A_122 = arith.constant 640 : i32
    %mul3A_123 = arith.muli %arg1, %mul3A_122 : i32
    %add3A_124 = arith.constant 0 : i32
    %add3A_125 = arith.addi %mul3A_123, %add3A_124 : i32
    "tpu.region"() ({
      %run_scoped3A = tpu.sem_alloc : memref<!tpu.dma_semaphore, #tpu.memory_space<semaphore_mem>>
      %dma_start3A_232 = arith.constant 0 : i32
      %dma_start3A_233 = tpu.memref_slice %arg10[%add3A_125, %dma_start3A_232] : memref<10240x128xf32, #tpu.memory_space<vmem_shared>> -> memref<128x128xf32, #tpu.memory_space<vmem_shared>>
      %dma_start3A_234 = arith.constant 0 : i32
      %dma_start3A_235 = tpu.memref_slice %arg10[%add3A_125, %dma_start3A_234] : memref<10240x128xf32, #tpu.memory_space<vmem_shared>> -> memref<128x128xf32, #tpu.memory_space<vmem_shared>>
      tpu.enqueue_dma source(%dma_start3A_235 : memref<128x128xf32, #tpu.memory_space<vmem_shared>>) target(%arg8 : memref<128x128xf32, #tpu.memory_space<vmem>>) target_semaphore(%run_scoped3A : memref<!tpu.dma_semaphore, #tpu.memory_space<semaphore_mem>>)
      %dma_wait3A_236 = arith.constant 0 : i32
      %dma_wait3A_237 = tpu.memref_slice %arg10[%add3A_125, %dma_wait3A_236] : memref<10240x128xf32, #tpu.memory_space<vmem_shared>> -> memref<128x128xf32, #tpu.memory_space<vmem_shared>>
      %dma_wait3A_238 = arith.constant 0 : i32
      %dma_wait3A_239 = tpu.memref_slice %arg10[%add3A_125, %dma_wait3A_238] : memref<10240x128xf32, #tpu.memory_space<vmem_shared>> -> memref<128x128xf32, #tpu.memory_space<vmem_shared>>
      tpu.wait_dma2 semaphore(%run_scoped3A : memref<!tpu.dma_semaphore, #tpu.memory_space<semaphore_mem>>) src(%dma_wait3A_239 : memref<128x128xf32, #tpu.memory_space<vmem_shared>>) dst(%arg8 : memref<128x128xf32, #tpu.memory_space<vmem>>)
      tpu.yield
    }) : () -> ()
    %mul3A_126 = arith.constant 640 : i32
    %mul3A_127 = arith.muli %arg1, %mul3A_126 : i32
    %add3A_128 = arith.constant 0 : i32
    %add3A_129 = arith.addi %mul3A_127, %add3A_128 : i32
    %dma_start3A_130 = arith.constant 0 : i32
    %dma_start3A_131 = tpu.memref_slice %arg5[%arg0, %add3A_129, %dma_start3A_130] : memref<2x10240x128xf32, #tpu.memory_space<hbm>> -> memref<1x128x128xf32, #tpu.memory_space<hbm>>
    %dma_start3A_132 = tpu.memref_squeeze %dma_start3A_131 : memref<1x128x128xf32, #tpu.memory_space<hbm>> -> memref<128x128xf32, #tpu.memory_space<hbm>>
    %dma_start3A_133 = arith.constant 0 : i32
    %dma_start3A_134 = tpu.memref_slice %arg5[%arg0, %add3A_129, %dma_start3A_133] : memref<2x10240x128xf32, #tpu.memory_space<hbm>> -> memref<1x128x128xf32, #tpu.memory_space<hbm>>
    %dma_start3A_135 = tpu.memref_squeeze %dma_start3A_134 : memref<1x128x128xf32, #tpu.memory_space<hbm>> -> memref<128x128xf32, #tpu.memory_space<hbm>>
    tpu.enqueue_dma source(%arg8 : memref<128x128xf32, #tpu.memory_space<vmem>>) target(%dma_start3A_135 : memref<128x128xf32, #tpu.memory_space<hbm>>) target_semaphore(%arg11 : memref<!tpu.dma_semaphore, #tpu.memory_space<semaphore_mem>>)
    %mul3A_136 = arith.constant 640 : i32
    %mul3A_137 = arith.muli %arg1, %mul3A_136 : i32
    %add3A_138 = arith.constant 128 : i32
    %add3A_139 = arith.addi %mul3A_137, %add3A_138 : i32
    "tpu.region"() ({
      %run_scoped3A = tpu.sem_alloc : memref<!tpu.dma_semaphore, #tpu.memory_space<semaphore_mem>>
      %dma_start3A_232 = arith.constant 0 : i32
      %dma_start3A_233 = tpu.memref_slice %arg10[%add3A_139, %dma_start3A_232] : memref<10240x128xf32, #tpu.memory_space<vmem_shared>> -> memref<128x128xf32, #tpu.memory_space<vmem_shared>>
      %dma_start3A_234 = arith.constant 0 : i32
      %dma_start3A_235 = tpu.memref_slice %arg10[%add3A_139, %dma_start3A_234] : memref<10240x128xf32, #tpu.memory_space<vmem_shared>> -> memref<128x128xf32, #tpu.memory_space<vmem_shared>>
      tpu.enqueue_dma source(%dma_start3A_235 : memref<128x128xf32, #tpu.memory_space<vmem_shared>>) target(%arg9 : memref<128x128xf32, #tpu.memory_space<vmem>>) target_semaphore(%run_scoped3A : memref<!tpu.dma_semaphore, #tpu.memory_space<semaphore_mem>>)
      %dma_wait3A_236 = arith.constant 0 : i32
      %dma_wait3A_237 = tpu.memref_slice %arg10[%add3A_139, %dma_wait3A_236] : memref<10240x128xf32, #tpu.memory_space<vmem_shared>> -> memref<128x128xf32, #tpu.memory_space<vmem_shared>>
      %dma_wait3A_238 = arith.constant 0 : i32
      %dma_wait3A_239 = tpu.memref_slice %arg10[%add3A_139, %dma_wait3A_238] : memref<10240x128xf32, #tpu.memory_space<vmem_shared>> -> memref<128x128xf32, #tpu.memory_space<vmem_shared>>
      tpu.wait_dma2 semaphore(%run_scoped3A : memref<!tpu.dma_semaphore, #tpu.memory_space<semaphore_mem>>) src(%dma_wait3A_239 : memref<128x128xf32, #tpu.memory_space<vmem_shared>>) dst(%arg9 : memref<128x128xf32, #tpu.memory_space<vmem>>)
      tpu.yield
    }) : () -> ()
    %mul3A_140 = arith.constant 640 : i32
    %mul3A_141 = arith.muli %arg1, %mul3A_140 : i32
    %add3A_142 = arith.constant 128 : i32
    %add3A_143 = arith.addi %mul3A_141, %add3A_142 : i32
    %dma_start3A_144 = arith.constant 0 : i32
    %dma_start3A_145 = tpu.memref_slice %arg5[%arg0, %add3A_143, %dma_start3A_144] : memref<2x10240x128xf32, #tpu.memory_space<hbm>> -> memref<1x128x128xf32, #tpu.memory_space<hbm>>
    %dma_start3A_146 = tpu.memref_squeeze %dma_start3A_145 : memref<1x128x128xf32, #tpu.memory_space<hbm>> -> memref<128x128xf32, #tpu.memory_space<hbm>>
    %dma_start3A_147 = arith.constant 0 : i32
    %dma_start3A_148 = tpu.memref_slice %arg5[%arg0, %add3A_143, %dma_start3A_147] : memref<2x10240x128xf32, #tpu.memory_space<hbm>> -> memref<1x128x128xf32, #tpu.memory_space<hbm>>
    %dma_start3A_149 = tpu.memref_squeeze %dma_start3A_148 : memref<1x128x128xf32, #tpu.memory_space<hbm>> -> memref<128x128xf32, #tpu.memory_space<hbm>>
    tpu.enqueue_dma source(%arg9 : memref<128x128xf32, #tpu.memory_space<vmem>>) target(%dma_start3A_149 : memref<128x128xf32, #tpu.memory_space<hbm>>) target_semaphore(%arg12 : memref<!tpu.dma_semaphore, #tpu.memory_space<semaphore_mem>>)
    %mul3A_150 = arith.constant 640 : i32
    %mul3A_151 = arith.muli %arg1, %mul3A_150 : i32
    %dma_wait3A_152 = arith.constant 0 : i32
    %dma_wait3A_153 = tpu.memref_slice %arg5[%arg0, %mul3A_151, %dma_wait3A_152] : memref<2x10240x128xf32, #tpu.memory_space<hbm>> -> memref<1x128x128xf32, #tpu.memory_space<hbm>>
    %dma_wait3A_154 = tpu.memref_squeeze %dma_wait3A_153 : memref<1x128x128xf32, #tpu.memory_space<hbm>> -> memref<128x128xf32, #tpu.memory_space<hbm>>
    %dma_wait3A_155 = arith.constant 0 : i32
    %dma_wait3A_156 = tpu.memref_slice %arg5[%arg0, %mul3A_151, %dma_wait3A_155] : memref<2x10240x128xf32, #tpu.memory_space<hbm>> -> memref<1x128x128xf32, #tpu.memory_space<hbm>>
    %dma_wait3A_157 = tpu.memref_squeeze %dma_wait3A_156 : memref<1x128x128xf32, #tpu.memory_space<hbm>> -> memref<128x128xf32, #tpu.memory_space<hbm>>
    tpu.wait_dma2 semaphore(%arg11 : memref<!tpu.dma_semaphore, #tpu.memory_space<semaphore_mem>>) src(%arg8 : memref<128x128xf32, #tpu.memory_space<vmem>>) dst(%dma_wait3A_157 : memref<128x128xf32, #tpu.memory_space<hbm>>)
    %mul3A_158 = arith.constant 640 : i32
    %mul3A_159 = arith.muli %arg1, %mul3A_158 : i32
    %add3A_160 = arith.constant 256 : i32
    %add3A_161 = arith.addi %mul3A_159, %add3A_160 : i32
    "tpu.region"() ({
      %run_scoped3A = tpu.sem_alloc : memref<!tpu.dma_semaphore, #tpu.memory_space<semaphore_mem>>
      %dma_start3A_232 = arith.constant 0 : i32
      %dma_start3A_233 = tpu.memref_slice %arg10[%add3A_161, %dma_start3A_232] : memref<10240x128xf32, #tpu.memory_space<vmem_shared>> -> memref<128x128xf32, #tpu.memory_space<vmem_shared>>
      %dma_start3A_234 = arith.constant 0 : i32
      %dma_start3A_235 = tpu.memref_slice %arg10[%add3A_161, %dma_start3A_234] : memref<10240x128xf32, #tpu.memory_space<vmem_shared>> -> memref<128x128xf32, #tpu.memory_space<vmem_shared>>
      tpu.enqueue_dma source(%dma_start3A_235 : memref<128x128xf32, #tpu.memory_space<vmem_shared>>) target(%arg8 : memref<128x128xf32, #tpu.memory_space<vmem>>) target_semaphore(%run_scoped3A : memref<!tpu.dma_semaphore, #tpu.memory_space<semaphore_mem>>)
      %dma_wait3A_236 = arith.constant 0 : i32
      %dma_wait3A_237 = tpu.memref_slice %arg10[%add3A_161, %dma_wait3A_236] : memref<10240x128xf32, #tpu.memory_space<vmem_shared>> -> memref<128x128xf32, #tpu.memory_space<vmem_shared>>
      %dma_wait3A_238 = arith.constant 0 : i32
      %dma_wait3A_239 = tpu.memref_slice %arg10[%add3A_161, %dma_wait3A_238] : memref<10240x128xf32, #tpu.memory_space<vmem_shared>> -> memref<128x128xf32, #tpu.memory_space<vmem_shared>>
      tpu.wait_dma2 semaphore(%run_scoped3A : memref<!tpu.dma_semaphore, #tpu.memory_space<semaphore_mem>>) src(%dma_wait3A_239 : memref<128x128xf32, #tpu.memory_space<vmem_shared>>) dst(%arg8 : memref<128x128xf32, #tpu.memory_space<vmem>>)
      tpu.yield
    }) : () -> ()
    %mul3A_162 = arith.constant 640 : i32
    %mul3A_163 = arith.muli %arg1, %mul3A_162 : i32
    %add3A_164 = arith.constant 256 : i32
    %add3A_165 = arith.addi %mul3A_163, %add3A_164 : i32
    %dma_start3A_166 = arith.constant 0 : i32
    %dma_start3A_167 = tpu.memref_slice %arg5[%arg0, %add3A_165, %dma_start3A_166] : memref<2x10240x128xf32, #tpu.memory_space<hbm>> -> memref<1x128x128xf32, #tpu.memory_space<hbm>>
    %dma_start3A_168 = tpu.memref_squeeze %dma_start3A_167 : memref<1x128x128xf32, #tpu.memory_space<hbm>> -> memref<128x128xf32, #tpu.memory_space<hbm>>
    %dma_start3A_169 = arith.constant 0 : i32
    %dma_start3A_170 = tpu.memref_slice %arg5[%arg0, %add3A_165, %dma_start3A_169] : memref<2x10240x128xf32, #tpu.memory_space<hbm>> -> memref<1x128x128xf32, #tpu.memory_space<hbm>>
    %dma_start3A_171 = tpu.memref_squeeze %dma_start3A_170 : memref<1x128x128xf32, #tpu.memory_space<hbm>> -> memref<128x128xf32, #tpu.memory_space<hbm>>
    tpu.enqueue_dma source(%arg8 : memref<128x128xf32, #tpu.memory_space<vmem>>) target(%dma_start3A_171 : memref<128x128xf32, #tpu.memory_space<hbm>>) target_semaphore(%arg11 : memref<!tpu.dma_semaphore, #tpu.memory_space<semaphore_mem>>)
    %mul3A_172 = arith.constant 640 : i32
    %mul3A_173 = arith.muli %arg1, %mul3A_172 : i32
    %dma_wait3A_174 = arith.constant 0 : i32
    %dma_wait3A_175 = tpu.memref_slice %arg5[%arg0, %mul3A_173, %dma_wait3A_174] : memref<2x10240x128xf32, #tpu.memory_space<hbm>> -> memref<1x128x128xf32, #tpu.memory_space<hbm>>
    %dma_wait3A_176 = tpu.memref_squeeze %dma_wait3A_175 : memref<1x128x128xf32, #tpu.memory_space<hbm>> -> memref<128x128xf32, #tpu.memory_space<hbm>>
    %dma_wait3A_177 = arith.constant 0 : i32
    %dma_wait3A_178 = tpu.memref_slice %arg5[%arg0, %mul3A_173, %dma_wait3A_177] : memref<2x10240x128xf32, #tpu.memory_space<hbm>> -> memref<1x128x128xf32, #tpu.memory_space<hbm>>
    %dma_wait3A_179 = tpu.memref_squeeze %dma_wait3A_178 : memref<1x128x128xf32, #tpu.memory_space<hbm>> -> memref<128x128xf32, #tpu.memory_space<hbm>>
    tpu.wait_dma2 semaphore(%arg12 : memref<!tpu.dma_semaphore, #tpu.memory_space<semaphore_mem>>) src(%arg9 : memref<128x128xf32, #tpu.memory_space<vmem>>) dst(%dma_wait3A_179 : memref<128x128xf32, #tpu.memory_space<hbm>>)
    %mul3A_180 = arith.constant 640 : i32
    %mul3A_181 = arith.muli %arg1, %mul3A_180 : i32
    %add3A_182 = arith.constant 384 : i32
    %add3A_183 = arith.addi %mul3A_181, %add3A_182 : i32
    "tpu.region"() ({
      %run_scoped3A = tpu.sem_alloc : memref<!tpu.dma_semaphore, #tpu.memory_space<semaphore_mem>>
      %dma_start3A_232 = arith.constant 0 : i32
      %dma_start3A_233 = tpu.memref_slice %arg10[%add3A_183, %dma_start3A_232] : memref<10240x128xf32, #tpu.memory_space<vmem_shared>> -> memref<128x128xf32, #tpu.memory_space<vmem_shared>>
      %dma_start3A_234 = arith.constant 0 : i32
      %dma_start3A_235 = tpu.memref_slice %arg10[%add3A_183, %dma_start3A_234] : memref<10240x128xf32, #tpu.memory_space<vmem_shared>> -> memref<128x128xf32, #tpu.memory_space<vmem_shared>>
      tpu.enqueue_dma source(%dma_start3A_235 : memref<128x128xf32, #tpu.memory_space<vmem_shared>>) target(%arg9 : memref<128x128xf32, #tpu.memory_space<vmem>>) target_semaphore(%run_scoped3A : memref<!tpu.dma_semaphore, #tpu.memory_space<semaphore_mem>>)
      %dma_wait3A_236 = arith.constant 0 : i32
      %dma_wait3A_237 = tpu.memref_slice %arg10[%add3A_183, %dma_wait3A_236] : memref<10240x128xf32, #tpu.memory_space<vmem_shared>> -> memref<128x128xf32, #tpu.memory_space<vmem_shared>>
      %dma_wait3A_238 = arith.constant 0 : i32
      %dma_wait3A_239 = tpu.memref_slice %arg10[%add3A_183, %dma_wait3A_238] : memref<10240x128xf32, #tpu.memory_space<vmem_shared>> -> memref<128x128xf32, #tpu.memory_space<vmem_shared>>
      tpu.wait_dma2 semaphore(%run_scoped3A : memref<!tpu.dma_semaphore, #tpu.memory_space<semaphore_mem>>) src(%dma_wait3A_239 : memref<128x128xf32, #tpu.memory_space<vmem_shared>>) dst(%arg9 : memref<128x128xf32, #tpu.memory_space<vmem>>)
      tpu.yield
    }) : () -> ()
    %mul3A_184 = arith.constant 640 : i32
    %mul3A_185 = arith.muli %arg1, %mul3A_184 : i32
    %add3A_186 = arith.constant 384 : i32
    %add3A_187 = arith.addi %mul3A_185, %add3A_186 : i32
    %dma_start3A_188 = arith.constant 0 : i32
    %dma_start3A_189 = tpu.memref_slice %arg5[%arg0, %add3A_187, %dma_start3A_188] : memref<2x10240x128xf32, #tpu.memory_space<hbm>> -> memref<1x128x128xf32, #tpu.memory_space<hbm>>
    %dma_start3A_190 = tpu.memref_squeeze %dma_start3A_189 : memref<1x128x128xf32, #tpu.memory_space<hbm>> -> memref<128x128xf32, #tpu.memory_space<hbm>>
    %dma_start3A_191 = arith.constant 0 : i32
    %dma_start3A_192 = tpu.memref_slice %arg5[%arg0, %add3A_187, %dma_start3A_191] : memref<2x10240x128xf32, #tpu.memory_space<hbm>> -> memref<1x128x128xf32, #tpu.memory_space<hbm>>
    %dma_start3A_193 = tpu.memref_squeeze %dma_start3A_192 : memref<1x128x128xf32, #tpu.memory_space<hbm>> -> memref<128x128xf32, #tpu.memory_space<hbm>>
    tpu.enqueue_dma source(%arg9 : memref<128x128xf32, #tpu.memory_space<vmem>>) target(%dma_start3A_193 : memref<128x128xf32, #tpu.memory_space<hbm>>) target_semaphore(%arg12 : memref<!tpu.dma_semaphore, #tpu.memory_space<semaphore_mem>>)
    %mul3A_194 = arith.constant 640 : i32
    %mul3A_195 = arith.muli %arg1, %mul3A_194 : i32
    %dma_wait3A_196 = arith.constant 0 : i32
    %dma_wait3A_197 = tpu.memref_slice %arg5[%arg0, %mul3A_195, %dma_wait3A_196] : memref<2x10240x128xf32, #tpu.memory_space<hbm>> -> memref<1x128x128xf32, #tpu.memory_space<hbm>>
    %dma_wait3A_198 = tpu.memref_squeeze %dma_wait3A_197 : memref<1x128x128xf32, #tpu.memory_space<hbm>> -> memref<128x128xf32, #tpu.memory_space<hbm>>
    %dma_wait3A_199 = arith.constant 0 : i32
    %dma_wait3A_200 = tpu.memref_slice %arg5[%arg0, %mul3A_195, %dma_wait3A_199] : memref<2x10240x128xf32, #tpu.memory_space<hbm>> -> memref<1x128x128xf32, #tpu.memory_space<hbm>>
    %dma_wait3A_201 = tpu.memref_squeeze %dma_wait3A_200 : memref<1x128x128xf32, #tpu.memory_space<hbm>> -> memref<128x128xf32, #tpu.memory_space<hbm>>
    tpu.wait_dma2 semaphore(%arg11 : memref<!tpu.dma_semaphore, #tpu.memory_space<semaphore_mem>>) src(%arg8 : memref<128x128xf32, #tpu.memory_space<vmem>>) dst(%dma_wait3A_201 : memref<128x128xf32, #tpu.memory_space<hbm>>)
    %mul3A_202 = arith.constant 640 : i32
    %mul3A_203 = arith.muli %arg1, %mul3A_202 : i32
    %add3A_204 = arith.constant 512 : i32
    %add3A_205 = arith.addi %mul3A_203, %add3A_204 : i32
    "tpu.region"() ({
      %run_scoped3A = tpu.sem_alloc : memref<!tpu.dma_semaphore, #tpu.memory_space<semaphore_mem>>
      %dma_start3A_232 = arith.constant 0 : i32
      %dma_start3A_233 = tpu.memref_slice %arg10[%add3A_205, %dma_start3A_232] : memref<10240x128xf32, #tpu.memory_space<vmem_shared>> -> memref<128x128xf32, #tpu.memory_space<vmem_shared>>
      %dma_start3A_234 = arith.constant 0 : i32
      %dma_start3A_235 = tpu.memref_slice %arg10[%add3A_205, %dma_start3A_234] : memref<10240x128xf32, #tpu.memory_space<vmem_shared>> -> memref<128x128xf32, #tpu.memory_space<vmem_shared>>
      tpu.enqueue_dma source(%dma_start3A_235 : memref<128x128xf32, #tpu.memory_space<vmem_shared>>) target(%arg8 : memref<128x128xf32, #tpu.memory_space<vmem>>) target_semaphore(%run_scoped3A : memref<!tpu.dma_semaphore, #tpu.memory_space<semaphore_mem>>)
      %dma_wait3A_236 = arith.constant 0 : i32
      %dma_wait3A_237 = tpu.memref_slice %arg10[%add3A_205, %dma_wait3A_236] : memref<10240x128xf32, #tpu.memory_space<vmem_shared>> -> memref<128x128xf32, #tpu.memory_space<vmem_shared>>
      %dma_wait3A_238 = arith.constant 0 : i32
      %dma_wait3A_239 = tpu.memref_slice %arg10[%add3A_205, %dma_wait3A_238] : memref<10240x128xf32, #tpu.memory_space<vmem_shared>> -> memref<128x128xf32, #tpu.memory_space<vmem_shared>>
      tpu.wait_dma2 semaphore(%run_scoped3A : memref<!tpu.dma_semaphore, #tpu.memory_space<semaphore_mem>>) src(%dma_wait3A_239 : memref<128x128xf32, #tpu.memory_space<vmem_shared>>) dst(%arg8 : memref<128x128xf32, #tpu.memory_space<vmem>>)
      tpu.yield
    }) : () -> ()
    %mul3A_206 = arith.constant 640 : i32
    %mul3A_207 = arith.muli %arg1, %mul3A_206 : i32
    %add3A_208 = arith.constant 512 : i32
    %add3A_209 = arith.addi %mul3A_207, %add3A_208 : i32
    %dma_start3A_210 = arith.constant 0 : i32
    %dma_start3A_211 = tpu.memref_slice %arg5[%arg0, %add3A_209, %dma_start3A_210] : memref<2x10240x128xf32, #tpu.memory_space<hbm>> -> memref<1x128x128xf32, #tpu.memory_space<hbm>>
    %dma_start3A_212 = tpu.memref_squeeze %dma_start3A_211 : memref<1x128x128xf32, #tpu.memory_space<hbm>> -> memref<128x128xf32, #tpu.memory_space<hbm>>
    %dma_start3A_213 = arith.constant 0 : i32
    %dma_start3A_214 = tpu.memref_slice %arg5[%arg0, %add3A_209, %dma_start3A_213] : memref<2x10240x128xf32, #tpu.memory_space<hbm>> -> memref<1x128x128xf32, #tpu.memory_space<hbm>>
    %dma_start3A_215 = tpu.memref_squeeze %dma_start3A_214 : memref<1x128x128xf32, #tpu.memory_space<hbm>> -> memref<128x128xf32, #tpu.memory_space<hbm>>
    tpu.enqueue_dma source(%arg8 : memref<128x128xf32, #tpu.memory_space<vmem>>) target(%dma_start3A_215 : memref<128x128xf32, #tpu.memory_space<hbm>>) target_semaphore(%arg11 : memref<!tpu.dma_semaphore, #tpu.memory_space<semaphore_mem>>)
    %mul3A_216 = arith.constant 640 : i32
    %mul3A_217 = arith.muli %arg1, %mul3A_216 : i32
    %dma_wait3A_218 = arith.constant 0 : i32
    %dma_wait3A_219 = tpu.memref_slice %arg5[%arg0, %mul3A_217, %dma_wait3A_218] : memref<2x10240x128xf32, #tpu.memory_space<hbm>> -> memref<1x128x128xf32, #tpu.memory_space<hbm>>
    %dma_wait3A_220 = tpu.memref_squeeze %dma_wait3A_219 : memref<1x128x128xf32, #tpu.memory_space<hbm>> -> memref<128x128xf32, #tpu.memory_space<hbm>>
    %dma_wait3A_221 = arith.constant 0 : i32
    %dma_wait3A_222 = tpu.memref_slice %arg5[%arg0, %mul3A_217, %dma_wait3A_221] : memref<2x10240x128xf32, #tpu.memory_space<hbm>> -> memref<1x128x128xf32, #tpu.memory_space<hbm>>
    %dma_wait3A_223 = tpu.memref_squeeze %dma_wait3A_222 : memref<1x128x128xf32, #tpu.memory_space<hbm>> -> memref<128x128xf32, #tpu.memory_space<hbm>>
    tpu.wait_dma2 semaphore(%arg11 : memref<!tpu.dma_semaphore, #tpu.memory_space<semaphore_mem>>) src(%arg8 : memref<128x128xf32, #tpu.memory_space<vmem>>) dst(%dma_wait3A_223 : memref<128x128xf32, #tpu.memory_space<hbm>>)
    %mul3A_224 = arith.constant 640 : i32
    %mul3A_225 = arith.muli %arg1, %mul3A_224 : i32
    %dma_wait3A_226 = arith.constant 0 : i32
    %dma_wait3A_227 = tpu.memref_slice %arg5[%arg0, %mul3A_225, %dma_wait3A_226] : memref<2x10240x128xf32, #tpu.memory_space<hbm>> -> memref<1x128x128xf32, #tpu.memory_space<hbm>>
    %dma_wait3A_228 = tpu.memref_squeeze %dma_wait3A_227 : memref<1x128x128xf32, #tpu.memory_space<hbm>> -> memref<128x128xf32, #tpu.memory_space<hbm>>
    %dma_wait3A_229 = arith.constant 0 : i32
    %dma_wait3A_230 = tpu.memref_slice %arg5[%arg0, %mul3A_225, %dma_wait3A_229] : memref<2x10240x128xf32, #tpu.memory_space<hbm>> -> memref<1x128x128xf32, #tpu.memory_space<hbm>>
    %dma_wait3A_231 = tpu.memref_squeeze %dma_wait3A_230 : memref<1x128x128xf32, #tpu.memory_space<hbm>> -> memref<128x128xf32, #tpu.memory_space<hbm>>
    tpu.wait_dma2 semaphore(%arg12 : memref<!tpu.dma_semaphore, #tpu.memory_space<semaphore_mem>>) src(%arg9 : memref<128x128xf32, #tpu.memory_space<vmem>>) dst(%dma_wait3A_231 : memref<128x128xf32, #tpu.memory_space<hbm>>)
    return
  }
}

module attributes {stable_mosaic.version = 14 : i64} {
  func.func @body(%arg0: i32, %arg1: memref<512x1xi32, #tpu.memory_space<vmem>>, %arg2: memref<128x128xf32, #tpu.memory_space<vmem>>, %arg3: memref<32x512xf32, #tpu.memory_space<vmem>>, %arg4: memref<128x128xf32, #tpu.memory_space<vmem>>, %arg5: memref<512x128xf32, #tpu.memory_space<vmem>>, %arg6: memref<512x128xf32, #tpu.memory_space<vmem>>, %arg7: memref<512x1xf32, #tpu.memory_space<vmem>>) attributes {dimension_semantics = [#tpu.dimension_semantics<arbitrary>], iteration_bounds = array<i64: 20>, scalar_prefetch = 0 : i64, scratch_operands = 0 : i64, tpu.core_type = #tpu.core_type<tc>, window_params = [{transform_indices = @transform_0, window_bounds = array<i64: 512, 1>}, {pipeline_mode = #tpu.pipeline_mode<synchronous>, transform_indices = @transform_1, window_bounds = array<i64: 128, 128>}, {transform_indices = @transform_2, window_bounds = array<i64: 32, 512>}, {pipeline_mode = #tpu.pipeline_mode<synchronous>, transform_indices = @transform_3, window_bounds = array<i64: 128, 128>}, {transform_indices = @transform_4, window_bounds = array<i64: 512, 128>}, {transform_indices = @transform_5, window_bounds = array<i64: 512, 128>}, {transform_indices = @transform_6, window_bounds = array<i64: 512, 1>}]} {
    %get3A = arith.constant 0 : index
    %get3A_0 = arith.constant 0 : index
    %get3A_1 = vector.load %arg1[%get3A, %get3A_0] : memref<512x1xi32, #tpu.memory_space<vmem>>, vector<512x1xi32>
    %iota3A = tpu.iota {dimensions = array<i32: 1>} : vector<512x128xi32>
    %eq3A = vector.broadcast %get3A_1 : vector<512x1xi32> to vector<512x128xi32>
    %eq3A_2 = arith.cmpi eq, %eq3A, %iota3A : vector<512x128xi32>
    %convert_element_type3A = arith.extui %eq3A_2 : vector<512x128xi1> to vector<512x128xi32>
    %convert_element_type3A_3 = arith.sitofp %convert_element_type3A : vector<512x128xi32> to vector<512x128xf32>
    %get3A_4 = arith.constant 0 : index
    %get3A_5 = arith.constant 0 : index
    %get3A_6 = vector.load %arg3[%get3A_4, %get3A_5] : memref<32x512xf32, #tpu.memory_space<vmem>>, vector<32x512xf32>
    %reduce_sum3A = arith.constant dense<0.000000e+00> : vector<512xf32>
    %reduce_sum3A_7 = vector.multi_reduction <add>, %get3A_6, %reduce_sum3A [0] : vector<32x512xf32> to vector<512xf32>
    %add3A = arith.constant 1.000000e+00 : f32
    %add3A_8 = vector.broadcast %add3A : f32 to vector<512xf32>
    %add3A_9 = arith.addf %reduce_sum3A_7, %add3A_8 : vector<512xf32>
    %rsqrt3A = math.rsqrt %add3A_9 : vector<512xf32>
    %reshape3A = vector.shape_cast %rsqrt3A : vector<512xf32> to vector<512x1xf32>
    %get3A_10 = arith.constant 0 : index
    %get3A_11 = arith.constant 0 : index
    %get3A_12 = vector.load %arg2[%get3A_10, %get3A_11] : memref<128x128xf32, #tpu.memory_space<vmem>>, vector<128x128xf32>
    %convert_element_type3A_13 = arith.truncf %convert_element_type3A_3 : vector<512x128xf32> to vector<512x128xbf16>
    %convert_element_type3A_14 = arith.truncf %get3A_12 : vector<128x128xf32> to vector<128x128xbf16>
    %dot_general3A = arith.constant dense<0.000000e+00> : vector<512x128xf32>
    %dot_general3A_15 = tpu.matmul %convert_element_type3A_13, %convert_element_type3A_14, %dot_general3A {dimension_numbers = #tpu.dot_dimension_numbers<[1], [0], [0], [1], [0, 0, 1, 1], [], []>, transpose_lhs_hint = false} : vector<512x128xbf16>, vector<128x128xbf16>, vector<512x128xf32> -> vector<512x128xf32>
    %get3A_16 = arith.constant 0 : index
    %get3A_17 = arith.constant 0 : index
    %get3A_18 = vector.load %arg4[%get3A_16, %get3A_17] : memref<128x128xf32, #tpu.memory_space<vmem>>, vector<128x128xf32>
    %convert_element_type3A_19 = arith.truncf %dot_general3A_15 : vector<512x128xf32> to vector<512x128xbf16>
    %convert_element_type3A_20 = arith.truncf %get3A_18 : vector<128x128xf32> to vector<128x128xbf16>
    %dot_general3A_21 = arith.constant dense<0.000000e+00> : vector<512x128xf32>
    %dot_general3A_22 = tpu.matmul %convert_element_type3A_19, %convert_element_type3A_20, %dot_general3A_21 {dimension_numbers = #tpu.dot_dimension_numbers<[1], [0], [0], [1], [0, 0, 1, 1], [], []>, transpose_lhs_hint = false} : vector<512x128xbf16>, vector<128x128xbf16>, vector<512x128xf32> -> vector<512x128xf32>
    %swap3A = arith.constant 0 : index
    %swap3A_23 = arith.constant 0 : index
    %swap3A_24 = vector.load %arg5[%swap3A, %swap3A_23] : memref<512x128xf32, #tpu.memory_space<vmem>>, vector<512x128xf32>
    tpu.vector_store %arg5[%swap3A, %swap3A_23], %dot_general3A_22 {strides = array<i32>} : memref<512x128xf32, #tpu.memory_space<vmem>>, vector<512x128xf32>,
    %mul3A = vector.broadcast %reshape3A : vector<512x1xf32> to vector<512x128xf32>
    %mul3A_25 = arith.mulf %dot_general3A_22, %mul3A : vector<512x128xf32>
    %swap3A_26 = arith.constant 0 : index
    %swap3A_27 = arith.constant 0 : index
    %swap3A_28 = vector.load %arg6[%swap3A_26, %swap3A_27] : memref<512x128xf32, #tpu.memory_space<vmem>>, vector<512x128xf32>
    tpu.vector_store %arg6[%swap3A_26, %swap3A_27], %mul3A_25 {strides = array<i32>} : memref<512x128xf32, #tpu.memory_space<vmem>>, vector<512x128xf32>,
    %swap3A_29 = arith.constant 0 : index
    %swap3A_30 = arith.constant 0 : index
    %swap3A_31 = vector.load %arg7[%swap3A_29, %swap3A_30] : memref<512x1xf32, #tpu.memory_space<vmem>>, vector<512x1xf32>
    tpu.vector_store %arg7[%swap3A_29, %swap3A_30], %reshape3A {strides = array<i32>} : memref<512x1xf32, #tpu.memory_space<vmem>>, vector<512x1xf32>,
    return
  }
  func.func @transform_0(%arg0: i32) -> (i32, i32) {
    %c0_i32 = arith.constant 0 : i32
    %c0_i32_0 = arith.constant 0 : i32
    return %arg0, %c0_i32 : i32, i32
  }
  func.func @transform_1(%arg0: i32) -> (i32, i32) {
    %c0_i32 = arith.constant 0 : i32
    %c0_i32_0 = arith.constant 0 : i32
    %c0_i32_1 = arith.constant 0 : i32
    return %c0_i32, %c0_i32_0 : i32, i32
  }
  func.func @transform_2(%arg0: i32) -> (i32, i32) {
    %c0_i32 = arith.constant 0 : i32
    %c0_i32_0 = arith.constant 0 : i32
    return %c0_i32, %arg0 : i32, i32
  }
  func.func @transform_3(%arg0: i32) -> (i32, i32) {
    %c0_i32 = arith.constant 0 : i32
    %c0_i32_0 = arith.constant 0 : i32
    %c0_i32_1 = arith.constant 0 : i32
    return %c0_i32, %c0_i32_0 : i32, i32
  }
  func.func @transform_4(%arg0: i32) -> (i32, i32) {
    %c0_i32 = arith.constant 0 : i32
    %c0_i32_0 = arith.constant 0 : i32
    return %arg0, %c0_i32 : i32, i32
  }
  func.func @transform_5(%arg0: i32) -> (i32, i32) {
    %c0_i32 = arith.constant 0 : i32
    %c0_i32_0 = arith.constant 0 : i32
    return %arg0, %c0_i32 : i32, i32
  }
  func.func @transform_6(%arg0: i32) -> (i32, i32) {
    %c0_i32 = arith.constant 0 : i32
    %c0_i32_0 = arith.constant 0 : i32
    return %arg0, %c0_i32 : i32, i32
  }
}

module attributes {stable_mosaic.version = 14 : i64} {
  func.func @body(%arg0: i32, %arg1: memref<512x128xf32, #tpu.memory_space<vmem>>, %arg2: memref<512x128xf32, #tpu.memory_space<vmem>>, %arg3: memref<512x128xf32, #tpu.memory_space<vmem>>, %arg4: memref<512x1xf32, #tpu.memory_space<vmem>>, %arg5: memref<1x128xf32, #tpu.memory_space<vmem>>, %arg6: memref<128x128xf32, #tpu.memory_space<vmem>>, %arg7: memref<512x128xf32, #tpu.memory_space<vmem>>, %arg8: memref<512x128xf32, #tpu.memory_space<vmem>>) attributes {dimension_semantics = [#tpu.dimension_semantics<arbitrary>], iteration_bounds = array<i64: 20>, scalar_prefetch = 0 : i64, scratch_operands = 0 : i64, tpu.core_type = #tpu.core_type<tc>, window_params = [{transform_indices = @transform_0, window_bounds = array<i64: 512, 128>}, {transform_indices = @transform_1, window_bounds = array<i64: 512, 128>}, {transform_indices = @transform_2, window_bounds = array<i64: 512, 128>}, {transform_indices = @transform_3, window_bounds = array<i64: 512, 1>}, {pipeline_mode = #tpu.pipeline_mode<synchronous>, transform_indices = @transform_4, window_bounds = array<i64: 1, 128>}, {pipeline_mode = #tpu.pipeline_mode<synchronous>, transform_indices = @transform_5, window_bounds = array<i64: 128, 128>}, {transform_indices = @transform_6, window_bounds = array<i64: 512, 128>}, {transform_indices = @transform_7, window_bounds = array<i64: 512, 128>}]} {
    %get3A = arith.constant 0 : index
    %get3A_0 = arith.constant 0 : index
    %get3A_1 = vector.load %arg4[%get3A, %get3A_0] : memref<512x1xf32, #tpu.memory_space<vmem>>, vector<512x1xf32>
    %get3A_2 = arith.constant 0 : index
    %get3A_3 = arith.constant 0 : index
    %get3A_4 = vector.load %arg1[%get3A_2, %get3A_3] : memref<512x128xf32, #tpu.memory_space<vmem>>, vector<512x128xf32>
    %get3A_5 = arith.constant 0 : index
    %get3A_6 = arith.constant 0 : index
    %get3A_7 = vector.load %arg2[%get3A_5, %get3A_6] : memref<512x128xf32, #tpu.memory_space<vmem>>, vector<512x128xf32>
    %add3A = arith.addf %get3A_4, %get3A_7 : vector<512x128xf32>
    %mul3A = vector.broadcast %get3A_1 : vector<512x1xf32> to vector<512x128xf32>
    %mul3A_8 = arith.mulf %add3A, %mul3A : vector<512x128xf32>
    %get3A_9 = arith.constant 0 : index
    %get3A_10 = arith.constant 0 : index
    %get3A_11 = vector.load %arg3[%get3A_9, %get3A_10] : memref<512x128xf32, #tpu.memory_space<vmem>>, vector<512x128xf32>
    %mul3A_12 = arith.mulf %get3A_1, %get3A_1 : vector<512x1xf32>
    %mul3A_13 = vector.broadcast %mul3A_12 : vector<512x1xf32> to vector<512x128xf32>
    %mul3A_14 = arith.mulf %get3A_11, %mul3A_13 : vector<512x128xf32>
    %add3A_15 = arith.addf %mul3A_8, %mul3A_14 : vector<512x128xf32>
    %get3A_16 = arith.constant 0 : index
    %get3A_17 = arith.constant 0 : index
    %get3A_18 = vector.load %arg5[%get3A_16, %get3A_17] : memref<1x128xf32, #tpu.memory_space<vmem>>, vector<1x128xf32>
    %add3A_19 = vector.broadcast %get3A_18 : vector<1x128xf32> to vector<512x128xf32>
    %add3A_20 = arith.addf %add3A_15, %add3A_19 : vector<512x128xf32>
    %max3A = arith.constant 0.000000e+00 : f32
    %max3A_21 = vector.broadcast %max3A : f32 to vector<512x128xf32>
    %max3A_22 = arith.maximumf %add3A_20, %max3A_21 : vector<512x128xf32>
    %get3A_23 = arith.constant 0 : index
    %get3A_24 = arith.constant 0 : index
    %get3A_25 = vector.load %arg6[%get3A_23, %get3A_24] : memref<128x128xf32, #tpu.memory_space<vmem>>, vector<128x128xf32>
    %convert_element_type3A = arith.truncf %max3A_22 : vector<512x128xf32> to vector<512x128xbf16>
    %convert_element_type3A_26 = arith.truncf %get3A_25 : vector<128x128xf32> to vector<128x128xbf16>
    %dot_general3A = arith.constant dense<0.000000e+00> : vector<512x128xf32>
    %dot_general3A_27 = tpu.matmul %convert_element_type3A, %convert_element_type3A_26, %dot_general3A {dimension_numbers = #tpu.dot_dimension_numbers<[1], [0], [0], [1], [0, 0, 1, 1], [], []>, transpose_lhs_hint = false} : vector<512x128xbf16>, vector<128x128xbf16>, vector<512x128xf32> -> vector<512x128xf32>
    %swap3A = arith.constant 0 : index
    %swap3A_28 = arith.constant 0 : index
    %swap3A_29 = vector.load %arg7[%swap3A, %swap3A_28] : memref<512x128xf32, #tpu.memory_space<vmem>>, vector<512x128xf32>
    tpu.vector_store %arg7[%swap3A, %swap3A_28], %dot_general3A_27 {strides = array<i32>} : memref<512x128xf32, #tpu.memory_space<vmem>>, vector<512x128xf32>,
    %mul3A_30 = vector.broadcast %get3A_1 : vector<512x1xf32> to vector<512x128xf32>
    %mul3A_31 = arith.mulf %dot_general3A_27, %mul3A_30 : vector<512x128xf32>
    %swap3A_32 = arith.constant 0 : index
    %swap3A_33 = arith.constant 0 : index
    %swap3A_34 = vector.load %arg8[%swap3A_32, %swap3A_33] : memref<512x128xf32, #tpu.memory_space<vmem>>, vector<512x128xf32>
    tpu.vector_store %arg8[%swap3A_32, %swap3A_33], %mul3A_31 {strides = array<i32>} : memref<512x128xf32, #tpu.memory_space<vmem>>, vector<512x128xf32>,
    return
  }
  func.func @transform_0(%arg0: i32) -> (i32, i32) {
    %c0_i32 = arith.constant 0 : i32
    %c0_i32_0 = arith.constant 0 : i32
    return %arg0, %c0_i32 : i32, i32
  }
  func.func @transform_1(%arg0: i32) -> (i32, i32) {
    %c0_i32 = arith.constant 0 : i32
    %c0_i32_0 = arith.constant 0 : i32
    return %arg0, %c0_i32 : i32, i32
  }
  func.func @transform_2(%arg0: i32) -> (i32, i32) {
    %c0_i32 = arith.constant 0 : i32
    %c0_i32_0 = arith.constant 0 : i32
    return %arg0, %c0_i32 : i32, i32
  }
  func.func @transform_3(%arg0: i32) -> (i32, i32) {
    %c0_i32 = arith.constant 0 : i32
    %c0_i32_0 = arith.constant 0 : i32
    return %arg0, %c0_i32 : i32, i32
  }
  func.func @transform_4(%arg0: i32) -> (i32, i32) {
    %c0_i32 = arith.constant 0 : i32
    %c0_i32_0 = arith.constant 0 : i32
    %c0_i32_1 = arith.constant 0 : i32
    return %c0_i32, %c0_i32_0 : i32, i32
  }
  func.func @transform_5(%arg0: i32) -> (i32, i32) {
    %c0_i32 = arith.constant 0 : i32
    %c0_i32_0 = arith.constant 0 : i32
    %c0_i32_1 = arith.constant 0 : i32
    return %c0_i32, %c0_i32_0 : i32, i32
  }
  func.func @transform_6(%arg0: i32) -> (i32, i32) {
    %c0_i32 = arith.constant 0 : i32
    %c0_i32_0 = arith.constant 0 : i32
    return %arg0, %c0_i32 : i32, i32
  }
  func.func @transform_7(%arg0: i32) -> (i32, i32) {
    %c0_i32 = arith.constant 0 : i32
    %c0_i32_0 = arith.constant 0 : i32
    return %arg0, %c0_i32 : i32, i32
  }
}

module attributes {stable_mosaic.version = 14 : i64} {
  func.func @body(%arg0: i32, %arg1: memref<512x128xf32, #tpu.memory_space<vmem>>, %arg2: memref<512x128xf32, #tpu.memory_space<vmem>>, %arg3: memref<512x128xf32, #tpu.memory_space<vmem>>, %arg4: memref<512x1xf32, #tpu.memory_space<vmem>>, %arg5: memref<1x128xf32, #tpu.memory_space<vmem>>, %arg6: memref<128x64xf32, #tpu.memory_space<vmem>>, %arg7: memref<1x64xf32, #tpu.memory_space<vmem>>, %arg8: memref<64x32xf32, #tpu.memory_space<vmem>>, %arg9: memref<1x32xf32, #tpu.memory_space<vmem>>, %arg10: memref<32x128xf32, #tpu.memory_space<vmem>>, %arg11: memref<1x128xf32, #tpu.memory_space<vmem>>, %arg12: memref<512x128xf32, #tpu.memory_space<vmem>>) attributes {dimension_semantics = [#tpu.dimension_semantics<arbitrary>], iteration_bounds = array<i64: 20>, scalar_prefetch = 0 : i64, scratch_operands = 0 : i64, tpu.core_type = #tpu.core_type<tc>, window_params = [{transform_indices = @transform_0, window_bounds = array<i64: 512, 128>}, {transform_indices = @transform_1, window_bounds = array<i64: 512, 128>}, {transform_indices = @transform_2, window_bounds = array<i64: 512, 128>}, {transform_indices = @transform_3, window_bounds = array<i64: 512, 1>}, {pipeline_mode = #tpu.pipeline_mode<synchronous>, transform_indices = @transform_4, window_bounds = array<i64: 1, 128>}, {pipeline_mode = #tpu.pipeline_mode<synchronous>, transform_indices = @transform_5, window_bounds = array<i64: 128, 64>}, {pipeline_mode = #tpu.pipeline_mode<synchronous>, transform_indices = @transform_6, window_bounds = array<i64: 1, 64>}, {pipeline_mode = #tpu.pipeline_mode<synchronous>, transform_indices = @transform_7, window_bounds = array<i64: 64, 32>}, {pipeline_mode = #tpu.pipeline_mode<synchronous>, transform_indices = @transform_8, window_bounds = array<i64: 1, 32>}, {pipeline_mode = #tpu.pipeline_mode<synchronous>, transform_indices = @transform_9, window_bounds = array<i64: 32, 128>}, {pipeline_mode = #tpu.pipeline_mode<synchronous>, transform_indices = @transform_10, window_bounds = array<i64: 1, 128>}, {transform_indices = @transform_11, window_bounds = array<i64: 512, 128>}]} {
    %get3A = arith.constant 0 : index
    %get3A_0 = arith.constant 0 : index
    %get3A_1 = vector.load %arg4[%get3A, %get3A_0] : memref<512x1xf32, #tpu.memory_space<vmem>>, vector<512x1xf32>
    %get3A_2 = arith.constant 0 : index
    %get3A_3 = arith.constant 0 : index
    %get3A_4 = vector.load %arg1[%get3A_2, %get3A_3] : memref<512x128xf32, #tpu.memory_space<vmem>>, vector<512x128xf32>
    %get3A_5 = arith.constant 0 : index
    %get3A_6 = arith.constant 0 : index
    %get3A_7 = vector.load %arg2[%get3A_5, %get3A_6] : memref<512x128xf32, #tpu.memory_space<vmem>>, vector<512x128xf32>
    %add3A = arith.addf %get3A_4, %get3A_7 : vector<512x128xf32>
    %mul3A = vector.broadcast %get3A_1 : vector<512x1xf32> to vector<512x128xf32>
    %mul3A_8 = arith.mulf %add3A, %mul3A : vector<512x128xf32>
    %get3A_9 = arith.constant 0 : index
    %get3A_10 = arith.constant 0 : index
    %get3A_11 = vector.load %arg3[%get3A_9, %get3A_10] : memref<512x128xf32, #tpu.memory_space<vmem>>, vector<512x128xf32>
    %mul3A_12 = arith.mulf %get3A_1, %get3A_1 : vector<512x1xf32>
    %mul3A_13 = vector.broadcast %mul3A_12 : vector<512x1xf32> to vector<512x128xf32>
    %mul3A_14 = arith.mulf %get3A_11, %mul3A_13 : vector<512x128xf32>
    %add3A_15 = arith.addf %mul3A_8, %mul3A_14 : vector<512x128xf32>
    %get3A_16 = arith.constant 0 : index
    %get3A_17 = arith.constant 0 : index
    %get3A_18 = vector.load %arg5[%get3A_16, %get3A_17] : memref<1x128xf32, #tpu.memory_space<vmem>>, vector<1x128xf32>
    %add3A_19 = vector.broadcast %get3A_18 : vector<1x128xf32> to vector<512x128xf32>
    %add3A_20 = arith.addf %add3A_15, %add3A_19 : vector<512x128xf32>
    %get3A_21 = arith.constant 0 : index
    %get3A_22 = arith.constant 0 : index
    %get3A_23 = vector.load %arg6[%get3A_21, %get3A_22] : memref<128x64xf32, #tpu.memory_space<vmem>>, vector<128x64xf32>
    %convert_element_type3A = arith.truncf %add3A_20 : vector<512x128xf32> to vector<512x128xbf16>
    %convert_element_type3A_24 = arith.truncf %get3A_23 : vector<128x64xf32> to vector<128x64xbf16>
    %dot_general3A = arith.constant dense<0.000000e+00> : vector<512x64xf32>
    %dot_general3A_25 = tpu.matmul %convert_element_type3A, %convert_element_type3A_24, %dot_general3A {dimension_numbers = #tpu.dot_dimension_numbers<[1], [0], [0], [1], [0, 0, 1, 1], [], []>, transpose_lhs_hint = false} : vector<512x128xbf16>, vector<128x64xbf16>, vector<512x64xf32> -> vector<512x64xf32>
    %get3A_26 = arith.constant 0 : index
    %get3A_27 = arith.constant 0 : index
    %get3A_28 = vector.load %arg7[%get3A_26, %get3A_27] : memref<1x64xf32, #tpu.memory_space<vmem>>, vector<1x64xf32>
    %add3A_29 = vector.broadcast %get3A_28 : vector<1x64xf32> to vector<512x64xf32>
    %add3A_30 = arith.addf %dot_general3A_25, %add3A_29 : vector<512x64xf32>
    %max3A = arith.constant 0.000000e+00 : f32
    %max3A_31 = vector.broadcast %max3A : f32 to vector<512x64xf32>
    %max3A_32 = arith.maximumf %add3A_30, %max3A_31 : vector<512x64xf32>
    %get3A_33 = arith.constant 0 : index
    %get3A_34 = arith.constant 0 : index
    %get3A_35 = vector.load %arg8[%get3A_33, %get3A_34] : memref<64x32xf32, #tpu.memory_space<vmem>>, vector<64x32xf32>
    %convert_element_type3A_36 = arith.truncf %max3A_32 : vector<512x64xf32> to vector<512x64xbf16>
    %convert_element_type3A_37 = arith.truncf %get3A_35 : vector<64x32xf32> to vector<64x32xbf16>
    %dot_general3A_38 = arith.constant dense<0.000000e+00> : vector<512x32xf32>
    %dot_general3A_39 = tpu.matmul %convert_element_type3A_36, %convert_element_type3A_37, %dot_general3A_38 {dimension_numbers = #tpu.dot_dimension_numbers<[1], [0], [0], [1], [0, 0, 1, 1], [], []>, transpose_lhs_hint = false} : vector<512x64xbf16>, vector<64x32xbf16>, vector<512x32xf32> -> vector<512x32xf32>
    %get3A_40 = arith.constant 0 : index
    %get3A_41 = arith.constant 0 : index
    %get3A_42 = vector.load %arg9[%get3A_40, %get3A_41] : memref<1x32xf32, #tpu.memory_space<vmem>>, vector<1x32xf32>
    %add3A_43 = vector.broadcast %get3A_42 : vector<1x32xf32> to vector<512x32xf32>
    %add3A_44 = arith.addf %dot_general3A_39, %add3A_43 : vector<512x32xf32>
    %max3A_45 = arith.constant 0.000000e+00 : f32
    %max3A_46 = vector.broadcast %max3A_45 : f32 to vector<512x32xf32>
    %max3A_47 = arith.maximumf %add3A_44, %max3A_46 : vector<512x32xf32>
    %get3A_48 = arith.constant 0 : index
    %get3A_49 = arith.constant 0 : index
    %get3A_50 = vector.load %arg10[%get3A_48, %get3A_49] : memref<32x128xf32, #tpu.memory_space<vmem>>, vector<32x128xf32>
    %convert_element_type3A_51 = arith.truncf %max3A_47 : vector<512x32xf32> to vector<512x32xbf16>
    %convert_element_type3A_52 = arith.truncf %get3A_50 : vector<32x128xf32> to vector<32x128xbf16>
    %dot_general3A_53 = arith.constant dense<0.000000e+00> : vector<512x128xf32>
    %dot_general3A_54 = tpu.matmul %convert_element_type3A_51, %convert_element_type3A_52, %dot_general3A_53 {dimension_numbers = #tpu.dot_dimension_numbers<[1], [0], [0], [1], [0, 0, 1, 1], [], []>, transpose_lhs_hint = false} : vector<512x32xbf16>, vector<32x128xbf16>, vector<512x128xf32> -> vector<512x128xf32>
    %get3A_55 = arith.constant 0 : index
    %get3A_56 = arith.constant 0 : index
    %get3A_57 = vector.load %arg11[%get3A_55, %get3A_56] : memref<1x128xf32, #tpu.memory_space<vmem>>, vector<1x128xf32>
    %add3A_58 = vector.broadcast %get3A_57 : vector<1x128xf32> to vector<512x128xf32>
    %add3A_59 = arith.addf %dot_general3A_54, %add3A_58 : vector<512x128xf32>
    %swap3A = arith.constant 0 : index
    %swap3A_60 = arith.constant 0 : index
    %swap3A_61 = vector.load %arg12[%swap3A, %swap3A_60] : memref<512x128xf32, #tpu.memory_space<vmem>>, vector<512x128xf32>
    tpu.vector_store %arg12[%swap3A, %swap3A_60], %add3A_59 {strides = array<i32>} : memref<512x128xf32, #tpu.memory_space<vmem>>, vector<512x128xf32>,
    return
  }
  func.func @transform_0(%arg0: i32) -> (i32, i32) {
    %c0_i32 = arith.constant 0 : i32
    %c0_i32_0 = arith.constant 0 : i32
    return %arg0, %c0_i32 : i32, i32
  }
  func.func @transform_1(%arg0: i32) -> (i32, i32) {
    %c0_i32 = arith.constant 0 : i32
    %c0_i32_0 = arith.constant 0 : i32
    return %arg0, %c0_i32 : i32, i32
  }
  func.func @transform_2(%arg0: i32) -> (i32, i32) {
    %c0_i32 = arith.constant 0 : i32
    %c0_i32_0 = arith.constant 0 : i32
    return %arg0, %c0_i32 : i32, i32
  }
  func.func @transform_3(%arg0: i32) -> (i32, i32) {
    %c0_i32 = arith.constant 0 : i32
    %c0_i32_0 = arith.constant 0 : i32
    return %arg0, %c0_i32 : i32, i32
  }
  func.func @transform_4(%arg0: i32) -> (i32, i32) {
    %c0_i32 = arith.constant 0 : i32
    %c0_i32_0 = arith.constant 0 : i32
    %c0_i32_1 = arith.constant 0 : i32
    return %c0_i32, %c0_i32_0 : i32, i32
  }
  func.func @transform_5(%arg0: i32) -> (i32, i32) {
    %c0_i32 = arith.constant 0 : i32
    %c0_i32_0 = arith.constant 0 : i32
    %c0_i32_1 = arith.constant 0 : i32
    return %c0_i32, %c0_i32_0 : i32, i32
  }
  func.func @transform_6(%arg0: i32) -> (i32, i32) {
    %c0_i32 = arith.constant 0 : i32
    %c0_i32_0 = arith.constant 0 : i32
    %c0_i32_1 = arith.constant 0 : i32
    return %c0_i32, %c0_i32_0 : i32, i32
  }
  func.func @transform_7(%arg0: i32) -> (i32, i32) {
    %c0_i32 = arith.constant 0 : i32
    %c0_i32_0 = arith.constant 0 : i32
    %c0_i32_1 = arith.constant 0 : i32
    return %c0_i32, %c0_i32_0 : i32, i32
  }
  func.func @transform_8(%arg0: i32) -> (i32, i32) {
    %c0_i32 = arith.constant 0 : i32
    %c0_i32_0 = arith.constant 0 : i32
    %c0_i32_1 = arith.constant 0 : i32
    return %c0_i32, %c0_i32_0 : i32, i32
  }
  func.func @transform_9(%arg0: i32) -> (i32, i32) {
    %c0_i32 = arith.constant 0 : i32
    %c0_i32_0 = arith.constant 0 : i32
    %c0_i32_1 = arith.constant 0 : i32
    return %c0_i32, %c0_i32_0 : i32, i32
  }
  func.func @transform_10(%arg0: i32) -> (i32, i32) {
    %c0_i32 = arith.constant 0 : i32
    %c0_i32_0 = arith.constant 0 : i32
    %c0_i32_1 = arith.constant 0 : i32
    return %c0_i32, %c0_i32_0 : i32, i32
  }
  func.func @transform_11(%arg0: i32) -> (i32, i32) {
    %c0_i32 = arith.constant 0 : i32
    %c0_i32_0 = arith.constant 0 : i32
    return %arg0, %c0_i32 : i32, i32
  }
}

</mosaic_0001>

<sc_bundles>
// kernel: kernel.10.cloned.1.call-start
scs
__scs_entry_jumppad:
0x0: {  	(pc) =	sbr.rel $0x88, $3  }
0x1: {  	(tag) =	ssettag $0x0;
	lr =	simm.s32 $0x1  }
0x2: {  	[smem:$0x3F92] =	sst lr;
	_ =	strace $0xD0000000  }
0x3: {  	_ = 	snop  }
0x4: {  	_ = 	snop  }
0x5: {  	_ = 	snop  }
0x6: {  	_ = 	snop  }
0x7: {  	_ = 	snop  }
__scs_overlays_trampoline_lowered:
0x8: {  	[smem:$0x3FA1] =	sst s0  }
0x9: {  	[smem:$0x3FA2] =	sst s1  }
0xa: {  	[smem:$0x3FA3] =	sst s2  }
0xb: {  	[smem:$0x3FA4] =	sst s3  }
0xc: {  	[smem:$0x3FA5] =	sst s4  }
0xd: {  	[smem:$0x3FA6] =	sst s5  }
0xe: {  	[smem:$0x3FA7] =	sst s6  }
0xf: {  	[smem:$0x3FA8] =	sst s7  }
0x10: {  	[smem:$0x3FA9] =	sst s8  }
0x11: {  	[smem:$0x3FAA] =	sst s9;
	s0 =	simm.s32 @!p0 $0x0  }
0x12: {  	s1 =	sld [smem:$0x3F90];
	s0 =	simm.s32 @p0 $0x1  }
0x13: {  	[smem:$0x3FAB] =	sst s0;
	s0 =	simm.s32 @!p1 $0x0  }
0x14: {  	s2 =	sld [smem:$0x3F8F];
	s0 =	simm.s32 @p1 $0x1  }
0x15: {  	[smem:$0x3FAC] =	sst s0;
	s0 =	simm.s32 @!p2 $0x0  }
0x16: {  	s3 =	sld [smem:$0x3FDB];
	s0 =	simm.s32 @p2 $0x1  }
0x17: {  	s4 =	simm.s32 $0x1BF5;
	[smem:$0x3FAE] =	sst s0  }
0x18: {  	s0 =	sld [smem:$0x3F91];
	_ =	swait.ge [sflag:s4], $0x0  }
0x19: {  	s7 =	sld [smem:$0x3F92]  }
0x1a: {  	s8 =	sadd.s32 $0xFFFFE003, lr  }
0x1b: {  	s9 =	sadd.s32 $0xFFFFFEF7, lr;
	s5 =	simm.s32 $0xFFFFFFFF;
	p2 =	slt.u32 s8, $0xFFFFF086  }
0x1c: {  	p1 =	slt.u32 s9, $0xF7A;
	s5 =	simm.s32 @!p2 $0x0  }
0x1d: {  	s5 =	simm.s32 @p1 $0x1;
	p0 =	seq.s32 s7, s2  }
0x1e: {  	s7 =	smul.u32 @!p0 $0xF7A, s2;
	p2 =	seq.s32 @!p0 s5, $0x0  }
0x1f: {  	s9 =	smul.u32 $0xF7A, s1;
	s8 =	simm.s32 @!p0 $0x1BF5;
	p2 =	por !p2, p0  }
0x20: {  	[sflag:s8] =	ssyncset.s32 @!p0 $0xFFFFF086;
	s6 =	sadd.s32 @!p0 s3, s7;
	s7 =	simm.s32 @!p0 $0x108  }
0x21: {  	s3 =	sadd.s32 s3, s9;
	s6 =	sadd.s32 @!p0 $0x88, s6;
	s7 =	simm.s32 @p2 $0x1082  }
0x22: {  	[simem:s7], [sflag:s8] =	dma.local @!p0 [hbm:s6], $0xF7A  }
0x23: {  	s9 =	sor.u32 $0xD0000000, s2;
	s6 =	simm.s32 $0x108;
	_ =	swait.ge @!p0 [sflag:s8], $0x0  }
0x24: {  	s3 =	sadd.s32 $0x88, s3;
	s6 =	simm.s32 @!p1 $0x1082;
	[sflag:s4] =	ssyncset.s32 $0xFFFFF086  }
0x25: {  	[simem:s6], [sflag:s4] =	dma.local [hbm:s3], $0xF7A  }
0x26: {  	[smem:$0x3F92] =	sst s1;
	(tag) =	ssettag s2;
	_ =	strace s9  }
0x27: {  	s1 =	sld [smem:$0x3FA2]  }
0x28: {  	s2 =	sld [smem:$0x3FA3]  }
0x29: {  	s4 =	sld [smem:$0x3FA5]  }
0x2a: {  	p0 =	seq.s32 s5, $0x0;
	s5 =	sld [smem:$0x3FA6]  }
0x2b: {  	s6 =	sld [smem:$0x3FA7]  }
0x2c: {  	s7 =	sld [smem:$0x3FA8]  }
0x2d: {  	s3 =	simm.s32 $0x108;
	s8 =	sld [smem:$0x3FA9]  }
0x2e: {  	s3 =	simm.s32 @!p0 $0x1082;
	s9 =	sld [smem:$0x3FAA]  }
0x2f: {  	lr =	sadd.s32 s0, s3;
	s0 =	sld [smem:$0x3FA1]  }
0x30: {  	s3 =	sld [smem:$0x3FA4]  }
0x31: {  	[smem:$0x3FAD] =	sst s10  }
0x32: {  	s10 =	sld [smem:$0x3FAB];
	_ =	sdelay $0x3  }
0x33: {  	p0 =	seq.s32 s10, $0x1;
	s10 =	sld [smem:$0x3FAD];
	_ =	sdelay $0x3  }
0x34: {  	[smem:$0x3FAD] =	sst s10  }
0x35: {  	s10 =	sld [smem:$0x3FAC];
	_ =	sdelay $0x3  }
0x36: {  	p1 =	seq.s32 s10, $0x1;
	s10 =	sld [smem:$0x3FAD];
	_ =	sdelay $0x3  }
0x37: {  	[smem:$0x3FAD] =	sst s10  }
0x38: {  	s10 =	sld [smem:$0x3FAE]  }
0x39: {  	_ = 	snop;
	(pc) =	sbr.ind lr, $3  }
0x3a: {  	_ = 	snop  }
0x3b: {  	_ = 	snop  }
0x3c: {  	p2 =	seq.s32 s10, $0x1;
	s10 =	sld [smem:$0x3FAD]  }
0x3d: {  	_ =	shalt  }
0x3e: {  	_ =	shalt  }
0x3f: {  	_ =	shalt  }
0x40: {  	_ =	shalt  }
0x41: {  	_ =	shalt  }
0x42: {  	_ =	shalt  }
0x43: {  	_ =	shalt  }
0x44: {  	_ =	shalt  }
0x45: {  	_ =	shalt  }
0x46: {  	_ =	shalt  }
0x47: {  	_ =	shalt  }
0x48: {  	_ =	shalt  }
0x49: {  	_ =	shalt  }
0x4a: {  	_ =	shalt  }
0x4b: {  	_ =	shalt  }
0x4c: {  	_ =	shalt  }
0x4d: {  	_ =	shalt  }
0x4e: {  	_ =	shalt  }
0x4f: {  	_ =	shalt  }
0x50: {  	_ =	shalt  }
0x51: {  	_ =	shalt  }
0x52: {  	_ =	shalt  }
0x53: {  	_ =	shalt  }
0x54: {  	_ =	shalt  }
0x55: {  	_ =	shalt  }
0x56: {  	_ =	shalt  }
0x57: {  	_ =	shalt  }
0x58: {  	_ =	shalt  }
0x59: {  	_ =	shalt  }
0x5a: {  	_ =	shalt  }
0x5b: {  	_ =	shalt  }
0x5c: {  	_ =	shalt  }
0x5d: {  	_ =	shalt  }
0x5e: {  	_ =	shalt  }
0x5f: {  	_ =	shalt  }
0x60: {  	_ =	shalt  }
0x61: {  	_ =	shalt  }
0x62: {  	_ =	shalt  }
0x63: {  	_ =	shalt  }
0x64: {  	_ =	shalt  }
0x65: {  	_ =	shalt  }
0x66: {  	_ =	shalt  }
0x67: {  	_ =	shalt  }
0x68: {  	_ =	shalt  }
0x69: {  	_ =	shalt  }
0x6a: {  	_ =	shalt  }
0x6b: {  	_ =	shalt  }
0x6c: {  	_ =	shalt  }
0x6d: {  	_ =	shalt  }
0x6e: {  	_ =	shalt  }
0x6f: {  	_ =	shalt  }
0x70: {  	_ =	shalt  }
0x71: {  	_ =	shalt  }
0x72: {  	_ =	shalt  }
0x73: {  	_ =	shalt  }
0x74: {  	_ =	shalt  }
0x75: {  	_ =	shalt  }
0x76: {  	_ =	shalt  }
0x77: {  	_ =	shalt  }
0x78: {  	_ =	shalt  }
0x79: {  	_ =	shalt  }
0x7a: {  	_ =	shalt  }
0x7b: {  	_ =	shalt  }
0x7c: {  	_ =	shalt  }
0x7d: {  	_ =	shalt  }
0x7e: {  	_ =	shalt  }
0x7f: {  	_ =	shalt  }
0x80: {  	_ =	shalt  }
0x81: {  	_ =	shalt  }
0x82: {  	_ =	shalt  }
0x83: {  	_ =	shalt  }
0x84: {  	_ =	shalt  }
0x85: {  	_ =	shalt  }
0x86: {  	_ =	shalt  }
0x87: {  	_ =	shalt  }
.Lfunc_end0:
.L_simem_size_0:
called_computation_lowered:
.L_overlay_start_0:
0x88: {  	s2 =	sld [smem:$0x3FD9]  }
0x89: {  	s3 =	sld [smem:$0x3FFE];
	_ =	sdelay $0x1  }
0x8a: {  	s1 =	srdreg.scid  }
0x8b: {  	s0 =	sand.u32 $0x1, s1  }
0x8c: {  	s17 =	sshll.u32 s0, $0xA;
	s2 =	sadd.s32 s3, s2  }
0x8d: {  	s2 =	sadd.s32 s2, s17  }
0x8e: {  	[smem:$0x3FB9] =	sst s2  }
0x8f: {  	_ = 	snop  }
0x90: {  	s2 =	sld [smem:$0x3FD0];
	(tm) =	ssettm $0x1  }
0x91: {  	s18 =	sld [smem:$0x3FFB];
	_ =	sdelay $0x3  }
0x92: {  	_ =	strace s18  }
0x93: {  	s3 =	sld [smem:$0x3FFC];
	_ =	sdelay $0x3  }
0x94: {  	_ =	strace s3  }
0x95: {  	s3 =	sld [smem:$0x3FFD];
	_ =	sdelay $0x3  }
0x96: {  	_ =	strace s3  }
0x97: {  	_ =	strace $0x8FFFFFFF  }
0x98: {  	s19 =	sld [smem:$0x3FDB];
	_ =	sdelay $0x1  }
0x99: {  	s4 =	simm.s32 $_scs_section_size  }
0x9a: {  	s5 =	simm.s32 $_size__tile_overlayer_lowered;
	s6 =	simm.s32 $_tile_overlayer_lowered  }
0x9b: {  	s22 =	simm.s32 $0x1BFF;
	s21 =	sshll.u32 s6, $0x1;
	s3 =	sadd.s32 s4, s19  }
0x9c: {  	s7 =	simm.s32 $0x0;
	s20 =	sshll.u32 s5, $0x1;
	s5 =	sadd.s32 s21, s3  }
0x9d: {  	[timem:s7], [sflag:s22] =	dma.local [hbm:s5], s20  }
0x9e: {  	_ =	swait.ge [sflag:s22], s20  }
0x9f: {  	s4 =	ssub.s32 $0x0, s20;
	[sflag:s22] =	ssyncset.done $0x0  }
0xa0: {  	[sflag:s22] =	ssyncadd.s32 s4;
	_ =	sdelay $0x1  }
0xa1: {  	s23 =	simm.s32 $0x1B8B  }
0xa2: {  	_ =	swait.ge [sflag:s23], $0x1  }
0xa3: {  	[sflag:s23] =	ssyncset.done $0x0  }
0xa4: {  	s25 =	simm.s32 $0x1B8E;
	s24 =	sld [smem:$0x3FFE];
	[sflag:s23] =	ssyncadd.s32 $0xFFFFFFFF  }
0xa5: {  	s26 =	simm.s32 $execute0_lowered;
	[smem:$0x3FD2] =	sst s25  }
0xa6: {  	s5 =	sshll.u32 s26, $0x1;
	_ =	strace $0x80000046;
	[dreg:$0x1] =	wrdreg $0xFFFFFFFF  }
0xa7: {  	s28 =	simm.s32 $_size_execute0_lowered;
	s3 =	sadd.s32 s3, s5;
	[dreg:$0x0] =	wrdreg $0x0  }
0xa8: {  	s5 =	sshll.u32 s28, $0x1;
	[dreg:$0x2] =	wrdreg s3  }
0xa9: {  	[dreg:$0x3] =	wrdreg s5  }
0xaa: {  	[dreg:$0x4] =	wrdreg $0xC0  }
0xab: {  	_ =	task [dreg:s7], $0x5FFFF  }
0xac: {  	[dreg:$0x1] =	wrdreg $0xFFFFFFFF  }
0xad: {  	[dreg:$0x0] =	wrdreg $0x60  }
0xae: {  	[dreg:$0x2] =	wrdreg s2  }
0xaf: {  	[dreg:$0x3] =	wrdreg s24  }
0xb0: {  	[dreg:$0x4] =	wrdreg $0x9  }
0xb1: {  	_ =	task.clear_ibuf [dreg:s7], $0x5FFFF;
	_ =	strace $0x90000046  }
0xb2: {  	s29 =	simm.s32 $0x9;
	_ =	strace $0x80000048  }
0xb3: {  	_ =	swait.ge [sflag:s29], $0x1  }
0xb4: {  	[sflag:s29] =	ssyncadd.s32 $0xFFFFFFFF  }
0xb5: {  	_ =	strace $0x90000048  }
0xb6: {  	_ =	sfence  }
0xb7: {  	s30 =	sld [smem:$0x0];
	_ =	sdelay $0x2  }
0xb8: {  	s31 =	sshll.u32 s1, $0xD;
	s1 =	sshrl.u32 s1, $0x2  }
0xb9: {  	s3 =	sand.u32 $0x4000, s31;
	s1 =	sadd.s32 s1, s30  }
0xba: {  	s0 =	sor.u32 s3, s0;
	s1 =	sshll.u32 s1, $0x11  }
0xbb: {  	s0 =	sor.u32 s1, s0  }
0xbc: {  	s0 =	sadd.s32 $0x8F2B, s0  }
0xbd: {  	[sflag:s0] =	ssyncadd.remote.s32 $0x1  }
0xbe: {  	_ =	sfence.sel $0xFFFF  }
0xbf: {  	[dreg:$0x0] =	wrdreg $0xFFFFFFFF;
	(pc) =	sbr.abs _section_cstart, $3  }
0xc0: {  	[dreg:$0x1] =	wrdreg $0xFFFFFFFF  }
0xc1: {  	_ =	task.clear_ibuf [dreg:s7], $0x2FFFF;
	_ =	strace $0x9FFFFFFF  }
0xc2: {  	(tm) =	ssettm $0x7FFFFFFF  }
0xc3: {  	_ =	shalt  }
tec
execute0_lowered:
.L_overlay_start_1:
0x0: {  	(tag) =	ssettag $0x1  }
0x1: {  	s0 =	srdreg.scid  }
0x2: {  	s3 =	sand.u32 $0x1, s0  }
0x3: {  	s0 =	stileid.u32;
	s1 =	sshll.u32 s3, $0x4  }
0x4: {  	s5 =	rddreg [dreg:$0x0];
	s4 =	sor.u32 s0, s1  }
0x5: {  	s6 =	rddreg [dreg:$0x1];
	s2 =	simm.s32 $0x0;
	s1 =	sshrl.u32 s4, $0x3  }
0x6: {  	s9 =	simm.s32 $0x400;
	s8 =	sshll.u32 s0, $0x7;
	s7 =	smul.u32 $0x14000, s1  }
0x7: {  	s10 =	simm.s32 $0x0;
	s3 =	ssub.s32 $0x2, s3;
	s8 =	sand.u32 $0x380, s8  }
0x8: {  	[smem:$0x7FF] =	sst s2;
	s31 =	sshrl.u32 s3, $0x1;
	s7 =	sor.u32 s8, s7  }
0x9: {  	s4 =	smul.u32 $0x500, s4;
	s1 =	rddreg [dreg:$0x2];
	s7 =	sshrl.u32 s7, $0x3  }
0xa: {  	_ =	strace $0x80000047;
	s8 =	simm.s32 $0x80;
	s6 =	sadd.s32 s7, s6  }
0xb: {  	s7 =	ssub.s32 s3, s31;
	s3 =	sadd.s32 s5, s4;
	s4 =	sadd.s32 $0xE000, s6  }
0xc: {  	v0 =	vimm.f32 $0.0e+00;
	v1 =	vimm.f32 $1.000000000e+00;
	s5 =	smax.u32 s7, $0x1;
	s6 =	simm.s32 $0x1;
	s7 =	simm.s32 $0x2800  }
.LBB2_1:
0xd: {  	[tilespmem:s2], [sflag:$0x1] =	stream.linear.gather [hbm4b:s3+s2], $0x2800, $0x38;
	[tilespmem:$0x5000] =	vst v63  }
0xe: {  	_ =	swait.ge [sflag:s6], $0x2800  }
0xf: {  	[sflag:s6] =	ssyncset.done $0x0  }
0x10: {  	s11 =	simm.s32 $0x0;
	[sflag:s6] =	ssyncadd.s32 $0xFFFFD800  }
.LBB2_2:
0x11: {  	p0 =	sne.s32 s11, $0x9FC0  }
.Ltmp0:
0x12: {  	_ = 	snop;
	(pc) =	sbr.rel @p0 .LBB2_2-.Ltmp0, $3  }
0x13: {  	_ =	sdelay $0x1  }
0x14: {  	s12 =	sshra.s32 s11, $0x2  }
0x15: {  	s11 =	sadd.s32 $0x40, s11;
	[tilespmem:s12+$0x2800] =	vst v0  }
0x16: {  	s11 =	simm.s32 $0x1C0  }
.LBB2_4:
0x17: {  	s12 =	sshra.s32 s11, $0x2  }
0x18: {  	v2 =	vld [tilespmem:s12+$0xFFFFFF90];
	_ =	sdelay $0x7  }
0x19: {  	[tilespmem:v2+s7+$0x0] =	vst.idx.add.f32.msk $0xffff, v1  }
0x1a: {  	v2 =	vld [tilespmem:s12+$0xFFFFFFA0];
	_ =	sdelay $0x7  }
0x1b: {  	[tilespmem:v2+s7+$0x0] =	vst.idx.add.f32.msk $0xffff, v1  }
0x1c: {  	v2 =	vld [tilespmem:s12+$0xFFFFFFB0];
	_ =	sdelay $0x7  }
0x1d: {  	[tilespmem:v2+s7+$0x0] =	vst.idx.add.f32.msk $0xffff, v1  }
0x1e: {  	v2 =	vld [tilespmem:s12+$0xFFFFFFC0];
	_ =	sdelay $0x7  }
0x1f: {  	[tilespmem:v2+s7+$0x0] =	vst.idx.add.f32.msk $0xffff, v1  }
0x20: {  	v2 =	vld [tilespmem:s12+$0xFFFFFFD0];
	_ =	sdelay $0x7  }
0x21: {  	[tilespmem:v2+s7+$0x0] =	vst.idx.add.f32.msk $0xffff, v1  }
0x22: {  	v2 =	vld [tilespmem:s12+$0xFFFFFFE0];
	_ =	sdelay $0x7  }
0x23: {  	[tilespmem:v2+s7+$0x0] =	vst.idx.add.f32.msk $0xffff, v1  }
0x24: {  	v2 =	vld [tilespmem:s12+$0xFFFFFFF0];
	_ =	sdelay $0x7  }
0x25: {  	[tilespmem:v2+s7+$0x0] =	vst.idx.add.f32.msk $0xffff, v1  }
0x26: {  	v2 =	vld [tilespmem:s12+$0x0];
	_ =	sdelay $0x2  }
0x27: {  	p0 =	sne.s32 s11, $0x9FC0  }
.Ltmp1:
0x28: {  	_ = 	snop;
	(pc) =	sbr.rel @p0 .LBB2_4-.Ltmp1, $2  }
0x29: {  	_ =	sdelay $0x2  }
0x2a: {  	s11 =	sadd.s32 $0x200, s11;
	[tilespmem:v2+s7+$0x0] =	vst.idx.add.f32.msk $0xffff, v1  }
0x2b: {  	s10 =	sadd.s32 $0x1, s10  }
0x2c: {  	p0 =	sne.s32 s10, s5  }
.Ltmp2:
0x2d: {  	_ = 	snop;
	(pc) =	sbr.rel @p0 .LBB2_1-.Ltmp2, $4  }
0x2e: {  	[hbm4b:s4+s8] =	stream.strided.scatter [tilespmem:s7], [sflag:$0x1], $0x2800, s9, s8, $0x38;
	[tilespmem:$0x5000] =	vst v63  }
0x2f: {  	_ =	swait.ge [sflag:s6], $0x2800  }
0x30: {  	[sflag:s6] =	ssyncset.done $0x0  }
0x31: {  	[sflag:s6] =	ssyncadd.s32 $0xFFFFD800  }
0x32: {  	_ =	sfence.sel $0x180000  }
0x33: {  	[bflag:$0x0] =	sbarrier.arrive $0xFFFF  }
0x34: {  	p0 =	sne.s32 s0, $0x0;
	_ =	strace $0x90000047  }
0x35: {  	s0 =	sadd.s32 @!p0 $0x100000, s1;
	[bflag:$0x2] =	sbarrier.arrive $0xFFFF  }
0x36: {  	[sflag:s0] =	ssyncadd.tile.s32 @!p0 $0x1;
	_ =	shalt  }
.Lfunc_end2:
_tile_overlayer_lowered:
.L_overlay_start_2:
0x37: {  	(tag) =	ssettag $0x2  }
0x38: {  	s0 =	rddreg [dreg:$0x0];
	s2 =	stileid.u32  }
0x39: {  	s1 =	rddreg [dreg:$0x1];
	p0 =	sne.s32 s2, $0x0  }
0x3a: {  	s3 =	rddreg [dreg:$0x2];
	[bflag:$0x3] =	sbarrier.arrive $0xFFFF;
	s2 =	simm.s32 @!p0 $0x1C01  }
0x3b: {  	[timem:s3], [sflag:s2] =	dma.local @!p0 [hbm:s0], s1  }
0x3c: {  	s0 =	simm.s32 @!p0 $0x1  }
0x3d: {  	_ =	swait.ge @!p0 [sflag:s0], s1  }
0x3e: {  	s1 =	ssub.s32 @!p0 $0x0, s1;
	[sflag:s0] =	ssyncset.done @!p0 $0x0  }
0x3f: {  	[sflag:s0] =	ssyncadd.s32 @!p0 s1  }
0x40: {  	[bflag:$0x3] =	sbarrier.arrive $0xFFFF  }
0x41: {  	_ =	shalt  }

// kernel: kernel.13.cloned.1.call-start
scs
__scs_entry_jumppad:
0x0: {  	(pc) =	sbr.rel $0x88, $3  }
0x1: {  	(tag) =	ssettag $0x0;
	lr =	simm.s32 $0x1  }
0x2: {  	[smem:$0x3F92] =	sst lr;
	_ =	strace $0xD0000000  }
0x3: {  	_ = 	snop  }
0x4: {  	_ = 	snop  }
0x5: {  	_ = 	snop  }
0x6: {  	_ = 	snop  }
0x7: {  	_ = 	snop  }
__scs_overlays_trampoline_lowered:
0x8: {  	[smem:$0x3FA1] =	sst s0  }
0x9: {  	[smem:$0x3FA2] =	sst s1  }
0xa: {  	[smem:$0x3FA3] =	sst s2  }
0xb: {  	[smem:$0x3FA4] =	sst s3  }
0xc: {  	[smem:$0x3FA5] =	sst s4  }
0xd: {  	[smem:$0x3FA6] =	sst s5  }
0xe: {  	[smem:$0x3FA7] =	sst s6  }
0xf: {  	[smem:$0x3FA8] =	sst s7  }
0x10: {  	[smem:$0x3FA9] =	sst s8  }
0x11: {  	[smem:$0x3FAA] =	sst s9;
	s0 =	simm.s32 @!p0 $0x0  }
0x12: {  	s1 =	sld [smem:$0x3F90];
	s0 =	simm.s32 @p0 $0x1  }
0x13: {  	[smem:$0x3FAB] =	sst s0;
	s0 =	simm.s32 @!p1 $0x0  }
0x14: {  	s2 =	sld [smem:$0x3F8F];
	s0 =	simm.s32 @p1 $0x1  }
0x15: {  	[smem:$0x3FAC] =	sst s0;
	s0 =	simm.s32 @!p2 $0x0  }
0x16: {  	s3 =	sld [smem:$0x3FDB];
	s0 =	simm.s32 @p2 $0x1  }
0x17: {  	s4 =	simm.s32 $0x1BF5;
	[smem:$0x3FAE] =	sst s0  }
0x18: {  	s0 =	sld [smem:$0x3F91];
	_ =	swait.ge [sflag:s4], $0x0  }
0x19: {  	s7 =	sld [smem:$0x3F92]  }
0x1a: {  	s8 =	sadd.s32 $0xFFFFE003, lr  }
0x1b: {  	s9 =	sadd.s32 $0xFFFFFEF7, lr;
	s5 =	simm.s32 $0xFFFFFFFF;
	p2 =	slt.u32 s8, $0xFFFFF086  }
0x1c: {  	p1 =	slt.u32 s9, $0xF7A;
	s5 =	simm.s32 @!p2 $0x0  }
0x1d: {  	s5 =	simm.s32 @p1 $0x1;
	p0 =	seq.s32 s7, s2  }
0x1e: {  	s7 =	smul.u32 @!p0 $0xF7A, s2;
	p2 =	seq.s32 @!p0 s5, $0x0  }
0x1f: {  	s9 =	smul.u32 $0xF7A, s1;
	s8 =	simm.s32 @!p0 $0x1BF5;
	p2 =	por !p2, p0  }
0x20: {  	[sflag:s8] =	ssyncset.s32 @!p0 $0xFFFFF086;
	s6 =	sadd.s32 @!p0 s3, s7;
	s7 =	simm.s32 @!p0 $0x108  }
0x21: {  	s3 =	sadd.s32 s3, s9;
	s6 =	sadd.s32 @!p0 $0x88, s6;
	s7 =	simm.s32 @p2 $0x1082  }
0x22: {  	[simem:s7], [sflag:s8] =	dma.local @!p0 [hbm:s6], $0xF7A  }
0x23: {  	s9 =	sor.u32 $0xD0000000, s2;
	s6 =	simm.s32 $0x108;
	_ =	swait.ge @!p0 [sflag:s8], $0x0  }
0x24: {  	s3 =	sadd.s32 $0x88, s3;
	s6 =	simm.s32 @!p1 $0x1082;
	[sflag:s4] =	ssyncset.s32 $0xFFFFF086  }
0x25: {  	[simem:s6], [sflag:s4] =	dma.local [hbm:s3], $0xF7A  }
0x26: {  	[smem:$0x3F92] =	sst s1;
	(tag) =	ssettag s2;
	_ =	strace s9  }
0x27: {  	s1 =	sld [smem:$0x3FA2]  }
0x28: {  	s2 =	sld [smem:$0x3FA3]  }
0x29: {  	s4 =	sld [smem:$0x3FA5]  }
0x2a: {  	p0 =	seq.s32 s5, $0x0;
	s5 =	sld [smem:$0x3FA6]  }
0x2b: {  	s6 =	sld [smem:$0x3FA7]  }
0x2c: {  	s7 =	sld [smem:$0x3FA8]  }
0x2d: {  	s3 =	simm.s32 $0x108;
	s8 =	sld [smem:$0x3FA9]  }
0x2e: {  	s3 =	simm.s32 @!p0 $0x1082;
	s9 =	sld [smem:$0x3FAA]  }
0x2f: {  	lr =	sadd.s32 s0, s3;
	s0 =	sld [smem:$0x3FA1]  }
0x30: {  	s3 =	sld [smem:$0x3FA4]  }
0x31: {  	[smem:$0x3FAD] =	sst s10  }
0x32: {  	s10 =	sld [smem:$0x3FAB];
	_ =	sdelay $0x3  }
0x33: {  	p0 =	seq.s32 s10, $0x1;
	s10 =	sld [smem:$0x3FAD];
	_ =	sdelay $0x3  }
0x34: {  	[smem:$0x3FAD] =	sst s10  }
0x35: {  	s10 =	sld [smem:$0x3FAC];
	_ =	sdelay $0x3  }
0x36: {  	p1 =	seq.s32 s10, $0x1;
	s10 =	sld [smem:$0x3FAD];
	_ =	sdelay $0x3  }
0x37: {  	[smem:$0x3FAD] =	sst s10  }
0x38: {  	s10 =	sld [smem:$0x3FAE]  }
0x39: {  	_ = 	snop;
	(pc) =	sbr.ind lr, $3  }
0x3a: {  	_ = 	snop  }
0x3b: {  	_ = 	snop  }
0x3c: {  	p2 =	seq.s32 s10, $0x1;
	s10 =	sld [smem:$0x3FAD]  }
0x3d: {  	_ =	shalt  }
0x3e: {  	_ =	shalt  }
0x3f: {  	_ =	shalt  }
0x40: {  	_ =	shalt  }
0x41: {  	_ =	shalt  }
0x42: {  	_ =	shalt  }
0x43: {  	_ =	shalt  }
0x44: {  	_ =	shalt  }
0x45: {  	_ =	shalt  }
0x46: {  	_ =	shalt  }
0x47: {  	_ =	shalt  }
0x48: {  	_ =	shalt  }
0x49: {  	_ =	shalt  }
0x4a: {  	_ =	shalt  }
0x4b: {  	_ =	shalt  }
0x4c: {  	_ =	shalt  }
0x4d: {  	_ =	shalt  }
0x4e: {  	_ =	shalt  }
0x4f: {  	_ =	shalt  }
0x50: {  	_ =	shalt  }
0x51: {  	_ =	shalt  }
0x52: {  	_ =	shalt  }
0x53: {  	_ =	shalt  }
0x54: {  	_ =	shalt  }
0x55: {  	_ =	shalt  }
0x56: {  	_ =	shalt  }
0x57: {  	_ =	shalt  }
0x58: {  	_ =	shalt  }
0x59: {  	_ =	shalt  }
0x5a: {  	_ =	shalt  }
0x5b: {  	_ =	shalt  }
0x5c: {  	_ =	shalt  }
0x5d: {  	_ =	shalt  }
0x5e: {  	_ =	shalt  }
0x5f: {  	_ =	shalt  }
0x60: {  	_ =	shalt  }
0x61: {  	_ =	shalt  }
0x62: {  	_ =	shalt  }
0x63: {  	_ =	shalt  }
0x64: {  	_ =	shalt  }
0x65: {  	_ =	shalt  }
0x66: {  	_ =	shalt  }
0x67: {  	_ =	shalt  }
0x68: {  	_ =	shalt  }
0x69: {  	_ =	shalt  }
0x6a: {  	_ =	shalt  }
0x6b: {  	_ =	shalt  }
0x6c: {  	_ =	shalt  }
0x6d: {  	_ =	shalt  }
0x6e: {  	_ =	shalt  }
0x6f: {  	_ =	shalt  }
0x70: {  	_ =	shalt  }
0x71: {  	_ =	shalt  }
0x72: {  	_ =	shalt  }
0x73: {  	_ =	shalt  }
0x74: {  	_ =	shalt  }
0x75: {  	_ =	shalt  }
0x76: {  	_ =	shalt  }
0x77: {  	_ =	shalt  }
0x78: {  	_ =	shalt  }
0x79: {  	_ =	shalt  }
0x7a: {  	_ =	shalt  }
0x7b: {  	_ =	shalt  }
0x7c: {  	_ =	shalt  }
0x7d: {  	_ =	shalt  }
0x7e: {  	_ =	shalt  }
0x7f: {  	_ =	shalt  }
0x80: {  	_ =	shalt  }
0x81: {  	_ =	shalt  }
0x82: {  	_ =	shalt  }
0x83: {  	_ =	shalt  }
0x84: {  	_ =	shalt  }
0x85: {  	_ =	shalt  }
0x86: {  	_ =	shalt  }
0x87: {  	_ =	shalt  }
.Lfunc_end0:
.L_simem_size_0:
called_computation.1_lowered:
.L_overlay_start_0:
0x88: {  	s2 =	sld [smem:$0x3FD9]  }
0x89: {  	s3 =	sld [smem:$0x3FFE];
	_ =	sdelay $0x1  }
0x8a: {  	s1 =	srdreg.scid  }
0x8b: {  	s0 =	sand.u32 $0x1, s1  }
0x8c: {  	s17 =	sshll.u32 s0, $0xA;
	s2 =	sadd.s32 s3, s2  }
0x8d: {  	s2 =	sadd.s32 s2, s17  }
0x8e: {  	[smem:$0x3FB9] =	sst s2  }
0x8f: {  	_ = 	snop  }
0x90: {  	s2 =	sld [smem:$0x3FD0];
	(tm) =	ssettm $0x1  }
0x91: {  	s18 =	sld [smem:$0x3FFB];
	_ =	sdelay $0x3  }
0x92: {  	_ =	strace s18  }
0x93: {  	s3 =	sld [smem:$0x3FFC];
	_ =	sdelay $0x3  }
0x94: {  	_ =	strace s3  }
0x95: {  	s3 =	sld [smem:$0x3FFD];
	_ =	sdelay $0x3  }
0x96: {  	_ =	strace s3  }
0x97: {  	_ =	strace $0x8FFFFFFF  }
0x98: {  	s19 =	sld [smem:$0x3FDB];
	_ =	sdelay $0x1  }
0x99: {  	s4 =	simm.s32 $_scs_section_size  }
0x9a: {  	s5 =	simm.s32 $_size__tile_overlayer_lowered;
	s6 =	simm.s32 $_tile_overlayer_lowered  }
0x9b: {  	s22 =	simm.s32 $0x1BFF;
	s21 =	sshll.u32 s6, $0x1;
	s3 =	sadd.s32 s4, s19  }
0x9c: {  	s7 =	simm.s32 $0x0;
	s20 =	sshll.u32 s5, $0x1;
	s5 =	sadd.s32 s21, s3  }
0x9d: {  	[timem:s7], [sflag:s22] =	dma.local [hbm:s5], s20  }
0x9e: {  	_ =	swait.ge [sflag:s22], s20  }
0x9f: {  	s4 =	ssub.s32 $0x0, s20;
	[sflag:s22] =	ssyncset.done $0x0  }
0xa0: {  	[sflag:s22] =	ssyncadd.s32 s4;
	_ =	sdelay $0x1  }
0xa1: {  	s23 =	simm.s32 $0x1B8B  }
0xa2: {  	_ =	swait.ge [sflag:s23], $0x1  }
0xa3: {  	[sflag:s23] =	ssyncset.done $0x0  }
0xa4: {  	s25 =	simm.s32 $0x1B8E;
	s24 =	sld [smem:$0x3FFE];
	[sflag:s23] =	ssyncadd.s32 $0xFFFFFFFF  }
0xa5: {  	s26 =	simm.s32 $execute0_lowered;
	[smem:$0x3FD2] =	sst s25  }
0xa6: {  	s5 =	sshll.u32 s26, $0x1;
	_ =	strace $0x80000049;
	[dreg:$0x1] =	wrdreg $0xFFFFFFFF  }
0xa7: {  	s28 =	simm.s32 $_size_execute0_lowered;
	s3 =	sadd.s32 s3, s5;
	[dreg:$0x0] =	wrdreg $0x0  }
0xa8: {  	s5 =	sshll.u32 s28, $0x1;
	[dreg:$0x2] =	wrdreg s3  }
0xa9: {  	[dreg:$0x3] =	wrdreg s5  }
0xaa: {  	[dreg:$0x4] =	wrdreg $0xC0  }
0xab: {  	_ =	task [dreg:s7], $0x5FFFF  }
0xac: {  	[dreg:$0x1] =	wrdreg $0xFFFFFFFF  }
0xad: {  	[dreg:$0x0] =	wrdreg $0x60  }
0xae: {  	[dreg:$0x2] =	wrdreg s24  }
0xaf: {  	[dreg:$0x3] =	wrdreg s2  }
0xb0: {  	[dreg:$0x4] =	wrdreg $0xA8000  }
0xb1: {  	[dreg:$0x5] =	wrdreg $0x9  }
0xb2: {  	_ =	task.clear_ibuf [dreg:s7], $0x6FFFF;
	_ =	strace $0x90000049  }
0xb3: {  	s29 =	simm.s32 $0x9;
	_ =	strace $0x8000004B  }
0xb4: {  	_ =	swait.ge [sflag:s29], $0x1  }
0xb5: {  	[sflag:s29] =	ssyncadd.s32 $0xFFFFFFFF  }
0xb6: {  	_ =	strace $0x9000004B  }
0xb7: {  	_ =	sfence  }
0xb8: {  	s30 =	sld [smem:$0x0];
	_ =	sdelay $0x2  }
0xb9: {  	s31 =	sshll.u32 s1, $0xD;
	s1 =	sshrl.u32 s1, $0x2  }
0xba: {  	s3 =	sand.u32 $0x4000, s31;
	s1 =	sadd.s32 s1, s30  }
0xbb: {  	s0 =	sor.u32 s3, s0;
	s1 =	sshll.u32 s1, $0x11  }
0xbc: {  	s0 =	sor.u32 s1, s0  }
0xbd: {  	s0 =	sadd.s32 $0x8F2B, s0  }
0xbe: {  	[sflag:s0] =	ssyncadd.remote.s32 $0x1  }
0xbf: {  	_ =	sfence.sel $0xFFFF  }
0xc0: {  	[dreg:$0x0] =	wrdreg $0xFFFFFFFF;
	(pc) =	sbr.abs _section_cstart, $3  }
0xc1: {  	[dreg:$0x1] =	wrdreg $0xFFFFFFFF  }
0xc2: {  	_ =	task.clear_ibuf [dreg:s7], $0x2FFFF;
	_ =	strace $0x9FFFFFFF  }
0xc3: {  	(tm) =	ssettm $0x7FFFFFFF  }
tec
execute0_lowered:
.L_overlay_start_1:
0x0: {  	(tag) =	ssettag $0x1  }
0x1: {  	s0 =	rddreg [dreg:$0x0]  }
0x2: {  	s3 =	rddreg [dreg:$0x1]  }
0x3: {  	s1 =	rddreg [dreg:$0x2];
	s2 =	simm.s32 $0x0;
	s5 =	srdreg.scid  }
0x4: {  	s8 =	stileid.u32;
	s28 =	simm.s32 $0x2;
	s29 =	simm.s32 $0x1480  }
0x5: {  	s30 =	simm.s32 $0x3;
	s31 =	simm.s32 $0x100;
	[smem:$0x7FF] =	sst s2  }
0x6: {  	s4 =	sadd.s32 $0xE000, s0;
	s9 =	sand.u32 $0x1, s5;
	s6 =	smul.u32 $0x50000, s8  }
0x7: {  	s10 =	sadd.s32 $0x4000, s0;
	s0 =	sadd.s32 $0x86000, s0;
	s11 =	smul.u32 $0x14000, s8  }
0x8: {  	_ =	strace $0x8000004A;
	s5 =	ssub.s32 $0x2, s9;
	s14 =	sshll.u32 s9, $0x4  }
0x9: {  	s20 =	smul.u32 $0x140000, s9;
	s7 =	sshrl.u32 s5, $0x1;
	s6 =	sshrl.u32 s6, $0x2  }
0xa: {  	s8 =	sor.u32 s8, s14;
	s13 =	sadd.s32 $0x4000, s11;
	s16 =	sadd.s32 $0x8000, s11  }
0xb: {  	s17 =	sadd.s32 $0xC000, s11;
	s18 =	sadd.s32 $0x10000, s11;
	s19 =	ssub.s32 s5, s7  }
0xc: {  	s5 =	sadd.s32 s6, s1;
	s6 =	sadd.s32 s13, s1;
	s12 =	smul.u32 $0x500, s8  }
0xd: {  	s7 =	sadd.s32 s16, s1;
	s14 =	smul.u32 $0x2800, s8;
	s8 =	sadd.s32 s17, s1  }
0xe: {  	s9 =	sadd.s32 s18, s1;
	s11 =	sadd.s32 s11, s20;
	s21 =	sadd.s32 s20, s13  }
0xf: {  	s23 =	sadd.s32 s20, s16;
	s24 =	sadd.s32 s20, s17;
	s25 =	sadd.s32 s20, s18  }
0x10: {  	s20 =	simm.s32 $0x2800;
	s22 =	sshrl.u32 s21, $0x3;
	s26 =	sshrl.u32 s25, $0x3  }
0x11: {  	s19 =	smax.u32 s19, $0x1;
	s21 =	simm.s32 $0x5;
	s25 =	simm.s32 $0x1  }
0x12: {  	s15 =	sadd.s32 s10, s12;
	s14 =	sshrl.u32 s14, $0x3;
	s12 =	sadd.s32 s3, s12  }
0x13: {  	s18 =	sadd.s32 s0, s26;
	s26 =	simm.s32 $0x6800;
	[dreg:$0x4] =	wrdreg s15  }
0x14: {  	[dreg:$0x5] =	wrdreg s12;
	s14 =	sadd.s32 $0x280, s14;
	s15 =	sshrl.u32 s11, $0x3  }
.Ltmp0:
0x15: {  	s10 =	sadd.s32 s10, s14;
	s13 =	sadd.s32 s3, s14;
	(pc) =	sbr.rel .LBB2_1-.Ltmp0, $4  }
0x16: {  	s14 =	sadd.s32 s0, s15;
	s15 =	sadd.s32 s0, s22;
	s3 =	sshrl.u32 s23, $0x3  }
0x17: {  	s22 =	simm.s32 $0x6;
	s23 =	simm.s32 $0x1400;
	[dreg:$0x6] =	wrdreg s10  }
0x18: {  	s10 =	sshrl.u32 s24, $0x3;
	s16 =	sadd.s32 s0, s3;
	s24 =	simm.s32 $0x80  }
0x19: {  	v0 =	vimm.f32 $0.0e+00;
	s3 =	simm.s32 $0x0;
	s17 =	sadd.s32 s0, s10;
	s0 =	simm.s32 $0x4  }
.LBB2_9:
0x1a: {  	_ =	swait.ge [sflag:s0], $0x4000  }
0x1b: {  	[sflag:s0] =	ssyncset.done $0x0  }
0x1c: {  	[sflag:s0] =	ssyncadd.s32 $0xFFFFC000  }
0x1d: {  	[bflag:$0x0] =	sbarrier.arrive $0xFFFF  }
0x1e: {  	[tilespmem:s20], [sflag:$0x6] =	stream.linear.gather [spmem:s5], $0x4000, $0x38;
	[tilespmem:$0x1E800] =	vst v63  }
0x1f: {  	_ =	swait.ge [sflag:s22], $0x4000  }
0x20: {  	[sflag:s22] =	ssyncset.done $0x0  }
0x21: {  	[sflag:s22] =	ssyncadd.s32 $0xFFFFC000  }
0x22: {  	[hbm4b:s14+s2] =	stream.linear.scatter [tilespmem:s20], [sflag:$0x1], $0x4000, $0x38;
	[tilespmem:$0x1E800] =	vst v63  }
0x23: {  	_ = 	snop  }
0x24: {  	[tilespmem:s26], [sflag:$0x6] =	stream.linear.gather [spmem:s6], $0x4000, $0x38;
	[tilespmem:$0x1E800] =	vst v63  }
0x25: {  	_ =	swait.ge [sflag:s22], $0x4000  }
0x26: {  	[sflag:s22] =	ssyncset.done $0x0  }
0x27: {  	[sflag:s22] =	ssyncadd.s32 $0xFFFFC000  }
0x28: {  	[hbm4b:s15+s2] =	stream.linear.scatter [tilespmem:s26], [sflag:$0x2], $0x4000, $0x38;
	[tilespmem:$0x1E800] =	vst v63  }
0x29: {  	_ =	swait.ge [sflag:s25], $0x4000  }
0x2a: {  	[sflag:s25] =	ssyncset.done $0x0  }
0x2b: {  	[sflag:s25] =	ssyncadd.s32 $0xFFFFC000  }
0x2c: {  	[tilespmem:s20], [sflag:$0x6] =	stream.linear.gather [spmem:s7], $0x4000, $0x38;
	[tilespmem:$0x1E800] =	vst v63  }
0x2d: {  	_ =	swait.ge [sflag:s22], $0x4000  }
0x2e: {  	[sflag:s22] =	ssyncset.done $0x0  }
0x2f: {  	[sflag:s22] =	ssyncadd.s32 $0xFFFFC000  }
0x30: {  	[hbm4b:s16+s2] =	stream.linear.scatter [tilespmem:s20], [sflag:$0x1], $0x4000, $0x38;
	[tilespmem:$0x1E800] =	vst v63  }
0x31: {  	_ =	swait.ge [sflag:s28], $0x4000  }
0x32: {  	[sflag:s28] =	ssyncset.done $0x0  }
0x33: {  	[sflag:s28] =	ssyncadd.s32 $0xFFFFC000  }
0x34: {  	[tilespmem:s26], [sflag:$0x6] =	stream.linear.gather [spmem:s8], $0x4000, $0x38;
	[tilespmem:$0x1E800] =	vst v63  }
0x35: {  	_ =	swait.ge [sflag:s22], $0x4000  }
0x36: {  	[sflag:s22] =	ssyncset.done $0x0  }
0x37: {  	[sflag:s22] =	ssyncadd.s32 $0xFFFFC000  }
0x38: {  	[hbm4b:s17+s2] =	stream.linear.scatter [tilespmem:s26], [sflag:$0x2], $0x4000, $0x38;
	[tilespmem:$0x1E800] =	vst v63  }
0x39: {  	_ =	swait.ge [sflag:s25], $0x4000  }
0x3a: {  	[sflag:s25] =	ssyncset.done $0x0  }
0x3b: {  	[sflag:s25] =	ssyncadd.s32 $0xFFFFC000  }
0x3c: {  	[tilespmem:s20], [sflag:$0x6] =	stream.linear.gather [spmem:s9], $0x4000, $0x38;
	[tilespmem:$0x1E800] =	vst v63  }
0x3d: {  	_ =	swait.ge [sflag:s22], $0x4000  }
0x3e: {  	[sflag:s22] =	ssyncset.done $0x0  }
0x3f: {  	s3 =	sadd.s32 $0x1, s3;
	[sflag:s22] =	ssyncadd.s32 $0xFFFFC000  }
0x40: {  	[hbm4b:s18+s2] =	stream.linear.scatter [tilespmem:s20], [sflag:$0x1], $0x4000, $0x38;
	[tilespmem:$0x1E800] =	vst v63  }
0x41: {  	p0 =	sne.s32 s3, s19;
	_ =	swait.ge [sflag:s25], $0x4000  }
.Ltmp1:
0x42: {  	[sflag:s25] =	ssyncset.done $0x0;
	(pc) =	sbr.rel @!p0 .LBB2_10-.Ltmp1, $4  }
0x43: {  	[sflag:s25] =	ssyncadd.s32 $0xFFFFC000  }
0x44: {  	_ =	swait.ge [sflag:s28], $0x4000  }
0x45: {  	[sflag:s28] =	ssyncset.done $0x0  }
0x46: {  	[sflag:s28] =	ssyncadd.s32 $0xFFFFC000  }
.LBB2_1:
0x47: {  	s10 =	simm.s32 $0x0;
	s11 =	simm.s32 $0x200  }
.LBB2_2:
0x48: {  	p0 =	sne.s32 s11, $0xFE00;
	[tilespmem:s10+$0x2870] =	vst v0  }
0x49: {  	[tilespmem:s10+$0x2800] =	vst v0  }
0x4a: {  	[tilespmem:s10+$0x2810] =	vst v0  }
.Ltmp2:
0x4b: {  	[tilespmem:s10+$0x2820] =	vst v0;
	(pc) =	sbr.rel @p0 .LBB2_2-.Ltmp2, $4  }
0x4c: {  	[tilespmem:s10+$0x2830] =	vst v0  }
0x4d: {  	[tilespmem:s10+$0x2840] =	vst v0  }
0x4e: {  	[tilespmem:s10+$0x2850] =	vst v0  }
0x4f: {  	[tilespmem:s10+$0x2860] =	vst v0;
	s10 =	sshra.s32 s11, $0x2;
	s11 =	sadd.s32 $0x200, s11  }
0x50: {  	[tilespmem:s10+$0x2870] =	vst v0  }
0x51: {  	[tilespmem:s10+$0x2800] =	vst v0  }
0x52: {  	[tilespmem:s10+$0x2810] =	vst v0  }
0x53: {  	[tilespmem:s10+$0x2820] =	vst v0  }
0x54: {  	[tilespmem:s10+$0x2830] =	vst v0  }
0x55: {  	[tilespmem:s10+$0x2840] =	vst v0  }
0x56: {  	[tilespmem:s10+$0x2850] =	vst v0  }
0x57: {  	[tilespmem:s10+$0x2860] =	vst v0  }
0x58: {  	[spmem:s5] =	stream.linear.scatter [tilespmem:s20], [sflag:$0x5], $0x4000, $0x38;
	[tilespmem:$0x1E800] =	vst v63  }
0x59: {  	_ = 	snop  }
0x5a: {  	[spmem:s6] =	stream.linear.scatter [tilespmem:s20], [sflag:$0x5], $0x4000, $0x38;
	[tilespmem:$0x1E800] =	vst v63  }
0x5b: {  	_ = 	snop  }
0x5c: {  	[spmem:s7] =	stream.linear.scatter [tilespmem:s20], [sflag:$0x5], $0x4000, $0x38;
	[tilespmem:$0x1E800] =	vst v63  }
0x5d: {  	_ = 	snop  }
0x5e: {  	[spmem:s8] =	stream.linear.scatter [tilespmem:s20], [sflag:$0x5], $0x4000, $0x38;
	[tilespmem:$0x1E800] =	vst v63  }
0x5f: {  	_ = 	snop  }
0x60: {  	[spmem:s9] =	stream.linear.scatter [tilespmem:s20], [sflag:$0x5], $0x4000, $0x38;
	[tilespmem:$0x1E800] =	vst v63  }
0x61: {  	_ =	swait.ge [sflag:s21], $0x4000  }
0x62: {  	[sflag:s21] =	ssyncset.done $0x0  }
0x63: {  	[sflag:s21] =	ssyncadd.s32 $0xFFFFC000  }
0x64: {  	_ =	swait.ge [sflag:s21], $0x4000  }
0x65: {  	[sflag:s21] =	ssyncset.done $0x0  }
0x66: {  	[sflag:s21] =	ssyncadd.s32 $0xFFFFC000  }
0x67: {  	_ =	swait.ge [sflag:s21], $0x4000  }
0x68: {  	[sflag:s21] =	ssyncset.done $0x0  }
0x69: {  	[sflag:s21] =	ssyncadd.s32 $0xFFFFC000  }
0x6a: {  	_ =	swait.ge [sflag:s21], $0x4000  }
0x6b: {  	[sflag:s21] =	ssyncset.done $0x0  }
0x6c: {  	[sflag:s21] =	ssyncadd.s32 $0xFFFFC000  }
0x6d: {  	_ =	swait.ge [sflag:s21], $0x4000  }
0x6e: {  	[sflag:s21] =	ssyncset.done $0x0  }
0x6f: {  	[sflag:s21] =	ssyncadd.s32 $0xFFFFC000  }
0x70: {  	[bflag:$0x0] =	sbarrier.arrive $0xFFFF  }
0x71: {  	s11 =	rddreg [dreg:$0x4]  }
0x72: {  	[tilespmem:s2], [sflag:$0x6] =	stream.linear.gather [hbm4b:s11+s2], $0x1400, $0x38;
	[tilespmem:$0x1E800] =	vst v63  }
0x73: {  	_ =	swait.ge [sflag:s22], $0x1400  }
0x74: {  	[sflag:s22] =	ssyncset.done $0x0  }
0x75: {  	s12 =	rddreg [dreg:$0x5];
	[sflag:s22] =	ssyncadd.s32 $0xFFFFEC00  }
0x76: {  	[tilespmem:s23], [sflag:$0x6] =	stream.linear.gather [hbm4b:s12+s2], $0x1400, $0x38;
	[tilespmem:$0x1E800] =	vst v63  }
0x77: {  	_ =	swait.ge [sflag:s22], $0x1400  }
0x78: {  	[sflag:s22] =	ssyncset.done $0x0  }
0x79: {  	[sflag:s22] =	ssyncadd.s32 $0xFFFFEC00  }
0x7a: {  	[tilespmem:s20], [sflag:$0x1] =	stream.indirect.gather [hbm4b:s4+s24], $0x80, s2, s24, $0xb8;
	[tilespmem:$0x1E800] =	vst v63  }
0x7b: {  	_ =	swait.ge [sflag:s25], $0x4000  }
0x7c: {  	[sflag:s25] =	ssyncset.done $0x0  }
0x7d: {  	[sflag:s25] =	ssyncadd.s32 $0xFFFFC000  }
0x7e: {  	[spmem:s1] =	stream.indirect.scatter.add.f32 [tilespmem:s20], [sflag:$0x3], $0x80, s23, s24, $0xb8;
	[tilespmem:$0x1E800] =	vst v63  }
0x7f: {  	_ = 	snop  }
0x80: {  	[tilespmem:s26], [sflag:$0x2] =	stream.indirect.gather [hbm4b:s4+s24], $0x80, s24, s24, $0xb8;
	[tilespmem:$0x1E800] =	vst v63  }
0x81: {  	_ =	swait.ge [sflag:s28], $0x4000  }
0x82: {  	[sflag:s28] =	ssyncset.done $0x0  }
0x83: {  	[sflag:s28] =	ssyncadd.s32 $0xFFFFC000  }
0x84: {  	[spmem:s1] =	stream.indirect.scatter.add.f32 [tilespmem:s26], [sflag:$0x4], $0x80, s29, s24, $0xb8;
	[tilespmem:$0x1E800] =	vst v63  }
0x85: {  	_ =	swait.ge [sflag:s30], $0x4000  }
0x86: {  	[sflag:s30] =	ssyncset.done $0x0  }
0x87: {  	s10 =	simm.s32 $0xFFFFB800;
	[sflag:s30] =	ssyncadd.s32 $0xFFFFC000  }
0x88: {  	[tilespmem:s20], [sflag:$0x1] =	stream.indirect.gather [hbm4b:s4+s24], $0x80, s31, s24, $0xb8;
	[tilespmem:$0x1E800] =	vst v63  }
.LBB2_4:
0x89: {  	_ =	swait.ge [sflag:s25], $0x4000  }
0x8a: {  	s11 =	sshra.s32 s10, $0x2;
	[sflag:s25] =	ssyncset.done $0x0  }
0x8b: {  	s12 =	sadd.s32 $0x2700, s11;
	[sflag:s25] =	ssyncadd.s32 $0xFFFFC000  }
0x8c: {  	[spmem:s1] =	stream.indirect.scatter.add.f32 [tilespmem:s20], [sflag:$0x3], $0x80, s12, s24, $0xb8;
	[tilespmem:$0x1E800] =	vst v63  }
0x8d: {  	_ =	swait.ge [sflag:s0], $0x4000  }
0x8e: {  	[sflag:s0] =	ssyncset.done $0x0  }
0x8f: {  	s12 =	sadd.s32 $0x1380, s11;
	[sflag:s0] =	ssyncadd.s32 $0xFFFFC000  }
0x90: {  	[tilespmem:s26], [sflag:$0x2] =	stream.indirect.gather [hbm4b:s4+s24], $0x80, s12, s24, $0xb8;
	[tilespmem:$0x1E800] =	vst v63  }
0x91: {  	_ =	swait.ge [sflag:s28], $0x4000  }
0x92: {  	p0 =	seq.s32 s10, $0x0;
	[sflag:s28] =	ssyncset.done $0x0  }
.Ltmp3:
0x93: {  	s12 =	sadd.s32 $0x2780, s11;
	[sflag:s28] =	ssyncadd.s32 $0xFFFFC000;
	(pc) =	sbr.rel @p0 .LBB2_6-.Ltmp3, $4  }
0x94: {  	[spmem:s1] =	stream.indirect.scatter.add.f32 [tilespmem:s26], [sflag:$0x4], $0x80, s12, s24, $0xb8;
	[tilespmem:$0x1E800] =	vst v63  }
0x95: {  	_ =	swait.ge [sflag:s30], $0x4000  }
0x96: {  	[sflag:s30] =	ssyncset.done $0x0  }
0x97: {  	[sflag:s30] =	ssyncadd.s32 $0xFFFFC000  }
.Ltmp4:
0x98: {  	(pc) =	sbr.rel .LBB2_4-.Ltmp4, $3  }
0x99: {  	_ =	sdelay $0x1  }
0x9a: {  	s11 =	sadd.s32 $0x1400, s11;
	s10 =	sadd.s32 $0x400, s10  }
0x9b: {  	[tilespmem:s20], [sflag:$0x1] =	stream.indirect.gather [hbm4b:s4+s24], $0x80, s11, s24, $0xb8;
	[tilespmem:$0x1E800] =	vst v63  }
.LBB2_6:
0x9c: {  	_ =	swait.ge [sflag:s0], $0x4000  }
0x9d: {  	[sflag:s0] =	ssyncset.done $0x0  }
0x9e: {  	s10 =	rddreg [dreg:$0x6];
	[sflag:s0] =	ssyncadd.s32 $0xFFFFC000  }
0x9f: {  	[tilespmem:s2], [sflag:$0x6] =	stream.linear.gather [hbm4b:s10+s2], $0x1400, $0x38;
	[tilespmem:$0x1E800] =	vst v63  }
0xa0: {  	_ =	swait.ge [sflag:s22], $0x1400  }
0xa1: {  	[sflag:s22] =	ssyncset.done $0x0  }
0xa2: {  	[sflag:s22] =	ssyncadd.s32 $0xFFFFEC00  }
0xa3: {  	[tilespmem:s23], [sflag:$0x6] =	stream.linear.gather [hbm4b:s13+s2], $0x1400, $0x38;
	[tilespmem:$0x1E800] =	vst v63  }
0xa4: {  	_ =	swait.ge [sflag:s22], $0x1400  }
0xa5: {  	[sflag:s22] =	ssyncset.done $0x0  }
0xa6: {  	[sflag:s22] =	ssyncadd.s32 $0xFFFFEC00  }
0xa7: {  	[tilespmem:s20], [sflag:$0x1] =	stream.indirect.gather [hbm4b:s4+s24], $0x80, s2, s24, $0xb8;
	[tilespmem:$0x1E800] =	vst v63  }
0xa8: {  	_ =	swait.ge [sflag:s25], $0x4000  }
0xa9: {  	[sflag:s25] =	ssyncset.done $0x0  }
0xaa: {  	[sflag:s25] =	ssyncadd.s32 $0xFFFFC000  }
0xab: {  	[spmem:s1] =	stream.indirect.scatter.add.f32 [tilespmem:s20], [sflag:$0x3], $0x80, s23, s24, $0xb8;
	[tilespmem:$0x1E800] =	vst v63  }
0xac: {  	_ = 	snop  }
0xad: {  	[tilespmem:s26], [sflag:$0x2] =	stream.indirect.gather [hbm4b:s4+s24], $0x80, s24, s24, $0xb8;
	[tilespmem:$0x1E800] =	vst v63  }
0xae: {  	_ =	swait.ge [sflag:s28], $0x4000  }
0xaf: {  	[sflag:s28] =	ssyncset.done $0x0  }
0xb0: {  	[sflag:s28] =	ssyncadd.s32 $0xFFFFC000  }
0xb1: {  	[spmem:s1] =	stream.indirect.scatter.add.f32 [tilespmem:s26], [sflag:$0x4], $0x80, s29, s24, $0xb8;
	[tilespmem:$0x1E800] =	vst v63  }
0xb2: {  	_ =	swait.ge [sflag:s30], $0x4000  }
0xb3: {  	[sflag:s30] =	ssyncset.done $0x0  }
0xb4: {  	s10 =	simm.s32 $0xFFFFB800;
	[sflag:s30] =	ssyncadd.s32 $0xFFFFC000  }
0xb5: {  	[tilespmem:s20], [sflag:$0x1] =	stream.indirect.gather [hbm4b:s4+s24], $0x80, s31, s24, $0xb8;
	[tilespmem:$0x1E800] =	vst v63  }
.LBB2_7:
0xb6: {  	_ =	swait.ge [sflag:s25], $0x4000  }
0xb7: {  	s11 =	sshra.s32 s10, $0x2;
	[sflag:s25] =	ssyncset.done $0x0  }
0xb8: {  	s12 =	sadd.s32 $0x2700, s11;
	[sflag:s25] =	ssyncadd.s32 $0xFFFFC000  }
0xb9: {  	[spmem:s1] =	stream.indirect.scatter.add.f32 [tilespmem:s20], [sflag:$0x3], $0x80, s12, s24, $0xb8;
	[tilespmem:$0x1E800] =	vst v63  }
0xba: {  	_ =	swait.ge [sflag:s0], $0x4000  }
0xbb: {  	[sflag:s0] =	ssyncset.done $0x0  }
0xbc: {  	s12 =	sadd.s32 $0x1380, s11;
	[sflag:s0] =	ssyncadd.s32 $0xFFFFC000  }
0xbd: {  	[tilespmem:s26], [sflag:$0x2] =	stream.indirect.gather [hbm4b:s4+s24], $0x80, s12, s24, $0xb8;
	[tilespmem:$0x1E800] =	vst v63  }
0xbe: {  	_ =	swait.ge [sflag:s28], $0x4000  }
0xbf: {  	p0 =	seq.s32 s10, $0x0;
	[sflag:s28] =	ssyncset.done $0x0  }
.Ltmp5:
0xc0: {  	s12 =	sadd.s32 $0x2780, s11;
	[sflag:s28] =	ssyncadd.s32 $0xFFFFC000;
	(pc) =	sbr.rel @p0 .LBB2_9-.Ltmp5, $4  }
0xc1: {  	[spmem:s1] =	stream.indirect.scatter.add.f32 [tilespmem:s26], [sflag:$0x4], $0x80, s12, s24, $0xb8;
	[tilespmem:$0x1E800] =	vst v63  }
0xc2: {  	_ =	swait.ge [sflag:s30], $0x4000  }
0xc3: {  	[sflag:s30] =	ssyncset.done $0x0  }
0xc4: {  	[sflag:s30] =	ssyncadd.s32 $0xFFFFC000  }
.Ltmp6:
0xc5: {  	(pc) =	sbr.rel .LBB2_7-.Ltmp6, $3  }
0xc6: {  	_ =	sdelay $0x1  }
0xc7: {  	s11 =	sadd.s32 $0x1400, s11;
	s10 =	sadd.s32 $0x400, s10  }
0xc8: {  	[tilespmem:s20], [sflag:$0x1] =	stream.indirect.gather [hbm4b:s4+s24], $0x80, s11, s24, $0xb8;
	[tilespmem:$0x1E800] =	vst v63  }
.LBB2_10:
0xc9: {  	_ =	sfence.sel $0x180000  }
0xca: {  	[bflag:$0x0] =	sbarrier.arrive $0xFFFF  }
0xcb: {  	_ =	strace $0x9000004A  }
0xcc: {  	s0 =	stileid.u32;
	[bflag:$0x2] =	sbarrier.arrive $0xFFFF  }
0xcd: {  	p0 =	sne.s32 s0, $0x0;
	s0 =	rddreg [dreg:$0x3]  }
0xce: {  	s0 =	sadd.s32 @!p0 $0x100000, s0  }
0xcf: {  	[sflag:s0] =	ssyncadd.tile.s32 @!p0 $0x1;
	_ =	shalt  }
.Lfunc_end2:
_tile_overlayer_lowered:
.L_overlay_start_2:
0xd0: {  	(tag) =	ssettag $0x2  }
0xd1: {  	s0 =	rddreg [dreg:$0x0];
	s2 =	stileid.u32  }
0xd2: {  	s1 =	rddreg [dreg:$0x1];
	p0 =	sne.s32 s2, $0x0  }
0xd3: {  	s3 =	rddreg [dreg:$0x2];
	[bflag:$0x3] =	sbarrier.arrive $0xFFFF;
	s2 =	simm.s32 @!p0 $0x1C06  }
0xd4: {  	[timem:s3], [sflag:s2] =	dma.local @!p0 [hbm:s0], s1  }
0xd5: {  	s0 =	simm.s32 @!p0 $0x6  }
0xd6: {  	_ =	swait.ge @!p0 [sflag:s0], s1  }
0xd7: {  	s1 =	ssub.s32 @!p0 $0x0, s1;
	[sflag:s0] =	ssyncset.done @!p0 $0x0  }
0xd8: {  	[sflag:s0] =	ssyncadd.s32 @!p0 s1  }
0xd9: {  	[bflag:$0x3] =	sbarrier.arrive $0xFFFF  }
0xda: {  	_ =	shalt  }

// kernel: kernel.16.cloned.1.call-start
scs
__scs_entry_jumppad:
0x0: {  	(pc) =	sbr.rel $0x88, $3  }
0x1: {  	(tag) =	ssettag $0x0;
	lr =	simm.s32 $0x1  }
0x2: {  	[smem:$0x3F92] =	sst lr;
	_ =	strace $0xD0000000  }
0x3: {  	_ = 	snop  }
0x4: {  	_ = 	snop  }
0x5: {  	_ = 	snop  }
0x6: {  	_ = 	snop  }
0x7: {  	_ = 	snop  }
__scs_overlays_trampoline_lowered:
0x8: {  	[smem:$0x3FA1] =	sst s0  }
0x9: {  	[smem:$0x3FA2] =	sst s1  }
0xa: {  	[smem:$0x3FA3] =	sst s2  }
0xb: {  	[smem:$0x3FA4] =	sst s3  }
0xc: {  	[smem:$0x3FA5] =	sst s4  }
0xd: {  	[smem:$0x3FA6] =	sst s5  }
0xe: {  	[smem:$0x3FA7] =	sst s6  }
0xf: {  	[smem:$0x3FA8] =	sst s7  }
0x10: {  	[smem:$0x3FA9] =	sst s8  }
0x11: {  	[smem:$0x3FAA] =	sst s9;
	s0 =	simm.s32 @!p0 $0x0  }
0x12: {  	s1 =	sld [smem:$0x3F90];
	s0 =	simm.s32 @p0 $0x1  }
0x13: {  	[smem:$0x3FAB] =	sst s0;
	s0 =	simm.s32 @!p1 $0x0  }
0x14: {  	s2 =	sld [smem:$0x3F8F];
	s0 =	simm.s32 @p1 $0x1  }
0x15: {  	[smem:$0x3FAC] =	sst s0;
	s0 =	simm.s32 @!p2 $0x0  }
0x16: {  	s3 =	sld [smem:$0x3FDB];
	s0 =	simm.s32 @p2 $0x1  }
0x17: {  	s4 =	simm.s32 $0x1BF5;
	[smem:$0x3FAE] =	sst s0  }
0x18: {  	s0 =	sld [smem:$0x3F91];
	_ =	swait.ge [sflag:s4], $0x0  }
0x19: {  	s7 =	sld [smem:$0x3F92]  }
0x1a: {  	s8 =	sadd.s32 $0xFFFFE003, lr  }
0x1b: {  	s9 =	sadd.s32 $0xFFFFFEF7, lr;
	s5 =	simm.s32 $0xFFFFFFFF;
	p2 =	slt.u32 s8, $0xFFFFF086  }
0x1c: {  	p1 =	slt.u32 s9, $0xF7A;
	s5 =	simm.s32 @!p2 $0x0  }
0x1d: {  	s5 =	simm.s32 @p1 $0x1;
	p0 =	seq.s32 s7, s2  }
0x1e: {  	s7 =	smul.u32 @!p0 $0xF7A, s2;
	p2 =	seq.s32 @!p0 s5, $0x0  }
0x1f: {  	s9 =	smul.u32 $0xF7A, s1;
	s8 =	simm.s32 @!p0 $0x1BF5;
	p2 =	por !p2, p0  }
0x20: {  	[sflag:s8] =	ssyncset.s32 @!p0 $0xFFFFF086;
	s6 =	sadd.s32 @!p0 s3, s7;
	s7 =	simm.s32 @!p0 $0x108  }
0x21: {  	s3 =	sadd.s32 s3, s9;
	s6 =	sadd.s32 @!p0 $0x88, s6;
	s7 =	simm.s32 @p2 $0x1082  }
0x22: {  	[simem:s7], [sflag:s8] =	dma.local @!p0 [hbm:s6], $0xF7A  }
0x23: {  	s9 =	sor.u32 $0xD0000000, s2;
	s6 =	simm.s32 $0x108;
	_ =	swait.ge @!p0 [sflag:s8], $0x0  }
0x24: {  	s3 =	sadd.s32 $0x88, s3;
	s6 =	simm.s32 @!p1 $0x1082;
	[sflag:s4] =	ssyncset.s32 $0xFFFFF086  }
0x25: {  	[simem:s6], [sflag:s4] =	dma.local [hbm:s3], $0xF7A  }
0x26: {  	[smem:$0x3F92] =	sst s1;
	(tag) =	ssettag s2;
	_ =	strace s9  }
0x27: {  	s1 =	sld [smem:$0x3FA2]  }
0x28: {  	s2 =	sld [smem:$0x3FA3]  }
0x29: {  	s4 =	sld [smem:$0x3FA5]  }
0x2a: {  	p0 =	seq.s32 s5, $0x0;
	s5 =	sld [smem:$0x3FA6]  }
0x2b: {  	s6 =	sld [smem:$0x3FA7]  }
0x2c: {  	s7 =	sld [smem:$0x3FA8]  }
0x2d: {  	s3 =	simm.s32 $0x108;
	s8 =	sld [smem:$0x3FA9]  }
0x2e: {  	s3 =	simm.s32 @!p0 $0x1082;
	s9 =	sld [smem:$0x3FAA]  }
0x2f: {  	lr =	sadd.s32 s0, s3;
	s0 =	sld [smem:$0x3FA1]  }
0x30: {  	s3 =	sld [smem:$0x3FA4]  }
0x31: {  	[smem:$0x3FAD] =	sst s10  }
0x32: {  	s10 =	sld [smem:$0x3FAB];
	_ =	sdelay $0x3  }
0x33: {  	p0 =	seq.s32 s10, $0x1;
	s10 =	sld [smem:$0x3FAD];
	_ =	sdelay $0x3  }
0x34: {  	[smem:$0x3FAD] =	sst s10  }
0x35: {  	s10 =	sld [smem:$0x3FAC];
	_ =	sdelay $0x3  }
0x36: {  	p1 =	seq.s32 s10, $0x1;
	s10 =	sld [smem:$0x3FAD];
	_ =	sdelay $0x3  }
0x37: {  	[smem:$0x3FAD] =	sst s10  }
0x38: {  	s10 =	sld [smem:$0x3FAE]  }
0x39: {  	_ = 	snop;
	(pc) =	sbr.ind lr, $3  }
0x3a: {  	_ = 	snop  }
0x3b: {  	_ = 	snop  }
0x3c: {  	p2 =	seq.s32 s10, $0x1;
	s10 =	sld [smem:$0x3FAD]  }
0x3d: {  	_ =	shalt  }
0x3e: {  	_ =	shalt  }
0x3f: {  	_ =	shalt  }
0x40: {  	_ =	shalt  }
0x41: {  	_ =	shalt  }
0x42: {  	_ =	shalt  }
0x43: {  	_ =	shalt  }
0x44: {  	_ =	shalt  }
0x45: {  	_ =	shalt  }
0x46: {  	_ =	shalt  }
0x47: {  	_ =	shalt  }
0x48: {  	_ =	shalt  }
0x49: {  	_ =	shalt  }
0x4a: {  	_ =	shalt  }
0x4b: {  	_ =	shalt  }
0x4c: {  	_ =	shalt  }
0x4d: {  	_ =	shalt  }
0x4e: {  	_ =	shalt  }
0x4f: {  	_ =	shalt  }
0x50: {  	_ =	shalt  }
0x51: {  	_ =	shalt  }
0x52: {  	_ =	shalt  }
0x53: {  	_ =	shalt  }
0x54: {  	_ =	shalt  }
0x55: {  	_ =	shalt  }
0x56: {  	_ =	shalt  }
0x57: {  	_ =	shalt  }
0x58: {  	_ =	shalt  }
0x59: {  	_ =	shalt  }
0x5a: {  	_ =	shalt  }
0x5b: {  	_ =	shalt  }
0x5c: {  	_ =	shalt  }
0x5d: {  	_ =	shalt  }
0x5e: {  	_ =	shalt  }
0x5f: {  	_ =	shalt  }
0x60: {  	_ =	shalt  }
0x61: {  	_ =	shalt  }
0x62: {  	_ =	shalt  }
0x63: {  	_ =	shalt  }
0x64: {  	_ =	shalt  }
0x65: {  	_ =	shalt  }
0x66: {  	_ =	shalt  }
0x67: {  	_ =	shalt  }
0x68: {  	_ =	shalt  }
0x69: {  	_ =	shalt  }
0x6a: {  	_ =	shalt  }
0x6b: {  	_ =	shalt  }
0x6c: {  	_ =	shalt  }
0x6d: {  	_ =	shalt  }
0x6e: {  	_ =	shalt  }
0x6f: {  	_ =	shalt  }
0x70: {  	_ =	shalt  }
0x71: {  	_ =	shalt  }
0x72: {  	_ =	shalt  }
0x73: {  	_ =	shalt  }
0x74: {  	_ =	shalt  }
0x75: {  	_ =	shalt  }
0x76: {  	_ =	shalt  }
0x77: {  	_ =	shalt  }
0x78: {  	_ =	shalt  }
0x79: {  	_ =	shalt  }
0x7a: {  	_ =	shalt  }
0x7b: {  	_ =	shalt  }
0x7c: {  	_ =	shalt  }
0x7d: {  	_ =	shalt  }
0x7e: {  	_ =	shalt  }
0x7f: {  	_ =	shalt  }
0x80: {  	_ =	shalt  }
0x81: {  	_ =	shalt  }
0x82: {  	_ =	shalt  }
0x83: {  	_ =	shalt  }
0x84: {  	_ =	shalt  }
0x85: {  	_ =	shalt  }
0x86: {  	_ =	shalt  }
0x87: {  	_ =	shalt  }
.Lfunc_end0:
.L_simem_size_0:
called_computation.2_lowered:
.L_overlay_start_0:
0x88: {  	s2 =	sld [smem:$0x3FD9]  }
0x89: {  	s3 =	sld [smem:$0x3FFE];
	_ =	sdelay $0x1  }
0x8a: {  	s1 =	srdreg.scid  }
0x8b: {  	s0 =	sand.u32 $0x1, s1  }
0x8c: {  	s17 =	sshll.u32 s0, $0xA;
	s2 =	sadd.s32 s3, s2  }
0x8d: {  	s2 =	sadd.s32 s2, s17  }
0x8e: {  	[smem:$0x3FB9] =	sst s2  }
0x8f: {  	_ = 	snop  }
0x90: {  	s2 =	sld [smem:$0x3FD0];
	(tm) =	ssettm $0x1  }
0x91: {  	s18 =	sld [smem:$0x3FFB];
	_ =	sdelay $0x3  }
0x92: {  	_ =	strace s18  }
0x93: {  	s3 =	sld [smem:$0x3FFC];
	_ =	sdelay $0x3  }
0x94: {  	_ =	strace s3  }
0x95: {  	s3 =	sld [smem:$0x3FFD];
	_ =	sdelay $0x3  }
0x96: {  	_ =	strace s3  }
0x97: {  	_ =	strace $0x8FFFFFFF  }
0x98: {  	s19 =	sld [smem:$0x3FDB];
	_ =	sdelay $0x1  }
0x99: {  	s4 =	simm.s32 $_scs_section_size  }
0x9a: {  	s5 =	simm.s32 $_size__tile_overlayer_lowered;
	s6 =	simm.s32 $_tile_overlayer_lowered  }
0x9b: {  	s22 =	simm.s32 $0x1BFF;
	s21 =	sshll.u32 s6, $0x1;
	s3 =	sadd.s32 s4, s19  }
0x9c: {  	s7 =	simm.s32 $0x0;
	s20 =	sshll.u32 s5, $0x1;
	s5 =	sadd.s32 s21, s3  }
0x9d: {  	[timem:s7], [sflag:s22] =	dma.local [hbm:s5], s20  }
0x9e: {  	_ =	swait.ge [sflag:s22], s20  }
0x9f: {  	s4 =	ssub.s32 $0x0, s20;
	[sflag:s22] =	ssyncset.done $0x0  }
0xa0: {  	[sflag:s22] =	ssyncadd.s32 s4;
	_ =	sdelay $0x1  }
0xa1: {  	s23 =	simm.s32 $0x1B8B  }
0xa2: {  	_ =	swait.ge [sflag:s23], $0x1  }
0xa3: {  	[sflag:s23] =	ssyncset.done $0x0  }
0xa4: {  	s25 =	simm.s32 $0x1B8E;
	s24 =	sld [smem:$0x3FFE];
	[sflag:s23] =	ssyncadd.s32 $0xFFFFFFFF  }
0xa5: {  	s26 =	simm.s32 $execute0_lowered;
	[smem:$0x3FD2] =	sst s25  }
0xa6: {  	s5 =	sshll.u32 s26, $0x1;
	_ =	strace $0x8000004C;
	[dreg:$0x1] =	wrdreg $0xFFFFFFFF  }
0xa7: {  	s28 =	simm.s32 $_size_execute0_lowered;
	s3 =	sadd.s32 s3, s5;
	[dreg:$0x0] =	wrdreg $0x0  }
0xa8: {  	s5 =	sshll.u32 s28, $0x1;
	[dreg:$0x2] =	wrdreg s3  }
0xa9: {  	[dreg:$0x3] =	wrdreg s5  }
0xaa: {  	[dreg:$0x4] =	wrdreg $0xC0  }
0xab: {  	_ =	task [dreg:s7], $0x5FFFF  }
0xac: {  	[dreg:$0x1] =	wrdreg $0xFFFFFFFF  }
0xad: {  	[dreg:$0x0] =	wrdreg $0x60  }
0xae: {  	[dreg:$0x2] =	wrdreg s24  }
0xaf: {  	[dreg:$0x3] =	wrdreg s2  }
0xb0: {  	[dreg:$0x4] =	wrdreg $0xA8000  }
0xb1: {  	[dreg:$0x5] =	wrdreg $0x9  }
0xb2: {  	_ =	task.clear_ibuf [dreg:s7], $0x6FFFF;
	_ =	strace $0x9000004C  }
0xb3: {  	s29 =	simm.s32 $0x9;
	_ =	strace $0x8000004E  }
0xb4: {  	_ =	swait.ge [sflag:s29], $0x1  }
0xb5: {  	[sflag:s29] =	ssyncadd.s32 $0xFFFFFFFF  }
0xb6: {  	_ =	strace $0x9000004E  }
0xb7: {  	_ =	sfence  }
0xb8: {  	s30 =	sld [smem:$0x0];
	_ =	sdelay $0x2  }
0xb9: {  	s31 =	sshll.u32 s1, $0xD;
	s1 =	sshrl.u32 s1, $0x2  }
0xba: {  	s3 =	sand.u32 $0x4000, s31;
	s1 =	sadd.s32 s1, s30  }
0xbb: {  	s0 =	sor.u32 s3, s0;
	s1 =	sshll.u32 s1, $0x11  }
0xbc: {  	s0 =	sor.u32 s1, s0  }
0xbd: {  	s0 =	sadd.s32 $0x8F2B, s0  }
0xbe: {  	[sflag:s0] =	ssyncadd.remote.s32 $0x1  }
0xbf: {  	_ =	sfence.sel $0xFFFF  }
0xc0: {  	[dreg:$0x0] =	wrdreg $0xFFFFFFFF;
	(pc) =	sbr.abs _section_cstart, $3  }
0xc1: {  	[dreg:$0x1] =	wrdreg $0xFFFFFFFF  }
0xc2: {  	_ =	task.clear_ibuf [dreg:s7], $0x2FFFF;
	_ =	strace $0x9FFFFFFF  }
0xc3: {  	(tm) =	ssettm $0x7FFFFFFF  }
tec
execute0_lowered:
.L_overlay_start_1:
0x0: {  	(tag) =	ssettag $0x1  }
0x1: {  	s0 =	rddreg [dreg:$0x0]  }
0x2: {  	s3 =	rddreg [dreg:$0x1]  }
0x3: {  	s1 =	rddreg [dreg:$0x2];
	s2 =	simm.s32 $0x0;
	s5 =	srdreg.scid  }
0x4: {  	s8 =	stileid.u32;
	s28 =	simm.s32 $0x2;
	s29 =	simm.s32 $0x1480  }
0x5: {  	s30 =	simm.s32 $0x3;
	s31 =	simm.s32 $0x100;
	[smem:$0x7FF] =	sst s2  }
0x6: {  	s4 =	sadd.s32 $0xE000, s0;
	s9 =	sand.u32 $0x1, s5;
	s6 =	smul.u32 $0x50000, s8  }
0x7: {  	s10 =	sadd.s32 $0x4000, s0;
	s0 =	sadd.s32 $0x86000, s0;
	s11 =	smul.u32 $0x14000, s8  }
0x8: {  	_ =	strace $0x8000004D;
	s5 =	ssub.s32 $0x2, s9;
	s14 =	sshll.u32 s9, $0x4  }
0x9: {  	s20 =	smul.u32 $0x140000, s9;
	s7 =	sshrl.u32 s5, $0x1;
	s6 =	sshrl.u32 s6, $0x2  }
0xa: {  	s8 =	sor.u32 s8, s14;
	s13 =	sadd.s32 $0x4000, s11;
	s16 =	sadd.s32 $0x8000, s11  }
0xb: {  	s17 =	sadd.s32 $0xC000, s11;
	s18 =	sadd.s32 $0x10000, s11;
	s19 =	ssub.s32 s5, s7  }
0xc: {  	s5 =	sadd.s32 s6, s1;
	s6 =	sadd.s32 s13, s1;
	s12 =	smul.u32 $0x500, s8  }
0xd: {  	s7 =	sadd.s32 s16, s1;
	s14 =	smul.u32 $0x2800, s8;
	s8 =	sadd.s32 s17, s1  }
0xe: {  	s9 =	sadd.s32 s18, s1;
	s11 =	sadd.s32 s11, s20;
	s21 =	sadd.s32 s20, s13  }
0xf: {  	s23 =	sadd.s32 s20, s16;
	s24 =	sadd.s32 s20, s17;
	s25 =	sadd.s32 s20, s18  }
0x10: {  	s20 =	simm.s32 $0x2800;
	s22 =	sshrl.u32 s21, $0x3;
	s26 =	sshrl.u32 s25, $0x3  }
0x11: {  	s19 =	smax.u32 s19, $0x1;
	s21 =	simm.s32 $0x5;
	s25 =	simm.s32 $0x1  }
0x12: {  	s15 =	sadd.s32 s10, s12;
	s14 =	sshrl.u32 s14, $0x3;
	s12 =	sadd.s32 s3, s12  }
0x13: {  	s18 =	sadd.s32 s0, s26;
	s26 =	simm.s32 $0x6800;
	[dreg:$0x4] =	wrdreg s15  }
0x14: {  	[dreg:$0x5] =	wrdreg s12;
	s14 =	sadd.s32 $0x280, s14;
	s15 =	sshrl.u32 s11, $0x3  }
.Ltmp0:
0x15: {  	s10 =	sadd.s32 s10, s14;
	s13 =	sadd.s32 s3, s14;
	(pc) =	sbr.rel .LBB2_1-.Ltmp0, $4  }
0x16: {  	s14 =	sadd.s32 s0, s15;
	s15 =	sadd.s32 s0, s22;
	s3 =	sshrl.u32 s23, $0x3  }
0x17: {  	s22 =	simm.s32 $0x6;
	s23 =	simm.s32 $0x1400;
	[dreg:$0x6] =	wrdreg s10  }
0x18: {  	s10 =	sshrl.u32 s24, $0x3;
	s16 =	sadd.s32 s0, s3;
	s24 =	simm.s32 $0x80  }
0x19: {  	v0 =	vimm.f32 $0.0e+00;
	s3 =	simm.s32 $0x0;
	s17 =	sadd.s32 s0, s10;
	s0 =	simm.s32 $0x4  }
.LBB2_9:
0x1a: {  	_ =	swait.ge [sflag:s0], $0x4000  }
0x1b: {  	[sflag:s0] =	ssyncset.done $0x0  }
0x1c: {  	[sflag:s0] =	ssyncadd.s32 $0xFFFFC000  }
0x1d: {  	[bflag:$0x0] =	sbarrier.arrive $0xFFFF  }
0x1e: {  	[tilespmem:s20], [sflag:$0x6] =	stream.linear.gather [spmem:s5], $0x4000, $0x38;
	[tilespmem:$0x1E800] =	vst v63  }
0x1f: {  	_ =	swait.ge [sflag:s22], $0x4000  }
0x20: {  	[sflag:s22] =	ssyncset.done $0x0  }
0x21: {  	[sflag:s22] =	ssyncadd.s32 $0xFFFFC000  }
0x22: {  	[hbm4b:s14+s2] =	stream.linear.scatter [tilespmem:s20], [sflag:$0x1], $0x4000, $0x38;
	[tilespmem:$0x1E800] =	vst v63  }
0x23: {  	_ = 	snop  }
0x24: {  	[tilespmem:s26], [sflag:$0x6] =	stream.linear.gather [spmem:s6], $0x4000, $0x38;
	[tilespmem:$0x1E800] =	vst v63  }
0x25: {  	_ =	swait.ge [sflag:s22], $0x4000  }
0x26: {  	[sflag:s22] =	ssyncset.done $0x0  }
0x27: {  	[sflag:s22] =	ssyncadd.s32 $0xFFFFC000  }
0x28: {  	[hbm4b:s15+s2] =	stream.linear.scatter [tilespmem:s26], [sflag:$0x2], $0x4000, $0x38;
	[tilespmem:$0x1E800] =	vst v63  }
0x29: {  	_ =	swait.ge [sflag:s25], $0x4000  }
0x2a: {  	[sflag:s25] =	ssyncset.done $0x0  }
0x2b: {  	[sflag:s25] =	ssyncadd.s32 $0xFFFFC000  }
0x2c: {  	[tilespmem:s20], [sflag:$0x6] =	stream.linear.gather [spmem:s7], $0x4000, $0x38;
	[tilespmem:$0x1E800] =	vst v63  }
0x2d: {  	_ =	swait.ge [sflag:s22], $0x4000  }
0x2e: {  	[sflag:s22] =	ssyncset.done $0x0  }
0x2f: {  	[sflag:s22] =	ssyncadd.s32 $0xFFFFC000  }
0x30: {  	[hbm4b:s16+s2] =	stream.linear.scatter [tilespmem:s20], [sflag:$0x1], $0x4000, $0x38;
	[tilespmem:$0x1E800] =	vst v63  }
0x31: {  	_ =	swait.ge [sflag:s28], $0x4000  }
0x32: {  	[sflag:s28] =	ssyncset.done $0x0  }
0x33: {  	[sflag:s28] =	ssyncadd.s32 $0xFFFFC000  }
0x34: {  	[tilespmem:s26], [sflag:$0x6] =	stream.linear.gather [spmem:s8], $0x4000, $0x38;
	[tilespmem:$0x1E800] =	vst v63  }
0x35: {  	_ =	swait.ge [sflag:s22], $0x4000  }
0x36: {  	[sflag:s22] =	ssyncset.done $0x0  }
0x37: {  	[sflag:s22] =	ssyncadd.s32 $0xFFFFC000  }
0x38: {  	[hbm4b:s17+s2] =	stream.linear.scatter [tilespmem:s26], [sflag:$0x2], $0x4000, $0x38;
	[tilespmem:$0x1E800] =	vst v63  }
0x39: {  	_ =	swait.ge [sflag:s25], $0x4000  }
0x3a: {  	[sflag:s25] =	ssyncset.done $0x0  }
0x3b: {  	[sflag:s25] =	ssyncadd.s32 $0xFFFFC000  }
0x3c: {  	[tilespmem:s20], [sflag:$0x6] =	stream.linear.gather [spmem:s9], $0x4000, $0x38;
	[tilespmem:$0x1E800] =	vst v63  }
0x3d: {  	_ =	swait.ge [sflag:s22], $0x4000  }
0x3e: {  	[sflag:s22] =	ssyncset.done $0x0  }
0x3f: {  	s3 =	sadd.s32 $0x1, s3;
	[sflag:s22] =	ssyncadd.s32 $0xFFFFC000  }
0x40: {  	[hbm4b:s18+s2] =	stream.linear.scatter [tilespmem:s20], [sflag:$0x1], $0x4000, $0x38;
	[tilespmem:$0x1E800] =	vst v63  }
0x41: {  	p0 =	sne.s32 s3, s19;
	_ =	swait.ge [sflag:s25], $0x4000  }
.Ltmp1:
0x42: {  	[sflag:s25] =	ssyncset.done $0x0;
	(pc) =	sbr.rel @!p0 .LBB2_10-.Ltmp1, $4  }
0x43: {  	[sflag:s25] =	ssyncadd.s32 $0xFFFFC000  }
0x44: {  	_ =	swait.ge [sflag:s28], $0x4000  }
0x45: {  	[sflag:s28] =	ssyncset.done $0x0  }
0x46: {  	[sflag:s28] =	ssyncadd.s32 $0xFFFFC000  }
.LBB2_1:
0x47: {  	s10 =	simm.s32 $0x0;
	s11 =	simm.s32 $0x200  }
.LBB2_2:
0x48: {  	p0 =	sne.s32 s11, $0xFE00;
	[tilespmem:s10+$0x2870] =	vst v0  }
0x49: {  	[tilespmem:s10+$0x2800] =	vst v0  }
0x4a: {  	[tilespmem:s10+$0x2810] =	vst v0  }
.Ltmp2:
0x4b: {  	[tilespmem:s10+$0x2820] =	vst v0;
	(pc) =	sbr.rel @p0 .LBB2_2-.Ltmp2, $4  }
0x4c: {  	[tilespmem:s10+$0x2830] =	vst v0  }
0x4d: {  	[tilespmem:s10+$0x2840] =	vst v0  }
0x4e: {  	[tilespmem:s10+$0x2850] =	vst v0  }
0x4f: {  	[tilespmem:s10+$0x2860] =	vst v0;
	s10 =	sshra.s32 s11, $0x2;
	s11 =	sadd.s32 $0x200, s11  }
0x50: {  	[tilespmem:s10+$0x2870] =	vst v0  }
0x51: {  	[tilespmem:s10+$0x2800] =	vst v0  }
0x52: {  	[tilespmem:s10+$0x2810] =	vst v0  }
0x53: {  	[tilespmem:s10+$0x2820] =	vst v0  }
0x54: {  	[tilespmem:s10+$0x2830] =	vst v0  }
0x55: {  	[tilespmem:s10+$0x2840] =	vst v0  }
0x56: {  	[tilespmem:s10+$0x2850] =	vst v0  }
0x57: {  	[tilespmem:s10+$0x2860] =	vst v0  }
0x58: {  	[spmem:s5] =	stream.linear.scatter [tilespmem:s20], [sflag:$0x5], $0x4000, $0x38;
	[tilespmem:$0x1E800] =	vst v63  }
0x59: {  	_ = 	snop  }
0x5a: {  	[spmem:s6] =	stream.linear.scatter [tilespmem:s20], [sflag:$0x5], $0x4000, $0x38;
	[tilespmem:$0x1E800] =	vst v63  }
0x5b: {  	_ = 	snop  }
0x5c: {  	[spmem:s7] =	stream.linear.scatter [tilespmem:s20], [sflag:$0x5], $0x4000, $0x38;
	[tilespmem:$0x1E800] =	vst v63  }
0x5d: {  	_ = 	snop  }
0x5e: {  	[spmem:s8] =	stream.linear.scatter [tilespmem:s20], [sflag:$0x5], $0x4000, $0x38;
	[tilespmem:$0x1E800] =	vst v63  }
0x5f: {  	_ = 	snop  }
0x60: {  	[spmem:s9] =	stream.linear.scatter [tilespmem:s20], [sflag:$0x5], $0x4000, $0x38;
	[tilespmem:$0x1E800] =	vst v63  }
0x61: {  	_ =	swait.ge [sflag:s21], $0x4000  }
0x62: {  	[sflag:s21] =	ssyncset.done $0x0  }
0x63: {  	[sflag:s21] =	ssyncadd.s32 $0xFFFFC000  }
0x64: {  	_ =	swait.ge [sflag:s21], $0x4000  }
0x65: {  	[sflag:s21] =	ssyncset.done $0x0  }
0x66: {  	[sflag:s21] =	ssyncadd.s32 $0xFFFFC000  }
0x67: {  	_ =	swait.ge [sflag:s21], $0x4000  }
0x68: {  	[sflag:s21] =	ssyncset.done $0x0  }
0x69: {  	[sflag:s21] =	ssyncadd.s32 $0xFFFFC000  }
0x6a: {  	_ =	swait.ge [sflag:s21], $0x4000  }
0x6b: {  	[sflag:s21] =	ssyncset.done $0x0  }
0x6c: {  	[sflag:s21] =	ssyncadd.s32 $0xFFFFC000  }
0x6d: {  	_ =	swait.ge [sflag:s21], $0x4000  }
0x6e: {  	[sflag:s21] =	ssyncset.done $0x0  }
0x6f: {  	[sflag:s21] =	ssyncadd.s32 $0xFFFFC000  }
0x70: {  	[bflag:$0x0] =	sbarrier.arrive $0xFFFF  }
0x71: {  	s11 =	rddreg [dreg:$0x4]  }
0x72: {  	[tilespmem:s2], [sflag:$0x6] =	stream.linear.gather [hbm4b:s11+s2], $0x1400, $0x38;
	[tilespmem:$0x1E800] =	vst v63  }
0x73: {  	_ =	swait.ge [sflag:s22], $0x1400  }
0x74: {  	[sflag:s22] =	ssyncset.done $0x0  }
0x75: {  	s12 =	rddreg [dreg:$0x5];
	[sflag:s22] =	ssyncadd.s32 $0xFFFFEC00  }
0x76: {  	[tilespmem:s23], [sflag:$0x6] =	stream.linear.gather [hbm4b:s12+s2], $0x1400, $0x38;
	[tilespmem:$0x1E800] =	vst v63  }
0x77: {  	_ =	swait.ge [sflag:s22], $0x1400  }
0x78: {  	[sflag:s22] =	ssyncset.done $0x0  }
0x79: {  	[sflag:s22] =	ssyncadd.s32 $0xFFFFEC00  }
0x7a: {  	[tilespmem:s20], [sflag:$0x1] =	stream.indirect.gather [hbm4b:s4+s24], $0x80, s2, s24, $0xb8;
	[tilespmem:$0x1E800] =	vst v63  }
0x7b: {  	_ =	swait.ge [sflag:s25], $0x4000  }
0x7c: {  	[sflag:s25] =	ssyncset.done $0x0  }
0x7d: {  	[sflag:s25] =	ssyncadd.s32 $0xFFFFC000  }
0x7e: {  	[spmem:s1] =	stream.indirect.scatter.add.f32 [tilespmem:s20], [sflag:$0x3], $0x80, s23, s24, $0xb8;
	[tilespmem:$0x1E800] =	vst v63  }
0x7f: {  	_ = 	snop  }
0x80: {  	[tilespmem:s26], [sflag:$0x2] =	stream.indirect.gather [hbm4b:s4+s24], $0x80, s24, s24, $0xb8;
	[tilespmem:$0x1E800] =	vst v63  }
0x81: {  	_ =	swait.ge [sflag:s28], $0x4000  }
0x82: {  	[sflag:s28] =	ssyncset.done $0x0  }
0x83: {  	[sflag:s28] =	ssyncadd.s32 $0xFFFFC000  }
0x84: {  	[spmem:s1] =	stream.indirect.scatter.add.f32 [tilespmem:s26], [sflag:$0x4], $0x80, s29, s24, $0xb8;
	[tilespmem:$0x1E800] =	vst v63  }
0x85: {  	_ =	swait.ge [sflag:s30], $0x4000  }
0x86: {  	[sflag:s30] =	ssyncset.done $0x0  }
0x87: {  	s10 =	simm.s32 $0xFFFFB800;
	[sflag:s30] =	ssyncadd.s32 $0xFFFFC000  }
0x88: {  	[tilespmem:s20], [sflag:$0x1] =	stream.indirect.gather [hbm4b:s4+s24], $0x80, s31, s24, $0xb8;
	[tilespmem:$0x1E800] =	vst v63  }
.LBB2_4:
0x89: {  	_ =	swait.ge [sflag:s25], $0x4000  }
0x8a: {  	s11 =	sshra.s32 s10, $0x2;
	[sflag:s25] =	ssyncset.done $0x0  }
0x8b: {  	s12 =	sadd.s32 $0x2700, s11;
	[sflag:s25] =	ssyncadd.s32 $0xFFFFC000  }
0x8c: {  	[spmem:s1] =	stream.indirect.scatter.add.f32 [tilespmem:s20], [sflag:$0x3], $0x80, s12, s24, $0xb8;
	[tilespmem:$0x1E800] =	vst v63  }
0x8d: {  	_ =	swait.ge [sflag:s0], $0x4000  }
0x8e: {  	[sflag:s0] =	ssyncset.done $0x0  }
0x8f: {  	s12 =	sadd.s32 $0x1380, s11;
	[sflag:s0] =	ssyncadd.s32 $0xFFFFC000  }
0x90: {  	[tilespmem:s26], [sflag:$0x2] =	stream.indirect.gather [hbm4b:s4+s24], $0x80, s12, s24, $0xb8;
	[tilespmem:$0x1E800] =	vst v63  }
0x91: {  	_ =	swait.ge [sflag:s28], $0x4000  }
0x92: {  	p0 =	seq.s32 s10, $0x0;
	[sflag:s28] =	ssyncset.done $0x0  }
.Ltmp3:
0x93: {  	s12 =	sadd.s32 $0x2780, s11;
	[sflag:s28] =	ssyncadd.s32 $0xFFFFC000;
	(pc) =	sbr.rel @p0 .LBB2_6-.Ltmp3, $4  }
0x94: {  	[spmem:s1] =	stream.indirect.scatter.add.f32 [tilespmem:s26], [sflag:$0x4], $0x80, s12, s24, $0xb8;
	[tilespmem:$0x1E800] =	vst v63  }
0x95: {  	_ =	swait.ge [sflag:s30], $0x4000  }
0x96: {  	[sflag:s30] =	ssyncset.done $0x0  }
0x97: {  	[sflag:s30] =	ssyncadd.s32 $0xFFFFC000  }
.Ltmp4:
0x98: {  	(pc) =	sbr.rel .LBB2_4-.Ltmp4, $3  }
0x99: {  	_ =	sdelay $0x1  }
0x9a: {  	s11 =	sadd.s32 $0x1400, s11;
	s10 =	sadd.s32 $0x400, s10  }
0x9b: {  	[tilespmem:s20], [sflag:$0x1] =	stream.indirect.gather [hbm4b:s4+s24], $0x80, s11, s24, $0xb8;
	[tilespmem:$0x1E800] =	vst v63  }
.LBB2_6:
0x9c: {  	_ =	swait.ge [sflag:s0], $0x4000  }
0x9d: {  	[sflag:s0] =	ssyncset.done $0x0  }
0x9e: {  	s10 =	rddreg [dreg:$0x6];
	[sflag:s0] =	ssyncadd.s32 $0xFFFFC000  }
0x9f: {  	[tilespmem:s2], [sflag:$0x6] =	stream.linear.gather [hbm4b:s10+s2], $0x1400, $0x38;
	[tilespmem:$0x1E800] =	vst v63  }
0xa0: {  	_ =	swait.ge [sflag:s22], $0x1400  }
0xa1: {  	[sflag:s22] =	ssyncset.done $0x0  }
0xa2: {  	[sflag:s22] =	ssyncadd.s32 $0xFFFFEC00  }
0xa3: {  	[tilespmem:s23], [sflag:$0x6] =	stream.linear.gather [hbm4b:s13+s2], $0x1400, $0x38;
	[tilespmem:$0x1E800] =	vst v63  }
0xa4: {  	_ =	swait.ge [sflag:s22], $0x1400  }
0xa5: {  	[sflag:s22] =	ssyncset.done $0x0  }
0xa6: {  	[sflag:s22] =	ssyncadd.s32 $0xFFFFEC00  }
0xa7: {  	[tilespmem:s20], [sflag:$0x1] =	stream.indirect.gather [hbm4b:s4+s24], $0x80, s2, s24, $0xb8;
	[tilespmem:$0x1E800] =	vst v63  }
0xa8: {  	_ =	swait.ge [sflag:s25], $0x4000  }
0xa9: {  	[sflag:s25] =	ssyncset.done $0x0  }
0xaa: {  	[sflag:s25] =	ssyncadd.s32 $0xFFFFC000  }
0xab: {  	[spmem:s1] =	stream.indirect.scatter.add.f32 [tilespmem:s20], [sflag:$0x3], $0x80, s23, s24, $0xb8;
	[tilespmem:$0x1E800] =	vst v63  }
0xac: {  	_ = 	snop  }
0xad: {  	[tilespmem:s26], [sflag:$0x2] =	stream.indirect.gather [hbm4b:s4+s24], $0x80, s24, s24, $0xb8;
	[tilespmem:$0x1E800] =	vst v63  }
0xae: {  	_ =	swait.ge [sflag:s28], $0x4000  }
0xaf: {  	[sflag:s28] =	ssyncset.done $0x0  }
0xb0: {  	[sflag:s28] =	ssyncadd.s32 $0xFFFFC000  }
0xb1: {  	[spmem:s1] =	stream.indirect.scatter.add.f32 [tilespmem:s26], [sflag:$0x4], $0x80, s29, s24, $0xb8;
	[tilespmem:$0x1E800] =	vst v63  }
0xb2: {  	_ =	swait.ge [sflag:s30], $0x4000  }
0xb3: {  	[sflag:s30] =	ssyncset.done $0x0  }
0xb4: {  	s10 =	simm.s32 $0xFFFFB800;
	[sflag:s30] =	ssyncadd.s32 $0xFFFFC000  }
0xb5: {  	[tilespmem:s20], [sflag:$0x1] =	stream.indirect.gather [hbm4b:s4+s24], $0x80, s31, s24, $0xb8;
	[tilespmem:$0x1E800] =	vst v63  }
.LBB2_7:
0xb6: {  	_ =	swait.ge [sflag:s25], $0x4000  }
0xb7: {  	s11 =	sshra.s32 s10, $0x2;
	[sflag:s25] =	ssyncset.done $0x0  }
0xb8: {  	s12 =	sadd.s32 $0x2700, s11;
	[sflag:s25] =	ssyncadd.s32 $0xFFFFC000  }
0xb9: {  	[spmem:s1] =	stream.indirect.scatter.add.f32 [tilespmem:s20], [sflag:$0x3], $0x80, s12, s24, $0xb8;
	[tilespmem:$0x1E800] =	vst v63  }
0xba: {  	_ =	swait.ge [sflag:s0], $0x4000  }
0xbb: {  	[sflag:s0] =	ssyncset.done $0x0  }
0xbc: {  	s12 =	sadd.s32 $0x1380, s11;
	[sflag:s0] =	ssyncadd.s32 $0xFFFFC000  }
0xbd: {  	[tilespmem:s26], [sflag:$0x2] =	stream.indirect.gather [hbm4b:s4+s24], $0x80, s12, s24, $0xb8;
	[tilespmem:$0x1E800] =	vst v63  }
0xbe: {  	_ =	swait.ge [sflag:s28], $0x4000  }
0xbf: {  	p0 =	seq.s32 s10, $0x0;
	[sflag:s28] =	ssyncset.done $0x0  }
.Ltmp5:
0xc0: {  	s12 =	sadd.s32 $0x2780, s11;
	[sflag:s28] =	ssyncadd.s32 $0xFFFFC000;
	(pc) =	sbr.rel @p0 .LBB2_9-.Ltmp5, $4  }
0xc1: {  	[spmem:s1] =	stream.indirect.scatter.add.f32 [tilespmem:s26], [sflag:$0x4], $0x80, s12, s24, $0xb8;
	[tilespmem:$0x1E800] =	vst v63  }
0xc2: {  	_ =	swait.ge [sflag:s30], $0x4000  }
0xc3: {  	[sflag:s30] =	ssyncset.done $0x0  }
0xc4: {  	[sflag:s30] =	ssyncadd.s32 $0xFFFFC000  }
.Ltmp6:
0xc5: {  	(pc) =	sbr.rel .LBB2_7-.Ltmp6, $3  }
0xc6: {  	_ =	sdelay $0x1  }
0xc7: {  	s11 =	sadd.s32 $0x1400, s11;
	s10 =	sadd.s32 $0x400, s10  }
0xc8: {  	[tilespmem:s20], [sflag:$0x1] =	stream.indirect.gather [hbm4b:s4+s24], $0x80, s11, s24, $0xb8;
	[tilespmem:$0x1E800] =	vst v63  }
.LBB2_10:
0xc9: {  	_ =	sfence.sel $0x180000  }
0xca: {  	[bflag:$0x0] =	sbarrier.arrive $0xFFFF  }
0xcb: {  	_ =	strace $0x9000004D  }
0xcc: {  	s0 =	stileid.u32;
	[bflag:$0x2] =	sbarrier.arrive $0xFFFF  }
0xcd: {  	p0 =	sne.s32 s0, $0x0;
	s0 =	rddreg [dreg:$0x3]  }
0xce: {  	s0 =	sadd.s32 @!p0 $0x100000, s0  }
0xcf: {  	[sflag:s0] =	ssyncadd.tile.s32 @!p0 $0x1;
	_ =	shalt  }
.Lfunc_end2:
_tile_overlayer_lowered:
.L_overlay_start_2:
0xd0: {  	(tag) =	ssettag $0x2  }
0xd1: {  	s0 =	rddreg [dreg:$0x0];
	s2 =	stileid.u32  }
0xd2: {  	s1 =	rddreg [dreg:$0x1];
	p0 =	sne.s32 s2, $0x0  }
0xd3: {  	s3 =	rddreg [dreg:$0x2];
	[bflag:$0x3] =	sbarrier.arrive $0xFFFF;
	s2 =	simm.s32 @!p0 $0x1C06  }
0xd4: {  	[timem:s3], [sflag:s2] =	dma.local @!p0 [hbm:s0], s1  }
0xd5: {  	s0 =	simm.s32 @!p0 $0x6  }
0xd6: {  	_ =	swait.ge @!p0 [sflag:s0], s1  }
0xd7: {  	s1 =	ssub.s32 @!p0 $0x0, s1;
	[sflag:s0] =	ssyncset.done @!p0 $0x0  }
0xd8: {  	[sflag:s0] =	ssyncadd.s32 @!p0 s1  }
0xd9: {  	[bflag:$0x3] =	sbarrier.arrive $0xFFFF  }
0xda: {  	_ =	shalt  }

// kernel: kernel.19.cloned.1.call-start
scs
__scs_entry_jumppad:
0x0: {  	(pc) =	sbr.rel $0x88, $3  }
0x1: {  	(tag) =	ssettag $0x0;
	lr =	simm.s32 $0x1  }
0x2: {  	[smem:$0x3F92] =	sst lr;
	_ =	strace $0xD0000000  }
0x3: {  	_ = 	snop  }
0x4: {  	_ = 	snop  }
0x5: {  	_ = 	snop  }
0x6: {  	_ = 	snop  }
0x7: {  	_ = 	snop  }
__scs_overlays_trampoline_lowered:
0x8: {  	[smem:$0x3FA1] =	sst s0  }
0x9: {  	[smem:$0x3FA2] =	sst s1  }
0xa: {  	[smem:$0x3FA3] =	sst s2  }
0xb: {  	[smem:$0x3FA4] =	sst s3  }
0xc: {  	[smem:$0x3FA5] =	sst s4  }
0xd: {  	[smem:$0x3FA6] =	sst s5  }
0xe: {  	[smem:$0x3FA7] =	sst s6  }
0xf: {  	[smem:$0x3FA8] =	sst s7  }
0x10: {  	[smem:$0x3FA9] =	sst s8  }
0x11: {  	[smem:$0x3FAA] =	sst s9;
	s0 =	simm.s32 @!p0 $0x0  }
0x12: {  	s1 =	sld [smem:$0x3F90];
	s0 =	simm.s32 @p0 $0x1  }
0x13: {  	[smem:$0x3FAB] =	sst s0;
	s0 =	simm.s32 @!p1 $0x0  }
0x14: {  	s2 =	sld [smem:$0x3F8F];
	s0 =	simm.s32 @p1 $0x1  }
0x15: {  	[smem:$0x3FAC] =	sst s0;
	s0 =	simm.s32 @!p2 $0x0  }
0x16: {  	s3 =	sld [smem:$0x3FDB];
	s0 =	simm.s32 @p2 $0x1  }
0x17: {  	s4 =	simm.s32 $0x1BF5;
	[smem:$0x3FAE] =	sst s0  }
0x18: {  	s0 =	sld [smem:$0x3F91];
	_ =	swait.ge [sflag:s4], $0x0  }
0x19: {  	s7 =	sld [smem:$0x3F92]  }
0x1a: {  	s8 =	sadd.s32 $0xFFFFE003, lr  }
0x1b: {  	s9 =	sadd.s32 $0xFFFFFEF7, lr;
	s5 =	simm.s32 $0xFFFFFFFF;
	p2 =	slt.u32 s8, $0xFFFFF086  }
0x1c: {  	p1 =	slt.u32 s9, $0xF7A;
	s5 =	simm.s32 @!p2 $0x0  }
0x1d: {  	s5 =	simm.s32 @p1 $0x1;
	p0 =	seq.s32 s7, s2  }
0x1e: {  	s7 =	smul.u32 @!p0 $0xF7A, s2;
	p2 =	seq.s32 @!p0 s5, $0x0  }
0x1f: {  	s9 =	smul.u32 $0xF7A, s1;
	s8 =	simm.s32 @!p0 $0x1BF5;
	p2 =	por !p2, p0  }
0x20: {  	[sflag:s8] =	ssyncset.s32 @!p0 $0xFFFFF086;
	s6 =	sadd.s32 @!p0 s3, s7;
	s7 =	simm.s32 @!p0 $0x108  }
0x21: {  	s3 =	sadd.s32 s3, s9;
	s6 =	sadd.s32 @!p0 $0x88, s6;
	s7 =	simm.s32 @p2 $0x1082  }
0x22: {  	[simem:s7], [sflag:s8] =	dma.local @!p0 [hbm:s6], $0xF7A  }
0x23: {  	s9 =	sor.u32 $0xD0000000, s2;
	s6 =	simm.s32 $0x108;
	_ =	swait.ge @!p0 [sflag:s8], $0x0  }
0x24: {  	s3 =	sadd.s32 $0x88, s3;
	s6 =	simm.s32 @!p1 $0x1082;
	[sflag:s4] =	ssyncset.s32 $0xFFFFF086  }
0x25: {  	[simem:s6], [sflag:s4] =	dma.local [hbm:s3], $0xF7A  }
0x26: {  	[smem:$0x3F92] =	sst s1;
	(tag) =	ssettag s2;
	_ =	strace s9  }
0x27: {  	s1 =	sld [smem:$0x3FA2]  }
0x28: {  	s2 =	sld [smem:$0x3FA3]  }
0x29: {  	s4 =	sld [smem:$0x3FA5]  }
0x2a: {  	p0 =	seq.s32 s5, $0x0;
	s5 =	sld [smem:$0x3FA6]  }
0x2b: {  	s6 =	sld [smem:$0x3FA7]  }
0x2c: {  	s7 =	sld [smem:$0x3FA8]  }
0x2d: {  	s3 =	simm.s32 $0x108;
	s8 =	sld [smem:$0x3FA9]  }
0x2e: {  	s3 =	simm.s32 @!p0 $0x1082;
	s9 =	sld [smem:$0x3FAA]  }
0x2f: {  	lr =	sadd.s32 s0, s3;
	s0 =	sld [smem:$0x3FA1]  }
0x30: {  	s3 =	sld [smem:$0x3FA4]  }
0x31: {  	[smem:$0x3FAD] =	sst s10  }
0x32: {  	s10 =	sld [smem:$0x3FAB];
	_ =	sdelay $0x3  }
0x33: {  	p0 =	seq.s32 s10, $0x1;
	s10 =	sld [smem:$0x3FAD];
	_ =	sdelay $0x3  }
0x34: {  	[smem:$0x3FAD] =	sst s10  }
0x35: {  	s10 =	sld [smem:$0x3FAC];
	_ =	sdelay $0x3  }
0x36: {  	p1 =	seq.s32 s10, $0x1;
	s10 =	sld [smem:$0x3FAD];
	_ =	sdelay $0x3  }
0x37: {  	[smem:$0x3FAD] =	sst s10  }
0x38: {  	s10 =	sld [smem:$0x3FAE]  }
0x39: {  	_ = 	snop;
	(pc) =	sbr.ind lr, $3  }
0x3a: {  	_ = 	snop  }
0x3b: {  	_ = 	snop  }
0x3c: {  	p2 =	seq.s32 s10, $0x1;
	s10 =	sld [smem:$0x3FAD]  }
0x3d: {  	_ =	shalt  }
0x3e: {  	_ =	shalt  }
0x3f: {  	_ =	shalt  }
0x40: {  	_ =	shalt  }
0x41: {  	_ =	shalt  }
0x42: {  	_ =	shalt  }
0x43: {  	_ =	shalt  }
0x44: {  	_ =	shalt  }
0x45: {  	_ =	shalt  }
0x46: {  	_ =	shalt  }
0x47: {  	_ =	shalt  }
0x48: {  	_ =	shalt  }
0x49: {  	_ =	shalt  }
0x4a: {  	_ =	shalt  }
0x4b: {  	_ =	shalt  }
0x4c: {  	_ =	shalt  }
0x4d: {  	_ =	shalt  }
0x4e: {  	_ =	shalt  }
0x4f: {  	_ =	shalt  }
0x50: {  	_ =	shalt  }
0x51: {  	_ =	shalt  }
0x52: {  	_ =	shalt  }
0x53: {  	_ =	shalt  }
0x54: {  	_ =	shalt  }
0x55: {  	_ =	shalt  }
0x56: {  	_ =	shalt  }
0x57: {  	_ =	shalt  }
0x58: {  	_ =	shalt  }
0x59: {  	_ =	shalt  }
0x5a: {  	_ =	shalt  }
0x5b: {  	_ =	shalt  }
0x5c: {  	_ =	shalt  }
0x5d: {  	_ =	shalt  }
0x5e: {  	_ =	shalt  }
0x5f: {  	_ =	shalt  }
0x60: {  	_ =	shalt  }
0x61: {  	_ =	shalt  }
0x62: {  	_ =	shalt  }
0x63: {  	_ =	shalt  }
0x64: {  	_ =	shalt  }
0x65: {  	_ =	shalt  }
0x66: {  	_ =	shalt  }
0x67: {  	_ =	shalt  }
0x68: {  	_ =	shalt  }
0x69: {  	_ =	shalt  }
0x6a: {  	_ =	shalt  }
0x6b: {  	_ =	shalt  }
0x6c: {  	_ =	shalt  }
0x6d: {  	_ =	shalt  }
0x6e: {  	_ =	shalt  }
0x6f: {  	_ =	shalt  }
0x70: {  	_ =	shalt  }
0x71: {  	_ =	shalt  }
0x72: {  	_ =	shalt  }
0x73: {  	_ =	shalt  }
0x74: {  	_ =	shalt  }
0x75: {  	_ =	shalt  }
0x76: {  	_ =	shalt  }
0x77: {  	_ =	shalt  }
0x78: {  	_ =	shalt  }
0x79: {  	_ =	shalt  }
0x7a: {  	_ =	shalt  }
0x7b: {  	_ =	shalt  }
0x7c: {  	_ =	shalt  }
0x7d: {  	_ =	shalt  }
0x7e: {  	_ =	shalt  }
0x7f: {  	_ =	shalt  }
0x80: {  	_ =	shalt  }
0x81: {  	_ =	shalt  }
0x82: {  	_ =	shalt  }
0x83: {  	_ =	shalt  }
0x84: {  	_ =	shalt  }
0x85: {  	_ =	shalt  }
0x86: {  	_ =	shalt  }
0x87: {  	_ =	shalt  }
.Lfunc_end0:
.L_simem_size_0:
called_computation.3_lowered:
.L_overlay_start_0:
0x88: {  	s2 =	sld [smem:$0x3FD9]  }
0x89: {  	s3 =	sld [smem:$0x3FFE];
	_ =	sdelay $0x1  }
0x8a: {  	s1 =	srdreg.scid  }
0x8b: {  	s0 =	sand.u32 $0x1, s1  }
0x8c: {  	s17 =	sshll.u32 s0, $0xA;
	s2 =	sadd.s32 s3, s2  }
0x8d: {  	s2 =	sadd.s32 s2, s17  }
0x8e: {  	[smem:$0x3FB9] =	sst s2  }
0x8f: {  	_ = 	snop  }
0x90: {  	s2 =	sld [smem:$0x3FD0];
	(tm) =	ssettm $0x1  }
0x91: {  	s18 =	sld [smem:$0x3FFB];
	_ =	sdelay $0x3  }
0x92: {  	_ =	strace s18  }
0x93: {  	s3 =	sld [smem:$0x3FFC];
	_ =	sdelay $0x3  }
0x94: {  	_ =	strace s3  }
0x95: {  	s3 =	sld [smem:$0x3FFD];
	_ =	sdelay $0x3  }
0x96: {  	_ =	strace s3  }
0x97: {  	_ =	strace $0x8FFFFFFF  }
0x98: {  	s19 =	sld [smem:$0x3FDB];
	_ =	sdelay $0x1  }
0x99: {  	s4 =	simm.s32 $_scs_section_size  }
0x9a: {  	s5 =	simm.s32 $_size__tile_overlayer_lowered;
	s6 =	simm.s32 $_tile_overlayer_lowered  }
0x9b: {  	s22 =	simm.s32 $0x1BFF;
	s21 =	sshll.u32 s6, $0x1;
	s3 =	sadd.s32 s4, s19  }
0x9c: {  	s7 =	simm.s32 $0x0;
	s20 =	sshll.u32 s5, $0x1;
	s5 =	sadd.s32 s21, s3  }
0x9d: {  	[timem:s7], [sflag:s22] =	dma.local [hbm:s5], s20  }
0x9e: {  	_ =	swait.ge [sflag:s22], s20  }
0x9f: {  	s4 =	ssub.s32 $0x0, s20;
	[sflag:s22] =	ssyncset.done $0x0  }
0xa0: {  	[sflag:s22] =	ssyncadd.s32 s4;
	_ =	sdelay $0x1  }
0xa1: {  	s23 =	simm.s32 $0x1B8B  }
0xa2: {  	_ =	swait.ge [sflag:s23], $0x1  }
0xa3: {  	[sflag:s23] =	ssyncset.done $0x0  }
0xa4: {  	s25 =	simm.s32 $0x1B8E;
	s24 =	sld [smem:$0x3FFE];
	[sflag:s23] =	ssyncadd.s32 $0xFFFFFFFF  }
0xa5: {  	s26 =	simm.s32 $execute0_lowered;
	[smem:$0x3FD2] =	sst s25  }
0xa6: {  	s5 =	sshll.u32 s26, $0x1;
	_ =	strace $0x8000004F;
	[dreg:$0x1] =	wrdreg $0xFFFFFFFF  }
0xa7: {  	s28 =	simm.s32 $_size_execute0_lowered;
	s3 =	sadd.s32 s3, s5;
	[dreg:$0x0] =	wrdreg $0x0  }
0xa8: {  	s5 =	sshll.u32 s28, $0x1;
	[dreg:$0x2] =	wrdreg s3  }
0xa9: {  	[dreg:$0x3] =	wrdreg s5  }
0xaa: {  	[dreg:$0x4] =	wrdreg $0xC0  }
0xab: {  	_ =	task [dreg:s7], $0x5FFFF  }
0xac: {  	[dreg:$0x1] =	wrdreg $0xFFFFFFFF  }
0xad: {  	[dreg:$0x0] =	wrdreg $0x60  }
0xae: {  	[dreg:$0x2] =	wrdreg s24  }
0xaf: {  	[dreg:$0x3] =	wrdreg s2  }
0xb0: {  	[dreg:$0x4] =	wrdreg $0xA8000  }
0xb1: {  	[dreg:$0x5] =	wrdreg $0x9  }
0xb2: {  	_ =	task.clear_ibuf [dreg:s7], $0x6FFFF;
	_ =	strace $0x9000004F  }
0xb3: {  	s29 =	simm.s32 $0x9;
	_ =	strace $0x80000051  }
0xb4: {  	_ =	swait.ge [sflag:s29], $0x1  }
0xb5: {  	[sflag:s29] =	ssyncadd.s32 $0xFFFFFFFF  }
0xb6: {  	_ =	strace $0x90000051  }
0xb7: {  	_ =	sfence  }
0xb8: {  	s30 =	sld [smem:$0x0];
	_ =	sdelay $0x2  }
0xb9: {  	s31 =	sshll.u32 s1, $0xD;
	s1 =	sshrl.u32 s1, $0x2  }
0xba: {  	s3 =	sand.u32 $0x4000, s31;
	s1 =	sadd.s32 s1, s30  }
0xbb: {  	s0 =	sor.u32 s3, s0;
	s1 =	sshll.u32 s1, $0x11  }
0xbc: {  	s0 =	sor.u32 s1, s0  }
0xbd: {  	s0 =	sadd.s32 $0x8F2B, s0  }
0xbe: {  	[sflag:s0] =	ssyncadd.remote.s32 $0x1  }
0xbf: {  	_ =	sfence.sel $0xFFFF  }
0xc0: {  	[dreg:$0x0] =	wrdreg $0xFFFFFFFF;
	(pc) =	sbr.abs _section_cstart, $3  }
0xc1: {  	[dreg:$0x1] =	wrdreg $0xFFFFFFFF  }
0xc2: {  	_ =	task.clear_ibuf [dreg:s7], $0x2FFFF;
	_ =	strace $0x9FFFFFFF  }
0xc3: {  	(tm) =	ssettm $0x7FFFFFFF  }
tec
execute0_lowered:
.L_overlay_start_1:
0x0: {  	(tag) =	ssettag $0x1  }
0x1: {  	s0 =	rddreg [dreg:$0x0]  }
0x2: {  	s3 =	rddreg [dreg:$0x1]  }
0x3: {  	s1 =	rddreg [dreg:$0x2];
	s2 =	simm.s32 $0x0;
	s5 =	srdreg.scid  }
0x4: {  	s8 =	stileid.u32;
	s28 =	simm.s32 $0x2;
	s29 =	simm.s32 $0x1480  }
0x5: {  	s30 =	simm.s32 $0x3;
	s31 =	simm.s32 $0x100;
	[smem:$0x7FF] =	sst s2  }
0x6: {  	s4 =	sadd.s32 $0xE000, s0;
	s9 =	sand.u32 $0x1, s5;
	s6 =	smul.u32 $0x50000, s8  }
0x7: {  	s10 =	sadd.s32 $0x4000, s0;
	s0 =	sadd.s32 $0x5E000, s0;
	s11 =	smul.u32 $0x14000, s8  }
0x8: {  	_ =	strace $0x80000050;
	s5 =	ssub.s32 $0x2, s9;
	s14 =	sshll.u32 s9, $0x4  }
0x9: {  	s20 =	smul.u32 $0x140000, s9;
	s7 =	sshrl.u32 s5, $0x1;
	s6 =	sshrl.u32 s6, $0x2  }
0xa: {  	s8 =	sor.u32 s8, s14;
	s13 =	sadd.s32 $0x4000, s11;
	s16 =	sadd.s32 $0x8000, s11  }
0xb: {  	s17 =	sadd.s32 $0xC000, s11;
	s18 =	sadd.s32 $0x10000, s11;
	s19 =	ssub.s32 s5, s7  }
0xc: {  	s5 =	sadd.s32 s6, s1;
	s6 =	sadd.s32 s13, s1;
	s12 =	smul.u32 $0x500, s8  }
0xd: {  	s7 =	sadd.s32 s16, s1;
	s14 =	smul.u32 $0x2800, s8;
	s8 =	sadd.s32 s17, s1  }
0xe: {  	s9 =	sadd.s32 s18, s1;
	s11 =	sadd.s32 s11, s20;
	s21 =	sadd.s32 s20, s13  }
0xf: {  	s23 =	sadd.s32 s20, s16;
	s24 =	sadd.s32 s20, s17;
	s25 =	sadd.s32 s20, s18  }
0x10: {  	s20 =	simm.s32 $0x2800;
	s22 =	sshrl.u32 s21, $0x3;
	s26 =	sshrl.u32 s25, $0x3  }
0x11: {  	s19 =	smax.u32 s19, $0x1;
	s21 =	simm.s32 $0x5;
	s25 =	simm.s32 $0x1  }
0x12: {  	s15 =	sadd.s32 s10, s12;
	s14 =	sshrl.u32 s14, $0x3;
	s12 =	sadd.s32 s3, s12  }
0x13: {  	s18 =	sadd.s32 s0, s26;
	s26 =	simm.s32 $0x6800;
	[dreg:$0x4] =	wrdreg s15  }
0x14: {  	[dreg:$0x5] =	wrdreg s12;
	s14 =	sadd.s32 $0x280, s14;
	s15 =	sshrl.u32 s11, $0x3  }
.Ltmp0:
0x15: {  	s10 =	sadd.s32 s10, s14;
	s13 =	sadd.s32 s3, s14;
	(pc) =	sbr.rel .LBB2_1-.Ltmp0, $4  }
0x16: {  	s14 =	sadd.s32 s0, s15;
	s15 =	sadd.s32 s0, s22;
	s3 =	sshrl.u32 s23, $0x3  }
0x17: {  	s22 =	simm.s32 $0x6;
	s23 =	simm.s32 $0x1400;
	[dreg:$0x6] =	wrdreg s10  }
0x18: {  	s10 =	sshrl.u32 s24, $0x3;
	s16 =	sadd.s32 s0, s3;
	s24 =	simm.s32 $0x80  }
0x19: {  	v0 =	vimm.f32 $0.0e+00;
	s3 =	simm.s32 $0x0;
	s17 =	sadd.s32 s0, s10;
	s0 =	simm.s32 $0x4  }
.LBB2_9:
0x1a: {  	_ =	swait.ge [sflag:s0], $0x4000  }
0x1b: {  	[sflag:s0] =	ssyncset.done $0x0  }
0x1c: {  	[sflag:s0] =	ssyncadd.s32 $0xFFFFC000  }
0x1d: {  	[bflag:$0x0] =	sbarrier.arrive $0xFFFF  }
0x1e: {  	[tilespmem:s20], [sflag:$0x6] =	stream.linear.gather [spmem:s5], $0x4000, $0x38;
	[tilespmem:$0x1E800] =	vst v63  }
0x1f: {  	_ =	swait.ge [sflag:s22], $0x4000  }
0x20: {  	[sflag:s22] =	ssyncset.done $0x0  }
0x21: {  	[sflag:s22] =	ssyncadd.s32 $0xFFFFC000  }
0x22: {  	[hbm4b:s14+s2] =	stream.linear.scatter [tilespmem:s20], [sflag:$0x1], $0x4000, $0x38;
	[tilespmem:$0x1E800] =	vst v63  }
0x23: {  	_ = 	snop  }
0x24: {  	[tilespmem:s26], [sflag:$0x6] =	stream.linear.gather [spmem:s6], $0x4000, $0x38;
	[tilespmem:$0x1E800] =	vst v63  }
0x25: {  	_ =	swait.ge [sflag:s22], $0x4000  }
0x26: {  	[sflag:s22] =	ssyncset.done $0x0  }
0x27: {  	[sflag:s22] =	ssyncadd.s32 $0xFFFFC000  }
0x28: {  	[hbm4b:s15+s2] =	stream.linear.scatter [tilespmem:s26], [sflag:$0x2], $0x4000, $0x38;
	[tilespmem:$0x1E800] =	vst v63  }
0x29: {  	_ =	swait.ge [sflag:s25], $0x4000  }
0x2a: {  	[sflag:s25] =	ssyncset.done $0x0  }
0x2b: {  	[sflag:s25] =	ssyncadd.s32 $0xFFFFC000  }
0x2c: {  	[tilespmem:s20], [sflag:$0x6] =	stream.linear.gather [spmem:s7], $0x4000, $0x38;
	[tilespmem:$0x1E800] =	vst v63  }
0x2d: {  	_ =	swait.ge [sflag:s22], $0x4000  }
0x2e: {  	[sflag:s22] =	ssyncset.done $0x0  }
0x2f: {  	[sflag:s22] =	ssyncadd.s32 $0xFFFFC000  }
0x30: {  	[hbm4b:s16+s2] =	stream.linear.scatter [tilespmem:s20], [sflag:$0x1], $0x4000, $0x38;
	[tilespmem:$0x1E800] =	vst v63  }
0x31: {  	_ =	swait.ge [sflag:s28], $0x4000  }
0x32: {  	[sflag:s28] =	ssyncset.done $0x0  }
0x33: {  	[sflag:s28] =	ssyncadd.s32 $0xFFFFC000  }
0x34: {  	[tilespmem:s26], [sflag:$0x6] =	stream.linear.gather [spmem:s8], $0x4000, $0x38;
	[tilespmem:$0x1E800] =	vst v63  }
0x35: {  	_ =	swait.ge [sflag:s22], $0x4000  }
0x36: {  	[sflag:s22] =	ssyncset.done $0x0  }
0x37: {  	[sflag:s22] =	ssyncadd.s32 $0xFFFFC000  }
0x38: {  	[hbm4b:s17+s2] =	stream.linear.scatter [tilespmem:s26], [sflag:$0x2], $0x4000, $0x38;
	[tilespmem:$0x1E800] =	vst v63  }
0x39: {  	_ =	swait.ge [sflag:s25], $0x4000  }
0x3a: {  	[sflag:s25] =	ssyncset.done $0x0  }
0x3b: {  	[sflag:s25] =	ssyncadd.s32 $0xFFFFC000  }
0x3c: {  	[tilespmem:s20], [sflag:$0x6] =	stream.linear.gather [spmem:s9], $0x4000, $0x38;
	[tilespmem:$0x1E800] =	vst v63  }
0x3d: {  	_ =	swait.ge [sflag:s22], $0x4000  }
0x3e: {  	[sflag:s22] =	ssyncset.done $0x0  }
0x3f: {  	s3 =	sadd.s32 $0x1, s3;
	[sflag:s22] =	ssyncadd.s32 $0xFFFFC000  }
0x40: {  	[hbm4b:s18+s2] =	stream.linear.scatter [tilespmem:s20], [sflag:$0x1], $0x4000, $0x38;
	[tilespmem:$0x1E800] =	vst v63  }
0x41: {  	p0 =	sne.s32 s3, s19;
	_ =	swait.ge [sflag:s25], $0x4000  }
.Ltmp1:
0x42: {  	[sflag:s25] =	ssyncset.done $0x0;
	(pc) =	sbr.rel @!p0 .LBB2_10-.Ltmp1, $4  }
0x43: {  	[sflag:s25] =	ssyncadd.s32 $0xFFFFC000  }
0x44: {  	_ =	swait.ge [sflag:s28], $0x4000  }
0x45: {  	[sflag:s28] =	ssyncset.done $0x0  }
0x46: {  	[sflag:s28] =	ssyncadd.s32 $0xFFFFC000  }
.LBB2_1:
0x47: {  	s10 =	simm.s32 $0x0;
	s11 =	simm.s32 $0x200  }
.LBB2_2:
0x48: {  	p0 =	sne.s32 s11, $0xFE00;
	[tilespmem:s10+$0x2870] =	vst v0  }
0x49: {  	[tilespmem:s10+$0x2800] =	vst v0  }
0x4a: {  	[tilespmem:s10+$0x2810] =	vst v0  }
.Ltmp2:
0x4b: {  	[tilespmem:s10+$0x2820] =	vst v0;
	(pc) =	sbr.rel @p0 .LBB2_2-.Ltmp2, $4  }
0x4c: {  	[tilespmem:s10+$0x2830] =	vst v0  }
0x4d: {  	[tilespmem:s10+$0x2840] =	vst v0  }
0x4e: {  	[tilespmem:s10+$0x2850] =	vst v0  }
0x4f: {  	[tilespmem:s10+$0x2860] =	vst v0;
	s10 =	sshra.s32 s11, $0x2;
	s11 =	sadd.s32 $0x200, s11  }
0x50: {  	[tilespmem:s10+$0x2870] =	vst v0  }
0x51: {  	[tilespmem:s10+$0x2800] =	vst v0  }
0x52: {  	[tilespmem:s10+$0x2810] =	vst v0  }
0x53: {  	[tilespmem:s10+$0x2820] =	vst v0  }
0x54: {  	[tilespmem:s10+$0x2830] =	vst v0  }
0x55: {  	[tilespmem:s10+$0x2840] =	vst v0  }
0x56: {  	[tilespmem:s10+$0x2850] =	vst v0  }
0x57: {  	[tilespmem:s10+$0x2860] =	vst v0  }
0x58: {  	[spmem:s5] =	stream.linear.scatter [tilespmem:s20], [sflag:$0x5], $0x4000, $0x38;
	[tilespmem:$0x1E800] =	vst v63  }
0x59: {  	_ = 	snop  }
0x5a: {  	[spmem:s6] =	stream.linear.scatter [tilespmem:s20], [sflag:$0x5], $0x4000, $0x38;
	[tilespmem:$0x1E800] =	vst v63  }
0x5b: {  	_ = 	snop  }
0x5c: {  	[spmem:s7] =	stream.linear.scatter [tilespmem:s20], [sflag:$0x5], $0x4000, $0x38;
	[tilespmem:$0x1E800] =	vst v63  }
0x5d: {  	_ = 	snop  }
0x5e: {  	[spmem:s8] =	stream.linear.scatter [tilespmem:s20], [sflag:$0x5], $0x4000, $0x38;
	[tilespmem:$0x1E800] =	vst v63  }
0x5f: {  	_ = 	snop  }
0x60: {  	[spmem:s9] =	stream.linear.scatter [tilespmem:s20], [sflag:$0x5], $0x4000, $0x38;
	[tilespmem:$0x1E800] =	vst v63  }
0x61: {  	_ =	swait.ge [sflag:s21], $0x4000  }
0x62: {  	[sflag:s21] =	ssyncset.done $0x0  }
0x63: {  	[sflag:s21] =	ssyncadd.s32 $0xFFFFC000  }
0x64: {  	_ =	swait.ge [sflag:s21], $0x4000  }
0x65: {  	[sflag:s21] =	ssyncset.done $0x0  }
0x66: {  	[sflag:s21] =	ssyncadd.s32 $0xFFFFC000  }
0x67: {  	_ =	swait.ge [sflag:s21], $0x4000  }
0x68: {  	[sflag:s21] =	ssyncset.done $0x0  }
0x69: {  	[sflag:s21] =	ssyncadd.s32 $0xFFFFC000  }
0x6a: {  	_ =	swait.ge [sflag:s21], $0x4000  }
0x6b: {  	[sflag:s21] =	ssyncset.done $0x0  }
0x6c: {  	[sflag:s21] =	ssyncadd.s32 $0xFFFFC000  }
0x6d: {  	_ =	swait.ge [sflag:s21], $0x4000  }
0x6e: {  	[sflag:s21] =	ssyncset.done $0x0  }
0x6f: {  	[sflag:s21] =	ssyncadd.s32 $0xFFFFC000  }
0x70: {  	[bflag:$0x0] =	sbarrier.arrive $0xFFFF  }
0x71: {  	s11 =	rddreg [dreg:$0x4]  }
0x72: {  	[tilespmem:s2], [sflag:$0x6] =	stream.linear.gather [hbm4b:s11+s2], $0x1400, $0x38;
	[tilespmem:$0x1E800] =	vst v63  }
0x73: {  	_ =	swait.ge [sflag:s22], $0x1400  }
0x74: {  	[sflag:s22] =	ssyncset.done $0x0  }
0x75: {  	s12 =	rddreg [dreg:$0x5];
	[sflag:s22] =	ssyncadd.s32 $0xFFFFEC00  }
0x76: {  	[tilespmem:s23], [sflag:$0x6] =	stream.linear.gather [hbm4b:s12+s2], $0x1400, $0x38;
	[tilespmem:$0x1E800] =	vst v63  }
0x77: {  	_ =	swait.ge [sflag:s22], $0x1400  }
0x78: {  	[sflag:s22] =	ssyncset.done $0x0  }
0x79: {  	[sflag:s22] =	ssyncadd.s32 $0xFFFFEC00  }
0x7a: {  	[tilespmem:s20], [sflag:$0x1] =	stream.indirect.gather [hbm4b:s4+s24], $0x80, s2, s24, $0xb8;
	[tilespmem:$0x1E800] =	vst v63  }
0x7b: {  	_ =	swait.ge [sflag:s25], $0x4000  }
0x7c: {  	[sflag:s25] =	ssyncset.done $0x0  }
0x7d: {  	[sflag:s25] =	ssyncadd.s32 $0xFFFFC000  }
0x7e: {  	[spmem:s1] =	stream.indirect.scatter.add.f32 [tilespmem:s20], [sflag:$0x3], $0x80, s23, s24, $0xb8;
	[tilespmem:$0x1E800] =	vst v63  }
0x7f: {  	_ = 	snop  }
0x80: {  	[tilespmem:s26], [sflag:$0x2] =	stream.indirect.gather [hbm4b:s4+s24], $0x80, s24, s24, $0xb8;
	[tilespmem:$0x1E800] =	vst v63  }
0x81: {  	_ =	swait.ge [sflag:s28], $0x4000  }
0x82: {  	[sflag:s28] =	ssyncset.done $0x0  }
0x83: {  	[sflag:s28] =	ssyncadd.s32 $0xFFFFC000  }
0x84: {  	[spmem:s1] =	stream.indirect.scatter.add.f32 [tilespmem:s26], [sflag:$0x4], $0x80, s29, s24, $0xb8;
	[tilespmem:$0x1E800] =	vst v63  }
0x85: {  	_ =	swait.ge [sflag:s30], $0x4000  }
0x86: {  	[sflag:s30] =	ssyncset.done $0x0  }
0x87: {  	s10 =	simm.s32 $0xFFFFB800;
	[sflag:s30] =	ssyncadd.s32 $0xFFFFC000  }
0x88: {  	[tilespmem:s20], [sflag:$0x1] =	stream.indirect.gather [hbm4b:s4+s24], $0x80, s31, s24, $0xb8;
	[tilespmem:$0x1E800] =	vst v63  }
.LBB2_4:
0x89: {  	_ =	swait.ge [sflag:s25], $0x4000  }
0x8a: {  	s11 =	sshra.s32 s10, $0x2;
	[sflag:s25] =	ssyncset.done $0x0  }
0x8b: {  	s12 =	sadd.s32 $0x2700, s11;
	[sflag:s25] =	ssyncadd.s32 $0xFFFFC000  }
0x8c: {  	[spmem:s1] =	stream.indirect.scatter.add.f32 [tilespmem:s20], [sflag:$0x3], $0x80, s12, s24, $0xb8;
	[tilespmem:$0x1E800] =	vst v63  }
0x8d: {  	_ =	swait.ge [sflag:s0], $0x4000  }
0x8e: {  	[sflag:s0] =	ssyncset.done $0x0  }
0x8f: {  	s12 =	sadd.s32 $0x1380, s11;
	[sflag:s0] =	ssyncadd.s32 $0xFFFFC000  }
0x90: {  	[tilespmem:s26], [sflag:$0x2] =	stream.indirect.gather [hbm4b:s4+s24], $0x80, s12, s24, $0xb8;
	[tilespmem:$0x1E800] =	vst v63  }
0x91: {  	_ =	swait.ge [sflag:s28], $0x4000  }
0x92: {  	p0 =	seq.s32 s10, $0x0;
	[sflag:s28] =	ssyncset.done $0x0  }
.Ltmp3:
0x93: {  	s12 =	sadd.s32 $0x2780, s11;
	[sflag:s28] =	ssyncadd.s32 $0xFFFFC000;
	(pc) =	sbr.rel @p0 .LBB2_6-.Ltmp3, $4  }
0x94: {  	[spmem:s1] =	stream.indirect.scatter.add.f32 [tilespmem:s26], [sflag:$0x4], $0x80, s12, s24, $0xb8;
	[tilespmem:$0x1E800] =	vst v63  }
0x95: {  	_ =	swait.ge [sflag:s30], $0x4000  }
0x96: {  	[sflag:s30] =	ssyncset.done $0x0  }
0x97: {  	[sflag:s30] =	ssyncadd.s32 $0xFFFFC000  }
.Ltmp4:
0x98: {  	(pc) =	sbr.rel .LBB2_4-.Ltmp4, $3  }
0x99: {  	_ =	sdelay $0x1  }
0x9a: {  	s11 =	sadd.s32 $0x1400, s11;
	s10 =	sadd.s32 $0x400, s10  }
0x9b: {  	[tilespmem:s20], [sflag:$0x1] =	stream.indirect.gather [hbm4b:s4+s24], $0x80, s11, s24, $0xb8;
	[tilespmem:$0x1E800] =	vst v63  }
.LBB2_6:
0x9c: {  	_ =	swait.ge [sflag:s0], $0x4000  }
0x9d: {  	[sflag:s0] =	ssyncset.done $0x0  }
0x9e: {  	s10 =	rddreg [dreg:$0x6];
	[sflag:s0] =	ssyncadd.s32 $0xFFFFC000  }
0x9f: {  	[tilespmem:s2], [sflag:$0x6] =	stream.linear.gather [hbm4b:s10+s2], $0x1400, $0x38;
	[tilespmem:$0x1E800] =	vst v63  }
0xa0: {  	_ =	swait.ge [sflag:s22], $0x1400  }
0xa1: {  	[sflag:s22] =	ssyncset.done $0x0  }
0xa2: {  	[sflag:s22] =	ssyncadd.s32 $0xFFFFEC00  }
0xa3: {  	[tilespmem:s23], [sflag:$0x6] =	stream.linear.gather [hbm4b:s13+s2], $0x1400, $0x38;
	[tilespmem:$0x1E800] =	vst v63  }
0xa4: {  	_ =	swait.ge [sflag:s22], $0x1400  }
0xa5: {  	[sflag:s22] =	ssyncset.done $0x0  }
0xa6: {  	[sflag:s22] =	ssyncadd.s32 $0xFFFFEC00  }
0xa7: {  	[tilespmem:s20], [sflag:$0x1] =	stream.indirect.gather [hbm4b:s4+s24], $0x80, s2, s24, $0xb8;
	[tilespmem:$0x1E800] =	vst v63  }
0xa8: {  	_ =	swait.ge [sflag:s25], $0x4000  }
0xa9: {  	[sflag:s25] =	ssyncset.done $0x0  }
0xaa: {  	[sflag:s25] =	ssyncadd.s32 $0xFFFFC000  }
0xab: {  	[spmem:s1] =	stream.indirect.scatter.add.f32 [tilespmem:s20], [sflag:$0x3], $0x80, s23, s24, $0xb8;
	[tilespmem:$0x1E800] =	vst v63  }
0xac: {  	_ = 	snop  }
0xad: {  	[tilespmem:s26], [sflag:$0x2] =	stream.indirect.gather [hbm4b:s4+s24], $0x80, s24, s24, $0xb8;
	[tilespmem:$0x1E800] =	vst v63  }
0xae: {  	_ =	swait.ge [sflag:s28], $0x4000  }
0xaf: {  	[sflag:s28] =	ssyncset.done $0x0  }
0xb0: {  	[sflag:s28] =	ssyncadd.s32 $0xFFFFC000  }
0xb1: {  	[spmem:s1] =	stream.indirect.scatter.add.f32 [tilespmem:s26], [sflag:$0x4], $0x80, s29, s24, $0xb8;
	[tilespmem:$0x1E800] =	vst v63  }
0xb2: {  	_ =	swait.ge [sflag:s30], $0x4000  }
0xb3: {  	[sflag:s30] =	ssyncset.done $0x0  }
0xb4: {  	s10 =	simm.s32 $0xFFFFB800;
	[sflag:s30] =	ssyncadd.s32 $0xFFFFC000  }
0xb5: {  	[tilespmem:s20], [sflag:$0x1] =	stream.indirect.gather [hbm4b:s4+s24], $0x80, s31, s24, $0xb8;
	[tilespmem:$0x1E800] =	vst v63  }
.LBB2_7:
0xb6: {  	_ =	swait.ge [sflag:s25], $0x4000  }
0xb7: {  	s11 =	sshra.s32 s10, $0x2;
	[sflag:s25] =	ssyncset.done $0x0  }
0xb8: {  	s12 =	sadd.s32 $0x2700, s11;
	[sflag:s25] =	ssyncadd.s32 $0xFFFFC000  }
0xb9: {  	[spmem:s1] =	stream.indirect.scatter.add.f32 [tilespmem:s20], [sflag:$0x3], $0x80, s12, s24, $0xb8;
	[tilespmem:$0x1E800] =	vst v63  }
0xba: {  	_ =	swait.ge [sflag:s0], $0x4000  }
0xbb: {  	[sflag:s0] =	ssyncset.done $0x0  }
0xbc: {  	s12 =	sadd.s32 $0x1380, s11;
	[sflag:s0] =	ssyncadd.s32 $0xFFFFC000  }
0xbd: {  	[tilespmem:s26], [sflag:$0x2] =	stream.indirect.gather [hbm4b:s4+s24], $0x80, s12, s24, $0xb8;
	[tilespmem:$0x1E800] =	vst v63  }
0xbe: {  	_ =	swait.ge [sflag:s28], $0x4000  }
0xbf: {  	p0 =	seq.s32 s10, $0x0;
	[sflag:s28] =	ssyncset.done $0x0  }
.Ltmp5:
0xc0: {  	s12 =	sadd.s32 $0x2780, s11;
	[sflag:s28] =	ssyncadd.s32 $0xFFFFC000;
	(pc) =	sbr.rel @p0 .LBB2_9-.Ltmp5, $4  }
0xc1: {  	[spmem:s1] =	stream.indirect.scatter.add.f32 [tilespmem:s26], [sflag:$0x4], $0x80, s12, s24, $0xb8;
	[tilespmem:$0x1E800] =	vst v63  }
0xc2: {  	_ =	swait.ge [sflag:s30], $0x4000  }
0xc3: {  	[sflag:s30] =	ssyncset.done $0x0  }
0xc4: {  	[sflag:s30] =	ssyncadd.s32 $0xFFFFC000  }
.Ltmp6:
0xc5: {  	(pc) =	sbr.rel .LBB2_7-.Ltmp6, $3  }
0xc6: {  	_ =	sdelay $0x1  }
0xc7: {  	s11 =	sadd.s32 $0x1400, s11;
	s10 =	sadd.s32 $0x400, s10  }
0xc8: {  	[tilespmem:s20], [sflag:$0x1] =	stream.indirect.gather [hbm4b:s4+s24], $0x80, s11, s24, $0xb8;
	[tilespmem:$0x1E800] =	vst v63  }
.LBB2_10:
0xc9: {  	_ =	sfence.sel $0x180000  }
0xca: {  	[bflag:$0x0] =	sbarrier.arrive $0xFFFF  }
0xcb: {  	_ =	strace $0x90000050  }
0xcc: {  	s0 =	stileid.u32;
	[bflag:$0x2] =	sbarrier.arrive $0xFFFF  }
0xcd: {  	p0 =	sne.s32 s0, $0x0;
	s0 =	rddreg [dreg:$0x3]  }
0xce: {  	s0 =	sadd.s32 @!p0 $0x100000, s0  }
0xcf: {  	[sflag:s0] =	ssyncadd.tile.s32 @!p0 $0x1;
	_ =	shalt  }
.Lfunc_end2:
_tile_overlayer_lowered:
.L_overlay_start_2:
0xd0: {  	(tag) =	ssettag $0x2  }
0xd1: {  	s0 =	rddreg [dreg:$0x0];
	s2 =	stileid.u32  }
0xd2: {  	s1 =	rddreg [dreg:$0x1];
	p0 =	sne.s32 s2, $0x0  }
0xd3: {  	s3 =	rddreg [dreg:$0x2];
	[bflag:$0x3] =	sbarrier.arrive $0xFFFF;
	s2 =	simm.s32 @!p0 $0x1C06  }
0xd4: {  	[timem:s3], [sflag:s2] =	dma.local @!p0 [hbm:s0], s1  }
0xd5: {  	s0 =	simm.s32 @!p0 $0x6  }
0xd6: {  	_ =	swait.ge @!p0 [sflag:s0], s1  }
0xd7: {  	s1 =	ssub.s32 @!p0 $0x0, s1;
	[sflag:s0] =	ssyncset.done @!p0 $0x0  }
0xd8: {  	[sflag:s0] =	ssyncadd.s32 @!p0 s1  }
0xd9: {  	[bflag:$0x3] =	sbarrier.arrive $0xFFFF  }
0xda: {  	_ =	shalt  }

</sc_bundles>
